<compile_context>
chip_gen: v7x
topology: tpu7x:2x2x1
jax: 0.10.2.dev20260603
libtpu: 0.0.44.dev20260713+nightly
codegen_flags: <defaults>
</compile_context>

<pallas_src>
import functools

import jax
import jax.numpy as jnp
from jax import lax
from jax.experimental import pallas as pl
from jax.experimental.pallas import tpu as pltpu
from jax.experimental.pallas import tpu_sc as plsc

_INFO = plsc.get_sparse_core_info()
_NC, _NS = _INFO.num_cores, _INFO.num_subcores
_NW = _NC * _NS

_B = 16384 * 50
_D = 128
_V = 83
_L = 16
_CHUNK = 128
_PER_W = _B // _NW
_ITERS = _PER_W // _CHUNK


def _make_lookup():
    mesh = plsc.VectorSubcoreMesh(core_axis_name="c", subcore_axis_name="s")

    @functools.partial(
        pl.kernel,
        mesh=mesh,
        out_type=jax.ShapeDtypeStruct((_B, _D), jnp.float32),
        scratch_types=[
            pltpu.VMEM((_V, _D), jnp.float32),
            pltpu.VMEM((_ITERS, _CHUNK), jnp.int32),
            pltpu.VMEM((_CHUNK, _D), jnp.float32),
            pltpu.VMEM((_CHUNK, _D), jnp.float32),
            pltpu.SemaphoreType.DMA,
        ],
    )
    def lookup(table_hbm, idx_hbm, out_hbm, table_v, idx_v, rows0, rows1, wsem):
        wid = lax.axis_index("s") * _NC + lax.axis_index("c")
        base = wid * _PER_W
        pltpu.sync_copy(table_hbm, table_v)
        pltpu.sync_copy(idx_hbm.at[pl.ds(wid * _ITERS, _ITERS)], idx_v)
        bufs = (rows0, rows1)

        def fill(c, buf):
            def grp(g, carry):
                v = idx_v[c, pl.ds(g * _L, _L)]
                for l in range(_L):
                    idx_r = v[l]
                    for d in range(_D // _L):
                        buf[g * _L + l, pl.ds(d * _L, _L)] = table_v[
                            idx_r, pl.ds(d * _L, _L)
                        ]
                return carry

            lax.fori_loop(0, _CHUNK // _L, grp, 0)

        def outer(c2, carry):
            for p in range(2):
                c = c2 * 2 + p
                buf = bufs[p]

                @pl.when(c >= 2)
                def _wait_buf_free():
                    pltpu.make_async_copy(
                        buf, out_hbm.at[pl.ds(base + (c - 2) * _CHUNK, _CHUNK)], wsem
                    ).wait()

                fill(c, buf)
                pltpu.async_copy(
                    buf, out_hbm.at[pl.ds(base + c * _CHUNK, _CHUNK)], wsem
                )
            return carry

        lax.fori_loop(0, _ITERS // 2, outer, 0)
        for p in range(2):
            pltpu.make_async_copy(
                bufs[p],
                out_hbm.at[pl.ds(base + (_ITERS - 2 + p) * _CHUNK, _CHUNK)],
                wsem,
            ).wait()

    return lookup


_lookup = _make_lookup()


def kernel(atom_number, embedding_list):
    idx = atom_number.reshape(_B // _CHUNK, _CHUNK)
    out = _lookup(embedding_list, idx)
    return out.reshape(atom_number.shape[0], atom_number.shape[1], _D)

# --- scband reference (transcript-rebuilt; emitter-appended) ---
"""Pipeline reference for scband-dtnnembedding-83004537962750 (READ-ONLY COPY).

The authoritative reference and input builder live on the scoring server;
editing this copy changes nothing except your own understanding.
"""

import jax, jax.numpy as jnp
import numpy as np

PERIODIC_TABLE_LENGTH = 83
N_EMBEDDING = 128


def _glorot_uniform(key, shape):
    fan_in, fan_out = shape[0], shape[1]
    limit = np.sqrt(6.0 / (fan_in + fan_out))
    return jax.random.uniform(key, shape, minval=-limit, maxval=limit, dtype=jnp.float32)


def setup_inputs(seed: int = 0) -> dict:
    key = jax.random.key(seed)
    k_idx, k_emb = jax.random.split(key)
    atom_number = jax.random.randint(k_idx, (16384, 50), 0, PERIODIC_TABLE_LENGTH, dtype=jnp.int64 if jax.config.jax_enable_x64 else jnp.int32)
    embedding_list = _glorot_uniform(k_emb, (PERIODIC_TABLE_LENGTH, N_EMBEDDING))
    return {"atom_number": atom_number, "embedding_list": embedding_list}


def reference(atom_number, embedding_list):
    # Faithful translation of tf.nn.embedding_lookup(self.embedding_list, atom_number)
    atom_features = jnp.take(embedding_list, atom_number, axis=0)
    return atom_features

if __name__ == "__main__":
    import jax
    _d = setup_inputs()
    print(jax.jit(kernel)(*tuple(_d.values())))

</pallas_src>

<mosaic_0001>
#map = affine_map<(d0, d1) -> (0, 0)>
module attributes {stable_mosaic.version = 14 : i64} {
  func.func @lookup(%arg0: i32, %arg1: i32, %arg2: memref<83x128xf32, #tpu.memory_space<hbm>>, %arg3: memref<6400x128xi32, #tpu.memory_space<hbm>>, %arg4: memref<819200x128xf32, #tpu.memory_space<hbm>>, %arg5: memref<83x128xf32, #tpu.memory_space<vmem>>, %arg6: memref<200x128xi32, #tpu.memory_space<vmem>>, %arg7: memref<128x128xf32, #tpu.memory_space<vmem>>, %arg8: memref<128x128xf32, #tpu.memory_space<vmem>>, %arg9: memref<!tpu.dma_semaphore, #tpu.memory_space<semaphore_mem>>) attributes {dimension_semantics = [#tpu.dimension_semantics<core_parallel>, #tpu.dimension_semantics<subcore_parallel>], iteration_bounds = array<i64: 2, 16>, scalar_prefetch = 0 : i64, scratch_operands = 5 : i64, tpu.core_type = #tpu.core_type<sc_vector_subcore>, window_params = [{transform_indices = #map}, {transform_indices = #map}, {transform_indices = #map}]} {
    %mul3A = arith.constant 2 : i32
    %mul3A_0 = arith.muli %arg1, %mul3A : i32
    %add3A = arith.addi %mul3A_0, %arg0 : i32
    %mul3A_1 = arith.constant 25600 : i32
    %mul3A_2 = arith.muli %add3A, %mul3A_1 : i32
    "tpu.region"() ({
      %run_scoped3A = tpu.sem_alloc : memref<!tpu.dma_semaphore, #tpu.memory_space<semaphore_mem>>
      tpu.enqueue_dma source(%arg2 : memref<83x128xf32, #tpu.memory_space<hbm>>) target(%arg5 : memref<83x128xf32, #tpu.memory_space<vmem>>) target_semaphore(%run_scoped3A : memref<!tpu.dma_semaphore, #tpu.memory_space<semaphore_mem>>)
      tpu.wait_dma2 semaphore(%run_scoped3A : memref<!tpu.dma_semaphore, #tpu.memory_space<semaphore_mem>>) src(%arg2 : memref<83x128xf32, #tpu.memory_space<hbm>>) dst(%arg5 : memref<83x128xf32, #tpu.memory_space<vmem>>)
      tpu.yield
    }) : () -> ()
    %mul3A_3 = arith.constant 200 : i32
    %mul3A_4 = arith.muli %add3A, %mul3A_3 : i32
    "tpu.region"() ({
      %run_scoped3A = tpu.sem_alloc : memref<!tpu.dma_semaphore, #tpu.memory_space<semaphore_mem>>
      %dma_start3A = arith.constant 0 : i32
      %dma_start3A_21 = tpu.memref_slice %arg3[%mul3A_4, %dma_start3A] : memref<6400x128xi32, #tpu.memory_space<hbm>> -> memref<200x128xi32, #tpu.memory_space<hbm>>
      %dma_start3A_22 = arith.constant 0 : i32
      %dma_start3A_23 = tpu.memref_slice %arg3[%mul3A_4, %dma_start3A_22] : memref<6400x128xi32, #tpu.memory_space<hbm>> -> memref<200x128xi32, #tpu.memory_space<hbm>>
      tpu.enqueue_dma source(%dma_start3A_23 : memref<200x128xi32, #tpu.memory_space<hbm>>) target(%arg6 : memref<200x128xi32, #tpu.memory_space<vmem>>) target_semaphore(%run_scoped3A : memref<!tpu.dma_semaphore, #tpu.memory_space<semaphore_mem>>)
      %dma_wait3A_24 = arith.constant 0 : i32
      %dma_wait3A_25 = tpu.memref_slice %arg3[%mul3A_4, %dma_wait3A_24] : memref<6400x128xi32, #tpu.memory_space<hbm>> -> memref<200x128xi32, #tpu.memory_space<hbm>>
      %dma_wait3A_26 = arith.constant 0 : i32
      %dma_wait3A_27 = tpu.memref_slice %arg3[%mul3A_4, %dma_wait3A_26] : memref<6400x128xi32, #tpu.memory_space<hbm>> -> memref<200x128xi32, #tpu.memory_space<hbm>>
      tpu.wait_dma2 semaphore(%run_scoped3A : memref<!tpu.dma_semaphore, #tpu.memory_space<semaphore_mem>>) src(%dma_wait3A_27 : memref<200x128xi32, #tpu.memory_space<hbm>>) dst(%arg6 : memref<200x128xi32, #tpu.memory_space<vmem>>)
      tpu.yield
    }) : () -> ()
    %scan3A = arith.constant 0 : i32
    %scan3A_5 = arith.constant 0 : i32
    %scan3A_6 = arith.constant 100 : i32
    %scan3A_7 = arith.addi %scan3A_5, %scan3A_6 : i32
    %scan3A_8 = arith.constant 1 : i32
    scf.for %scan3A_21 = %scan3A_5 to %scan3A_7 step %scan3A_8  : i32 {
      %mul3A_22 = arith.constant 2 : i32
      %mul3A_23 = arith.muli %scan3A_21, %mul3A_22 : i32
      %add3A_24 = arith.constant 0 : i32
      %add3A_25 = arith.addi %mul3A_23, %add3A_24 : i32
      %ge3A = arith.constant 2 : i32
      %ge3A_26 = arith.cmpi sge, %add3A_25, %ge3A : i32
      %convert_element_type3A = arith.extui %ge3A_26 : i1 to i32
      %cond3A = arith.constant 0 : i32
      %cond3A_27 = arith.cmpi ne, %convert_element_type3A, %cond3A : i32
      scf.if %cond3A_27 {
        %sub3A = arith.constant 2 : i32
        %sub3A_62 = arith.subi %add3A_25, %sub3A : i32
        %mul3A_63 = arith.constant 128 : i32
        %mul3A_64 = arith.muli %sub3A_62, %mul3A_63 : i32
        %add3A_65 = arith.addi %mul3A_2, %mul3A_64 : i32
        %dma_wait3A_66 = arith.constant 0 : i32
        %dma_wait3A_67 = tpu.memref_slice %arg4[%add3A_65, %dma_wait3A_66] : memref<819200x128xf32, #tpu.memory_space<hbm>> -> memref<128x128xf32, #tpu.memory_space<hbm>>
        %dma_wait3A_68 = arith.constant 0 : i32
        %dma_wait3A_69 = tpu.memref_slice %arg4[%add3A_65, %dma_wait3A_68] : memref<819200x128xf32, #tpu.memory_space<hbm>> -> memref<128x128xf32, #tpu.memory_space<hbm>>
        tpu.wait_dma2 semaphore(%arg9 : memref<!tpu.dma_semaphore, #tpu.memory_space<semaphore_mem>>) src(%arg7 : memref<128x128xf32, #tpu.memory_space<vmem>>) dst(%dma_wait3A_69 : memref<128x128xf32, #tpu.memory_space<hbm>>)
      } else {
      }
      %scan3A_28 = arith.constant 0 : i32
      %scan3A_29 = arith.constant 0 : i32
      %scan3A_30 = arith.constant 8 : i32
      %scan3A_31 = arith.addi %scan3A_29, %scan3A_30 : i32
      %scan3A_32 = arith.constant 1 : i32
      scf.for %scan3A_62 = %scan3A_29 to %scan3A_31 step %scan3A_32  : i32 {
        %mul3A_63 = arith.constant 16 : i32
        %mul3A_64 = arith.muli %scan3A_62, %mul3A_63 : i32
        %get3A = arith.index_cast %add3A_25 : i32 to index
        %get3A_65 = arith.index_cast %mul3A_64 : i32 to index
        %get3A_66 = tpu.vector_load %arg6[%get3A, %get3A_65] {strides = array<i32>} : memref<200x128xi32, #tpu.memory_space<vmem>>, vector<1x16xi32>,
        %get3A_67 = vector.shape_cast %get3A_66 : vector<1x16xi32> to vector<16xi32>
        %slice3A = vector.extract_strided_slice %get3A_67 {offsets = [0], sizes = [1], strides = [1]} : vector<16xi32> to vector<1xi32>
        %squeeze3A = vector.extract %slice3A[0] : i32 from vector<1xi32>
        %get3A_68 = arith.index_cast %squeeze3A : i32 to index
        %get3A_69 = arith.constant 0 : index
        %get3A_70 = tpu.vector_load %arg5[%get3A_68, %get3A_69] {strides = array<i32>} : memref<83x128xf32, #tpu.memory_space<vmem>>, vector<1x16xf32>,
        %get3A_71 = vector.shape_cast %get3A_70 : vector<1x16xf32> to vector<16xf32>
        %mul3A_72 = arith.constant 16 : i32
        %mul3A_73 = arith.muli %scan3A_62, %mul3A_72 : i32
        %add3A_74 = arith.constant 0 : i32
        %add3A_75 = arith.addi %mul3A_73, %add3A_74 : i32
        %swap3A = arith.index_cast %add3A_75 : i32 to index
        %swap3A_76 = arith.constant 0 : index
        %swap3A_77 = tpu.vector_load %arg7[%swap3A, %swap3A_76] {strides = array<i32>} : memref<128x128xf32, #tpu.memory_space<vmem>>, vector<1x16xf32>,
        %swap3A_78 = vector.shape_cast %swap3A_77 : vector<1x16xf32> to vector<16xf32>
        %swap3A_79 = vector.shape_cast %get3A_71 : vector<16xf32> to vector<1x16xf32>
        tpu.vector_store %arg7[%swap3A, %swap3A_76], %swap3A_79 {strides = array<i32>} : memref<128x128xf32, #tpu.memory_space<vmem>>, vector<1x16xf32>,
        %get3A_80 = arith.index_cast %squeeze3A : i32 to index
        %get3A_81 = arith.constant 16 : index
        %get3A_82 = tpu.vector_load %arg5[%get3A_80, %get3A_81] {strides = array<i32>} : memref<83x128xf32, #tpu.memory_space<vmem>>, vector<1x16xf32>,
        %get3A_83 = vector.shape_cast %get3A_82 : vector<1x16xf32> to vector<16xf32>
        %mul3A_84 = arith.constant 16 : i32
        %mul3A_85 = arith.muli %scan3A_62, %mul3A_84 : i32
        %add3A_86 = arith.constant 0 : i32
        %add3A_87 = arith.addi %mul3A_85, %add3A_86 : i32
        %swap3A_88 = arith.index_cast %add3A_87 : i32 to index
        %swap3A_89 = arith.constant 16 : index
        %swap3A_90 = tpu.vector_load %arg7[%swap3A_88, %swap3A_89] {strides = array<i32>} : memref<128x128xf32, #tpu.memory_space<vmem>>, vector<1x16xf32>,
        %swap3A_91 = vector.shape_cast %swap3A_90 : vector<1x16xf32> to vector<16xf32>
        %swap3A_92 = vector.shape_cast %get3A_83 : vector<16xf32> to vector<1x16xf32>
        tpu.vector_store %arg7[%swap3A_88, %swap3A_89], %swap3A_92 {strides = array<i32>} : memref<128x128xf32, #tpu.memory_space<vmem>>, vector<1x16xf32>,
        %get3A_93 = arith.index_cast %squeeze3A : i32 to index
        %get3A_94 = arith.constant 32 : index
        %get3A_95 = tpu.vector_load %arg5[%get3A_93, %get3A_94] {strides = array<i32>} : memref<83x128xf32, #tpu.memory_space<vmem>>, vector<1x16xf32>,
        %get3A_96 = vector.shape_cast %get3A_95 : vector<1x16xf32> to vector<16xf32>
        %mul3A_97 = arith.constant 16 : i32
        %mul3A_98 = arith.muli %scan3A_62, %mul3A_97 : i32
        %add3A_99 = arith.constant 0 : i32
        %add3A_100 = arith.addi %mul3A_98, %add3A_99 : i32
        %swap3A_101 = arith.index_cast %add3A_100 : i32 to index
        %swap3A_102 = arith.constant 32 : index
        %swap3A_103 = tpu.vector_load %arg7[%swap3A_101, %swap3A_102] {strides = array<i32>} : memref<128x128xf32, #tpu.memory_space<vmem>>, vector<1x16xf32>,
        %swap3A_104 = vector.shape_cast %swap3A_103 : vector<1x16xf32> to vector<16xf32>
        %swap3A_105 = vector.shape_cast %get3A_96 : vector<16xf32> to vector<1x16xf32>
        tpu.vector_store %arg7[%swap3A_101, %swap3A_102], %swap3A_105 {strides = array<i32>} : memref<128x128xf32, #tpu.memory_space<vmem>>, vector<1x16xf32>,
        %get3A_106 = arith.index_cast %squeeze3A : i32 to index
        %get3A_107 = arith.constant 48 : index
        %get3A_108 = tpu.vector_load %arg5[%get3A_106, %get3A_107] {strides = array<i32>} : memref<83x128xf32, #tpu.memory_space<vmem>>, vector<1x16xf32>,
        %get3A_109 = vector.shape_cast %get3A_108 : vector<1x16xf32> to vector<16xf32>
        %mul3A_110 = arith.constant 16 : i32
        %mul3A_111 = arith.muli %scan3A_62, %mul3A_110 : i32
        %add3A_112 = arith.constant 0 : i32
        %add3A_113 = arith.addi %mul3A_111, %add3A_112 : i32
        %swap3A_114 = arith.index_cast %add3A_113 : i32 to index
        %swap3A_115 = arith.constant 48 : index
        %swap3A_116 = tpu.vector_load %arg7[%swap3A_114, %swap3A_115] {strides = array<i32>} : memref<128x128xf32, #tpu.memory_space<vmem>>, vector<1x16xf32>,
        %swap3A_117 = vector.shape_cast %swap3A_116 : vector<1x16xf32> to vector<16xf32>
        %swap3A_118 = vector.shape_cast %get3A_109 : vector<16xf32> to vector<1x16xf32>
        tpu.vector_store %arg7[%swap3A_114, %swap3A_115], %swap3A_118 {strides = array<i32>} : memref<128x128xf32, #tpu.memory_space<vmem>>, vector<1x16xf32>,
        %get3A_119 = arith.index_cast %squeeze3A : i32 to index
        %get3A_120 = arith.constant 64 : index
        %get3A_121 = tpu.vector_load %arg5[%get3A_119, %get3A_120] {strides = array<i32>} : memref<83x128xf32, #tpu.memory_space<vmem>>, vector<1x16xf32>,
        %get3A_122 = vector.shape_cast %get3A_121 : vector<1x16xf32> to vector<16xf32>
        %mul3A_123 = arith.constant 16 : i32
        %mul3A_124 = arith.muli %scan3A_62, %mul3A_123 : i32
        %add3A_125 = arith.constant 0 : i32
        %add3A_126 = arith.addi %mul3A_124, %add3A_125 : i32
        %swap3A_127 = arith.index_cast %add3A_126 : i32 to index
        %swap3A_128 = arith.constant 64 : index
        %swap3A_129 = tpu.vector_load %arg7[%swap3A_127, %swap3A_128] {strides = array<i32>} : memref<128x128xf32, #tpu.memory_space<vmem>>, vector<1x16xf32>,
        %swap3A_130 = vector.shape_cast %swap3A_129 : vector<1x16xf32> to vector<16xf32>
        %swap3A_131 = vector.shape_cast %get3A_122 : vector<16xf32> to vector<1x16xf32>
        tpu.vector_store %arg7[%swap3A_127, %swap3A_128], %swap3A_131 {strides = array<i32>} : memref<128x128xf32, #tpu.memory_space<vmem>>, vector<1x16xf32>,
        %get3A_132 = arith.index_cast %squeeze3A : i32 to index
        %get3A_133 = arith.constant 80 : index
        %get3A_134 = tpu.vector_load %arg5[%get3A_132, %get3A_133] {strides = array<i32>} : memref<83x128xf32, #tpu.memory_space<vmem>>, vector<1x16xf32>,
        %get3A_135 = vector.shape_cast %get3A_134 : vector<1x16xf32> to vector<16xf32>
        %mul3A_136 = arith.constant 16 : i32
        %mul3A_137 = arith.muli %scan3A_62, %mul3A_136 : i32
        %add3A_138 = arith.constant 0 : i32
        %add3A_139 = arith.addi %mul3A_137, %add3A_138 : i32
        %swap3A_140 = arith.index_cast %add3A_139 : i32 to index
        %swap3A_141 = arith.constant 80 : index
        %swap3A_142 = tpu.vector_load %arg7[%swap3A_140, %swap3A_141] {strides = array<i32>} : memref<128x128xf32, #tpu.memory_space<vmem>>, vector<1x16xf32>,
        %swap3A_143 = vector.shape_cast %swap3A_142 : vector<1x16xf32> to vector<16xf32>
        %swap3A_144 = vector.shape_cast %get3A_135 : vector<16xf32> to vector<1x16xf32>
        tpu.vector_store %arg7[%swap3A_140, %swap3A_141], %swap3A_144 {strides = array<i32>} : memref<128x128xf32, #tpu.memory_space<vmem>>, vector<1x16xf32>,
        %get3A_145 = arith.index_cast %squeeze3A : i32 to index
        %get3A_146 = arith.constant 96 : index
        %get3A_147 = tpu.vector_load %arg5[%get3A_145, %get3A_146] {strides = array<i32>} : memref<83x128xf32, #tpu.memory_space<vmem>>, vector<1x16xf32>,
        %get3A_148 = vector.shape_cast %get3A_147 : vector<1x16xf32> to vector<16xf32>
        %mul3A_149 = arith.constant 16 : i32
        %mul3A_150 = arith.muli %scan3A_62, %mul3A_149 : i32
        %add3A_151 = arith.constant 0 : i32
        %add3A_152 = arith.addi %mul3A_150, %add3A_151 : i32
        %swap3A_153 = arith.index_cast %add3A_152 : i32 to index
        %swap3A_154 = arith.constant 96 : index
        %swap3A_155 = tpu.vector_load %arg7[%swap3A_153, %swap3A_154] {strides = array<i32>} : memref<128x128xf32, #tpu.memory_space<vmem>>, vector<1x16xf32>,
        %swap3A_156 = vector.shape_cast %swap3A_155 : vector<1x16xf32> to vector<16xf32>
        %swap3A_157 = vector.shape_cast %get3A_148 : vector<16xf32> to vector<1x16xf32>
        tpu.vector_store %arg7[%swap3A_153, %swap3A_154], %swap3A_157 {strides = array<i32>} : memref<128x128xf32, #tpu.memory_space<vmem>>, vector<1x16xf32>,
        %get3A_158 = arith.index_cast %squeeze3A : i32 to index
        %get3A_159 = arith.constant 112 : index
        %get3A_160 = tpu.vector_load %arg5[%get3A_158, %get3A_159] {strides = array<i32>} : memref<83x128xf32, #tpu.memory_space<vmem>>, vector<1x16xf32>,
        %get3A_161 = vector.shape_cast %get3A_160 : vector<1x16xf32> to vector<16xf32>
        %mul3A_162 = arith.constant 16 : i32
        %mul3A_163 = arith.muli %scan3A_62, %mul3A_162 : i32
        %add3A_164 = arith.constant 0 : i32
        %add3A_165 = arith.addi %mul3A_163, %add3A_164 : i32
        %swap3A_166 = arith.index_cast %add3A_165 : i32 to index
        %swap3A_167 = arith.constant 112 : index
        %swap3A_168 = tpu.vector_load %arg7[%swap3A_166, %swap3A_167] {strides = array<i32>} : memref<128x128xf32, #tpu.memory_space<vmem>>, vector<1x16xf32>,
        %swap3A_169 = vector.shape_cast %swap3A_168 : vector<1x16xf32> to vector<16xf32>
        %swap3A_170 = vector.shape_cast %get3A_161 : vector<16xf32> to vector<1x16xf32>
        tpu.vector_store %arg7[%swap3A_166, %swap3A_167], %swap3A_170 {strides = array<i32>} : memref<128x128xf32, #tpu.memory_space<vmem>>, vector<1x16xf32>,
        %slice3A_171 = vector.extract_strided_slice %get3A_67 {offsets = [1], sizes = [1], strides = [1]} : vector<16xi32> to vector<1xi32>
        %squeeze3A_172 = vector.extract %slice3A_171[0] : i32 from vector<1xi32>
        %get3A_173 = arith.index_cast %squeeze3A_172 : i32 to index
        %get3A_174 = arith.constant 0 : index
        %get3A_175 = tpu.vector_load %arg5[%get3A_173, %get3A_174] {strides = array<i32>} : memref<83x128xf32, #tpu.memory_space<vmem>>, vector<1x16xf32>,
        %get3A_176 = vector.shape_cast %get3A_175 : vector<1x16xf32> to vector<16xf32>
        %mul3A_177 = arith.constant 16 : i32
        %mul3A_178 = arith.muli %scan3A_62, %mul3A_177 : i32
        %add3A_179 = arith.constant 1 : i32
        %add3A_180 = arith.addi %mul3A_178, %add3A_179 : i32
        %swap3A_181 = arith.index_cast %add3A_180 : i32 to index
        %swap3A_182 = arith.constant 0 : index
        %swap3A_183 = tpu.vector_load %arg7[%swap3A_181, %swap3A_182] {strides = array<i32>} : memref<128x128xf32, #tpu.memory_space<vmem>>, vector<1x16xf32>,
        %swap3A_184 = vector.shape_cast %swap3A_183 : vector<1x16xf32> to vector<16xf32>
        %swap3A_185 = vector.shape_cast %get3A_176 : vector<16xf32> to vector<1x16xf32>
        tpu.vector_store %arg7[%swap3A_181, %swap3A_182], %swap3A_185 {strides = array<i32>} : memref<128x128xf32, #tpu.memory_space<vmem>>, vector<1x16xf32>,
        %get3A_186 = arith.index_cast %squeeze3A_172 : i32 to index
        %get3A_187 = arith.constant 16 : index
        %get3A_188 = tpu.vector_load %arg5[%get3A_186, %get3A_187] {strides = array<i32>} : memref<83x128xf32, #tpu.memory_space<vmem>>, vector<1x16xf32>,
        %get3A_189 = vector.shape_cast %get3A_188 : vector<1x16xf32> to vector<16xf32>
        %mul3A_190 = arith.constant 16 : i32
        %mul3A_191 = arith.muli %scan3A_62, %mul3A_190 : i32
        %add3A_192 = arith.constant 1 : i32
        %add3A_193 = arith.addi %mul3A_191, %add3A_192 : i32
        %swap3A_194 = arith.index_cast %add3A_193 : i32 to index
        %swap3A_195 = arith.constant 16 : index
        %swap3A_196 = tpu.vector_load %arg7[%swap3A_194, %swap3A_195] {strides = array<i32>} : memref<128x128xf32, #tpu.memory_space<vmem>>, vector<1x16xf32>,
        %swap3A_197 = vector.shape_cast %swap3A_196 : vector<1x16xf32> to vector<16xf32>
        %swap3A_198 = vector.shape_cast %get3A_189 : vector<16xf32> to vector<1x16xf32>
        tpu.vector_store %arg7[%swap3A_194, %swap3A_195], %swap3A_198 {strides = array<i32>} : memref<128x128xf32, #tpu.memory_space<vmem>>, vector<1x16xf32>,
        %get3A_199 = arith.index_cast %squeeze3A_172 : i32 to index
        %get3A_200 = arith.constant 32 : index
        %get3A_201 = tpu.vector_load %arg5[%get3A_199, %get3A_200] {strides = array<i32>} : memref<83x128xf32, #tpu.memory_space<vmem>>, vector<1x16xf32>,
        %get3A_202 = vector.shape_cast %get3A_201 : vector<1x16xf32> to vector<16xf32>
        %mul3A_203 = arith.constant 16 : i32
        %mul3A_204 = arith.muli %scan3A_62, %mul3A_203 : i32
        %add3A_205 = arith.constant 1 : i32
        %add3A_206 = arith.addi %mul3A_204, %add3A_205 : i32
        %swap3A_207 = arith.index_cast %add3A_206 : i32 to index
        %swap3A_208 = arith.constant 32 : index
        %swap3A_209 = tpu.vector_load %arg7[%swap3A_207, %swap3A_208] {strides = array<i32>} : memref<128x128xf32, #tpu.memory_space<vmem>>, vector<1x16xf32>,
        %swap3A_210 = vector.shape_cast %swap3A_209 : vector<1x16xf32> to vector<16xf32>
        %swap3A_211 = vector.shape_cast %get3A_202 : vector<16xf32> to vector<1x16xf32>
        tpu.vector_store %arg7[%swap3A_207, %swap3A_208], %swap3A_211 {strides = array<i32>} : memref<128x128xf32, #tpu.memory_space<vmem>>, vector<1x16xf32>,
        %get3A_212 = arith.index_cast %squeeze3A_172 : i32 to index
        %get3A_213 = arith.constant 48 : index
        %get3A_214 = tpu.vector_load %arg5[%get3A_212, %get3A_213] {strides = array<i32>} : memref<83x128xf32, #tpu.memory_space<vmem>>, vector<1x16xf32>,
        %get3A_215 = vector.shape_cast %get3A_214 : vector<1x16xf32> to vector<16xf32>
        %mul3A_216 = arith.constant 16 : i32
        %mul3A_217 = arith.muli %scan3A_62, %mul3A_216 : i32
        %add3A_218 = arith.constant 1 : i32
        %add3A_219 = arith.addi %mul3A_217, %add3A_218 : i32
        %swap3A_220 = arith.index_cast %add3A_219 : i32 to index
        %swap3A_221 = arith.constant 48 : index
        %swap3A_222 = tpu.vector_load %arg7[%swap3A_220, %swap3A_221] {strides = array<i32>} : memref<128x128xf32, #tpu.memory_space<vmem>>, vector<1x16xf32>,
        %swap3A_223 = vector.shape_cast %swap3A_222 : vector<1x16xf32> to vector<16xf32>
        %swap3A_224 = vector.shape_cast %get3A_215 : vector<16xf32> to vector<1x16xf32>
        tpu.vector_store %arg7[%swap3A_220, %swap3A_221], %swap3A_224 {strides = array<i32>} : memref<128x128xf32, #tpu.memory_space<vmem>>, vector<1x16xf32>,
        %get3A_225 = arith.index_cast %squeeze3A_172 : i32 to index
        %get3A_226 = arith.constant 64 : index
        %get3A_227 = tpu.vector_load %arg5[%get3A_225, %get3A_226] {strides = array<i32>} : memref<83x128xf32, #tpu.memory_space<vmem>>, vector<1x16xf32>,
        %get3A_228 = vector.shape_cast %get3A_227 : vector<1x16xf32> to vector<16xf32>
        %mul3A_229 = arith.constant 16 : i32
        %mul3A_230 = arith.muli %scan3A_62, %mul3A_229 : i32
        %add3A_231 = arith.constant 1 : i32
        %add3A_232 = arith.addi %mul3A_230, %add3A_231 : i32
        %swap3A_233 = arith.index_cast %add3A_232 : i32 to index
        %swap3A_234 = arith.constant 64 : index
        %swap3A_235 = tpu.vector_load %arg7[%swap3A_233, %swap3A_234] {strides = array<i32>} : memref<128x128xf32, #tpu.memory_space<vmem>>, vector<1x16xf32>,
        %swap3A_236 = vector.shape_cast %swap3A_235 : vector<1x16xf32> to vector<16xf32>
        %swap3A_237 = vector.shape_cast %get3A_228 : vector<16xf32> to vector<1x16xf32>
        tpu.vector_store %arg7[%swap3A_233, %swap3A_234], %swap3A_237 {strides = array<i32>} : memref<128x128xf32, #tpu.memory_space<vmem>>, vector<1x16xf32>,
        %get3A_238 = arith.index_cast %squeeze3A_172 : i32 to index
        %get3A_239 = arith.constant 80 : index
        %get3A_240 = tpu.vector_load %arg5[%get3A_238, %get3A_239] {strides = array<i32>} : memref<83x128xf32, #tpu.memory_space<vmem>>, vector<1x16xf32>,
        %get3A_241 = vector.shape_cast %get3A_240 : vector<1x16xf32> to vector<16xf32>
        %mul3A_242 = arith.constant 16 : i32
        %mul3A_243 = arith.muli %scan3A_62, %mul3A_242 : i32
        %add3A_244 = arith.constant 1 : i32
        %add3A_245 = arith.addi %mul3A_243, %add3A_244 : i32
        %swap3A_246 = arith.index_cast %add3A_245 : i32 to index
        %swap3A_247 = arith.constant 80 : index
        %swap3A_248 = tpu.vector_load %arg7[%swap3A_246, %swap3A_247] {strides = array<i32>} : memref<128x128xf32, #tpu.memory_space<vmem>>, vector<1x16xf32>,
        %swap3A_249 = vector.shape_cast %swap3A_248 : vector<1x16xf32> to vector<16xf32>
        %swap3A_250 = vector.shape_cast %get3A_241 : vector<16xf32> to vector<1x16xf32>
        tpu.vector_store %arg7[%swap3A_246, %swap3A_247], %swap3A_250 {strides = array<i32>} : memref<128x128xf32, #tpu.memory_space<vmem>>, vector<1x16xf32>,
        %get3A_251 = arith.index_cast %squeeze3A_172 : i32 to index
        %get3A_252 = arith.constant 96 : index
        %get3A_253 = tpu.vector_load %arg5[%get3A_251, %get3A_252] {strides = array<i32>} : memref<83x128xf32, #tpu.memory_space<vmem>>, vector<1x16xf32>,
        %get3A_254 = vector.shape_cast %get3A_253 : vector<1x16xf32> to vector<16xf32>
        %mul3A_255 = arith.constant 16 : i32
        %mul3A_256 = arith.muli %scan3A_62, %mul3A_255 : i32
        %add3A_257 = arith.constant 1 : i32
        %add3A_258 = arith.addi %mul3A_256, %add3A_257 : i32
        %swap3A_259 = arith.index_cast %add3A_258 : i32 to index
        %swap3A_260 = arith.constant 96 : index
        %swap3A_261 = tpu.vector_load %arg7[%swap3A_259, %swap3A_260] {strides = array<i32>} : memref<128x128xf32, #tpu.memory_space<vmem>>, vector<1x16xf32>,
        %swap3A_262 = vector.shape_cast %swap3A_261 : vector<1x16xf32> to vector<16xf32>
        %swap3A_263 = vector.shape_cast %get3A_254 : vector<16xf32> to vector<1x16xf32>
        tpu.vector_store %arg7[%swap3A_259, %swap3A_260], %swap3A_263 {strides = array<i32>} : memref<128x128xf32, #tpu.memory_space<vmem>>, vector<1x16xf32>,
        %get3A_264 = arith.index_cast %squeeze3A_172 : i32 to index
        %get3A_265 = arith.constant 112 : index
        %get3A_266 = tpu.vector_load %arg5[%get3A_264, %get3A_265] {strides = array<i32>} : memref<83x128xf32, #tpu.memory_space<vmem>>, vector<1x16xf32>,
        %get3A_267 = vector.shape_cast %get3A_266 : vector<1x16xf32> to vector<16xf32>
        %mul3A_268 = arith.constant 16 : i32
        %mul3A_269 = arith.muli %scan3A_62, %mul3A_268 : i32
        %add3A_270 = arith.constant 1 : i32
        %add3A_271 = arith.addi %mul3A_269, %add3A_270 : i32
        %swap3A_272 = arith.index_cast %add3A_271 : i32 to index
        %swap3A_273 = arith.constant 112 : index
        %swap3A_274 = tpu.vector_load %arg7[%swap3A_272, %swap3A_273] {strides = array<i32>} : memref<128x128xf32, #tpu.memory_space<vmem>>, vector<1x16xf32>,
        %swap3A_275 = vector.shape_cast %swap3A_274 : vector<1x16xf32> to vector<16xf32>
        %swap3A_276 = vector.shape_cast %get3A_267 : vector<16xf32> to vector<1x16xf32>
        tpu.vector_store %arg7[%swap3A_272, %swap3A_273], %swap3A_276 {strides = array<i32>} : memref<128x128xf32, #tpu.memory_space<vmem>>, vector<1x16xf32>,
        %slice3A_277 = vector.extract_strided_slice %get3A_67 {offsets = [2], sizes = [1], strides = [1]} : vector<16xi32> to vector<1xi32>
        %squeeze3A_278 = vector.extract %slice3A_277[0] : i32 from vector<1xi32>
        %get3A_279 = arith.index_cast %squeeze3A_278 : i32 to index
        %get3A_280 = arith.constant 0 : index
        %get3A_281 = tpu.vector_load %arg5[%get3A_279, %get3A_280] {strides = array<i32>} : memref<83x128xf32, #tpu.memory_space<vmem>>, vector<1x16xf32>,
        %get3A_282 = vector.shape_cast %get3A_281 : vector<1x16xf32> to vector<16xf32>
        %mul3A_283 = arith.constant 16 : i32
        %mul3A_284 = arith.muli %scan3A_62, %mul3A_283 : i32
        %add3A_285 = arith.constant 2 : i32
        %add3A_286 = arith.addi %mul3A_284, %add3A_285 : i32
        %swap3A_287 = arith.index_cast %add3A_286 : i32 to index
        %swap3A_288 = arith.constant 0 : index
        %swap3A_289 = tpu.vector_load %arg7[%swap3A_287, %swap3A_288] {strides = array<i32>} : memref<128x128xf32, #tpu.memory_space<vmem>>, vector<1x16xf32>,
        %swap3A_290 = vector.shape_cast %swap3A_289 : vector<1x16xf32> to vector<16xf32>
        %swap3A_291 = vector.shape_cast %get3A_282 : vector<16xf32> to vector<1x16xf32>
        tpu.vector_store %arg7[%swap3A_287, %swap3A_288], %swap3A_291 {strides = array<i32>} : memref<128x128xf32, #tpu.memory_space<vmem>>, vector<1x16xf32>,
        %get3A_292 = arith.index_cast %squeeze3A_278 : i32 to index
        %get3A_293 = arith.constant 16 : index
        %get3A_294 = tpu.vector_load %arg5[%get3A_292, %get3A_293] {strides = array<i32>} : memref<83x128xf32, #tpu.memory_space<vmem>>, vector<1x16xf32>,
        %get3A_295 = vector.shape_cast %get3A_294 : vector<1x16xf32> to vector<16xf32>
        %mul3A_296 = arith.constant 16 : i32
        %mul3A_297 = arith.muli %scan3A_62, %mul3A_296 : i32
        %add3A_298 = arith.constant 2 : i32
        %add3A_299 = arith.addi %mul3A_297, %add3A_298 : i32
        %swap3A_300 = arith.index_cast %add3A_299 : i32 to index
        %swap3A_301 = arith.constant 16 : index
        %swap3A_302 = tpu.vector_load %arg7[%swap3A_300, %swap3A_301] {strides = array<i32>} : memref<128x128xf32, #tpu.memory_space<vmem>>, vector<1x16xf32>,
        %swap3A_303 = vector.shape_cast %swap3A_302 : vector<1x16xf32> to vector<16xf32>
        %swap3A_304 = vector.shape_cast %get3A_295 : vector<16xf32> to vector<1x16xf32>
        tpu.vector_store %arg7[%swap3A_300, %swap3A_301], %swap3A_304 {strides = array<i32>} : memref<128x128xf32, #tpu.memory_space<vmem>>, vector<1x16xf32>,
        %get3A_305 = arith.index_cast %squeeze3A_278 : i32 to index
        %get3A_306 = arith.constant 32 : index
        %get3A_307 = tpu.vector_load %arg5[%get3A_305, %get3A_306] {strides = array<i32>} : memref<83x128xf32, #tpu.memory_space<vmem>>, vector<1x16xf32>,
        %get3A_308 = vector.shape_cast %get3A_307 : vector<1x16xf32> to vector<16xf32>
        %mul3A_309 = arith.constant 16 : i32
        %mul3A_310 = arith.muli %scan3A_62, %mul3A_309 : i32
        %add3A_311 = arith.constant 2 : i32
        %add3A_312 = arith.addi %mul3A_310, %add3A_311 : i32
        %swap3A_313 = arith.index_cast %add3A_312 : i32 to index
        %swap3A_314 = arith.constant 32 : index
        %swap3A_315 = tpu.vector_load %arg7[%swap3A_313, %swap3A_314] {strides = array<i32>} : memref<128x128xf32, #tpu.memory_space<vmem>>, vector<1x16xf32>,
        %swap3A_316 = vector.shape_cast %swap3A_315 : vector<1x16xf32> to vector<16xf32>
        %swap3A_317 = vector.shape_cast %get3A_308 : vector<16xf32> to vector<1x16xf32>
        tpu.vector_store %arg7[%swap3A_313, %swap3A_314], %swap3A_317 {strides = array<i32>} : memref<128x128xf32, #tpu.memory_space<vmem>>, vector<1x16xf32>,
        %get3A_318 = arith.index_cast %squeeze3A_278 : i32 to index
        %get3A_319 = arith.constant 48 : index
        %get3A_320 = tpu.vector_load %arg5[%get3A_318, %get3A_319] {strides = array<i32>} : memref<83x128xf32, #tpu.memory_space<vmem>>, vector<1x16xf32>,
        %get3A_321 = vector.shape_cast %get3A_320 : vector<1x16xf32> to vector<16xf32>
        %mul3A_322 = arith.constant 16 : i32
        %mul3A_323 = arith.muli %scan3A_62, %mul3A_322 : i32
        %add3A_324 = arith.constant 2 : i32
        %add3A_325 = arith.addi %mul3A_323, %add3A_324 : i32
        %swap3A_326 = arith.index_cast %add3A_325 : i32 to index
        %swap3A_327 = arith.constant 48 : index
        %swap3A_328 = tpu.vector_load %arg7[%swap3A_326, %swap3A_327] {strides = array<i32>} : memref<128x128xf32, #tpu.memory_space<vmem>>, vector<1x16xf32>,
        %swap3A_329 = vector.shape_cast %swap3A_328 : vector<1x16xf32> to vector<16xf32>
        %swap3A_330 = vector.shape_cast %get3A_321 : vector<16xf32> to vector<1x16xf32>
        tpu.vector_store %arg7[%swap3A_326, %swap3A_327], %swap3A_330 {strides = array<i32>} : memref<128x128xf32, #tpu.memory_space<vmem>>, vector<1x16xf32>,
        %get3A_331 = arith.index_cast %squeeze3A_278 : i32 to index
        %get3A_332 = arith.constant 64 : index
        %get3A_333 = tpu.vector_load %arg5[%get3A_331, %get3A_332] {strides = array<i32>} : memref<83x128xf32, #tpu.memory_space<vmem>>, vector<1x16xf32>,
        %get3A_334 = vector.shape_cast %get3A_333 : vector<1x16xf32> to vector<16xf32>
        %mul3A_335 = arith.constant 16 : i32
        %mul3A_336 = arith.muli %scan3A_62, %mul3A_335 : i32
        %add3A_337 = arith.constant 2 : i32
        %add3A_338 = arith.addi %mul3A_336, %add3A_337 : i32
        %swap3A_339 = arith.index_cast %add3A_338 : i32 to index
        %swap3A_340 = arith.constant 64 : index
        %swap3A_341 = tpu.vector_load %arg7[%swap3A_339, %swap3A_340] {strides = array<i32>} : memref<128x128xf32, #tpu.memory_space<vmem>>, vector<1x16xf32>,
        %swap3A_342 = vector.shape_cast %swap3A_341 : vector<1x16xf32> to vector<16xf32>
        %swap3A_343 = vector.shape_cast %get3A_334 : vector<16xf32> to vector<1x16xf32>
        tpu.vector_store %arg7[%swap3A_339, %swap3A_340], %swap3A_343 {strides = array<i32>} : memref<128x128xf32, #tpu.memory_space<vmem>>, vector<1x16xf32>,
        %get3A_344 = arith.index_cast %squeeze3A_278 : i32 to index
        %get3A_345 = arith.constant 80 : index
        %get3A_346 = tpu.vector_load %arg5[%get3A_344, %get3A_345] {strides = array<i32>} : memref<83x128xf32, #tpu.memory_space<vmem>>, vector<1x16xf32>,
        %get3A_347 = vector.shape_cast %get3A_346 : vector<1x16xf32> to vector<16xf32>
        %mul3A_348 = arith.constant 16 : i32
        %mul3A_349 = arith.muli %scan3A_62, %mul3A_348 : i32
        %add3A_350 = arith.constant 2 : i32
        %add3A_351 = arith.addi %mul3A_349, %add3A_350 : i32
        %swap3A_352 = arith.index_cast %add3A_351 : i32 to index
        %swap3A_353 = arith.constant 80 : index
        %swap3A_354 = tpu.vector_load %arg7[%swap3A_352, %swap3A_353] {strides = array<i32>} : memref<128x128xf32, #tpu.memory_space<vmem>>, vector<1x16xf32>,
        %swap3A_355 = vector.shape_cast %swap3A_354 : vector<1x16xf32> to vector<16xf32>
        %swap3A_356 = vector.shape_cast %get3A_347 : vector<16xf32> to vector<1x16xf32>
        tpu.vector_store %arg7[%swap3A_352, %swap3A_353], %swap3A_356 {strides = array<i32>} : memref<128x128xf32, #tpu.memory_space<vmem>>, vector<1x16xf32>,
        %get3A_357 = arith.index_cast %squeeze3A_278 : i32 to index
        %get3A_358 = arith.constant 96 : index
        %get3A_359 = tpu.vector_load %arg5[%get3A_357, %get3A_358] {strides = array<i32>} : memref<83x128xf32, #tpu.memory_space<vmem>>, vector<1x16xf32>,
        %get3A_360 = vector.shape_cast %get3A_359 : vector<1x16xf32> to vector<16xf32>
        %mul3A_361 = arith.constant 16 : i32
        %mul3A_362 = arith.muli %scan3A_62, %mul3A_361 : i32
        %add3A_363 = arith.constant 2 : i32
        %add3A_364 = arith.addi %mul3A_362, %add3A_363 : i32
        %swap3A_365 = arith.index_cast %add3A_364 : i32 to index
        %swap3A_366 = arith.constant 96 : index
        %swap3A_367 = tpu.vector_load %arg7[%swap3A_365, %swap3A_366] {strides = array<i32>} : memref<128x128xf32, #tpu.memory_space<vmem>>, vector<1x16xf32>,
        %swap3A_368 = vector.shape_cast %swap3A_367 : vector<1x16xf32> to vector<16xf32>
        %swap3A_369 = vector.shape_cast %get3A_360 : vector<16xf32> to vector<1x16xf32>
        tpu.vector_store %arg7[%swap3A_365, %swap3A_366], %swap3A_369 {strides = array<i32>} : memref<128x128xf32, #tpu.memory_space<vmem>>, vector<1x16xf32>,
        %get3A_370 = arith.index_cast %squeeze3A_278 : i32 to index
        %get3A_371 = arith.constant 112 : index
        %get3A_372 = tpu.vector_load %arg5[%get3A_370, %get3A_371] {strides = array<i32>} : memref<83x128xf32, #tpu.memory_space<vmem>>, vector<1x16xf32>,
        %get3A_373 = vector.shape_cast %get3A_372 : vector<1x16xf32> to vector<16xf32>
        %mul3A_374 = arith.constant 16 : i32
        %mul3A_375 = arith.muli %scan3A_62, %mul3A_374 : i32
        %add3A_376 = arith.constant 2 : i32
        %add3A_377 = arith.addi %mul3A_375, %add3A_376 : i32
        %swap3A_378 = arith.index_cast %add3A_377 : i32 to index
        %swap3A_379 = arith.constant 112 : index
        %swap3A_380 = tpu.vector_load %arg7[%swap3A_378, %swap3A_379] {strides = array<i32>} : memref<128x128xf32, #tpu.memory_space<vmem>>, vector<1x16xf32>,
        %swap3A_381 = vector.shape_cast %swap3A_380 : vector<1x16xf32> to vector<16xf32>
        %swap3A_382 = vector.shape_cast %get3A_373 : vector<16xf32> to vector<1x16xf32>
        tpu.vector_store %arg7[%swap3A_378, %swap3A_379], %swap3A_382 {strides = array<i32>} : memref<128x128xf32, #tpu.memory_space<vmem>>, vector<1x16xf32>,
        %slice3A_383 = vector.extract_strided_slice %get3A_67 {offsets = [3], sizes = [1], strides = [1]} : vector<16xi32> to vector<1xi32>
        %squeeze3A_384 = vector.extract %slice3A_383[0] : i32 from vector<1xi32>
        %get3A_385 = arith.index_cast %squeeze3A_384 : i32 to index
        %get3A_386 = arith.constant 0 : index
        %get3A_387 = tpu.vector_load %arg5[%get3A_385, %get3A_386] {strides = array<i32>} : memref<83x128xf32, #tpu.memory_space<vmem>>, vector<1x16xf32>,
        %get3A_388 = vector.shape_cast %get3A_387 : vector<1x16xf32> to vector<16xf32>
        %mul3A_389 = arith.constant 16 : i32
        %mul3A_390 = arith.muli %scan3A_62, %mul3A_389 : i32
        %add3A_391 = arith.constant 3 : i32
        %add3A_392 = arith.addi %mul3A_390, %add3A_391 : i32
        %swap3A_393 = arith.index_cast %add3A_392 : i32 to index
        %swap3A_394 = arith.constant 0 : index
        %swap3A_395 = tpu.vector_load %arg7[%swap3A_393, %swap3A_394] {strides = array<i32>} : memref<128x128xf32, #tpu.memory_space<vmem>>, vector<1x16xf32>,
        %swap3A_396 = vector.shape_cast %swap3A_395 : vector<1x16xf32> to vector<16xf32>
        %swap3A_397 = vector.shape_cast %get3A_388 : vector<16xf32> to vector<1x16xf32>
        tpu.vector_store %arg7[%swap3A_393, %swap3A_394], %swap3A_397 {strides = array<i32>} : memref<128x128xf32, #tpu.memory_space<vmem>>, vector<1x16xf32>,
        %get3A_398 = arith.index_cast %squeeze3A_384 : i32 to index
        %get3A_399 = arith.constant 16 : index
        %get3A_400 = tpu.vector_load %arg5[%get3A_398, %get3A_399] {strides = array<i32>} : memref<83x128xf32, #tpu.memory_space<vmem>>, vector<1x16xf32>,
        %get3A_401 = vector.shape_cast %get3A_400 : vector<1x16xf32> to vector<16xf32>
        %mul3A_402 = arith.constant 16 : i32
        %mul3A_403 = arith.muli %scan3A_62, %mul3A_402 : i32
        %add3A_404 = arith.constant 3 : i32
        %add3A_405 = arith.addi %mul3A_403, %add3A_404 : i32
        %swap3A_406 = arith.index_cast %add3A_405 : i32 to index
        %swap3A_407 = arith.constant 16 : index
        %swap3A_408 = tpu.vector_load %arg7[%swap3A_406, %swap3A_407] {strides = array<i32>} : memref<128x128xf32, #tpu.memory_space<vmem>>, vector<1x16xf32>,
        %swap3A_409 = vector.shape_cast %swap3A_408 : vector<1x16xf32> to vector<16xf32>
        %swap3A_410 = vector.shape_cast %get3A_401 : vector<16xf32> to vector<1x16xf32>
        tpu.vector_store %arg7[%swap3A_406, %swap3A_407], %swap3A_410 {strides = array<i32>} : memref<128x128xf32, #tpu.memory_space<vmem>>, vector<1x16xf32>,
        %get3A_411 = arith.index_cast %squeeze3A_384 : i32 to index
        %get3A_412 = arith.constant 32 : index
        %get3A_413 = tpu.vector_load %arg5[%get3A_411, %get3A_412] {strides = array<i32>} : memref<83x128xf32, #tpu.memory_space<vmem>>, vector<1x16xf32>,
        %get3A_414 = vector.shape_cast %get3A_413 : vector<1x16xf32> to vector<16xf32>
        %mul3A_415 = arith.constant 16 : i32
        %mul3A_416 = arith.muli %scan3A_62, %mul3A_415 : i32
        %add3A_417 = arith.constant 3 : i32
        %add3A_418 = arith.addi %mul3A_416, %add3A_417 : i32
        %swap3A_419 = arith.index_cast %add3A_418 : i32 to index
        %swap3A_420 = arith.constant 32 : index
        %swap3A_421 = tpu.vector_load %arg7[%swap3A_419, %swap3A_420] {strides = array<i32>} : memref<128x128xf32, #tpu.memory_space<vmem>>, vector<1x16xf32>,
        %swap3A_422 = vector.shape_cast %swap3A_421 : vector<1x16xf32> to vector<16xf32>
        %swap3A_423 = vector.shape_cast %get3A_414 : vector<16xf32> to vector<1x16xf32>
        tpu.vector_store %arg7[%swap3A_419, %swap3A_420], %swap3A_423 {strides = array<i32>} : memref<128x128xf32, #tpu.memory_space<vmem>>, vector<1x16xf32>,
        %get3A_424 = arith.index_cast %squeeze3A_384 : i32 to index
        %get3A_425 = arith.constant 48 : index
        %get3A_426 = tpu.vector_load %arg5[%get3A_424, %get3A_425] {strides = array<i32>} : memref<83x128xf32, #tpu.memory_space<vmem>>, vector<1x16xf32>,
        %get3A_427 = vector.shape_cast %get3A_426 : vector<1x16xf32> to vector<16xf32>
        %mul3A_428 = arith.constant 16 : i32
        %mul3A_429 = arith.muli %scan3A_62, %mul3A_428 : i32
        %add3A_430 = arith.constant 3 : i32
        %add3A_431 = arith.addi %mul3A_429, %add3A_430 : i32
        %swap3A_432 = arith.index_cast %add3A_431 : i32 to index
        %swap3A_433 = arith.constant 48 : index
        %swap3A_434 = tpu.vector_load %arg7[%swap3A_432, %swap3A_433] {strides = array<i32>} : memref<128x128xf32, #tpu.memory_space<vmem>>, vector<1x16xf32>,
        %swap3A_435 = vector.shape_cast %swap3A_434 : vector<1x16xf32> to vector<16xf32>
        %swap3A_436 = vector.shape_cast %get3A_427 : vector<16xf32> to vector<1x16xf32>
        tpu.vector_store %arg7[%swap3A_432, %swap3A_433], %swap3A_436 {strides = array<i32>} : memref<128x128xf32, #tpu.memory_space<vmem>>, vector<1x16xf32>,
        %get3A_437 = arith.index_cast %squeeze3A_384 : i32 to index
        %get3A_438 = arith.constant 64 : index
        %get3A_439 = tpu.vector_load %arg5[%get3A_437, %get3A_438] {strides = array<i32>} : memref<83x128xf32, #tpu.memory_space<vmem>>, vector<1x16xf32>,
        %get3A_440 = vector.shape_cast %get3A_439 : vector<1x16xf32> to vector<16xf32>
        %mul3A_441 = arith.constant 16 : i32
        %mul3A_442 = arith.muli %scan3A_62, %mul3A_441 : i32
        %add3A_443 = arith.constant 3 : i32
        %add3A_444 = arith.addi %mul3A_442, %add3A_443 : i32
        %swap3A_445 = arith.index_cast %add3A_444 : i32 to index
        %swap3A_446 = arith.constant 64 : index
        %swap3A_447 = tpu.vector_load %arg7[%swap3A_445, %swap3A_446] {strides = array<i32>} : memref<128x128xf32, #tpu.memory_space<vmem>>, vector<1x16xf32>,
        %swap3A_448 = vector.shape_cast %swap3A_447 : vector<1x16xf32> to vector<16xf32>
        %swap3A_449 = vector.shape_cast %get3A_440 : vector<16xf32> to vector<1x16xf32>
        tpu.vector_store %arg7[%swap3A_445, %swap3A_446], %swap3A_449 {strides = array<i32>} : memref<128x128xf32, #tpu.memory_space<vmem>>, vector<1x16xf32>,
        %get3A_450 = arith.index_cast %squeeze3A_384 : i32 to index
        %get3A_451 = arith.constant 80 : index
        %get3A_452 = tpu.vector_load %arg5[%get3A_450, %get3A_451] {strides = array<i32>} : memref<83x128xf32, #tpu.memory_space<vmem>>, vector<1x16xf32>,
        %get3A_453 = vector.shape_cast %get3A_452 : vector<1x16xf32> to vector<16xf32>
        %mul3A_454 = arith.constant 16 : i32
        %mul3A_455 = arith.muli %scan3A_62, %mul3A_454 : i32
        %add3A_456 = arith.constant 3 : i32
        %add3A_457 = arith.addi %mul3A_455, %add3A_456 : i32
        %swap3A_458 = arith.index_cast %add3A_457 : i32 to index
        %swap3A_459 = arith.constant 80 : index
        %swap3A_460 = tpu.vector_load %arg7[%swap3A_458, %swap3A_459] {strides = array<i32>} : memref<128x128xf32, #tpu.memory_space<vmem>>, vector<1x16xf32>,
        %swap3A_461 = vector.shape_cast %swap3A_460 : vector<1x16xf32> to vector<16xf32>
        %swap3A_462 = vector.shape_cast %get3A_453 : vector<16xf32> to vector<1x16xf32>
        tpu.vector_store %arg7[%swap3A_458, %swap3A_459], %swap3A_462 {strides = array<i32>} : memref<128x128xf32, #tpu.memory_space<vmem>>, vector<1x16xf32>,
        %get3A_463 = arith.index_cast %squeeze3A_384 : i32 to index
        %get3A_464 = arith.constant 96 : index
        %get3A_465 = tpu.vector_load %arg5[%get3A_463, %get3A_464] {strides = array<i32>} : memref<83x128xf32, #tpu.memory_space<vmem>>, vector<1x16xf32>,
        %get3A_466 = vector.shape_cast %get3A_465 : vector<1x16xf32> to vector<16xf32>
        %mul3A_467 = arith.constant 16 : i32
        %mul3A_468 = arith.muli %scan3A_62, %mul3A_467 : i32
        %add3A_469 = arith.constant 3 : i32
        %add3A_470 = arith.addi %mul3A_468, %add3A_469 : i32
        %swap3A_471 = arith.index_cast %add3A_470 : i32 to index
        %swap3A_472 = arith.constant 96 : index
        %swap3A_473 = tpu.vector_load %arg7[%swap3A_471, %swap3A_472] {strides = array<i32>} : memref<128x128xf32, #tpu.memory_space<vmem>>, vector<1x16xf32>,
        %swap3A_474 = vector.shape_cast %swap3A_473 : vector<1x16xf32> to vector<16xf32>
        %swap3A_475 = vector.shape_cast %get3A_466 : vector<16xf32> to vector<1x16xf32>
        tpu.vector_store %arg7[%swap3A_471, %swap3A_472], %swap3A_475 {strides = array<i32>} : memref<128x128xf32, #tpu.memory_space<vmem>>, vector<1x16xf32>,
        %get3A_476 = arith.index_cast %squeeze3A_384 : i32 to index
        %get3A_477 = arith.constant 112 : index
        %get3A_478 = tpu.vector_load %arg5[%get3A_476, %get3A_477] {strides = array<i32>} : memref<83x128xf32, #tpu.memory_space<vmem>>, vector<1x16xf32>,
        %get3A_479 = vector.shape_cast %get3A_478 : vector<1x16xf32> to vector<16xf32>
        %mul3A_480 = arith.constant 16 : i32
        %mul3A_481 = arith.muli %scan3A_62, %mul3A_480 : i32
        %add3A_482 = arith.constant 3 : i32
        %add3A_483 = arith.addi %mul3A_481, %add3A_482 : i32
        %swap3A_484 = arith.index_cast %add3A_483 : i32 to index
        %swap3A_485 = arith.constant 112 : index
        %swap3A_486 = tpu.vector_load %arg7[%swap3A_484, %swap3A_485] {strides = array<i32>} : memref<128x128xf32, #tpu.memory_space<vmem>>, vector<1x16xf32>,
        %swap3A_487 = vector.shape_cast %swap3A_486 : vector<1x16xf32> to vector<16xf32>
        %swap3A_488 = vector.shape_cast %get3A_479 : vector<16xf32> to vector<1x16xf32>
        tpu.vector_store %arg7[%swap3A_484, %swap3A_485], %swap3A_488 {strides = array<i32>} : memref<128x128xf32, #tpu.memory_space<vmem>>, vector<1x16xf32>,
        %slice3A_489 = vector.extract_strided_slice %get3A_67 {offsets = [4], sizes = [1], strides = [1]} : vector<16xi32> to vector<1xi32>
        %squeeze3A_490 = vector.extract %slice3A_489[0] : i32 from vector<1xi32>
        %get3A_491 = arith.index_cast %squeeze3A_490 : i32 to index
        %get3A_492 = arith.constant 0 : index
        %get3A_493 = tpu.vector_load %arg5[%get3A_491, %get3A_492] {strides = array<i32>} : memref<83x128xf32, #tpu.memory_space<vmem>>, vector<1x16xf32>,
        %get3A_494 = vector.shape_cast %get3A_493 : vector<1x16xf32> to vector<16xf32>
        %mul3A_495 = arith.constant 16 : i32
        %mul3A_496 = arith.muli %scan3A_62, %mul3A_495 : i32
        %add3A_497 = arith.constant 4 : i32
        %add3A_498 = arith.addi %mul3A_496, %add3A_497 : i32
        %swap3A_499 = arith.index_cast %add3A_498 : i32 to index
        %swap3A_500 = arith.constant 0 : index
        %swap3A_501 = tpu.vector_load %arg7[%swap3A_499, %swap3A_500] {strides = array<i32>} : memref<128x128xf32, #tpu.memory_space<vmem>>, vector<1x16xf32>,
        %swap3A_502 = vector.shape_cast %swap3A_501 : vector<1x16xf32> to vector<16xf32>
        %swap3A_503 = vector.shape_cast %get3A_494 : vector<16xf32> to vector<1x16xf32>
        tpu.vector_store %arg7[%swap3A_499, %swap3A_500], %swap3A_503 {strides = array<i32>} : memref<128x128xf32, #tpu.memory_space<vmem>>, vector<1x16xf32>,
        %get3A_504 = arith.index_cast %squeeze3A_490 : i32 to index
        %get3A_505 = arith.constant 16 : index
        %get3A_506 = tpu.vector_load %arg5[%get3A_504, %get3A_505] {strides = array<i32>} : memref<83x128xf32, #tpu.memory_space<vmem>>, vector<1x16xf32>,
        %get3A_507 = vector.shape_cast %get3A_506 : vector<1x16xf32> to vector<16xf32>
        %mul3A_508 = arith.constant 16 : i32
        %mul3A_509 = arith.muli %scan3A_62, %mul3A_508 : i32
        %add3A_510 = arith.constant 4 : i32
        %add3A_511 = arith.addi %mul3A_509, %add3A_510 : i32
        %swap3A_512 = arith.index_cast %add3A_511 : i32 to index
        %swap3A_513 = arith.constant 16 : index
        %swap3A_514 = tpu.vector_load %arg7[%swap3A_512, %swap3A_513] {strides = array<i32>} : memref<128x128xf32, #tpu.memory_space<vmem>>, vector<1x16xf32>,
        %swap3A_515 = vector.shape_cast %swap3A_514 : vector<1x16xf32> to vector<16xf32>
        %swap3A_516 = vector.shape_cast %get3A_507 : vector<16xf32> to vector<1x16xf32>
        tpu.vector_store %arg7[%swap3A_512, %swap3A_513], %swap3A_516 {strides = array<i32>} : memref<128x128xf32, #tpu.memory_space<vmem>>, vector<1x16xf32>,
        %get3A_517 = arith.index_cast %squeeze3A_490 : i32 to index
        %get3A_518 = arith.constant 32 : index
        %get3A_519 = tpu.vector_load %arg5[%get3A_517, %get3A_518] {strides = array<i32>} : memref<83x128xf32, #tpu.memory_space<vmem>>, vector<1x16xf32>,
        %get3A_520 = vector.shape_cast %get3A_519 : vector<1x16xf32> to vector<16xf32>
        %mul3A_521 = arith.constant 16 : i32
        %mul3A_522 = arith.muli %scan3A_62, %mul3A_521 : i32
        %add3A_523 = arith.constant 4 : i32
        %add3A_524 = arith.addi %mul3A_522, %add3A_523 : i32
        %swap3A_525 = arith.index_cast %add3A_524 : i32 to index
        %swap3A_526 = arith.constant 32 : index
        %swap3A_527 = tpu.vector_load %arg7[%swap3A_525, %swap3A_526] {strides = array<i32>} : memref<128x128xf32, #tpu.memory_space<vmem>>, vector<1x16xf32>,
        %swap3A_528 = vector.shape_cast %swap3A_527 : vector<1x16xf32> to vector<16xf32>
        %swap3A_529 = vector.shape_cast %get3A_520 : vector<16xf32> to vector<1x16xf32>
        tpu.vector_store %arg7[%swap3A_525, %swap3A_526], %swap3A_529 {strides = array<i32>} : memref<128x128xf32, #tpu.memory_space<vmem>>, vector<1x16xf32>,
        %get3A_530 = arith.index_cast %squeeze3A_490 : i32 to index
        %get3A_531 = arith.constant 48 : index
        %get3A_532 = tpu.vector_load %arg5[%get3A_530, %get3A_531] {strides = array<i32>} : memref<83x128xf32, #tpu.memory_space<vmem>>, vector<1x16xf32>,
        %get3A_533 = vector.shape_cast %get3A_532 : vector<1x16xf32> to vector<16xf32>
        %mul3A_534 = arith.constant 16 : i32
        %mul3A_535 = arith.muli %scan3A_62, %mul3A_534 : i32
        %add3A_536 = arith.constant 4 : i32
        %add3A_537 = arith.addi %mul3A_535, %add3A_536 : i32
        %swap3A_538 = arith.index_cast %add3A_537 : i32 to index
        %swap3A_539 = arith.constant 48 : index
        %swap3A_540 = tpu.vector_load %arg7[%swap3A_538, %swap3A_539] {strides = array<i32>} : memref<128x128xf32, #tpu.memory_space<vmem>>, vector<1x16xf32>,
        %swap3A_541 = vector.shape_cast %swap3A_540 : vector<1x16xf32> to vector<16xf32>
        %swap3A_542 = vector.shape_cast %get3A_533 : vector<16xf32> to vector<1x16xf32>
        tpu.vector_store %arg7[%swap3A_538, %swap3A_539], %swap3A_542 {strides = array<i32>} : memref<128x128xf32, #tpu.memory_space<vmem>>, vector<1x16xf32>,
        %get3A_543 = arith.index_cast %squeeze3A_490 : i32 to index
        %get3A_544 = arith.constant 64 : index
        %get3A_545 = tpu.vector_load %arg5[%get3A_543, %get3A_544] {strides = array<i32>} : memref<83x128xf32, #tpu.memory_space<vmem>>, vector<1x16xf32>,
        %get3A_546 = vector.shape_cast %get3A_545 : vector<1x16xf32> to vector<16xf32>
        %mul3A_547 = arith.constant 16 : i32
        %mul3A_548 = arith.muli %scan3A_62, %mul3A_547 : i32
        %add3A_549 = arith.constant 4 : i32
        %add3A_550 = arith.addi %mul3A_548, %add3A_549 : i32
        %swap3A_551 = arith.index_cast %add3A_550 : i32 to index
        %swap3A_552 = arith.constant 64 : index
        %swap3A_553 = tpu.vector_load %arg7[%swap3A_551, %swap3A_552] {strides = array<i32>} : memref<128x128xf32, #tpu.memory_space<vmem>>, vector<1x16xf32>,
        %swap3A_554 = vector.shape_cast %swap3A_553 : vector<1x16xf32> to vector<16xf32>
        %swap3A_555 = vector.shape_cast %get3A_546 : vector<16xf32> to vector<1x16xf32>
        tpu.vector_store %arg7[%swap3A_551, %swap3A_552], %swap3A_555 {strides = array<i32>} : memref<128x128xf32, #tpu.memory_space<vmem>>, vector<1x16xf32>,
        %get3A_556 = arith.index_cast %squeeze3A_490 : i32 to index
        %get3A_557 = arith.constant 80 : index
        %get3A_558 = tpu.vector_load %arg5[%get3A_556, %get3A_557] {strides = array<i32>} : memref<83x128xf32, #tpu.memory_space<vmem>>, vector<1x16xf32>,
        %get3A_559 = vector.shape_cast %get3A_558 : vector<1x16xf32> to vector<16xf32>
        %mul3A_560 = arith.constant 16 : i32
        %mul3A_561 = arith.muli %scan3A_62, %mul3A_560 : i32
        %add3A_562 = arith.constant 4 : i32
        %add3A_563 = arith.addi %mul3A_561, %add3A_562 : i32
        %swap3A_564 = arith.index_cast %add3A_563 : i32 to index
        %swap3A_565 = arith.constant 80 : index
        %swap3A_566 = tpu.vector_load %arg7[%swap3A_564, %swap3A_565] {strides = array<i32>} : memref<128x128xf32, #tpu.memory_space<vmem>>, vector<1x16xf32>,
        %swap3A_567 = vector.shape_cast %swap3A_566 : vector<1x16xf32> to vector<16xf32>
        %swap3A_568 = vector.shape_cast %get3A_559 : vector<16xf32> to vector<1x16xf32>
        tpu.vector_store %arg7[%swap3A_564, %swap3A_565], %swap3A_568 {strides = array<i32>} : memref<128x128xf32, #tpu.memory_space<vmem>>, vector<1x16xf32>,
        %get3A_569 = arith.index_cast %squeeze3A_490 : i32 to index
        %get3A_570 = arith.constant 96 : index
        %get3A_571 = tpu.vector_load %arg5[%get3A_569, %get3A_570] {strides = array<i32>} : memref<83x128xf32, #tpu.memory_space<vmem>>, vector<1x16xf32>,
        %get3A_572 = vector.shape_cast %get3A_571 : vector<1x16xf32> to vector<16xf32>
        %mul3A_573 = arith.constant 16 : i32
        %mul3A_574 = arith.muli %scan3A_62, %mul3A_573 : i32
        %add3A_575 = arith.constant 4 : i32
        %add3A_576 = arith.addi %mul3A_574, %add3A_575 : i32
        %swap3A_577 = arith.index_cast %add3A_576 : i32 to index
        %swap3A_578 = arith.constant 96 : index
        %swap3A_579 = tpu.vector_load %arg7[%swap3A_577, %swap3A_578] {strides = array<i32>} : memref<128x128xf32, #tpu.memory_space<vmem>>, vector<1x16xf32>,
        %swap3A_580 = vector.shape_cast %swap3A_579 : vector<1x16xf32> to vector<16xf32>
        %swap3A_581 = vector.shape_cast %get3A_572 : vector<16xf32> to vector<1x16xf32>
        tpu.vector_store %arg7[%swap3A_577, %swap3A_578], %swap3A_581 {strides = array<i32>} : memref<128x128xf32, #tpu.memory_space<vmem>>, vector<1x16xf32>,
        %get3A_582 = arith.index_cast %squeeze3A_490 : i32 to index
        %get3A_583 = arith.constant 112 : index
        %get3A_584 = tpu.vector_load %arg5[%get3A_582, %get3A_583] {strides = array<i32>} : memref<83x128xf32, #tpu.memory_space<vmem>>, vector<1x16xf32>,
        %get3A_585 = vector.shape_cast %get3A_584 : vector<1x16xf32> to vector<16xf32>
        %mul3A_586 = arith.constant 16 : i32
        %mul3A_587 = arith.muli %scan3A_62, %mul3A_586 : i32
        %add3A_588 = arith.constant 4 : i32
        %add3A_589 = arith.addi %mul3A_587, %add3A_588 : i32
        %swap3A_590 = arith.index_cast %add3A_589 : i32 to index
        %swap3A_591 = arith.constant 112 : index
        %swap3A_592 = tpu.vector_load %arg7[%swap3A_590, %swap3A_591] {strides = array<i32>} : memref<128x128xf32, #tpu.memory_space<vmem>>, vector<1x16xf32>,
        %swap3A_593 = vector.shape_cast %swap3A_592 : vector<1x16xf32> to vector<16xf32>
        %swap3A_594 = vector.shape_cast %get3A_585 : vector<16xf32> to vector<1x16xf32>
        tpu.vector_store %arg7[%swap3A_590, %swap3A_591], %swap3A_594 {strides = array<i32>} : memref<128x128xf32, #tpu.memory_space<vmem>>, vector<1x16xf32>,
        %slice3A_595 = vector.extract_strided_slice %get3A_67 {offsets = [5], sizes = [1], strides = [1]} : vector<16xi32> to vector<1xi32>
        %squeeze3A_596 = vector.extract %slice3A_595[0] : i32 from vector<1xi32>
        %get3A_597 = arith.index_cast %squeeze3A_596 : i32 to index
        %get3A_598 = arith.constant 0 : index
        %get3A_599 = tpu.vector_load %arg5[%get3A_597, %get3A_598] {strides = array<i32>} : memref<83x128xf32, #tpu.memory_space<vmem>>, vector<1x16xf32>,
        %get3A_600 = vector.shape_cast %get3A_599 : vector<1x16xf32> to vector<16xf32>
        %mul3A_601 = arith.constant 16 : i32
        %mul3A_602 = arith.muli %scan3A_62, %mul3A_601 : i32
        %add3A_603 = arith.constant 5 : i32
        %add3A_604 = arith.addi %mul3A_602, %add3A_603 : i32
        %swap3A_605 = arith.index_cast %add3A_604 : i32 to index
        %swap3A_606 = arith.constant 0 : index
        %swap3A_607 = tpu.vector_load %arg7[%swap3A_605, %swap3A_606] {strides = array<i32>} : memref<128x128xf32, #tpu.memory_space<vmem>>, vector<1x16xf32>,
        %swap3A_608 = vector.shape_cast %swap3A_607 : vector<1x16xf32> to vector<16xf32>
        %swap3A_609 = vector.shape_cast %get3A_600 : vector<16xf32> to vector<1x16xf32>
        tpu.vector_store %arg7[%swap3A_605, %swap3A_606], %swap3A_609 {strides = array<i32>} : memref<128x128xf32, #tpu.memory_space<vmem>>, vector<1x16xf32>,
        %get3A_610 = arith.index_cast %squeeze3A_596 : i32 to index
        %get3A_611 = arith.constant 16 : index
        %get3A_612 = tpu.vector_load %arg5[%get3A_610, %get3A_611] {strides = array<i32>} : memref<83x128xf32, #tpu.memory_space<vmem>>, vector<1x16xf32>,
        %get3A_613 = vector.shape_cast %get3A_612 : vector<1x16xf32> to vector<16xf32>
        %mul3A_614 = arith.constant 16 : i32
        %mul3A_615 = arith.muli %scan3A_62, %mul3A_614 : i32
        %add3A_616 = arith.constant 5 : i32
        %add3A_617 = arith.addi %mul3A_615, %add3A_616 : i32
        %swap3A_618 = arith.index_cast %add3A_617 : i32 to index
        %swap3A_619 = arith.constant 16 : index
        %swap3A_620 = tpu.vector_load %arg7[%swap3A_618, %swap3A_619] {strides = array<i32>} : memref<128x128xf32, #tpu.memory_space<vmem>>, vector<1x16xf32>,
        %swap3A_621 = vector.shape_cast %swap3A_620 : vector<1x16xf32> to vector<16xf32>
        %swap3A_622 = vector.shape_cast %get3A_613 : vector<16xf32> to vector<1x16xf32>
        tpu.vector_store %arg7[%swap3A_618, %swap3A_619], %swap3A_622 {strides = array<i32>} : memref<128x128xf32, #tpu.memory_space<vmem>>, vector<1x16xf32>,
        %get3A_623 = arith.index_cast %squeeze3A_596 : i32 to index
        %get3A_624 = arith.constant 32 : index
        %get3A_625 = tpu.vector_load %arg5[%get3A_623, %get3A_624] {strides = array<i32>} : memref<83x128xf32, #tpu.memory_space<vmem>>, vector<1x16xf32>,
        %get3A_626 = vector.shape_cast %get3A_625 : vector<1x16xf32> to vector<16xf32>
        %mul3A_627 = arith.constant 16 : i32
        %mul3A_628 = arith.muli %scan3A_62, %mul3A_627 : i32
        %add3A_629 = arith.constant 5 : i32
        %add3A_630 = arith.addi %mul3A_628, %add3A_629 : i32
        %swap3A_631 = arith.index_cast %add3A_630 : i32 to index
        %swap3A_632 = arith.constant 32 : index
        %swap3A_633 = tpu.vector_load %arg7[%swap3A_631, %swap3A_632] {strides = array<i32>} : memref<128x128xf32, #tpu.memory_space<vmem>>, vector<1x16xf32>,
        %swap3A_634 = vector.shape_cast %swap3A_633 : vector<1x16xf32> to vector<16xf32>
        %swap3A_635 = vector.shape_cast %get3A_626 : vector<16xf32> to vector<1x16xf32>
        tpu.vector_store %arg7[%swap3A_631, %swap3A_632], %swap3A_635 {strides = array<i32>} : memref<128x128xf32, #tpu.memory_space<vmem>>, vector<1x16xf32>,
        %get3A_636 = arith.index_cast %squeeze3A_596 : i32 to index
        %get3A_637 = arith.constant 48 : index
        %get3A_638 = tpu.vector_load %arg5[%get3A_636, %get3A_637] {strides = array<i32>} : memref<83x128xf32, #tpu.memory_space<vmem>>, vector<1x16xf32>,
        %get3A_639 = vector.shape_cast %get3A_638 : vector<1x16xf32> to vector<16xf32>
        %mul3A_640 = arith.constant 16 : i32
        %mul3A_641 = arith.muli %scan3A_62, %mul3A_640 : i32
        %add3A_642 = arith.constant 5 : i32
        %add3A_643 = arith.addi %mul3A_641, %add3A_642 : i32
        %swap3A_644 = arith.index_cast %add3A_643 : i32 to index
        %swap3A_645 = arith.constant 48 : index
        %swap3A_646 = tpu.vector_load %arg7[%swap3A_644, %swap3A_645] {strides = array<i32>} : memref<128x128xf32, #tpu.memory_space<vmem>>, vector<1x16xf32>,
        %swap3A_647 = vector.shape_cast %swap3A_646 : vector<1x16xf32> to vector<16xf32>
        %swap3A_648 = vector.shape_cast %get3A_639 : vector<16xf32> to vector<1x16xf32>
        tpu.vector_store %arg7[%swap3A_644, %swap3A_645], %swap3A_648 {strides = array<i32>} : memref<128x128xf32, #tpu.memory_space<vmem>>, vector<1x16xf32>,
        %get3A_649 = arith.index_cast %squeeze3A_596 : i32 to index
        %get3A_650 = arith.constant 64 : index
        %get3A_651 = tpu.vector_load %arg5[%get3A_649, %get3A_650] {strides = array<i32>} : memref<83x128xf32, #tpu.memory_space<vmem>>, vector<1x16xf32>,
        %get3A_652 = vector.shape_cast %get3A_651 : vector<1x16xf32> to vector<16xf32>
        %mul3A_653 = arith.constant 16 : i32
        %mul3A_654 = arith.muli %scan3A_62, %mul3A_653 : i32
        %add3A_655 = arith.constant 5 : i32
        %add3A_656 = arith.addi %mul3A_654, %add3A_655 : i32
        %swap3A_657 = arith.index_cast %add3A_656 : i32 to index
        %swap3A_658 = arith.constant 64 : index
        %swap3A_659 = tpu.vector_load %arg7[%swap3A_657, %swap3A_658] {strides = array<i32>} : memref<128x128xf32, #tpu.memory_space<vmem>>, vector<1x16xf32>,
        %swap3A_660 = vector.shape_cast %swap3A_659 : vector<1x16xf32> to vector<16xf32>
        %swap3A_661 = vector.shape_cast %get3A_652 : vector<16xf32> to vector<1x16xf32>
        tpu.vector_store %arg7[%swap3A_657, %swap3A_658], %swap3A_661 {strides = array<i32>} : memref<128x128xf32, #tpu.memory_space<vmem>>, vector<1x16xf32>,
        %get3A_662 = arith.index_cast %squeeze3A_596 : i32 to index
        %get3A_663 = arith.constant 80 : index
        %get3A_664 = tpu.vector_load %arg5[%get3A_662, %get3A_663] {strides = array<i32>} : memref<83x128xf32, #tpu.memory_space<vmem>>, vector<1x16xf32>,
        %get3A_665 = vector.shape_cast %get3A_664 : vector<1x16xf32> to vector<16xf32>
        %mul3A_666 = arith.constant 16 : i32
        %mul3A_667 = arith.muli %scan3A_62, %mul3A_666 : i32
        %add3A_668 = arith.constant 5 : i32
        %add3A_669 = arith.addi %mul3A_667, %add3A_668 : i32
        %swap3A_670 = arith.index_cast %add3A_669 : i32 to index
        %swap3A_671 = arith.constant 80 : index
        %swap3A_672 = tpu.vector_load %arg7[%swap3A_670, %swap3A_671] {strides = array<i32>} : memref<128x128xf32, #tpu.memory_space<vmem>>, vector<1x16xf32>,
        %swap3A_673 = vector.shape_cast %swap3A_672 : vector<1x16xf32> to vector<16xf32>
        %swap3A_674 = vector.shape_cast %get3A_665 : vector<16xf32> to vector<1x16xf32>
        tpu.vector_store %arg7[%swap3A_670, %swap3A_671], %swap3A_674 {strides = array<i32>} : memref<128x128xf32, #tpu.memory_space<vmem>>, vector<1x16xf32>,
        %get3A_675 = arith.index_cast %squeeze3A_596 : i32 to index
        %get3A_676 = arith.constant 96 : index
        %get3A_677 = tpu.vector_load %arg5[%get3A_675, %get3A_676] {strides = array<i32>} : memref<83x128xf32, #tpu.memory_space<vmem>>, vector<1x16xf32>,
        %get3A_678 = vector.shape_cast %get3A_677 : vector<1x16xf32> to vector<16xf32>
        %mul3A_679 = arith.constant 16 : i32
        %mul3A_680 = arith.muli %scan3A_62, %mul3A_679 : i32
        %add3A_681 = arith.constant 5 : i32
        %add3A_682 = arith.addi %mul3A_680, %add3A_681 : i32
        %swap3A_683 = arith.index_cast %add3A_682 : i32 to index
        %swap3A_684 = arith.constant 96 : index
        %swap3A_685 = tpu.vector_load %arg7[%swap3A_683, %swap3A_684] {strides = array<i32>} : memref<128x128xf32, #tpu.memory_space<vmem>>, vector<1x16xf32>,
        %swap3A_686 = vector.shape_cast %swap3A_685 : vector<1x16xf32> to vector<16xf32>
        %swap3A_687 = vector.shape_cast %get3A_678 : vector<16xf32> to vector<1x16xf32>
        tpu.vector_store %arg7[%swap3A_683, %swap3A_684], %swap3A_687 {strides = array<i32>} : memref<128x128xf32, #tpu.memory_space<vmem>>, vector<1x16xf32>,
        %get3A_688 = arith.index_cast %squeeze3A_596 : i32 to index
        %get3A_689 = arith.constant 112 : index
        %get3A_690 = tpu.vector_load %arg5[%get3A_688, %get3A_689] {strides = array<i32>} : memref<83x128xf32, #tpu.memory_space<vmem>>, vector<1x16xf32>,
        %get3A_691 = vector.shape_cast %get3A_690 : vector<1x16xf32> to vector<16xf32>
        %mul3A_692 = arith.constant 16 : i32
        %mul3A_693 = arith.muli %scan3A_62, %mul3A_692 : i32
        %add3A_694 = arith.constant 5 : i32
        %add3A_695 = arith.addi %mul3A_693, %add3A_694 : i32
        %swap3A_696 = arith.index_cast %add3A_695 : i32 to index
        %swap3A_697 = arith.constant 112 : index
        %swap3A_698 = tpu.vector_load %arg7[%swap3A_696, %swap3A_697] {strides = array<i32>} : memref<128x128xf32, #tpu.memory_space<vmem>>, vector<1x16xf32>,
        %swap3A_699 = vector.shape_cast %swap3A_698 : vector<1x16xf32> to vector<16xf32>
        %swap3A_700 = vector.shape_cast %get3A_691 : vector<16xf32> to vector<1x16xf32>
        tpu.vector_store %arg7[%swap3A_696, %swap3A_697], %swap3A_700 {strides = array<i32>} : memref<128x128xf32, #tpu.memory_space<vmem>>, vector<1x16xf32>,
        %slice3A_701 = vector.extract_strided_slice %get3A_67 {offsets = [6], sizes = [1], strides = [1]} : vector<16xi32> to vector<1xi32>
        %squeeze3A_702 = vector.extract %slice3A_701[0] : i32 from vector<1xi32>
        %get3A_703 = arith.index_cast %squeeze3A_702 : i32 to index
        %get3A_704 = arith.constant 0 : index
        %get3A_705 = tpu.vector_load %arg5[%get3A_703, %get3A_704] {strides = array<i32>} : memref<83x128xf32, #tpu.memory_space<vmem>>, vector<1x16xf32>,
        %get3A_706 = vector.shape_cast %get3A_705 : vector<1x16xf32> to vector<16xf32>
        %mul3A_707 = arith.constant 16 : i32
        %mul3A_708 = arith.muli %scan3A_62, %mul3A_707 : i32
        %add3A_709 = arith.constant 6 : i32
        %add3A_710 = arith.addi %mul3A_708, %add3A_709 : i32
        %swap3A_711 = arith.index_cast %add3A_710 : i32 to index
        %swap3A_712 = arith.constant 0 : index
        %swap3A_713 = tpu.vector_load %arg7[%swap3A_711, %swap3A_712] {strides = array<i32>} : memref<128x128xf32, #tpu.memory_space<vmem>>, vector<1x16xf32>,
        %swap3A_714 = vector.shape_cast %swap3A_713 : vector<1x16xf32> to vector<16xf32>
        %swap3A_715 = vector.shape_cast %get3A_706 : vector<16xf32> to vector<1x16xf32>
        tpu.vector_store %arg7[%swap3A_711, %swap3A_712], %swap3A_715 {strides = array<i32>} : memref<128x128xf32, #tpu.memory_space<vmem>>, vector<1x16xf32>,
        %get3A_716 = arith.index_cast %squeeze3A_702 : i32 to index
        %get3A_717 = arith.constant 16 : index
        %get3A_718 = tpu.vector_load %arg5[%get3A_716, %get3A_717] {strides = array<i32>} : memref<83x128xf32, #tpu.memory_space<vmem>>, vector<1x16xf32>,
        %get3A_719 = vector.shape_cast %get3A_718 : vector<1x16xf32> to vector<16xf32>
        %mul3A_720 = arith.constant 16 : i32
        %mul3A_721 = arith.muli %scan3A_62, %mul3A_720 : i32
        %add3A_722 = arith.constant 6 : i32
        %add3A_723 = arith.addi %mul3A_721, %add3A_722 : i32
        %swap3A_724 = arith.index_cast %add3A_723 : i32 to index
        %swap3A_725 = arith.constant 16 : index
        %swap3A_726 = tpu.vector_load %arg7[%swap3A_724, %swap3A_725] {strides = array<i32>} : memref<128x128xf32, #tpu.memory_space<vmem>>, vector<1x16xf32>,
        %swap3A_727 = vector.shape_cast %swap3A_726 : vector<1x16xf32> to vector<16xf32>
        %swap3A_728 = vector.shape_cast %get3A_719 : vector<16xf32> to vector<1x16xf32>
        tpu.vector_store %arg7[%swap3A_724, %swap3A_725], %swap3A_728 {strides = array<i32>} : memref<128x128xf32, #tpu.memory_space<vmem>>, vector<1x16xf32>,
        %get3A_729 = arith.index_cast %squeeze3A_702 : i32 to index
        %get3A_730 = arith.constant 32 : index
        %get3A_731 = tpu.vector_load %arg5[%get3A_729, %get3A_730] {strides = array<i32>} : memref<83x128xf32, #tpu.memory_space<vmem>>, vector<1x16xf32>,
        %get3A_732 = vector.shape_cast %get3A_731 : vector<1x16xf32> to vector<16xf32>
        %mul3A_733 = arith.constant 16 : i32
        %mul3A_734 = arith.muli %scan3A_62, %mul3A_733 : i32
        %add3A_735 = arith.constant 6 : i32
        %add3A_736 = arith.addi %mul3A_734, %add3A_735 : i32
        %swap3A_737 = arith.index_cast %add3A_736 : i32 to index
        %swap3A_738 = arith.constant 32 : index
        %swap3A_739 = tpu.vector_load %arg7[%swap3A_737, %swap3A_738] {strides = array<i32>} : memref<128x128xf32, #tpu.memory_space<vmem>>, vector<1x16xf32>,
        %swap3A_740 = vector.shape_cast %swap3A_739 : vector<1x16xf32> to vector<16xf32>
        %swap3A_741 = vector.shape_cast %get3A_732 : vector<16xf32> to vector<1x16xf32>
        tpu.vector_store %arg7[%swap3A_737, %swap3A_738], %swap3A_741 {strides = array<i32>} : memref<128x128xf32, #tpu.memory_space<vmem>>, vector<1x16xf32>,
        %get3A_742 = arith.index_cast %squeeze3A_702 : i32 to index
        %get3A_743 = arith.constant 48 : index
        %get3A_744 = tpu.vector_load %arg5[%get3A_742, %get3A_743] {strides = array<i32>} : memref<83x128xf32, #tpu.memory_space<vmem>>, vector<1x16xf32>,
        %get3A_745 = vector.shape_cast %get3A_744 : vector<1x16xf32> to vector<16xf32>
        %mul3A_746 = arith.constant 16 : i32
        %mul3A_747 = arith.muli %scan3A_62, %mul3A_746 : i32
        %add3A_748 = arith.constant 6 : i32
        %add3A_749 = arith.addi %mul3A_747, %add3A_748 : i32
        %swap3A_750 = arith.index_cast %add3A_749 : i32 to index
        %swap3A_751 = arith.constant 48 : index
        %swap3A_752 = tpu.vector_load %arg7[%swap3A_750, %swap3A_751] {strides = array<i32>} : memref<128x128xf32, #tpu.memory_space<vmem>>, vector<1x16xf32>,
        %swap3A_753 = vector.shape_cast %swap3A_752 : vector<1x16xf32> to vector<16xf32>
        %swap3A_754 = vector.shape_cast %get3A_745 : vector<16xf32> to vector<1x16xf32>
        tpu.vector_store %arg7[%swap3A_750, %swap3A_751], %swap3A_754 {strides = array<i32>} : memref<128x128xf32, #tpu.memory_space<vmem>>, vector<1x16xf32>,
        %get3A_755 = arith.index_cast %squeeze3A_702 : i32 to index
        %get3A_756 = arith.constant 64 : index
        %get3A_757 = tpu.vector_load %arg5[%get3A_755, %get3A_756] {strides = array<i32>} : memref<83x128xf32, #tpu.memory_space<vmem>>, vector<1x16xf32>,
        %get3A_758 = vector.shape_cast %get3A_757 : vector<1x16xf32> to vector<16xf32>
        %mul3A_759 = arith.constant 16 : i32
        %mul3A_760 = arith.muli %scan3A_62, %mul3A_759 : i32
        %add3A_761 = arith.constant 6 : i32
        %add3A_762 = arith.addi %mul3A_760, %add3A_761 : i32
        %swap3A_763 = arith.index_cast %add3A_762 : i32 to index
        %swap3A_764 = arith.constant 64 : index
        %swap3A_765 = tpu.vector_load %arg7[%swap3A_763, %swap3A_764] {strides = array<i32>} : memref<128x128xf32, #tpu.memory_space<vmem>>, vector<1x16xf32>,
        %swap3A_766 = vector.shape_cast %swap3A_765 : vector<1x16xf32> to vector<16xf32>
        %swap3A_767 = vector.shape_cast %get3A_758 : vector<16xf32> to vector<1x16xf32>
        tpu.vector_store %arg7[%swap3A_763, %swap3A_764], %swap3A_767 {strides = array<i32>} : memref<128x128xf32, #tpu.memory_space<vmem>>, vector<1x16xf32>,
        %get3A_768 = arith.index_cast %squeeze3A_702 : i32 to index
        %get3A_769 = arith.constant 80 : index
        %get3A_770 = tpu.vector_load %arg5[%get3A_768, %get3A_769] {strides = array<i32>} : memref<83x128xf32, #tpu.memory_space<vmem>>, vector<1x16xf32>,
        %get3A_771 = vector.shape_cast %get3A_770 : vector<1x16xf32> to vector<16xf32>
        %mul3A_772 = arith.constant 16 : i32
        %mul3A_773 = arith.muli %scan3A_62, %mul3A_772 : i32
        %add3A_774 = arith.constant 6 : i32
        %add3A_775 = arith.addi %mul3A_773, %add3A_774 : i32
        %swap3A_776 = arith.index_cast %add3A_775 : i32 to index
        %swap3A_777 = arith.constant 80 : index
        %swap3A_778 = tpu.vector_load %arg7[%swap3A_776, %swap3A_777] {strides = array<i32>} : memref<128x128xf32, #tpu.memory_space<vmem>>, vector<1x16xf32>,
        %swap3A_779 = vector.shape_cast %swap3A_778 : vector<1x16xf32> to vector<16xf32>
        %swap3A_780 = vector.shape_cast %get3A_771 : vector<16xf32> to vector<1x16xf32>
        tpu.vector_store %arg7[%swap3A_776, %swap3A_777], %swap3A_780 {strides = array<i32>} : memref<128x128xf32, #tpu.memory_space<vmem>>, vector<1x16xf32>,
        %get3A_781 = arith.index_cast %squeeze3A_702 : i32 to index
        %get3A_782 = arith.constant 96 : index
        %get3A_783 = tpu.vector_load %arg5[%get3A_781, %get3A_782] {strides = array<i32>} : memref<83x128xf32, #tpu.memory_space<vmem>>, vector<1x16xf32>,
        %get3A_784 = vector.shape_cast %get3A_783 : vector<1x16xf32> to vector<16xf32>
        %mul3A_785 = arith.constant 16 : i32
        %mul3A_786 = arith.muli %scan3A_62, %mul3A_785 : i32
        %add3A_787 = arith.constant 6 : i32
        %add3A_788 = arith.addi %mul3A_786, %add3A_787 : i32
        %swap3A_789 = arith.index_cast %add3A_788 : i32 to index
        %swap3A_790 = arith.constant 96 : index
        %swap3A_791 = tpu.vector_load %arg7[%swap3A_789, %swap3A_790] {strides = array<i32>} : memref<128x128xf32, #tpu.memory_space<vmem>>, vector<1x16xf32>,
        %swap3A_792 = vector.shape_cast %swap3A_791 : vector<1x16xf32> to vector<16xf32>
        %swap3A_793 = vector.shape_cast %get3A_784 : vector<16xf32> to vector<1x16xf32>
        tpu.vector_store %arg7[%swap3A_789, %swap3A_790], %swap3A_793 {strides = array<i32>} : memref<128x128xf32, #tpu.memory_space<vmem>>, vector<1x16xf32>,
        %get3A_794 = arith.index_cast %squeeze3A_702 : i32 to index
        %get3A_795 = arith.constant 112 : index
        %get3A_796 = tpu.vector_load %arg5[%get3A_794, %get3A_795] {strides = array<i32>} : memref<83x128xf32, #tpu.memory_space<vmem>>, vector<1x16xf32>,
        %get3A_797 = vector.shape_cast %get3A_796 : vector<1x16xf32> to vector<16xf32>
        %mul3A_798 = arith.constant 16 : i32
        %mul3A_799 = arith.muli %scan3A_62, %mul3A_798 : i32
        %add3A_800 = arith.constant 6 : i32
        %add3A_801 = arith.addi %mul3A_799, %add3A_800 : i32
        %swap3A_802 = arith.index_cast %add3A_801 : i32 to index
        %swap3A_803 = arith.constant 112 : index
        %swap3A_804 = tpu.vector_load %arg7[%swap3A_802, %swap3A_803] {strides = array<i32>} : memref<128x128xf32, #tpu.memory_space<vmem>>, vector<1x16xf32>,
        %swap3A_805 = vector.shape_cast %swap3A_804 : vector<1x16xf32> to vector<16xf32>
        %swap3A_806 = vector.shape_cast %get3A_797 : vector<16xf32> to vector<1x16xf32>
        tpu.vector_store %arg7[%swap3A_802, %swap3A_803], %swap3A_806 {strides = array<i32>} : memref<128x128xf32, #tpu.memory_space<vmem>>, vector<1x16xf32>,
        %slice3A_807 = vector.extract_strided_slice %get3A_67 {offsets = [7], sizes = [1], strides = [1]} : vector<16xi32> to vector<1xi32>
        %squeeze3A_808 = vector.extract %slice3A_807[0] : i32 from vector<1xi32>
        %get3A_809 = arith.index_cast %squeeze3A_808 : i32 to index
        %get3A_810 = arith.constant 0 : index
        %get3A_811 = tpu.vector_load %arg5[%get3A_809, %get3A_810] {strides = array<i32>} : memref<83x128xf32, #tpu.memory_space<vmem>>, vector<1x16xf32>,
        %get3A_812 = vector.shape_cast %get3A_811 : vector<1x16xf32> to vector<16xf32>
        %mul3A_813 = arith.constant 16 : i32
        %mul3A_814 = arith.muli %scan3A_62, %mul3A_813 : i32
        %add3A_815 = arith.constant 7 : i32
        %add3A_816 = arith.addi %mul3A_814, %add3A_815 : i32
        %swap3A_817 = arith.index_cast %add3A_816 : i32 to index
        %swap3A_818 = arith.constant 0 : index
        %swap3A_819 = tpu.vector_load %arg7[%swap3A_817, %swap3A_818] {strides = array<i32>} : memref<128x128xf32, #tpu.memory_space<vmem>>, vector<1x16xf32>,
        %swap3A_820 = vector.shape_cast %swap3A_819 : vector<1x16xf32> to vector<16xf32>
        %swap3A_821 = vector.shape_cast %get3A_812 : vector<16xf32> to vector<1x16xf32>
        tpu.vector_store %arg7[%swap3A_817, %swap3A_818], %swap3A_821 {strides = array<i32>} : memref<128x128xf32, #tpu.memory_space<vmem>>, vector<1x16xf32>,
        %get3A_822 = arith.index_cast %squeeze3A_808 : i32 to index
        %get3A_823 = arith.constant 16 : index
        %get3A_824 = tpu.vector_load %arg5[%get3A_822, %get3A_823] {strides = array<i32>} : memref<83x128xf32, #tpu.memory_space<vmem>>, vector<1x16xf32>,
        %get3A_825 = vector.shape_cast %get3A_824 : vector<1x16xf32> to vector<16xf32>
        %mul3A_826 = arith.constant 16 : i32
        %mul3A_827 = arith.muli %scan3A_62, %mul3A_826 : i32
        %add3A_828 = arith.constant 7 : i32
        %add3A_829 = arith.addi %mul3A_827, %add3A_828 : i32
        %swap3A_830 = arith.index_cast %add3A_829 : i32 to index
        %swap3A_831 = arith.constant 16 : index
        %swap3A_832 = tpu.vector_load %arg7[%swap3A_830, %swap3A_831] {strides = array<i32>} : memref<128x128xf32, #tpu.memory_space<vmem>>, vector<1x16xf32>,
        %swap3A_833 = vector.shape_cast %swap3A_832 : vector<1x16xf32> to vector<16xf32>
        %swap3A_834 = vector.shape_cast %get3A_825 : vector<16xf32> to vector<1x16xf32>
        tpu.vector_store %arg7[%swap3A_830, %swap3A_831], %swap3A_834 {strides = array<i32>} : memref<128x128xf32, #tpu.memory_space<vmem>>, vector<1x16xf32>,
        %get3A_835 = arith.index_cast %squeeze3A_808 : i32 to index
        %get3A_836 = arith.constant 32 : index
        %get3A_837 = tpu.vector_load %arg5[%get3A_835, %get3A_836] {strides = array<i32>} : memref<83x128xf32, #tpu.memory_space<vmem>>, vector<1x16xf32>,
        %get3A_838 = vector.shape_cast %get3A_837 : vector<1x16xf32> to vector<16xf32>
        %mul3A_839 = arith.constant 16 : i32
        %mul3A_840 = arith.muli %scan3A_62, %mul3A_839 : i32
        %add3A_841 = arith.constant 7 : i32
        %add3A_842 = arith.addi %mul3A_840, %add3A_841 : i32
        %swap3A_843 = arith.index_cast %add3A_842 : i32 to index
        %swap3A_844 = arith.constant 32 : index
        %swap3A_845 = tpu.vector_load %arg7[%swap3A_843, %swap3A_844] {strides = array<i32>} : memref<128x128xf32, #tpu.memory_space<vmem>>, vector<1x16xf32>,
        %swap3A_846 = vector.shape_cast %swap3A_845 : vector<1x16xf32> to vector<16xf32>
        %swap3A_847 = vector.shape_cast %get3A_838 : vector<16xf32> to vector<1x16xf32>
        tpu.vector_store %arg7[%swap3A_843, %swap3A_844], %swap3A_847 {strides = array<i32>} : memref<128x128xf32, #tpu.memory_space<vmem>>, vector<1x16xf32>,
        %get3A_848 = arith.index_cast %squeeze3A_808 : i32 to index
        %get3A_849 = arith.constant 48 : index
        %get3A_850 = tpu.vector_load %arg5[%get3A_848, %get3A_849] {strides = array<i32>} : memref<83x128xf32, #tpu.memory_space<vmem>>, vector<1x16xf32>,
        %get3A_851 = vector.shape_cast %get3A_850 : vector<1x16xf32> to vector<16xf32>
        %mul3A_852 = arith.constant 16 : i32
        %mul3A_853 = arith.muli %scan3A_62, %mul3A_852 : i32
        %add3A_854 = arith.constant 7 : i32
        %add3A_855 = arith.addi %mul3A_853, %add3A_854 : i32
        %swap3A_856 = arith.index_cast %add3A_855 : i32 to index
        %swap3A_857 = arith.constant 48 : index
        %swap3A_858 = tpu.vector_load %arg7[%swap3A_856, %swap3A_857] {strides = array<i32>} : memref<128x128xf32, #tpu.memory_space<vmem>>, vector<1x16xf32>,
        %swap3A_859 = vector.shape_cast %swap3A_858 : vector<1x16xf32> to vector<16xf32>
        %swap3A_860 = vector.shape_cast %get3A_851 : vector<16xf32> to vector<1x16xf32>
        tpu.vector_store %arg7[%swap3A_856, %swap3A_857], %swap3A_860 {strides = array<i32>} : memref<128x128xf32, #tpu.memory_space<vmem>>, vector<1x16xf32>,
        %get3A_861 = arith.index_cast %squeeze3A_808 : i32 to index
        %get3A_862 = arith.constant 64 : index
        %get3A_863 = tpu.vector_load %arg5[%get3A_861, %get3A_862] {strides = array<i32>} : memref<83x128xf32, #tpu.memory_space<vmem>>, vector<1x16xf32>,
        %get3A_864 = vector.shape_cast %get3A_863 : vector<1x16xf32> to vector<16xf32>
        %mul3A_865 = arith.constant 16 : i32
        %mul3A_866 = arith.muli %scan3A_62, %mul3A_865 : i32
        %add3A_867 = arith.constant 7 : i32
        %add3A_868 = arith.addi %mul3A_866, %add3A_867 : i32
        %swap3A_869 = arith.index_cast %add3A_868 : i32 to index
        %swap3A_870 = arith.constant 64 : index
        %swap3A_871 = tpu.vector_load %arg7[%swap3A_869, %swap3A_870] {strides = array<i32>} : memref<128x128xf32, #tpu.memory_space<vmem>>, vector<1x16xf32>,
        %swap3A_872 = vector.shape_cast %swap3A_871 : vector<1x16xf32> to vector<16xf32>
        %swap3A_873 = vector.shape_cast %get3A_864 : vector<16xf32> to vector<1x16xf32>
        tpu.vector_store %arg7[%swap3A_869, %swap3A_870], %swap3A_873 {strides = array<i32>} : memref<128x128xf32, #tpu.memory_space<vmem>>, vector<1x16xf32>,
        %get3A_874 = arith.index_cast %squeeze3A_808 : i32 to index
        %get3A_875 = arith.constant 80 : index
        %get3A_876 = tpu.vector_load %arg5[%get3A_874, %get3A_875] {strides = array<i32>} : memref<83x128xf32, #tpu.memory_space<vmem>>, vector<1x16xf32>,
        %get3A_877 = vector.shape_cast %get3A_876 : vector<1x16xf32> to vector<16xf32>
        %mul3A_878 = arith.constant 16 : i32
        %mul3A_879 = arith.muli %scan3A_62, %mul3A_878 : i32
        %add3A_880 = arith.constant 7 : i32
        %add3A_881 = arith.addi %mul3A_879, %add3A_880 : i32
        %swap3A_882 = arith.index_cast %add3A_881 : i32 to index
        %swap3A_883 = arith.constant 80 : index
        %swap3A_884 = tpu.vector_load %arg7[%swap3A_882, %swap3A_883] {strides = array<i32>} : memref<128x128xf32, #tpu.memory_space<vmem>>, vector<1x16xf32>,
        %swap3A_885 = vector.shape_cast %swap3A_884 : vector<1x16xf32> to vector<16xf32>
        %swap3A_886 = vector.shape_cast %get3A_877 : vector<16xf32> to vector<1x16xf32>
        tpu.vector_store %arg7[%swap3A_882, %swap3A_883], %swap3A_886 {strides = array<i32>} : memref<128x128xf32, #tpu.memory_space<vmem>>, vector<1x16xf32>,
        %get3A_887 = arith.index_cast %squeeze3A_808 : i32 to index
        %get3A_888 = arith.constant 96 : index
        %get3A_889 = tpu.vector_load %arg5[%get3A_887, %get3A_888] {strides = array<i32>} : memref<83x128xf32, #tpu.memory_space<vmem>>, vector<1x16xf32>,
        %get3A_890 = vector.shape_cast %get3A_889 : vector<1x16xf32> to vector<16xf32>
        %mul3A_891 = arith.constant 16 : i32
        %mul3A_892 = arith.muli %scan3A_62, %mul3A_891 : i32
        %add3A_893 = arith.constant 7 : i32
        %add3A_894 = arith.addi %mul3A_892, %add3A_893 : i32
        %swap3A_895 = arith.index_cast %add3A_894 : i32 to index
        %swap3A_896 = arith.constant 96 : index
        %swap3A_897 = tpu.vector_load %arg7[%swap3A_895, %swap3A_896] {strides = array<i32>} : memref<128x128xf32, #tpu.memory_space<vmem>>, vector<1x16xf32>,
        %swap3A_898 = vector.shape_cast %swap3A_897 : vector<1x16xf32> to vector<16xf32>
        %swap3A_899 = vector.shape_cast %get3A_890 : vector<16xf32> to vector<1x16xf32>
        tpu.vector_store %arg7[%swap3A_895, %swap3A_896], %swap3A_899 {strides = array<i32>} : memref<128x128xf32, #tpu.memory_space<vmem>>, vector<1x16xf32>,
        %get3A_900 = arith.index_cast %squeeze3A_808 : i32 to index
        %get3A_901 = arith.constant 112 : index
        %get3A_902 = tpu.vector_load %arg5[%get3A_900, %get3A_901] {strides = array<i32>} : memref<83x128xf32, #tpu.memory_space<vmem>>, vector<1x16xf32>,
        %get3A_903 = vector.shape_cast %get3A_902 : vector<1x16xf32> to vector<16xf32>
        %mul3A_904 = arith.constant 16 : i32
        %mul3A_905 = arith.muli %scan3A_62, %mul3A_904 : i32
        %add3A_906 = arith.constant 7 : i32
        %add3A_907 = arith.addi %mul3A_905, %add3A_906 : i32
        %swap3A_908 = arith.index_cast %add3A_907 : i32 to index
        %swap3A_909 = arith.constant 112 : index
        %swap3A_910 = tpu.vector_load %arg7[%swap3A_908, %swap3A_909] {strides = array<i32>} : memref<128x128xf32, #tpu.memory_space<vmem>>, vector<1x16xf32>,
        %swap3A_911 = vector.shape_cast %swap3A_910 : vector<1x16xf32> to vector<16xf32>
        %swap3A_912 = vector.shape_cast %get3A_903 : vector<16xf32> to vector<1x16xf32>
        tpu.vector_store %arg7[%swap3A_908, %swap3A_909], %swap3A_912 {strides = array<i32>} : memref<128x128xf32, #tpu.memory_space<vmem>>, vector<1x16xf32>,
        %slice3A_913 = vector.extract_strided_slice %get3A_67 {offsets = [8], sizes = [1], strides = [1]} : vector<16xi32> to vector<1xi32>
        %squeeze3A_914 = vector.extract %slice3A_913[0] : i32 from vector<1xi32>
        %get3A_915 = arith.index_cast %squeeze3A_914 : i32 to index
        %get3A_916 = arith.constant 0 : index
        %get3A_917 = tpu.vector_load %arg5[%get3A_915, %get3A_916] {strides = array<i32>} : memref<83x128xf32, #tpu.memory_space<vmem>>, vector<1x16xf32>,
        %get3A_918 = vector.shape_cast %get3A_917 : vector<1x16xf32> to vector<16xf32>
        %mul3A_919 = arith.constant 16 : i32
        %mul3A_920 = arith.muli %scan3A_62, %mul3A_919 : i32
        %add3A_921 = arith.constant 8 : i32
        %add3A_922 = arith.addi %mul3A_920, %add3A_921 : i32
        %swap3A_923 = arith.index_cast %add3A_922 : i32 to index
        %swap3A_924 = arith.constant 0 : index
        %swap3A_925 = tpu.vector_load %arg7[%swap3A_923, %swap3A_924] {strides = array<i32>} : memref<128x128xf32, #tpu.memory_space<vmem>>, vector<1x16xf32>,
        %swap3A_926 = vector.shape_cast %swap3A_925 : vector<1x16xf32> to vector<16xf32>
        %swap3A_927 = vector.shape_cast %get3A_918 : vector<16xf32> to vector<1x16xf32>
        tpu.vector_store %arg7[%swap3A_923, %swap3A_924], %swap3A_927 {strides = array<i32>} : memref<128x128xf32, #tpu.memory_space<vmem>>, vector<1x16xf32>,
        %get3A_928 = arith.index_cast %squeeze3A_914 : i32 to index
        %get3A_929 = arith.constant 16 : index
        %get3A_930 = tpu.vector_load %arg5[%get3A_928, %get3A_929] {strides = array<i32>} : memref<83x128xf32, #tpu.memory_space<vmem>>, vector<1x16xf32>,
        %get3A_931 = vector.shape_cast %get3A_930 : vector<1x16xf32> to vector<16xf32>
        %mul3A_932 = arith.constant 16 : i32
        %mul3A_933 = arith.muli %scan3A_62, %mul3A_932 : i32
        %add3A_934 = arith.constant 8 : i32
        %add3A_935 = arith.addi %mul3A_933, %add3A_934 : i32
        %swap3A_936 = arith.index_cast %add3A_935 : i32 to index
        %swap3A_937 = arith.constant 16 : index
        %swap3A_938 = tpu.vector_load %arg7[%swap3A_936, %swap3A_937] {strides = array<i32>} : memref<128x128xf32, #tpu.memory_space<vmem>>, vector<1x16xf32>,
        %swap3A_939 = vector.shape_cast %swap3A_938 : vector<1x16xf32> to vector<16xf32>
        %swap3A_940 = vector.shape_cast %get3A_931 : vector<16xf32> to vector<1x16xf32>
        tpu.vector_store %arg7[%swap3A_936, %swap3A_937], %swap3A_940 {strides = array<i32>} : memref<128x128xf32, #tpu.memory_space<vmem>>, vector<1x16xf32>,
        %get3A_941 = arith.index_cast %squeeze3A_914 : i32 to index
        %get3A_942 = arith.constant 32 : index
        %get3A_943 = tpu.vector_load %arg5[%get3A_941, %get3A_942] {strides = array<i32>} : memref<83x128xf32, #tpu.memory_space<vmem>>, vector<1x16xf32>,
        %get3A_944 = vector.shape_cast %get3A_943 : vector<1x16xf32> to vector<16xf32>
        %mul3A_945 = arith.constant 16 : i32
        %mul3A_946 = arith.muli %scan3A_62, %mul3A_945 : i32
        %add3A_947 = arith.constant 8 : i32
        %add3A_948 = arith.addi %mul3A_946, %add3A_947 : i32
        %swap3A_949 = arith.index_cast %add3A_948 : i32 to index
        %swap3A_950 = arith.constant 32 : index
        %swap3A_951 = tpu.vector_load %arg7[%swap3A_949, %swap3A_950] {strides = array<i32>} : memref<128x128xf32, #tpu.memory_space<vmem>>, vector<1x16xf32>,
        %swap3A_952 = vector.shape_cast %swap3A_951 : vector<1x16xf32> to vector<16xf32>
        %swap3A_953 = vector.shape_cast %get3A_944 : vector<16xf32> to vector<1x16xf32>
        tpu.vector_store %arg7[%swap3A_949, %swap3A_950], %swap3A_953 {strides = array<i32>} : memref<128x128xf32, #tpu.memory_space<vmem>>, vector<1x16xf32>,
        %get3A_954 = arith.index_cast %squeeze3A_914 : i32 to index
        %get3A_955 = arith.constant 48 : index
        %get3A_956 = tpu.vector_load %arg5[%get3A_954, %get3A_955] {strides = array<i32>} : memref<83x128xf32, #tpu.memory_space<vmem>>, vector<1x16xf32>,
        %get3A_957 = vector.shape_cast %get3A_956 : vector<1x16xf32> to vector<16xf32>
        %mul3A_958 = arith.constant 16 : i32
        %mul3A_959 = arith.muli %scan3A_62, %mul3A_958 : i32
        %add3A_960 = arith.constant 8 : i32
        %add3A_961 = arith.addi %mul3A_959, %add3A_960 : i32
        %swap3A_962 = arith.index_cast %add3A_961 : i32 to index
        %swap3A_963 = arith.constant 48 : index
        %swap3A_964 = tpu.vector_load %arg7[%swap3A_962, %swap3A_963] {strides = array<i32>} : memref<128x128xf32, #tpu.memory_space<vmem>>, vector<1x16xf32>,
        %swap3A_965 = vector.shape_cast %swap3A_964 : vector<1x16xf32> to vector<16xf32>
        %swap3A_966 = vector.shape_cast %get3A_957 : vector<16xf32> to vector<1x16xf32>
        tpu.vector_store %arg7[%swap3A_962, %swap3A_963], %swap3A_966 {strides = array<i32>} : memref<128x128xf32, #tpu.memory_space<vmem>>, vector<1x16xf32>,
        %get3A_967 = arith.index_cast %squeeze3A_914 : i32 to index
        %get3A_968 = arith.constant 64 : index
        %get3A_969 = tpu.vector_load %arg5[%get3A_967, %get3A_968] {strides = array<i32>} : memref<83x128xf32, #tpu.memory_space<vmem>>, vector<1x16xf32>,
        %get3A_970 = vector.shape_cast %get3A_969 : vector<1x16xf32> to vector<16xf32>
        %mul3A_971 = arith.constant 16 : i32
        %mul3A_972 = arith.muli %scan3A_62, %mul3A_971 : i32
        %add3A_973 = arith.constant 8 : i32
        %add3A_974 = arith.addi %mul3A_972, %add3A_973 : i32
        %swap3A_975 = arith.index_cast %add3A_974 : i32 to index
        %swap3A_976 = arith.constant 64 : index
        %swap3A_977 = tpu.vector_load %arg7[%swap3A_975, %swap3A_976] {strides = array<i32>} : memref<128x128xf32, #tpu.memory_space<vmem>>, vector<1x16xf32>,
        %swap3A_978 = vector.shape_cast %swap3A_977 : vector<1x16xf32> to vector<16xf32>
        %swap3A_979 = vector.shape_cast %get3A_970 : vector<16xf32> to vector<1x16xf32>
        tpu.vector_store %arg7[%swap3A_975, %swap3A_976], %swap3A_979 {strides = array<i32>} : memref<128x128xf32, #tpu.memory_space<vmem>>, vector<1x16xf32>,
        %get3A_980 = arith.index_cast %squeeze3A_914 : i32 to index
        %get3A_981 = arith.constant 80 : index
        %get3A_982 = tpu.vector_load %arg5[%get3A_980, %get3A_981] {strides = array<i32>} : memref<83x128xf32, #tpu.memory_space<vmem>>, vector<1x16xf32>,
        %get3A_983 = vector.shape_cast %get3A_982 : vector<1x16xf32> to vector<16xf32>
        %mul3A_984 = arith.constant 16 : i32
        %mul3A_985 = arith.muli %scan3A_62, %mul3A_984 : i32
        %add3A_986 = arith.constant 8 : i32
        %add3A_987 = arith.addi %mul3A_985, %add3A_986 : i32
        %swap3A_988 = arith.index_cast %add3A_987 : i32 to index
        %swap3A_989 = arith.constant 80 : index
        %swap3A_990 = tpu.vector_load %arg7[%swap3A_988, %swap3A_989] {strides = array<i32>} : memref<128x128xf32, #tpu.memory_space<vmem>>, vector<1x16xf32>,
        %swap3A_991 = vector.shape_cast %swap3A_990 : vector<1x16xf32> to vector<16xf32>
        %swap3A_992 = vector.shape_cast %get3A_983 : vector<16xf32> to vector<1x16xf32>
        tpu.vector_store %arg7[%swap3A_988, %swap3A_989], %swap3A_992 {strides = array<i32>} : memref<128x128xf32, #tpu.memory_space<vmem>>, vector<1x16xf32>,
        %get3A_993 = arith.index_cast %squeeze3A_914 : i32 to index
        %get3A_994 = arith.constant 96 : index
        %get3A_995 = tpu.vector_load %arg5[%get3A_993, %get3A_994] {strides = array<i32>} : memref<83x128xf32, #tpu.memory_space<vmem>>, vector<1x16xf32>,
        %get3A_996 = vector.shape_cast %get3A_995 : vector<1x16xf32> to vector<16xf32>
        %mul3A_997 = arith.constant 16 : i32
        %mul3A_998 = arith.muli %scan3A_62, %mul3A_997 : i32
        %add3A_999 = arith.constant 8 : i32
        %add3A_1000 = arith.addi %mul3A_998, %add3A_999 : i32
        %swap3A_1001 = arith.index_cast %add3A_1000 : i32 to index
        %swap3A_1002 = arith.constant 96 : index
        %swap3A_1003 = tpu.vector_load %arg7[%swap3A_1001, %swap3A_1002] {strides = array<i32>} : memref<128x128xf32, #tpu.memory_space<vmem>>, vector<1x16xf32>,
        %swap3A_1004 = vector.shape_cast %swap3A_1003 : vector<1x16xf32> to vector<16xf32>
        %swap3A_1005 = vector.shape_cast %get3A_996 : vector<16xf32> to vector<1x16xf32>
        tpu.vector_store %arg7[%swap3A_1001, %swap3A_1002], %swap3A_1005 {strides = array<i32>} : memref<128x128xf32, #tpu.memory_space<vmem>>, vector<1x16xf32>,
        %get3A_1006 = arith.index_cast %squeeze3A_914 : i32 to index
        %get3A_1007 = arith.constant 112 : index
        %get3A_1008 = tpu.vector_load %arg5[%get3A_1006, %get3A_1007] {strides = array<i32>} : memref<83x128xf32, #tpu.memory_space<vmem>>, vector<1x16xf32>,
        %get3A_1009 = vector.shape_cast %get3A_1008 : vector<1x16xf32> to vector<16xf32>
        %mul3A_1010 = arith.constant 16 : i32
        %mul3A_1011 = arith.muli %scan3A_62, %mul3A_1010 : i32
        %add3A_1012 = arith.constant 8 : i32
        %add3A_1013 = arith.addi %mul3A_1011, %add3A_1012 : i32
        %swap3A_1014 = arith.index_cast %add3A_1013 : i32 to index
        %swap3A_1015 = arith.constant 112 : index
        %swap3A_1016 = tpu.vector_load %arg7[%swap3A_1014, %swap3A_1015] {strides = array<i32>} : memref<128x128xf32, #tpu.memory_space<vmem>>, vector<1x16xf32>,
        %swap3A_1017 = vector.shape_cast %swap3A_1016 : vector<1x16xf32> to vector<16xf32>
        %swap3A_1018 = vector.shape_cast %get3A_1009 : vector<16xf32> to vector<1x16xf32>
        tpu.vector_store %arg7[%swap3A_1014, %swap3A_1015], %swap3A_1018 {strides = array<i32>} : memref<128x128xf32, #tpu.memory_space<vmem>>, vector<1x16xf32>,
        %slice3A_1019 = vector.extract_strided_slice %get3A_67 {offsets = [9], sizes = [1], strides = [1]} : vector<16xi32> to vector<1xi32>
        %squeeze3A_1020 = vector.extract %slice3A_1019[0] : i32 from vector<1xi32>
        %get3A_1021 = arith.index_cast %squeeze3A_1020 : i32 to index
        %get3A_1022 = arith.constant 0 : index
        %get3A_1023 = tpu.vector_load %arg5[%get3A_1021, %get3A_1022] {strides = array<i32>} : memref<83x128xf32, #tpu.memory_space<vmem>>, vector<1x16xf32>,
        %get3A_1024 = vector.shape_cast %get3A_1023 : vector<1x16xf32> to vector<16xf32>
        %mul3A_1025 = arith.constant 16 : i32
        %mul3A_1026 = arith.muli %scan3A_62, %mul3A_1025 : i32
        %add3A_1027 = arith.constant 9 : i32
        %add3A_1028 = arith.addi %mul3A_1026, %add3A_1027 : i32
        %swap3A_1029 = arith.index_cast %add3A_1028 : i32 to index
        %swap3A_1030 = arith.constant 0 : index
        %swap3A_1031 = tpu.vector_load %arg7[%swap3A_1029, %swap3A_1030] {strides = array<i32>} : memref<128x128xf32, #tpu.memory_space<vmem>>, vector<1x16xf32>,
        %swap3A_1032 = vector.shape_cast %swap3A_1031 : vector<1x16xf32> to vector<16xf32>
        %swap3A_1033 = vector.shape_cast %get3A_1024 : vector<16xf32> to vector<1x16xf32>
        tpu.vector_store %arg7[%swap3A_1029, %swap3A_1030], %swap3A_1033 {strides = array<i32>} : memref<128x128xf32, #tpu.memory_space<vmem>>, vector<1x16xf32>,
        %get3A_1034 = arith.index_cast %squeeze3A_1020 : i32 to index
        %get3A_1035 = arith.constant 16 : index
        %get3A_1036 = tpu.vector_load %arg5[%get3A_1034, %get3A_1035] {strides = array<i32>} : memref<83x128xf32, #tpu.memory_space<vmem>>, vector<1x16xf32>,
        %get3A_1037 = vector.shape_cast %get3A_1036 : vector<1x16xf32> to vector<16xf32>
        %mul3A_1038 = arith.constant 16 : i32
        %mul3A_1039 = arith.muli %scan3A_62, %mul3A_1038 : i32
        %add3A_1040 = arith.constant 9 : i32
        %add3A_1041 = arith.addi %mul3A_1039, %add3A_1040 : i32
        %swap3A_1042 = arith.index_cast %add3A_1041 : i32 to index
        %swap3A_1043 = arith.constant 16 : index
        %swap3A_1044 = tpu.vector_load %arg7[%swap3A_1042, %swap3A_1043] {strides = array<i32>} : memref<128x128xf32, #tpu.memory_space<vmem>>, vector<1x16xf32>,
        %swap3A_1045 = vector.shape_cast %swap3A_1044 : vector<1x16xf32> to vector<16xf32>
        %swap3A_1046 = vector.shape_cast %get3A_1037 : vector<16xf32> to vector<1x16xf32>
        tpu.vector_store %arg7[%swap3A_1042, %swap3A_1043], %swap3A_1046 {strides = array<i32>} : memref<128x128xf32, #tpu.memory_space<vmem>>, vector<1x16xf32>,
        %get3A_1047 = arith.index_cast %squeeze3A_1020 : i32 to index
        %get3A_1048 = arith.constant 32 : index
        %get3A_1049 = tpu.vector_load %arg5[%get3A_1047, %get3A_1048] {strides = array<i32>} : memref<83x128xf32, #tpu.memory_space<vmem>>, vector<1x16xf32>,
        %get3A_1050 = vector.shape_cast %get3A_1049 : vector<1x16xf32> to vector<16xf32>
        %mul3A_1051 = arith.constant 16 : i32
        %mul3A_1052 = arith.muli %scan3A_62, %mul3A_1051 : i32
        %add3A_1053 = arith.constant 9 : i32
        %add3A_1054 = arith.addi %mul3A_1052, %add3A_1053 : i32
        %swap3A_1055 = arith.index_cast %add3A_1054 : i32 to index
        %swap3A_1056 = arith.constant 32 : index
        %swap3A_1057 = tpu.vector_load %arg7[%swap3A_1055, %swap3A_1056] {strides = array<i32>} : memref<128x128xf32, #tpu.memory_space<vmem>>, vector<1x16xf32>,
        %swap3A_1058 = vector.shape_cast %swap3A_1057 : vector<1x16xf32> to vector<16xf32>
        %swap3A_1059 = vector.shape_cast %get3A_1050 : vector<16xf32> to vector<1x16xf32>
        tpu.vector_store %arg7[%swap3A_1055, %swap3A_1056], %swap3A_1059 {strides = array<i32>} : memref<128x128xf32, #tpu.memory_space<vmem>>, vector<1x16xf32>,
        %get3A_1060 = arith.index_cast %squeeze3A_1020 : i32 to index
        %get3A_1061 = arith.constant 48 : index
        %get3A_1062 = tpu.vector_load %arg5[%get3A_1060, %get3A_1061] {strides = array<i32>} : memref<83x128xf32, #tpu.memory_space<vmem>>, vector<1x16xf32>,
        %get3A_1063 = vector.shape_cast %get3A_1062 : vector<1x16xf32> to vector<16xf32>
        %mul3A_1064 = arith.constant 16 : i32
        %mul3A_1065 = arith.muli %scan3A_62, %mul3A_1064 : i32
        %add3A_1066 = arith.constant 9 : i32
        %add3A_1067 = arith.addi %mul3A_1065, %add3A_1066 : i32
        %swap3A_1068 = arith.index_cast %add3A_1067 : i32 to index
        %swap3A_1069 = arith.constant 48 : index
        %swap3A_1070 = tpu.vector_load %arg7[%swap3A_1068, %swap3A_1069] {strides = array<i32>} : memref<128x128xf32, #tpu.memory_space<vmem>>, vector<1x16xf32>,
        %swap3A_1071 = vector.shape_cast %swap3A_1070 : vector<1x16xf32> to vector<16xf32>
        %swap3A_1072 = vector.shape_cast %get3A_1063 : vector<16xf32> to vector<1x16xf32>
        tpu.vector_store %arg7[%swap3A_1068, %swap3A_1069], %swap3A_1072 {strides = array<i32>} : memref<128x128xf32, #tpu.memory_space<vmem>>, vector<1x16xf32>,
        %get3A_1073 = arith.index_cast %squeeze3A_1020 : i32 to index
        %get3A_1074 = arith.constant 64 : index
        %get3A_1075 = tpu.vector_load %arg5[%get3A_1073, %get3A_1074] {strides = array<i32>} : memref<83x128xf32, #tpu.memory_space<vmem>>, vector<1x16xf32>,
        %get3A_1076 = vector.shape_cast %get3A_1075 : vector<1x16xf32> to vector<16xf32>
        %mul3A_1077 = arith.constant 16 : i32
        %mul3A_1078 = arith.muli %scan3A_62, %mul3A_1077 : i32
        %add3A_1079 = arith.constant 9 : i32
        %add3A_1080 = arith.addi %mul3A_1078, %add3A_1079 : i32
        %swap3A_1081 = arith.index_cast %add3A_1080 : i32 to index
        %swap3A_1082 = arith.constant 64 : index
        %swap3A_1083 = tpu.vector_load %arg7[%swap3A_1081, %swap3A_1082] {strides = array<i32>} : memref<128x128xf32, #tpu.memory_space<vmem>>, vector<1x16xf32>,
        %swap3A_1084 = vector.shape_cast %swap3A_1083 : vector<1x16xf32> to vector<16xf32>
        %swap3A_1085 = vector.shape_cast %get3A_1076 : vector<16xf32> to vector<1x16xf32>
        tpu.vector_store %arg7[%swap3A_1081, %swap3A_1082], %swap3A_1085 {strides = array<i32>} : memref<128x128xf32, #tpu.memory_space<vmem>>, vector<1x16xf32>,
        %get3A_1086 = arith.index_cast %squeeze3A_1020 : i32 to index
        %get3A_1087 = arith.constant 80 : index
        %get3A_1088 = tpu.vector_load %arg5[%get3A_1086, %get3A_1087] {strides = array<i32>} : memref<83x128xf32, #tpu.memory_space<vmem>>, vector<1x16xf32>,
        %get3A_1089 = vector.shape_cast %get3A_1088 : vector<1x16xf32> to vector<16xf32>
        %mul3A_1090 = arith.constant 16 : i32
        %mul3A_1091 = arith.muli %scan3A_62, %mul3A_1090 : i32
        %add3A_1092 = arith.constant 9 : i32
        %add3A_1093 = arith.addi %mul3A_1091, %add3A_1092 : i32
        %swap3A_1094 = arith.index_cast %add3A_1093 : i32 to index
        %swap3A_1095 = arith.constant 80 : index
        %swap3A_1096 = tpu.vector_load %arg7[%swap3A_1094, %swap3A_1095] {strides = array<i32>} : memref<128x128xf32, #tpu.memory_space<vmem>>, vector<1x16xf32>,
        %swap3A_1097 = vector.shape_cast %swap3A_1096 : vector<1x16xf32> to vector<16xf32>
        %swap3A_1098 = vector.shape_cast %get3A_1089 : vector<16xf32> to vector<1x16xf32>
        tpu.vector_store %arg7[%swap3A_1094, %swap3A_1095], %swap3A_1098 {strides = array<i32>} : memref<128x128xf32, #tpu.memory_space<vmem>>, vector<1x16xf32>,
        %get3A_1099 = arith.index_cast %squeeze3A_1020 : i32 to index
        %get3A_1100 = arith.constant 96 : index
        %get3A_1101 = tpu.vector_load %arg5[%get3A_1099, %get3A_1100] {strides = array<i32>} : memref<83x128xf32, #tpu.memory_space<vmem>>, vector<1x16xf32>,
        %get3A_1102 = vector.shape_cast %get3A_1101 : vector<1x16xf32> to vector<16xf32>
        %mul3A_1103 = arith.constant 16 : i32
        %mul3A_1104 = arith.muli %scan3A_62, %mul3A_1103 : i32
        %add3A_1105 = arith.constant 9 : i32
        %add3A_1106 = arith.addi %mul3A_1104, %add3A_1105 : i32
        %swap3A_1107 = arith.index_cast %add3A_1106 : i32 to index
        %swap3A_1108 = arith.constant 96 : index
        %swap3A_1109 = tpu.vector_load %arg7[%swap3A_1107, %swap3A_1108] {strides = array<i32>} : memref<128x128xf32, #tpu.memory_space<vmem>>, vector<1x16xf32>,
        %swap3A_1110 = vector.shape_cast %swap3A_1109 : vector<1x16xf32> to vector<16xf32>
        %swap3A_1111 = vector.shape_cast %get3A_1102 : vector<16xf32> to vector<1x16xf32>
        tpu.vector_store %arg7[%swap3A_1107, %swap3A_1108], %swap3A_1111 {strides = array<i32>} : memref<128x128xf32, #tpu.memory_space<vmem>>, vector<1x16xf32>,
        %get3A_1112 = arith.index_cast %squeeze3A_1020 : i32 to index
        %get3A_1113 = arith.constant 112 : index
        %get3A_1114 = tpu.vector_load %arg5[%get3A_1112, %get3A_1113] {strides = array<i32>} : memref<83x128xf32, #tpu.memory_space<vmem>>, vector<1x16xf32>,
        %get3A_1115 = vector.shape_cast %get3A_1114 : vector<1x16xf32> to vector<16xf32>
        %mul3A_1116 = arith.constant 16 : i32
        %mul3A_1117 = arith.muli %scan3A_62, %mul3A_1116 : i32
        %add3A_1118 = arith.constant 9 : i32
        %add3A_1119 = arith.addi %mul3A_1117, %add3A_1118 : i32
        %swap3A_1120 = arith.index_cast %add3A_1119 : i32 to index
        %swap3A_1121 = arith.constant 112 : index
        %swap3A_1122 = tpu.vector_load %arg7[%swap3A_1120, %swap3A_1121] {strides = array<i32>} : memref<128x128xf32, #tpu.memory_space<vmem>>, vector<1x16xf32>,
        %swap3A_1123 = vector.shape_cast %swap3A_1122 : vector<1x16xf32> to vector<16xf32>
        %swap3A_1124 = vector.shape_cast %get3A_1115 : vector<16xf32> to vector<1x16xf32>
        tpu.vector_store %arg7[%swap3A_1120, %swap3A_1121], %swap3A_1124 {strides = array<i32>} : memref<128x128xf32, #tpu.memory_space<vmem>>, vector<1x16xf32>,
        %slice3A_1125 = vector.extract_strided_slice %get3A_67 {offsets = [10], sizes = [1], strides = [1]} : vector<16xi32> to vector<1xi32>
        %squeeze3A_1126 = vector.extract %slice3A_1125[0] : i32 from vector<1xi32>
        %get3A_1127 = arith.index_cast %squeeze3A_1126 : i32 to index
        %get3A_1128 = arith.constant 0 : index
        %get3A_1129 = tpu.vector_load %arg5[%get3A_1127, %get3A_1128] {strides = array<i32>} : memref<83x128xf32, #tpu.memory_space<vmem>>, vector<1x16xf32>,
        %get3A_1130 = vector.shape_cast %get3A_1129 : vector<1x16xf32> to vector<16xf32>
        %mul3A_1131 = arith.constant 16 : i32
        %mul3A_1132 = arith.muli %scan3A_62, %mul3A_1131 : i32
        %add3A_1133 = arith.constant 10 : i32
        %add3A_1134 = arith.addi %mul3A_1132, %add3A_1133 : i32
        %swap3A_1135 = arith.index_cast %add3A_1134 : i32 to index
        %swap3A_1136 = arith.constant 0 : index
        %swap3A_1137 = tpu.vector_load %arg7[%swap3A_1135, %swap3A_1136] {strides = array<i32>} : memref<128x128xf32, #tpu.memory_space<vmem>>, vector<1x16xf32>,
        %swap3A_1138 = vector.shape_cast %swap3A_1137 : vector<1x16xf32> to vector<16xf32>
        %swap3A_1139 = vector.shape_cast %get3A_1130 : vector<16xf32> to vector<1x16xf32>
        tpu.vector_store %arg7[%swap3A_1135, %swap3A_1136], %swap3A_1139 {strides = array<i32>} : memref<128x128xf32, #tpu.memory_space<vmem>>, vector<1x16xf32>,
        %get3A_1140 = arith.index_cast %squeeze3A_1126 : i32 to index
        %get3A_1141 = arith.constant 16 : index
        %get3A_1142 = tpu.vector_load %arg5[%get3A_1140, %get3A_1141] {strides = array<i32>} : memref<83x128xf32, #tpu.memory_space<vmem>>, vector<1x16xf32>,
        %get3A_1143 = vector.shape_cast %get3A_1142 : vector<1x16xf32> to vector<16xf32>
        %mul3A_1144 = arith.constant 16 : i32
        %mul3A_1145 = arith.muli %scan3A_62, %mul3A_1144 : i32
        %add3A_1146 = arith.constant 10 : i32
        %add3A_1147 = arith.addi %mul3A_1145, %add3A_1146 : i32
        %swap3A_1148 = arith.index_cast %add3A_1147 : i32 to index
        %swap3A_1149 = arith.constant 16 : index
        %swap3A_1150 = tpu.vector_load %arg7[%swap3A_1148, %swap3A_1149] {strides = array<i32>} : memref<128x128xf32, #tpu.memory_space<vmem>>, vector<1x16xf32>,
        %swap3A_1151 = vector.shape_cast %swap3A_1150 : vector<1x16xf32> to vector<16xf32>
        %swap3A_1152 = vector.shape_cast %get3A_1143 : vector<16xf32> to vector<1x16xf32>
        tpu.vector_store %arg7[%swap3A_1148, %swap3A_1149], %swap3A_1152 {strides = array<i32>} : memref<128x128xf32, #tpu.memory_space<vmem>>, vector<1x16xf32>,
        %get3A_1153 = arith.index_cast %squeeze3A_1126 : i32 to index
        %get3A_1154 = arith.constant 32 : index
        %get3A_1155 = tpu.vector_load %arg5[%get3A_1153, %get3A_1154] {strides = array<i32>} : memref<83x128xf32, #tpu.memory_space<vmem>>, vector<1x16xf32>,
        %get3A_1156 = vector.shape_cast %get3A_1155 : vector<1x16xf32> to vector<16xf32>
        %mul3A_1157 = arith.constant 16 : i32
        %mul3A_1158 = arith.muli %scan3A_62, %mul3A_1157 : i32
        %add3A_1159 = arith.constant 10 : i32
        %add3A_1160 = arith.addi %mul3A_1158, %add3A_1159 : i32
        %swap3A_1161 = arith.index_cast %add3A_1160 : i32 to index
        %swap3A_1162 = arith.constant 32 : index
        %swap3A_1163 = tpu.vector_load %arg7[%swap3A_1161, %swap3A_1162] {strides = array<i32>} : memref<128x128xf32, #tpu.memory_space<vmem>>, vector<1x16xf32>,
        %swap3A_1164 = vector.shape_cast %swap3A_1163 : vector<1x16xf32> to vector<16xf32>
        %swap3A_1165 = vector.shape_cast %get3A_1156 : vector<16xf32> to vector<1x16xf32>
        tpu.vector_store %arg7[%swap3A_1161, %swap3A_1162], %swap3A_1165 {strides = array<i32>} : memref<128x128xf32, #tpu.memory_space<vmem>>, vector<1x16xf32>,
        %get3A_1166 = arith.index_cast %squeeze3A_1126 : i32 to index
        %get3A_1167 = arith.constant 48 : index
        %get3A_1168 = tpu.vector_load %arg5[%get3A_1166, %get3A_1167] {strides = array<i32>} : memref<83x128xf32, #tpu.memory_space<vmem>>, vector<1x16xf32>,
        %get3A_1169 = vector.shape_cast %get3A_1168 : vector<1x16xf32> to vector<16xf32>
        %mul3A_1170 = arith.constant 16 : i32
        %mul3A_1171 = arith.muli %scan3A_62, %mul3A_1170 : i32
        %add3A_1172 = arith.constant 10 : i32
        %add3A_1173 = arith.addi %mul3A_1171, %add3A_1172 : i32
        %swap3A_1174 = arith.index_cast %add3A_1173 : i32 to index
        %swap3A_1175 = arith.constant 48 : index
        %swap3A_1176 = tpu.vector_load %arg7[%swap3A_1174, %swap3A_1175] {strides = array<i32>} : memref<128x128xf32, #tpu.memory_space<vmem>>, vector<1x16xf32>,
        %swap3A_1177 = vector.shape_cast %swap3A_1176 : vector<1x16xf32> to vector<16xf32>
        %swap3A_1178 = vector.shape_cast %get3A_1169 : vector<16xf32> to vector<1x16xf32>
        tpu.vector_store %arg7[%swap3A_1174, %swap3A_1175], %swap3A_1178 {strides = array<i32>} : memref<128x128xf32, #tpu.memory_space<vmem>>, vector<1x16xf32>,
        %get3A_1179 = arith.index_cast %squeeze3A_1126 : i32 to index
        %get3A_1180 = arith.constant 64 : index
        %get3A_1181 = tpu.vector_load %arg5[%get3A_1179, %get3A_1180] {strides = array<i32>} : memref<83x128xf32, #tpu.memory_space<vmem>>, vector<1x16xf32>,
        %get3A_1182 = vector.shape_cast %get3A_1181 : vector<1x16xf32> to vector<16xf32>
        %mul3A_1183 = arith.constant 16 : i32
        %mul3A_1184 = arith.muli %scan3A_62, %mul3A_1183 : i32
        %add3A_1185 = arith.constant 10 : i32
        %add3A_1186 = arith.addi %mul3A_1184, %add3A_1185 : i32
        %swap3A_1187 = arith.index_cast %add3A_1186 : i32 to index
        %swap3A_1188 = arith.constant 64 : index
        %swap3A_1189 = tpu.vector_load %arg7[%swap3A_1187, %swap3A_1188] {strides = array<i32>} : memref<128x128xf32, #tpu.memory_space<vmem>>, vector<1x16xf32>,
        %swap3A_1190 = vector.shape_cast %swap3A_1189 : vector<1x16xf32> to vector<16xf32>
        %swap3A_1191 = vector.shape_cast %get3A_1182 : vector<16xf32> to vector<1x16xf32>
        tpu.vector_store %arg7[%swap3A_1187, %swap3A_1188], %swap3A_1191 {strides = array<i32>} : memref<128x128xf32, #tpu.memory_space<vmem>>, vector<1x16xf32>,
        %get3A_1192 = arith.index_cast %squeeze3A_1126 : i32 to index
        %get3A_1193 = arith.constant 80 : index
        %get3A_1194 = tpu.vector_load %arg5[%get3A_1192, %get3A_1193] {strides = array<i32>} : memref<83x128xf32, #tpu.memory_space<vmem>>, vector<1x16xf32>,
        %get3A_1195 = vector.shape_cast %get3A_1194 : vector<1x16xf32> to vector<16xf32>
        %mul3A_1196 = arith.constant 16 : i32
        %mul3A_1197 = arith.muli %scan3A_62, %mul3A_1196 : i32
        %add3A_1198 = arith.constant 10 : i32
        %add3A_1199 = arith.addi %mul3A_1197, %add3A_1198 : i32
        %swap3A_1200 = arith.index_cast %add3A_1199 : i32 to index
        %swap3A_1201 = arith.constant 80 : index
        %swap3A_1202 = tpu.vector_load %arg7[%swap3A_1200, %swap3A_1201] {strides = array<i32>} : memref<128x128xf32, #tpu.memory_space<vmem>>, vector<1x16xf32>,
        %swap3A_1203 = vector.shape_cast %swap3A_1202 : vector<1x16xf32> to vector<16xf32>
        %swap3A_1204 = vector.shape_cast %get3A_1195 : vector<16xf32> to vector<1x16xf32>
        tpu.vector_store %arg7[%swap3A_1200, %swap3A_1201], %swap3A_1204 {strides = array<i32>} : memref<128x128xf32, #tpu.memory_space<vmem>>, vector<1x16xf32>,
        %get3A_1205 = arith.index_cast %squeeze3A_1126 : i32 to index
        %get3A_1206 = arith.constant 96 : index
        %get3A_1207 = tpu.vector_load %arg5[%get3A_1205, %get3A_1206] {strides = array<i32>} : memref<83x128xf32, #tpu.memory_space<vmem>>, vector<1x16xf32>,
        %get3A_1208 = vector.shape_cast %get3A_1207 : vector<1x16xf32> to vector<16xf32>
        %mul3A_1209 = arith.constant 16 : i32
        %mul3A_1210 = arith.muli %scan3A_62, %mul3A_1209 : i32
        %add3A_1211 = arith.constant 10 : i32
        %add3A_1212 = arith.addi %mul3A_1210, %add3A_1211 : i32
        %swap3A_1213 = arith.index_cast %add3A_1212 : i32 to index
        %swap3A_1214 = arith.constant 96 : index
        %swap3A_1215 = tpu.vector_load %arg7[%swap3A_1213, %swap3A_1214] {strides = array<i32>} : memref<128x128xf32, #tpu.memory_space<vmem>>, vector<1x16xf32>,
        %swap3A_1216 = vector.shape_cast %swap3A_1215 : vector<1x16xf32> to vector<16xf32>
        %swap3A_1217 = vector.shape_cast %get3A_1208 : vector<16xf32> to vector<1x16xf32>
        tpu.vector_store %arg7[%swap3A_1213, %swap3A_1214], %swap3A_1217 {strides = array<i32>} : memref<128x128xf32, #tpu.memory_space<vmem>>, vector<1x16xf32>,
        %get3A_1218 = arith.index_cast %squeeze3A_1126 : i32 to index
        %get3A_1219 = arith.constant 112 : index
        %get3A_1220 = tpu.vector_load %arg5[%get3A_1218, %get3A_1219] {strides = array<i32>} : memref<83x128xf32, #tpu.memory_space<vmem>>, vector<1x16xf32>,
        %get3A_1221 = vector.shape_cast %get3A_1220 : vector<1x16xf32> to vector<16xf32>
        %mul3A_1222 = arith.constant 16 : i32
        %mul3A_1223 = arith.muli %scan3A_62, %mul3A_1222 : i32
        %add3A_1224 = arith.constant 10 : i32
        %add3A_1225 = arith.addi %mul3A_1223, %add3A_1224 : i32
        %swap3A_1226 = arith.index_cast %add3A_1225 : i32 to index
        %swap3A_1227 = arith.constant 112 : index
        %swap3A_1228 = tpu.vector_load %arg7[%swap3A_1226, %swap3A_1227] {strides = array<i32>} : memref<128x128xf32, #tpu.memory_space<vmem>>, vector<1x16xf32>,
        %swap3A_1229 = vector.shape_cast %swap3A_1228 : vector<1x16xf32> to vector<16xf32>
        %swap3A_1230 = vector.shape_cast %get3A_1221 : vector<16xf32> to vector<1x16xf32>
        tpu.vector_store %arg7[%swap3A_1226, %swap3A_1227], %swap3A_1230 {strides = array<i32>} : memref<128x128xf32, #tpu.memory_space<vmem>>, vector<1x16xf32>,
        %slice3A_1231 = vector.extract_strided_slice %get3A_67 {offsets = [11], sizes = [1], strides = [1]} : vector<16xi32> to vector<1xi32>
        %squeeze3A_1232 = vector.extract %slice3A_1231[0] : i32 from vector<1xi32>
        %get3A_1233 = arith.index_cast %squeeze3A_1232 : i32 to index
        %get3A_1234 = arith.constant 0 : index
        %get3A_1235 = tpu.vector_load %arg5[%get3A_1233, %get3A_1234] {strides = array<i32>} : memref<83x128xf32, #tpu.memory_space<vmem>>, vector<1x16xf32>,
        %get3A_1236 = vector.shape_cast %get3A_1235 : vector<1x16xf32> to vector<16xf32>
        %mul3A_1237 = arith.constant 16 : i32
        %mul3A_1238 = arith.muli %scan3A_62, %mul3A_1237 : i32
        %add3A_1239 = arith.constant 11 : i32
        %add3A_1240 = arith.addi %mul3A_1238, %add3A_1239 : i32
        %swap3A_1241 = arith.index_cast %add3A_1240 : i32 to index
        %swap3A_1242 = arith.constant 0 : index
        %swap3A_1243 = tpu.vector_load %arg7[%swap3A_1241, %swap3A_1242] {strides = array<i32>} : memref<128x128xf32, #tpu.memory_space<vmem>>, vector<1x16xf32>,
        %swap3A_1244 = vector.shape_cast %swap3A_1243 : vector<1x16xf32> to vector<16xf32>
        %swap3A_1245 = vector.shape_cast %get3A_1236 : vector<16xf32> to vector<1x16xf32>
        tpu.vector_store %arg7[%swap3A_1241, %swap3A_1242], %swap3A_1245 {strides = array<i32>} : memref<128x128xf32, #tpu.memory_space<vmem>>, vector<1x16xf32>,
        %get3A_1246 = arith.index_cast %squeeze3A_1232 : i32 to index
        %get3A_1247 = arith.constant 16 : index
        %get3A_1248 = tpu.vector_load %arg5[%get3A_1246, %get3A_1247] {strides = array<i32>} : memref<83x128xf32, #tpu.memory_space<vmem>>, vector<1x16xf32>,
        %get3A_1249 = vector.shape_cast %get3A_1248 : vector<1x16xf32> to vector<16xf32>
        %mul3A_1250 = arith.constant 16 : i32
        %mul3A_1251 = arith.muli %scan3A_62, %mul3A_1250 : i32
        %add3A_1252 = arith.constant 11 : i32
        %add3A_1253 = arith.addi %mul3A_1251, %add3A_1252 : i32
        %swap3A_1254 = arith.index_cast %add3A_1253 : i32 to index
        %swap3A_1255 = arith.constant 16 : index
        %swap3A_1256 = tpu.vector_load %arg7[%swap3A_1254, %swap3A_1255] {strides = array<i32>} : memref<128x128xf32, #tpu.memory_space<vmem>>, vector<1x16xf32>,
        %swap3A_1257 = vector.shape_cast %swap3A_1256 : vector<1x16xf32> to vector<16xf32>
        %swap3A_1258 = vector.shape_cast %get3A_1249 : vector<16xf32> to vector<1x16xf32>
        tpu.vector_store %arg7[%swap3A_1254, %swap3A_1255], %swap3A_1258 {strides = array<i32>} : memref<128x128xf32, #tpu.memory_space<vmem>>, vector<1x16xf32>,
        %get3A_1259 = arith.index_cast %squeeze3A_1232 : i32 to index
        %get3A_1260 = arith.constant 32 : index
        %get3A_1261 = tpu.vector_load %arg5[%get3A_1259, %get3A_1260] {strides = array<i32>} : memref<83x128xf32, #tpu.memory_space<vmem>>, vector<1x16xf32>,
        %get3A_1262 = vector.shape_cast %get3A_1261 : vector<1x16xf32> to vector<16xf32>
        %mul3A_1263 = arith.constant 16 : i32
        %mul3A_1264 = arith.muli %scan3A_62, %mul3A_1263 : i32
        %add3A_1265 = arith.constant 11 : i32
        %add3A_1266 = arith.addi %mul3A_1264, %add3A_1265 : i32
        %swap3A_1267 = arith.index_cast %add3A_1266 : i32 to index
        %swap3A_1268 = arith.constant 32 : index
        %swap3A_1269 = tpu.vector_load %arg7[%swap3A_1267, %swap3A_1268] {strides = array<i32>} : memref<128x128xf32, #tpu.memory_space<vmem>>, vector<1x16xf32>,
        %swap3A_1270 = vector.shape_cast %swap3A_1269 : vector<1x16xf32> to vector<16xf32>
        %swap3A_1271 = vector.shape_cast %get3A_1262 : vector<16xf32> to vector<1x16xf32>
        tpu.vector_store %arg7[%swap3A_1267, %swap3A_1268], %swap3A_1271 {strides = array<i32>} : memref<128x128xf32, #tpu.memory_space<vmem>>, vector<1x16xf32>,
        %get3A_1272 = arith.index_cast %squeeze3A_1232 : i32 to index
        %get3A_1273 = arith.constant 48 : index
        %get3A_1274 = tpu.vector_load %arg5[%get3A_1272, %get3A_1273] {strides = array<i32>} : memref<83x128xf32, #tpu.memory_space<vmem>>, vector<1x16xf32>,
        %get3A_1275 = vector.shape_cast %get3A_1274 : vector<1x16xf32> to vector<16xf32>
        %mul3A_1276 = arith.constant 16 : i32
        %mul3A_1277 = arith.muli %scan3A_62, %mul3A_1276 : i32
        %add3A_1278 = arith.constant 11 : i32
        %add3A_1279 = arith.addi %mul3A_1277, %add3A_1278 : i32
        %swap3A_1280 = arith.index_cast %add3A_1279 : i32 to index
        %swap3A_1281 = arith.constant 48 : index
        %swap3A_1282 = tpu.vector_load %arg7[%swap3A_1280, %swap3A_1281] {strides = array<i32>} : memref<128x128xf32, #tpu.memory_space<vmem>>, vector<1x16xf32>,
        %swap3A_1283 = vector.shape_cast %swap3A_1282 : vector<1x16xf32> to vector<16xf32>
        %swap3A_1284 = vector.shape_cast %get3A_1275 : vector<16xf32> to vector<1x16xf32>
        tpu.vector_store %arg7[%swap3A_1280, %swap3A_1281], %swap3A_1284 {strides = array<i32>} : memref<128x128xf32, #tpu.memory_space<vmem>>, vector<1x16xf32>,
        %get3A_1285 = arith.index_cast %squeeze3A_1232 : i32 to index
        %get3A_1286 = arith.constant 64 : index
        %get3A_1287 = tpu.vector_load %arg5[%get3A_1285, %get3A_1286] {strides = array<i32>} : memref<83x128xf32, #tpu.memory_space<vmem>>, vector<1x16xf32>,
        %get3A_1288 = vector.shape_cast %get3A_1287 : vector<1x16xf32> to vector<16xf32>
        %mul3A_1289 = arith.constant 16 : i32
        %mul3A_1290 = arith.muli %scan3A_62, %mul3A_1289 : i32
        %add3A_1291 = arith.constant 11 : i32
        %add3A_1292 = arith.addi %mul3A_1290, %add3A_1291 : i32
        %swap3A_1293 = arith.index_cast %add3A_1292 : i32 to index
        %swap3A_1294 = arith.constant 64 : index
        %swap3A_1295 = tpu.vector_load %arg7[%swap3A_1293, %swap3A_1294] {strides = array<i32>} : memref<128x128xf32, #tpu.memory_space<vmem>>, vector<1x16xf32>,
        %swap3A_1296 = vector.shape_cast %swap3A_1295 : vector<1x16xf32> to vector<16xf32>
        %swap3A_1297 = vector.shape_cast %get3A_1288 : vector<16xf32> to vector<1x16xf32>
        tpu.vector_store %arg7[%swap3A_1293, %swap3A_1294], %swap3A_1297 {strides = array<i32>} : memref<128x128xf32, #tpu.memory_space<vmem>>, vector<1x16xf32>,
        %get3A_1298 = arith.index_cast %squeeze3A_1232 : i32 to index
        %get3A_1299 = arith.constant 80 : index
        %get3A_1300 = tpu.vector_load %arg5[%get3A_1298, %get3A_1299] {strides = array<i32>} : memref<83x128xf32, #tpu.memory_space<vmem>>, vector<1x16xf32>,
        %get3A_1301 = vector.shape_cast %get3A_1300 : vector<1x16xf32> to vector<16xf32>
        %mul3A_1302 = arith.constant 16 : i32
        %mul3A_1303 = arith.muli %scan3A_62, %mul3A_1302 : i32
        %add3A_1304 = arith.constant 11 : i32
        %add3A_1305 = arith.addi %mul3A_1303, %add3A_1304 : i32
        %swap3A_1306 = arith.index_cast %add3A_1305 : i32 to index
        %swap3A_1307 = arith.constant 80 : index
        %swap3A_1308 = tpu.vector_load %arg7[%swap3A_1306, %swap3A_1307] {strides = array<i32>} : memref<128x128xf32, #tpu.memory_space<vmem>>, vector<1x16xf32>,
        %swap3A_1309 = vector.shape_cast %swap3A_1308 : vector<1x16xf32> to vector<16xf32>
        %swap3A_1310 = vector.shape_cast %get3A_1301 : vector<16xf32> to vector<1x16xf32>
        tpu.vector_store %arg7[%swap3A_1306, %swap3A_1307], %swap3A_1310 {strides = array<i32>} : memref<128x128xf32, #tpu.memory_space<vmem>>, vector<1x16xf32>,
        %get3A_1311 = arith.index_cast %squeeze3A_1232 : i32 to index
        %get3A_1312 = arith.constant 96 : index
        %get3A_1313 = tpu.vector_load %arg5[%get3A_1311, %get3A_1312] {strides = array<i32>} : memref<83x128xf32, #tpu.memory_space<vmem>>, vector<1x16xf32>,
        %get3A_1314 = vector.shape_cast %get3A_1313 : vector<1x16xf32> to vector<16xf32>
        %mul3A_1315 = arith.constant 16 : i32
        %mul3A_1316 = arith.muli %scan3A_62, %mul3A_1315 : i32
        %add3A_1317 = arith.constant 11 : i32
        %add3A_1318 = arith.addi %mul3A_1316, %add3A_1317 : i32
        %swap3A_1319 = arith.index_cast %add3A_1318 : i32 to index
        %swap3A_1320 = arith.constant 96 : index
        %swap3A_1321 = tpu.vector_load %arg7[%swap3A_1319, %swap3A_1320] {strides = array<i32>} : memref<128x128xf32, #tpu.memory_space<vmem>>, vector<1x16xf32>,
        %swap3A_1322 = vector.shape_cast %swap3A_1321 : vector<1x16xf32> to vector<16xf32>
        %swap3A_1323 = vector.shape_cast %get3A_1314 : vector<16xf32> to vector<1x16xf32>
        tpu.vector_store %arg7[%swap3A_1319, %swap3A_1320], %swap3A_1323 {strides = array<i32>} : memref<128x128xf32, #tpu.memory_space<vmem>>, vector<1x16xf32>,
        %get3A_1324 = arith.index_cast %squeeze3A_1232 : i32 to index
        %get3A_1325 = arith.constant 112 : index
        %get3A_1326 = tpu.vector_load %arg5[%get3A_1324, %get3A_1325] {strides = array<i32>} : memref<83x128xf32, #tpu.memory_space<vmem>>, vector<1x16xf32>,
        %get3A_1327 = vector.shape_cast %get3A_1326 : vector<1x16xf32> to vector<16xf32>
        %mul3A_1328 = arith.constant 16 : i32
        %mul3A_1329 = arith.muli %scan3A_62, %mul3A_1328 : i32
        %add3A_1330 = arith.constant 11 : i32
        %add3A_1331 = arith.addi %mul3A_1329, %add3A_1330 : i32
        %swap3A_1332 = arith.index_cast %add3A_1331 : i32 to index
        %swap3A_1333 = arith.constant 112 : index
        %swap3A_1334 = tpu.vector_load %arg7[%swap3A_1332, %swap3A_1333] {strides = array<i32>} : memref<128x128xf32, #tpu.memory_space<vmem>>, vector<1x16xf32>,
        %swap3A_1335 = vector.shape_cast %swap3A_1334 : vector<1x16xf32> to vector<16xf32>
        %swap3A_1336 = vector.shape_cast %get3A_1327 : vector<16xf32> to vector<1x16xf32>
        tpu.vector_store %arg7[%swap3A_1332, %swap3A_1333], %swap3A_1336 {strides = array<i32>} : memref<128x128xf32, #tpu.memory_space<vmem>>, vector<1x16xf32>,
        %slice3A_1337 = vector.extract_strided_slice %get3A_67 {offsets = [12], sizes = [1], strides = [1]} : vector<16xi32> to vector<1xi32>
        %squeeze3A_1338 = vector.extract %slice3A_1337[0] : i32 from vector<1xi32>
        %get3A_1339 = arith.index_cast %squeeze3A_1338 : i32 to index
        %get3A_1340 = arith.constant 0 : index
        %get3A_1341 = tpu.vector_load %arg5[%get3A_1339, %get3A_1340] {strides = array<i32>} : memref<83x128xf32, #tpu.memory_space<vmem>>, vector<1x16xf32>,
        %get3A_1342 = vector.shape_cast %get3A_1341 : vector<1x16xf32> to vector<16xf32>
        %mul3A_1343 = arith.constant 16 : i32
        %mul3A_1344 = arith.muli %scan3A_62, %mul3A_1343 : i32
        %add3A_1345 = arith.constant 12 : i32
        %add3A_1346 = arith.addi %mul3A_1344, %add3A_1345 : i32
        %swap3A_1347 = arith.index_cast %add3A_1346 : i32 to index
        %swap3A_1348 = arith.constant 0 : index
        %swap3A_1349 = tpu.vector_load %arg7[%swap3A_1347, %swap3A_1348] {strides = array<i32>} : memref<128x128xf32, #tpu.memory_space<vmem>>, vector<1x16xf32>,
        %swap3A_1350 = vector.shape_cast %swap3A_1349 : vector<1x16xf32> to vector<16xf32>
        %swap3A_1351 = vector.shape_cast %get3A_1342 : vector<16xf32> to vector<1x16xf32>
        tpu.vector_store %arg7[%swap3A_1347, %swap3A_1348], %swap3A_1351 {strides = array<i32>} : memref<128x128xf32, #tpu.memory_space<vmem>>, vector<1x16xf32>,
        %get3A_1352 = arith.index_cast %squeeze3A_1338 : i32 to index
        %get3A_1353 = arith.constant 16 : index
        %get3A_1354 = tpu.vector_load %arg5[%get3A_1352, %get3A_1353] {strides = array<i32>} : memref<83x128xf32, #tpu.memory_space<vmem>>, vector<1x16xf32>,
        %get3A_1355 = vector.shape_cast %get3A_1354 : vector<1x16xf32> to vector<16xf32>
        %mul3A_1356 = arith.constant 16 : i32
        %mul3A_1357 = arith.muli %scan3A_62, %mul3A_1356 : i32
        %add3A_1358 = arith.constant 12 : i32
        %add3A_1359 = arith.addi %mul3A_1357, %add3A_1358 : i32
        %swap3A_1360 = arith.index_cast %add3A_1359 : i32 to index
        %swap3A_1361 = arith.constant 16 : index
        %swap3A_1362 = tpu.vector_load %arg7[%swap3A_1360, %swap3A_1361] {strides = array<i32>} : memref<128x128xf32, #tpu.memory_space<vmem>>, vector<1x16xf32>,
        %swap3A_1363 = vector.shape_cast %swap3A_1362 : vector<1x16xf32> to vector<16xf32>
        %swap3A_1364 = vector.shape_cast %get3A_1355 : vector<16xf32> to vector<1x16xf32>
        tpu.vector_store %arg7[%swap3A_1360, %swap3A_1361], %swap3A_1364 {strides = array<i32>} : memref<128x128xf32, #tpu.memory_space<vmem>>, vector<1x16xf32>,
        %get3A_1365 = arith.index_cast %squeeze3A_1338 : i32 to index
        %get3A_1366 = arith.constant 32 : index
        %get3A_1367 = tpu.vector_load %arg5[%get3A_1365, %get3A_1366] {strides = array<i32>} : memref<83x128xf32, #tpu.memory_space<vmem>>, vector<1x16xf32>,
        %get3A_1368 = vector.shape_cast %get3A_1367 : vector<1x16xf32> to vector<16xf32>
        %mul3A_1369 = arith.constant 16 : i32
        %mul3A_1370 = arith.muli %scan3A_62, %mul3A_1369 : i32
        %add3A_1371 = arith.constant 12 : i32
        %add3A_1372 = arith.addi %mul3A_1370, %add3A_1371 : i32
        %swap3A_1373 = arith.index_cast %add3A_1372 : i32 to index
        %swap3A_1374 = arith.constant 32 : index
        %swap3A_1375 = tpu.vector_load %arg7[%swap3A_1373, %swap3A_1374] {strides = array<i32>} : memref<128x128xf32, #tpu.memory_space<vmem>>, vector<1x16xf32>,
        %swap3A_1376 = vector.shape_cast %swap3A_1375 : vector<1x16xf32> to vector<16xf32>
        %swap3A_1377 = vector.shape_cast %get3A_1368 : vector<16xf32> to vector<1x16xf32>
        tpu.vector_store %arg7[%swap3A_1373, %swap3A_1374], %swap3A_1377 {strides = array<i32>} : memref<128x128xf32, #tpu.memory_space<vmem>>, vector<1x16xf32>,
        %get3A_1378 = arith.index_cast %squeeze3A_1338 : i32 to index
        %get3A_1379 = arith.constant 48 : index
        %get3A_1380 = tpu.vector_load %arg5[%get3A_1378, %get3A_1379] {strides = array<i32>} : memref<83x128xf32, #tpu.memory_space<vmem>>, vector<1x16xf32>,
        %get3A_1381 = vector.shape_cast %get3A_1380 : vector<1x16xf32> to vector<16xf32>
        %mul3A_1382 = arith.constant 16 : i32
        %mul3A_1383 = arith.muli %scan3A_62, %mul3A_1382 : i32
        %add3A_1384 = arith.constant 12 : i32
        %add3A_1385 = arith.addi %mul3A_1383, %add3A_1384 : i32
        %swap3A_1386 = arith.index_cast %add3A_1385 : i32 to index
        %swap3A_1387 = arith.constant 48 : index
        %swap3A_1388 = tpu.vector_load %arg7[%swap3A_1386, %swap3A_1387] {strides = array<i32>} : memref<128x128xf32, #tpu.memory_space<vmem>>, vector<1x16xf32>,
        %swap3A_1389 = vector.shape_cast %swap3A_1388 : vector<1x16xf32> to vector<16xf32>
        %swap3A_1390 = vector.shape_cast %get3A_1381 : vector<16xf32> to vector<1x16xf32>
        tpu.vector_store %arg7[%swap3A_1386, %swap3A_1387], %swap3A_1390 {strides = array<i32>} : memref<128x128xf32, #tpu.memory_space<vmem>>, vector<1x16xf32>,
        %get3A_1391 = arith.index_cast %squeeze3A_1338 : i32 to index
        %get3A_1392 = arith.constant 64 : index
        %get3A_1393 = tpu.vector_load %arg5[%get3A_1391, %get3A_1392] {strides = array<i32>} : memref<83x128xf32, #tpu.memory_space<vmem>>, vector<1x16xf32>,
        %get3A_1394 = vector.shape_cast %get3A_1393 : vector<1x16xf32> to vector<16xf32>
        %mul3A_1395 = arith.constant 16 : i32
        %mul3A_1396 = arith.muli %scan3A_62, %mul3A_1395 : i32
        %add3A_1397 = arith.constant 12 : i32
        %add3A_1398 = arith.addi %mul3A_1396, %add3A_1397 : i32
        %swap3A_1399 = arith.index_cast %add3A_1398 : i32 to index
        %swap3A_1400 = arith.constant 64 : index
        %swap3A_1401 = tpu.vector_load %arg7[%swap3A_1399, %swap3A_1400] {strides = array<i32>} : memref<128x128xf32, #tpu.memory_space<vmem>>, vector<1x16xf32>,
        %swap3A_1402 = vector.shape_cast %swap3A_1401 : vector<1x16xf32> to vector<16xf32>
        %swap3A_1403 = vector.shape_cast %get3A_1394 : vector<16xf32> to vector<1x16xf32>
        tpu.vector_store %arg7[%swap3A_1399, %swap3A_1400], %swap3A_1403 {strides = array<i32>} : memref<128x128xf32, #tpu.memory_space<vmem>>, vector<1x16xf32>,
        %get3A_1404 = arith.index_cast %squeeze3A_1338 : i32 to index
        %get3A_1405 = arith.constant 80 : index
        %get3A_1406 = tpu.vector_load %arg5[%get3A_1404, %get3A_1405] {strides = array<i32>} : memref<83x128xf32, #tpu.memory_space<vmem>>, vector<1x16xf32>,
        %get3A_1407 = vector.shape_cast %get3A_1406 : vector<1x16xf32> to vector<16xf32>
        %mul3A_1408 = arith.constant 16 : i32
        %mul3A_1409 = arith.muli %scan3A_62, %mul3A_1408 : i32
        %add3A_1410 = arith.constant 12 : i32
        %add3A_1411 = arith.addi %mul3A_1409, %add3A_1410 : i32
        %swap3A_1412 = arith.index_cast %add3A_1411 : i32 to index
        %swap3A_1413 = arith.constant 80 : index
        %swap3A_1414 = tpu.vector_load %arg7[%swap3A_1412, %swap3A_1413] {strides = array<i32>} : memref<128x128xf32, #tpu.memory_space<vmem>>, vector<1x16xf32>,
        %swap3A_1415 = vector.shape_cast %swap3A_1414 : vector<1x16xf32> to vector<16xf32>
        %swap3A_1416 = vector.shape_cast %get3A_1407 : vector<16xf32> to vector<1x16xf32>
        tpu.vector_store %arg7[%swap3A_1412, %swap3A_1413], %swap3A_1416 {strides = array<i32>} : memref<128x128xf32, #tpu.memory_space<vmem>>, vector<1x16xf32>,
        %get3A_1417 = arith.index_cast %squeeze3A_1338 : i32 to index
        %get3A_1418 = arith.constant 96 : index
        %get3A_1419 = tpu.vector_load %arg5[%get3A_1417, %get3A_1418] {strides = array<i32>} : memref<83x128xf32, #tpu.memory_space<vmem>>, vector<1x16xf32>,
        %get3A_1420 = vector.shape_cast %get3A_1419 : vector<1x16xf32> to vector<16xf32>
        %mul3A_1421 = arith.constant 16 : i32
        %mul3A_1422 = arith.muli %scan3A_62, %mul3A_1421 : i32
        %add3A_1423 = arith.constant 12 : i32
        %add3A_1424 = arith.addi %mul3A_1422, %add3A_1423 : i32
        %swap3A_1425 = arith.index_cast %add3A_1424 : i32 to index
        %swap3A_1426 = arith.constant 96 : index
        %swap3A_1427 = tpu.vector_load %arg7[%swap3A_1425, %swap3A_1426] {strides = array<i32>} : memref<128x128xf32, #tpu.memory_space<vmem>>, vector<1x16xf32>,
        %swap3A_1428 = vector.shape_cast %swap3A_1427 : vector<1x16xf32> to vector<16xf32>
        %swap3A_1429 = vector.shape_cast %get3A_1420 : vector<16xf32> to vector<1x16xf32>
        tpu.vector_store %arg7[%swap3A_1425, %swap3A_1426], %swap3A_1429 {strides = array<i32>} : memref<128x128xf32, #tpu.memory_space<vmem>>, vector<1x16xf32>,
        %get3A_1430 = arith.index_cast %squeeze3A_1338 : i32 to index
        %get3A_1431 = arith.constant 112 : index
        %get3A_1432 = tpu.vector_load %arg5[%get3A_1430, %get3A_1431] {strides = array<i32>} : memref<83x128xf32, #tpu.memory_space<vmem>>, vector<1x16xf32>,
        %get3A_1433 = vector.shape_cast %get3A_1432 : vector<1x16xf32> to vector<16xf32>
        %mul3A_1434 = arith.constant 16 : i32
        %mul3A_1435 = arith.muli %scan3A_62, %mul3A_1434 : i32
        %add3A_1436 = arith.constant 12 : i32
        %add3A_1437 = arith.addi %mul3A_1435, %add3A_1436 : i32
        %swap3A_1438 = arith.index_cast %add3A_1437 : i32 to index
        %swap3A_1439 = arith.constant 112 : index
        %swap3A_1440 = tpu.vector_load %arg7[%swap3A_1438, %swap3A_1439] {strides = array<i32>} : memref<128x128xf32, #tpu.memory_space<vmem>>, vector<1x16xf32>,
        %swap3A_1441 = vector.shape_cast %swap3A_1440 : vector<1x16xf32> to vector<16xf32>
        %swap3A_1442 = vector.shape_cast %get3A_1433 : vector<16xf32> to vector<1x16xf32>
        tpu.vector_store %arg7[%swap3A_1438, %swap3A_1439], %swap3A_1442 {strides = array<i32>} : memref<128x128xf32, #tpu.memory_space<vmem>>, vector<1x16xf32>,
        %slice3A_1443 = vector.extract_strided_slice %get3A_67 {offsets = [13], sizes = [1], strides = [1]} : vector<16xi32> to vector<1xi32>
        %squeeze3A_1444 = vector.extract %slice3A_1443[0] : i32 from vector<1xi32>
        %get3A_1445 = arith.index_cast %squeeze3A_1444 : i32 to index
        %get3A_1446 = arith.constant 0 : index
        %get3A_1447 = tpu.vector_load %arg5[%get3A_1445, %get3A_1446] {strides = array<i32>} : memref<83x128xf32, #tpu.memory_space<vmem>>, vector<1x16xf32>,
        %get3A_1448 = vector.shape_cast %get3A_1447 : vector<1x16xf32> to vector<16xf32>
        %mul3A_1449 = arith.constant 16 : i32
        %mul3A_1450 = arith.muli %scan3A_62, %mul3A_1449 : i32
        %add3A_1451 = arith.constant 13 : i32
        %add3A_1452 = arith.addi %mul3A_1450, %add3A_1451 : i32
        %swap3A_1453 = arith.index_cast %add3A_1452 : i32 to index
        %swap3A_1454 = arith.constant 0 : index
        %swap3A_1455 = tpu.vector_load %arg7[%swap3A_1453, %swap3A_1454] {strides = array<i32>} : memref<128x128xf32, #tpu.memory_space<vmem>>, vector<1x16xf32>,
        %swap3A_1456 = vector.shape_cast %swap3A_1455 : vector<1x16xf32> to vector<16xf32>
        %swap3A_1457 = vector.shape_cast %get3A_1448 : vector<16xf32> to vector<1x16xf32>
        tpu.vector_store %arg7[%swap3A_1453, %swap3A_1454], %swap3A_1457 {strides = array<i32>} : memref<128x128xf32, #tpu.memory_space<vmem>>, vector<1x16xf32>,
        %get3A_1458 = arith.index_cast %squeeze3A_1444 : i32 to index
        %get3A_1459 = arith.constant 16 : index
        %get3A_1460 = tpu.vector_load %arg5[%get3A_1458, %get3A_1459] {strides = array<i32>} : memref<83x128xf32, #tpu.memory_space<vmem>>, vector<1x16xf32>,
        %get3A_1461 = vector.shape_cast %get3A_1460 : vector<1x16xf32> to vector<16xf32>
        %mul3A_1462 = arith.constant 16 : i32
        %mul3A_1463 = arith.muli %scan3A_62, %mul3A_1462 : i32
        %add3A_1464 = arith.constant 13 : i32
        %add3A_1465 = arith.addi %mul3A_1463, %add3A_1464 : i32
        %swap3A_1466 = arith.index_cast %add3A_1465 : i32 to index
        %swap3A_1467 = arith.constant 16 : index
        %swap3A_1468 = tpu.vector_load %arg7[%swap3A_1466, %swap3A_1467] {strides = array<i32>} : memref<128x128xf32, #tpu.memory_space<vmem>>, vector<1x16xf32>,
        %swap3A_1469 = vector.shape_cast %swap3A_1468 : vector<1x16xf32> to vector<16xf32>
        %swap3A_1470 = vector.shape_cast %get3A_1461 : vector<16xf32> to vector<1x16xf32>
        tpu.vector_store %arg7[%swap3A_1466, %swap3A_1467], %swap3A_1470 {strides = array<i32>} : memref<128x128xf32, #tpu.memory_space<vmem>>, vector<1x16xf32>,
        %get3A_1471 = arith.index_cast %squeeze3A_1444 : i32 to index
        %get3A_1472 = arith.constant 32 : index
        %get3A_1473 = tpu.vector_load %arg5[%get3A_1471, %get3A_1472] {strides = array<i32>} : memref<83x128xf32, #tpu.memory_space<vmem>>, vector<1x16xf32>,
        %get3A_1474 = vector.shape_cast %get3A_1473 : vector<1x16xf32> to vector<16xf32>
        %mul3A_1475 = arith.constant 16 : i32
        %mul3A_1476 = arith.muli %scan3A_62, %mul3A_1475 : i32
        %add3A_1477 = arith.constant 13 : i32
        %add3A_1478 = arith.addi %mul3A_1476, %add3A_1477 : i32
        %swap3A_1479 = arith.index_cast %add3A_1478 : i32 to index
        %swap3A_1480 = arith.constant 32 : index
        %swap3A_1481 = tpu.vector_load %arg7[%swap3A_1479, %swap3A_1480] {strides = array<i32>} : memref<128x128xf32, #tpu.memory_space<vmem>>, vector<1x16xf32>,
        %swap3A_1482 = vector.shape_cast %swap3A_1481 : vector<1x16xf32> to vector<16xf32>
        %swap3A_1483 = vector.shape_cast %get3A_1474 : vector<16xf32> to vector<1x16xf32>
        tpu.vector_store %arg7[%swap3A_1479, %swap3A_1480], %swap3A_1483 {strides = array<i32>} : memref<128x128xf32, #tpu.memory_space<vmem>>, vector<1x16xf32>,
        %get3A_1484 = arith.index_cast %squeeze3A_1444 : i32 to index
        %get3A_1485 = arith.constant 48 : index
        %get3A_1486 = tpu.vector_load %arg5[%get3A_1484, %get3A_1485] {strides = array<i32>} : memref<83x128xf32, #tpu.memory_space<vmem>>, vector<1x16xf32>,
        %get3A_1487 = vector.shape_cast %get3A_1486 : vector<1x16xf32> to vector<16xf32>
        %mul3A_1488 = arith.constant 16 : i32
        %mul3A_1489 = arith.muli %scan3A_62, %mul3A_1488 : i32
        %add3A_1490 = arith.constant 13 : i32
        %add3A_1491 = arith.addi %mul3A_1489, %add3A_1490 : i32
        %swap3A_1492 = arith.index_cast %add3A_1491 : i32 to index
        %swap3A_1493 = arith.constant 48 : index
        %swap3A_1494 = tpu.vector_load %arg7[%swap3A_1492, %swap3A_1493] {strides = array<i32>} : memref<128x128xf32, #tpu.memory_space<vmem>>, vector<1x16xf32>,
        %swap3A_1495 = vector.shape_cast %swap3A_1494 : vector<1x16xf32> to vector<16xf32>
        %swap3A_1496 = vector.shape_cast %get3A_1487 : vector<16xf32> to vector<1x16xf32>
        tpu.vector_store %arg7[%swap3A_1492, %swap3A_1493], %swap3A_1496 {strides = array<i32>} : memref<128x128xf32, #tpu.memory_space<vmem>>, vector<1x16xf32>,
        %get3A_1497 = arith.index_cast %squeeze3A_1444 : i32 to index
        %get3A_1498 = arith.constant 64 : index
        %get3A_1499 = tpu.vector_load %arg5[%get3A_1497, %get3A_1498] {strides = array<i32>} : memref<83x128xf32, #tpu.memory_space<vmem>>, vector<1x16xf32>,
        %get3A_1500 = vector.shape_cast %get3A_1499 : vector<1x16xf32> to vector<16xf32>
        %mul3A_1501 = arith.constant 16 : i32
        %mul3A_1502 = arith.muli %scan3A_62, %mul3A_1501 : i32
        %add3A_1503 = arith.constant 13 : i32
        %add3A_1504 = arith.addi %mul3A_1502, %add3A_1503 : i32
        %swap3A_1505 = arith.index_cast %add3A_1504 : i32 to index
        %swap3A_1506 = arith.constant 64 : index
        %swap3A_1507 = tpu.vector_load %arg7[%swap3A_1505, %swap3A_1506] {strides = array<i32>} : memref<128x128xf32, #tpu.memory_space<vmem>>, vector<1x16xf32>,
        %swap3A_1508 = vector.shape_cast %swap3A_1507 : vector<1x16xf32> to vector<16xf32>
        %swap3A_1509 = vector.shape_cast %get3A_1500 : vector<16xf32> to vector<1x16xf32>
        tpu.vector_store %arg7[%swap3A_1505, %swap3A_1506], %swap3A_1509 {strides = array<i32>} : memref<128x128xf32, #tpu.memory_space<vmem>>, vector<1x16xf32>,
        %get3A_1510 = arith.index_cast %squeeze3A_1444 : i32 to index
        %get3A_1511 = arith.constant 80 : index
        %get3A_1512 = tpu.vector_load %arg5[%get3A_1510, %get3A_1511] {strides = array<i32>} : memref<83x128xf32, #tpu.memory_space<vmem>>, vector<1x16xf32>,
        %get3A_1513 = vector.shape_cast %get3A_1512 : vector<1x16xf32> to vector<16xf32>
        %mul3A_1514 = arith.constant 16 : i32
        %mul3A_1515 = arith.muli %scan3A_62, %mul3A_1514 : i32
        %add3A_1516 = arith.constant 13 : i32
        %add3A_1517 = arith.addi %mul3A_1515, %add3A_1516 : i32
        %swap3A_1518 = arith.index_cast %add3A_1517 : i32 to index
        %swap3A_1519 = arith.constant 80 : index
        %swap3A_1520 = tpu.vector_load %arg7[%swap3A_1518, %swap3A_1519] {strides = array<i32>} : memref<128x128xf32, #tpu.memory_space<vmem>>, vector<1x16xf32>,
        %swap3A_1521 = vector.shape_cast %swap3A_1520 : vector<1x16xf32> to vector<16xf32>
        %swap3A_1522 = vector.shape_cast %get3A_1513 : vector<16xf32> to vector<1x16xf32>
        tpu.vector_store %arg7[%swap3A_1518, %swap3A_1519], %swap3A_1522 {strides = array<i32>} : memref<128x128xf32, #tpu.memory_space<vmem>>, vector<1x16xf32>,
        %get3A_1523 = arith.index_cast %squeeze3A_1444 : i32 to index
        %get3A_1524 = arith.constant 96 : index
        %get3A_1525 = tpu.vector_load %arg5[%get3A_1523, %get3A_1524] {strides = array<i32>} : memref<83x128xf32, #tpu.memory_space<vmem>>, vector<1x16xf32>,
        %get3A_1526 = vector.shape_cast %get3A_1525 : vector<1x16xf32> to vector<16xf32>
        %mul3A_1527 = arith.constant 16 : i32
        %mul3A_1528 = arith.muli %scan3A_62, %mul3A_1527 : i32
        %add3A_1529 = arith.constant 13 : i32
        %add3A_1530 = arith.addi %mul3A_1528, %add3A_1529 : i32
        %swap3A_1531 = arith.index_cast %add3A_1530 : i32 to index
        %swap3A_1532 = arith.constant 96 : index
        %swap3A_1533 = tpu.vector_load %arg7[%swap3A_1531, %swap3A_1532] {strides = array<i32>} : memref<128x128xf32, #tpu.memory_space<vmem>>, vector<1x16xf32>,
        %swap3A_1534 = vector.shape_cast %swap3A_1533 : vector<1x16xf32> to vector<16xf32>
        %swap3A_1535 = vector.shape_cast %get3A_1526 : vector<16xf32> to vector<1x16xf32>
        tpu.vector_store %arg7[%swap3A_1531, %swap3A_1532], %swap3A_1535 {strides = array<i32>} : memref<128x128xf32, #tpu.memory_space<vmem>>, vector<1x16xf32>,
        %get3A_1536 = arith.index_cast %squeeze3A_1444 : i32 to index
        %get3A_1537 = arith.constant 112 : index
        %get3A_1538 = tpu.vector_load %arg5[%get3A_1536, %get3A_1537] {strides = array<i32>} : memref<83x128xf32, #tpu.memory_space<vmem>>, vector<1x16xf32>,
        %get3A_1539 = vector.shape_cast %get3A_1538 : vector<1x16xf32> to vector<16xf32>
        %mul3A_1540 = arith.constant 16 : i32
        %mul3A_1541 = arith.muli %scan3A_62, %mul3A_1540 : i32
        %add3A_1542 = arith.constant 13 : i32
        %add3A_1543 = arith.addi %mul3A_1541, %add3A_1542 : i32
        %swap3A_1544 = arith.index_cast %add3A_1543 : i32 to index
        %swap3A_1545 = arith.constant 112 : index
        %swap3A_1546 = tpu.vector_load %arg7[%swap3A_1544, %swap3A_1545] {strides = array<i32>} : memref<128x128xf32, #tpu.memory_space<vmem>>, vector<1x16xf32>,
        %swap3A_1547 = vector.shape_cast %swap3A_1546 : vector<1x16xf32> to vector<16xf32>
        %swap3A_1548 = vector.shape_cast %get3A_1539 : vector<16xf32> to vector<1x16xf32>
        tpu.vector_store %arg7[%swap3A_1544, %swap3A_1545], %swap3A_1548 {strides = array<i32>} : memref<128x128xf32, #tpu.memory_space<vmem>>, vector<1x16xf32>,
        %slice3A_1549 = vector.extract_strided_slice %get3A_67 {offsets = [14], sizes = [1], strides = [1]} : vector<16xi32> to vector<1xi32>
        %squeeze3A_1550 = vector.extract %slice3A_1549[0] : i32 from vector<1xi32>
        %get3A_1551 = arith.index_cast %squeeze3A_1550 : i32 to index
        %get3A_1552 = arith.constant 0 : index
        %get3A_1553 = tpu.vector_load %arg5[%get3A_1551, %get3A_1552] {strides = array<i32>} : memref<83x128xf32, #tpu.memory_space<vmem>>, vector<1x16xf32>,
        %get3A_1554 = vector.shape_cast %get3A_1553 : vector<1x16xf32> to vector<16xf32>
        %mul3A_1555 = arith.constant 16 : i32
        %mul3A_1556 = arith.muli %scan3A_62, %mul3A_1555 : i32
        %add3A_1557 = arith.constant 14 : i32
        %add3A_1558 = arith.addi %mul3A_1556, %add3A_1557 : i32
        %swap3A_1559 = arith.index_cast %add3A_1558 : i32 to index
        %swap3A_1560 = arith.constant 0 : index
        %swap3A_1561 = tpu.vector_load %arg7[%swap3A_1559, %swap3A_1560] {strides = array<i32>} : memref<128x128xf32, #tpu.memory_space<vmem>>, vector<1x16xf32>,
        %swap3A_1562 = vector.shape_cast %swap3A_1561 : vector<1x16xf32> to vector<16xf32>
        %swap3A_1563 = vector.shape_cast %get3A_1554 : vector<16xf32> to vector<1x16xf32>
        tpu.vector_store %arg7[%swap3A_1559, %swap3A_1560], %swap3A_1563 {strides = array<i32>} : memref<128x128xf32, #tpu.memory_space<vmem>>, vector<1x16xf32>,
        %get3A_1564 = arith.index_cast %squeeze3A_1550 : i32 to index
        %get3A_1565 = arith.constant 16 : index
        %get3A_1566 = tpu.vector_load %arg5[%get3A_1564, %get3A_1565] {strides = array<i32>} : memref<83x128xf32, #tpu.memory_space<vmem>>, vector<1x16xf32>,
        %get3A_1567 = vector.shape_cast %get3A_1566 : vector<1x16xf32> to vector<16xf32>
        %mul3A_1568 = arith.constant 16 : i32
        %mul3A_1569 = arith.muli %scan3A_62, %mul3A_1568 : i32
        %add3A_1570 = arith.constant 14 : i32
        %add3A_1571 = arith.addi %mul3A_1569, %add3A_1570 : i32
        %swap3A_1572 = arith.index_cast %add3A_1571 : i32 to index
        %swap3A_1573 = arith.constant 16 : index
        %swap3A_1574 = tpu.vector_load %arg7[%swap3A_1572, %swap3A_1573] {strides = array<i32>} : memref<128x128xf32, #tpu.memory_space<vmem>>, vector<1x16xf32>,
        %swap3A_1575 = vector.shape_cast %swap3A_1574 : vector<1x16xf32> to vector<16xf32>
        %swap3A_1576 = vector.shape_cast %get3A_1567 : vector<16xf32> to vector<1x16xf32>
        tpu.vector_store %arg7[%swap3A_1572, %swap3A_1573], %swap3A_1576 {strides = array<i32>} : memref<128x128xf32, #tpu.memory_space<vmem>>, vector<1x16xf32>,
        %get3A_1577 = arith.index_cast %squeeze3A_1550 : i32 to index
        %get3A_1578 = arith.constant 32 : index
        %get3A_1579 = tpu.vector_load %arg5[%get3A_1577, %get3A_1578] {strides = array<i32>} : memref<83x128xf32, #tpu.memory_space<vmem>>, vector<1x16xf32>,
        %get3A_1580 = vector.shape_cast %get3A_1579 : vector<1x16xf32> to vector<16xf32>
        %mul3A_1581 = arith.constant 16 : i32
        %mul3A_1582 = arith.muli %scan3A_62, %mul3A_1581 : i32
        %add3A_1583 = arith.constant 14 : i32
        %add3A_1584 = arith.addi %mul3A_1582, %add3A_1583 : i32
        %swap3A_1585 = arith.index_cast %add3A_1584 : i32 to index
        %swap3A_1586 = arith.constant 32 : index
        %swap3A_1587 = tpu.vector_load %arg7[%swap3A_1585, %swap3A_1586] {strides = array<i32>} : memref<128x128xf32, #tpu.memory_space<vmem>>, vector<1x16xf32>,
        %swap3A_1588 = vector.shape_cast %swap3A_1587 : vector<1x16xf32> to vector<16xf32>
        %swap3A_1589 = vector.shape_cast %get3A_1580 : vector<16xf32> to vector<1x16xf32>
        tpu.vector_store %arg7[%swap3A_1585, %swap3A_1586], %swap3A_1589 {strides = array<i32>} : memref<128x128xf32, #tpu.memory_space<vmem>>, vector<1x16xf32>,
        %get3A_1590 = arith.index_cast %squeeze3A_1550 : i32 to index
        %get3A_1591 = arith.constant 48 : index
        %get3A_1592 = tpu.vector_load %arg5[%get3A_1590, %get3A_1591] {strides = array<i32>} : memref<83x128xf32, #tpu.memory_space<vmem>>, vector<1x16xf32>,
        %get3A_1593 = vector.shape_cast %get3A_1592 : vector<1x16xf32> to vector<16xf32>
        %mul3A_1594 = arith.constant 16 : i32
        %mul3A_1595 = arith.muli %scan3A_62, %mul3A_1594 : i32
        %add3A_1596 = arith.constant 14 : i32
        %add3A_1597 = arith.addi %mul3A_1595, %add3A_1596 : i32
        %swap3A_1598 = arith.index_cast %add3A_1597 : i32 to index
        %swap3A_1599 = arith.constant 48 : index
        %swap3A_1600 = tpu.vector_load %arg7[%swap3A_1598, %swap3A_1599] {strides = array<i32>} : memref<128x128xf32, #tpu.memory_space<vmem>>, vector<1x16xf32>,
        %swap3A_1601 = vector.shape_cast %swap3A_1600 : vector<1x16xf32> to vector<16xf32>
        %swap3A_1602 = vector.shape_cast %get3A_1593 : vector<16xf32> to vector<1x16xf32>
        tpu.vector_store %arg7[%swap3A_1598, %swap3A_1599], %swap3A_1602 {strides = array<i32>} : memref<128x128xf32, #tpu.memory_space<vmem>>, vector<1x16xf32>,
        %get3A_1603 = arith.index_cast %squeeze3A_1550 : i32 to index
        %get3A_1604 = arith.constant 64 : index
        %get3A_1605 = tpu.vector_load %arg5[%get3A_1603, %get3A_1604] {strides = array<i32>} : memref<83x128xf32, #tpu.memory_space<vmem>>, vector<1x16xf32>,
        %get3A_1606 = vector.shape_cast %get3A_1605 : vector<1x16xf32> to vector<16xf32>
        %mul3A_1607 = arith.constant 16 : i32
        %mul3A_1608 = arith.muli %scan3A_62, %mul3A_1607 : i32
        %add3A_1609 = arith.constant 14 : i32
        %add3A_1610 = arith.addi %mul3A_1608, %add3A_1609 : i32
        %swap3A_1611 = arith.index_cast %add3A_1610 : i32 to index
        %swap3A_1612 = arith.constant 64 : index
        %swap3A_1613 = tpu.vector_load %arg7[%swap3A_1611, %swap3A_1612] {strides = array<i32>} : memref<128x128xf32, #tpu.memory_space<vmem>>, vector<1x16xf32>,
        %swap3A_1614 = vector.shape_cast %swap3A_1613 : vector<1x16xf32> to vector<16xf32>
        %swap3A_1615 = vector.shape_cast %get3A_1606 : vector<16xf32> to vector<1x16xf32>
        tpu.vector_store %arg7[%swap3A_1611, %swap3A_1612], %swap3A_1615 {strides = array<i32>} : memref<128x128xf32, #tpu.memory_space<vmem>>, vector<1x16xf32>,
        %get3A_1616 = arith.index_cast %squeeze3A_1550 : i32 to index
        %get3A_1617 = arith.constant 80 : index
        %get3A_1618 = tpu.vector_load %arg5[%get3A_1616, %get3A_1617] {strides = array<i32>} : memref<83x128xf32, #tpu.memory_space<vmem>>, vector<1x16xf32>,
        %get3A_1619 = vector.shape_cast %get3A_1618 : vector<1x16xf32> to vector<16xf32>
        %mul3A_1620 = arith.constant 16 : i32
        %mul3A_1621 = arith.muli %scan3A_62, %mul3A_1620 : i32
        %add3A_1622 = arith.constant 14 : i32
        %add3A_1623 = arith.addi %mul3A_1621, %add3A_1622 : i32
        %swap3A_1624 = arith.index_cast %add3A_1623 : i32 to index
        %swap3A_1625 = arith.constant 80 : index
        %swap3A_1626 = tpu.vector_load %arg7[%swap3A_1624, %swap3A_1625] {strides = array<i32>} : memref<128x128xf32, #tpu.memory_space<vmem>>, vector<1x16xf32>,
        %swap3A_1627 = vector.shape_cast %swap3A_1626 : vector<1x16xf32> to vector<16xf32>
        %swap3A_1628 = vector.shape_cast %get3A_1619 : vector<16xf32> to vector<1x16xf32>
        tpu.vector_store %arg7[%swap3A_1624, %swap3A_1625], %swap3A_1628 {strides = array<i32>} : memref<128x128xf32, #tpu.memory_space<vmem>>, vector<1x16xf32>,
        %get3A_1629 = arith.index_cast %squeeze3A_1550 : i32 to index
        %get3A_1630 = arith.constant 96 : index
        %get3A_1631 = tpu.vector_load %arg5[%get3A_1629, %get3A_1630] {strides = array<i32>} : memref<83x128xf32, #tpu.memory_space<vmem>>, vector<1x16xf32>,
        %get3A_1632 = vector.shape_cast %get3A_1631 : vector<1x16xf32> to vector<16xf32>
        %mul3A_1633 = arith.constant 16 : i32
        %mul3A_1634 = arith.muli %scan3A_62, %mul3A_1633 : i32
        %add3A_1635 = arith.constant 14 : i32
        %add3A_1636 = arith.addi %mul3A_1634, %add3A_1635 : i32
        %swap3A_1637 = arith.index_cast %add3A_1636 : i32 to index
        %swap3A_1638 = arith.constant 96 : index
        %swap3A_1639 = tpu.vector_load %arg7[%swap3A_1637, %swap3A_1638] {strides = array<i32>} : memref<128x128xf32, #tpu.memory_space<vmem>>, vector<1x16xf32>,
        %swap3A_1640 = vector.shape_cast %swap3A_1639 : vector<1x16xf32> to vector<16xf32>
        %swap3A_1641 = vector.shape_cast %get3A_1632 : vector<16xf32> to vector<1x16xf32>
        tpu.vector_store %arg7[%swap3A_1637, %swap3A_1638], %swap3A_1641 {strides = array<i32>} : memref<128x128xf32, #tpu.memory_space<vmem>>, vector<1x16xf32>,
        %get3A_1642 = arith.index_cast %squeeze3A_1550 : i32 to index
        %get3A_1643 = arith.constant 112 : index
        %get3A_1644 = tpu.vector_load %arg5[%get3A_1642, %get3A_1643] {strides = array<i32>} : memref<83x128xf32, #tpu.memory_space<vmem>>, vector<1x16xf32>,
        %get3A_1645 = vector.shape_cast %get3A_1644 : vector<1x16xf32> to vector<16xf32>
        %mul3A_1646 = arith.constant 16 : i32
        %mul3A_1647 = arith.muli %scan3A_62, %mul3A_1646 : i32
        %add3A_1648 = arith.constant 14 : i32
        %add3A_1649 = arith.addi %mul3A_1647, %add3A_1648 : i32
        %swap3A_1650 = arith.index_cast %add3A_1649 : i32 to index
        %swap3A_1651 = arith.constant 112 : index
        %swap3A_1652 = tpu.vector_load %arg7[%swap3A_1650, %swap3A_1651] {strides = array<i32>} : memref<128x128xf32, #tpu.memory_space<vmem>>, vector<1x16xf32>,
        %swap3A_1653 = vector.shape_cast %swap3A_1652 : vector<1x16xf32> to vector<16xf32>
        %swap3A_1654 = vector.shape_cast %get3A_1645 : vector<16xf32> to vector<1x16xf32>
        tpu.vector_store %arg7[%swap3A_1650, %swap3A_1651], %swap3A_1654 {strides = array<i32>} : memref<128x128xf32, #tpu.memory_space<vmem>>, vector<1x16xf32>,
        %slice3A_1655 = vector.extract_strided_slice %get3A_67 {offsets = [15], sizes = [1], strides = [1]} : vector<16xi32> to vector<1xi32>
        %squeeze3A_1656 = vector.extract %slice3A_1655[0] : i32 from vector<1xi32>
        %get3A_1657 = arith.index_cast %squeeze3A_1656 : i32 to index
        %get3A_1658 = arith.constant 0 : index
        %get3A_1659 = tpu.vector_load %arg5[%get3A_1657, %get3A_1658] {strides = array<i32>} : memref<83x128xf32, #tpu.memory_space<vmem>>, vector<1x16xf32>,
        %get3A_1660 = vector.shape_cast %get3A_1659 : vector<1x16xf32> to vector<16xf32>
        %mul3A_1661 = arith.constant 16 : i32
        %mul3A_1662 = arith.muli %scan3A_62, %mul3A_1661 : i32
        %add3A_1663 = arith.constant 15 : i32
        %add3A_1664 = arith.addi %mul3A_1662, %add3A_1663 : i32
        %swap3A_1665 = arith.index_cast %add3A_1664 : i32 to index
        %swap3A_1666 = arith.constant 0 : index
        %swap3A_1667 = tpu.vector_load %arg7[%swap3A_1665, %swap3A_1666] {strides = array<i32>} : memref<128x128xf32, #tpu.memory_space<vmem>>, vector<1x16xf32>,
        %swap3A_1668 = vector.shape_cast %swap3A_1667 : vector<1x16xf32> to vector<16xf32>
        %swap3A_1669 = vector.shape_cast %get3A_1660 : vector<16xf32> to vector<1x16xf32>
        tpu.vector_store %arg7[%swap3A_1665, %swap3A_1666], %swap3A_1669 {strides = array<i32>} : memref<128x128xf32, #tpu.memory_space<vmem>>, vector<1x16xf32>,
        %get3A_1670 = arith.index_cast %squeeze3A_1656 : i32 to index
        %get3A_1671 = arith.constant 16 : index
        %get3A_1672 = tpu.vector_load %arg5[%get3A_1670, %get3A_1671] {strides = array<i32>} : memref<83x128xf32, #tpu.memory_space<vmem>>, vector<1x16xf32>,
        %get3A_1673 = vector.shape_cast %get3A_1672 : vector<1x16xf32> to vector<16xf32>
        %mul3A_1674 = arith.constant 16 : i32
        %mul3A_1675 = arith.muli %scan3A_62, %mul3A_1674 : i32
        %add3A_1676 = arith.constant 15 : i32
        %add3A_1677 = arith.addi %mul3A_1675, %add3A_1676 : i32
        %swap3A_1678 = arith.index_cast %add3A_1677 : i32 to index
        %swap3A_1679 = arith.constant 16 : index
        %swap3A_1680 = tpu.vector_load %arg7[%swap3A_1678, %swap3A_1679] {strides = array<i32>} : memref<128x128xf32, #tpu.memory_space<vmem>>, vector<1x16xf32>,
        %swap3A_1681 = vector.shape_cast %swap3A_1680 : vector<1x16xf32> to vector<16xf32>
        %swap3A_1682 = vector.shape_cast %get3A_1673 : vector<16xf32> to vector<1x16xf32>
        tpu.vector_store %arg7[%swap3A_1678, %swap3A_1679], %swap3A_1682 {strides = array<i32>} : memref<128x128xf32, #tpu.memory_space<vmem>>, vector<1x16xf32>,
        %get3A_1683 = arith.index_cast %squeeze3A_1656 : i32 to index
        %get3A_1684 = arith.constant 32 : index
        %get3A_1685 = tpu.vector_load %arg5[%get3A_1683, %get3A_1684] {strides = array<i32>} : memref<83x128xf32, #tpu.memory_space<vmem>>, vector<1x16xf32>,
        %get3A_1686 = vector.shape_cast %get3A_1685 : vector<1x16xf32> to vector<16xf32>
        %mul3A_1687 = arith.constant 16 : i32
        %mul3A_1688 = arith.muli %scan3A_62, %mul3A_1687 : i32
        %add3A_1689 = arith.constant 15 : i32
        %add3A_1690 = arith.addi %mul3A_1688, %add3A_1689 : i32
        %swap3A_1691 = arith.index_cast %add3A_1690 : i32 to index
        %swap3A_1692 = arith.constant 32 : index
        %swap3A_1693 = tpu.vector_load %arg7[%swap3A_1691, %swap3A_1692] {strides = array<i32>} : memref<128x128xf32, #tpu.memory_space<vmem>>, vector<1x16xf32>,
        %swap3A_1694 = vector.shape_cast %swap3A_1693 : vector<1x16xf32> to vector<16xf32>
        %swap3A_1695 = vector.shape_cast %get3A_1686 : vector<16xf32> to vector<1x16xf32>
        tpu.vector_store %arg7[%swap3A_1691, %swap3A_1692], %swap3A_1695 {strides = array<i32>} : memref<128x128xf32, #tpu.memory_space<vmem>>, vector<1x16xf32>,
        %get3A_1696 = arith.index_cast %squeeze3A_1656 : i32 to index
        %get3A_1697 = arith.constant 48 : index
        %get3A_1698 = tpu.vector_load %arg5[%get3A_1696, %get3A_1697] {strides = array<i32>} : memref<83x128xf32, #tpu.memory_space<vmem>>, vector<1x16xf32>,
        %get3A_1699 = vector.shape_cast %get3A_1698 : vector<1x16xf32> to vector<16xf32>
        %mul3A_1700 = arith.constant 16 : i32
        %mul3A_1701 = arith.muli %scan3A_62, %mul3A_1700 : i32
        %add3A_1702 = arith.constant 15 : i32
        %add3A_1703 = arith.addi %mul3A_1701, %add3A_1702 : i32
        %swap3A_1704 = arith.index_cast %add3A_1703 : i32 to index
        %swap3A_1705 = arith.constant 48 : index
        %swap3A_1706 = tpu.vector_load %arg7[%swap3A_1704, %swap3A_1705] {strides = array<i32>} : memref<128x128xf32, #tpu.memory_space<vmem>>, vector<1x16xf32>,
        %swap3A_1707 = vector.shape_cast %swap3A_1706 : vector<1x16xf32> to vector<16xf32>
        %swap3A_1708 = vector.shape_cast %get3A_1699 : vector<16xf32> to vector<1x16xf32>
        tpu.vector_store %arg7[%swap3A_1704, %swap3A_1705], %swap3A_1708 {strides = array<i32>} : memref<128x128xf32, #tpu.memory_space<vmem>>, vector<1x16xf32>,
        %get3A_1709 = arith.index_cast %squeeze3A_1656 : i32 to index
        %get3A_1710 = arith.constant 64 : index
        %get3A_1711 = tpu.vector_load %arg5[%get3A_1709, %get3A_1710] {strides = array<i32>} : memref<83x128xf32, #tpu.memory_space<vmem>>, vector<1x16xf32>,
        %get3A_1712 = vector.shape_cast %get3A_1711 : vector<1x16xf32> to vector<16xf32>
        %mul3A_1713 = arith.constant 16 : i32
        %mul3A_1714 = arith.muli %scan3A_62, %mul3A_1713 : i32
        %add3A_1715 = arith.constant 15 : i32
        %add3A_1716 = arith.addi %mul3A_1714, %add3A_1715 : i32
        %swap3A_1717 = arith.index_cast %add3A_1716 : i32 to index
        %swap3A_1718 = arith.constant 64 : index
        %swap3A_1719 = tpu.vector_load %arg7[%swap3A_1717, %swap3A_1718] {strides = array<i32>} : memref<128x128xf32, #tpu.memory_space<vmem>>, vector<1x16xf32>,
        %swap3A_1720 = vector.shape_cast %swap3A_1719 : vector<1x16xf32> to vector<16xf32>
        %swap3A_1721 = vector.shape_cast %get3A_1712 : vector<16xf32> to vector<1x16xf32>
        tpu.vector_store %arg7[%swap3A_1717, %swap3A_1718], %swap3A_1721 {strides = array<i32>} : memref<128x128xf32, #tpu.memory_space<vmem>>, vector<1x16xf32>,
        %get3A_1722 = arith.index_cast %squeeze3A_1656 : i32 to index
        %get3A_1723 = arith.constant 80 : index
        %get3A_1724 = tpu.vector_load %arg5[%get3A_1722, %get3A_1723] {strides = array<i32>} : memref<83x128xf32, #tpu.memory_space<vmem>>, vector<1x16xf32>,
        %get3A_1725 = vector.shape_cast %get3A_1724 : vector<1x16xf32> to vector<16xf32>
        %mul3A_1726 = arith.constant 16 : i32
        %mul3A_1727 = arith.muli %scan3A_62, %mul3A_1726 : i32
        %add3A_1728 = arith.constant 15 : i32
        %add3A_1729 = arith.addi %mul3A_1727, %add3A_1728 : i32
        %swap3A_1730 = arith.index_cast %add3A_1729 : i32 to index
        %swap3A_1731 = arith.constant 80 : index
        %swap3A_1732 = tpu.vector_load %arg7[%swap3A_1730, %swap3A_1731] {strides = array<i32>} : memref<128x128xf32, #tpu.memory_space<vmem>>, vector<1x16xf32>,
        %swap3A_1733 = vector.shape_cast %swap3A_1732 : vector<1x16xf32> to vector<16xf32>
        %swap3A_1734 = vector.shape_cast %get3A_1725 : vector<16xf32> to vector<1x16xf32>
        tpu.vector_store %arg7[%swap3A_1730, %swap3A_1731], %swap3A_1734 {strides = array<i32>} : memref<128x128xf32, #tpu.memory_space<vmem>>, vector<1x16xf32>,
        %get3A_1735 = arith.index_cast %squeeze3A_1656 : i32 to index
        %get3A_1736 = arith.constant 96 : index
        %get3A_1737 = tpu.vector_load %arg5[%get3A_1735, %get3A_1736] {strides = array<i32>} : memref<83x128xf32, #tpu.memory_space<vmem>>, vector<1x16xf32>,
        %get3A_1738 = vector.shape_cast %get3A_1737 : vector<1x16xf32> to vector<16xf32>
        %mul3A_1739 = arith.constant 16 : i32
        %mul3A_1740 = arith.muli %scan3A_62, %mul3A_1739 : i32
        %add3A_1741 = arith.constant 15 : i32
        %add3A_1742 = arith.addi %mul3A_1740, %add3A_1741 : i32
        %swap3A_1743 = arith.index_cast %add3A_1742 : i32 to index
        %swap3A_1744 = arith.constant 96 : index
        %swap3A_1745 = tpu.vector_load %arg7[%swap3A_1743, %swap3A_1744] {strides = array<i32>} : memref<128x128xf32, #tpu.memory_space<vmem>>, vector<1x16xf32>,
        %swap3A_1746 = vector.shape_cast %swap3A_1745 : vector<1x16xf32> to vector<16xf32>
        %swap3A_1747 = vector.shape_cast %get3A_1738 : vector<16xf32> to vector<1x16xf32>
        tpu.vector_store %arg7[%swap3A_1743, %swap3A_1744], %swap3A_1747 {strides = array<i32>} : memref<128x128xf32, #tpu.memory_space<vmem>>, vector<1x16xf32>,
        %get3A_1748 = arith.index_cast %squeeze3A_1656 : i32 to index
        %get3A_1749 = arith.constant 112 : index
        %get3A_1750 = tpu.vector_load %arg5[%get3A_1748, %get3A_1749] {strides = array<i32>} : memref<83x128xf32, #tpu.memory_space<vmem>>, vector<1x16xf32>,
        %get3A_1751 = vector.shape_cast %get3A_1750 : vector<1x16xf32> to vector<16xf32>
        %mul3A_1752 = arith.constant 16 : i32
        %mul3A_1753 = arith.muli %scan3A_62, %mul3A_1752 : i32
        %add3A_1754 = arith.constant 15 : i32
        %add3A_1755 = arith.addi %mul3A_1753, %add3A_1754 : i32
        %swap3A_1756 = arith.index_cast %add3A_1755 : i32 to index
        %swap3A_1757 = arith.constant 112 : index
        %swap3A_1758 = tpu.vector_load %arg7[%swap3A_1756, %swap3A_1757] {strides = array<i32>} : memref<128x128xf32, #tpu.memory_space<vmem>>, vector<1x16xf32>,
        %swap3A_1759 = vector.shape_cast %swap3A_1758 : vector<1x16xf32> to vector<16xf32>
        %swap3A_1760 = vector.shape_cast %get3A_1751 : vector<16xf32> to vector<1x16xf32>
        tpu.vector_store %arg7[%swap3A_1756, %swap3A_1757], %swap3A_1760 {strides = array<i32>} : memref<128x128xf32, #tpu.memory_space<vmem>>, vector<1x16xf32>,
      }
      %scan3A_33 = arith.constant 8 : i32
      %mul3A_34 = arith.constant 128 : i32
      %mul3A_35 = arith.muli %add3A_25, %mul3A_34 : i32
      %add3A_36 = arith.addi %mul3A_2, %mul3A_35 : i32
      %dma_start3A = arith.constant 0 : i32
      %dma_start3A_37 = tpu.memref_slice %arg4[%add3A_36, %dma_start3A] : memref<819200x128xf32, #tpu.memory_space<hbm>> -> memref<128x128xf32, #tpu.memory_space<hbm>>
      %dma_start3A_38 = arith.constant 0 : i32
      %dma_start3A_39 = tpu.memref_slice %arg4[%add3A_36, %dma_start3A_38] : memref<819200x128xf32, #tpu.memory_space<hbm>> -> memref<128x128xf32, #tpu.memory_space<hbm>>
      tpu.enqueue_dma source(%arg7 : memref<128x128xf32, #tpu.memory_space<vmem>>) target(%dma_start3A_39 : memref<128x128xf32, #tpu.memory_space<hbm>>) target_semaphore(%arg9 : memref<!tpu.dma_semaphore, #tpu.memory_space<semaphore_mem>>)
      %mul3A_40 = arith.constant 2 : i32
      %mul3A_41 = arith.muli %scan3A_21, %mul3A_40 : i32
      %add3A_42 = arith.constant 1 : i32
      %add3A_43 = arith.addi %mul3A_41, %add3A_42 : i32
      %ge3A_44 = arith.constant 2 : i32
      %ge3A_45 = arith.cmpi sge, %add3A_43, %ge3A_44 : i32
      %convert_element_type3A_46 = arith.extui %ge3A_45 : i1 to i32
      %cond3A_47 = arith.constant 0 : i32
      %cond3A_48 = arith.cmpi ne, %convert_element_type3A_46, %cond3A_47 : i32
      scf.if %cond3A_48 {
        %sub3A = arith.constant 2 : i32
        %sub3A_62 = arith.subi %add3A_43, %sub3A : i32
        %mul3A_63 = arith.constant 128 : i32
        %mul3A_64 = arith.muli %sub3A_62, %mul3A_63 : i32
        %add3A_65 = arith.addi %mul3A_2, %mul3A_64 : i32
        %dma_wait3A_66 = arith.constant 0 : i32
        %dma_wait3A_67 = tpu.memref_slice %arg4[%add3A_65, %dma_wait3A_66] : memref<819200x128xf32, #tpu.memory_space<hbm>> -> memref<128x128xf32, #tpu.memory_space<hbm>>
        %dma_wait3A_68 = arith.constant 0 : i32
        %dma_wait3A_69 = tpu.memref_slice %arg4[%add3A_65, %dma_wait3A_68] : memref<819200x128xf32, #tpu.memory_space<hbm>> -> memref<128x128xf32, #tpu.memory_space<hbm>>
        tpu.wait_dma2 semaphore(%arg9 : memref<!tpu.dma_semaphore, #tpu.memory_space<semaphore_mem>>) src(%arg8 : memref<128x128xf32, #tpu.memory_space<vmem>>) dst(%dma_wait3A_69 : memref<128x128xf32, #tpu.memory_space<hbm>>)
      } else {
      }
      %scan3A_49 = arith.constant 0 : i32
      %scan3A_50 = arith.constant 0 : i32
      %scan3A_51 = arith.constant 8 : i32
      %scan3A_52 = arith.addi %scan3A_50, %scan3A_51 : i32
      %scan3A_53 = arith.constant 1 : i32
      scf.for %scan3A_62 = %scan3A_50 to %scan3A_52 step %scan3A_53  : i32 {
        %mul3A_63 = arith.constant 16 : i32
        %mul3A_64 = arith.muli %scan3A_62, %mul3A_63 : i32
        %get3A = arith.index_cast %add3A_43 : i32 to index
        %get3A_65 = arith.index_cast %mul3A_64 : i32 to index
        %get3A_66 = tpu.vector_load %arg6[%get3A, %get3A_65] {strides = array<i32>} : memref<200x128xi32, #tpu.memory_space<vmem>>, vector<1x16xi32>,
        %get3A_67 = vector.shape_cast %get3A_66 : vector<1x16xi32> to vector<16xi32>
        %slice3A = vector.extract_strided_slice %get3A_67 {offsets = [0], sizes = [1], strides = [1]} : vector<16xi32> to vector<1xi32>
        %squeeze3A = vector.extract %slice3A[0] : i32 from vector<1xi32>
        %get3A_68 = arith.index_cast %squeeze3A : i32 to index
        %get3A_69 = arith.constant 0 : index
        %get3A_70 = tpu.vector_load %arg5[%get3A_68, %get3A_69] {strides = array<i32>} : memref<83x128xf32, #tpu.memory_space<vmem>>, vector<1x16xf32>,
        %get3A_71 = vector.shape_cast %get3A_70 : vector<1x16xf32> to vector<16xf32>
        %mul3A_72 = arith.constant 16 : i32
        %mul3A_73 = arith.muli %scan3A_62, %mul3A_72 : i32
        %add3A_74 = arith.constant 0 : i32
        %add3A_75 = arith.addi %mul3A_73, %add3A_74 : i32
        %swap3A = arith.index_cast %add3A_75 : i32 to index
        %swap3A_76 = arith.constant 0 : index
        %swap3A_77 = tpu.vector_load %arg8[%swap3A, %swap3A_76] {strides = array<i32>} : memref<128x128xf32, #tpu.memory_space<vmem>>, vector<1x16xf32>,
        %swap3A_78 = vector.shape_cast %swap3A_77 : vector<1x16xf32> to vector<16xf32>
        %swap3A_79 = vector.shape_cast %get3A_71 : vector<16xf32> to vector<1x16xf32>
        tpu.vector_store %arg8[%swap3A, %swap3A_76], %swap3A_79 {strides = array<i32>} : memref<128x128xf32, #tpu.memory_space<vmem>>, vector<1x16xf32>,
        %get3A_80 = arith.index_cast %squeeze3A : i32 to index
        %get3A_81 = arith.constant 16 : index
        %get3A_82 = tpu.vector_load %arg5[%get3A_80, %get3A_81] {strides = array<i32>} : memref<83x128xf32, #tpu.memory_space<vmem>>, vector<1x16xf32>,
        %get3A_83 = vector.shape_cast %get3A_82 : vector<1x16xf32> to vector<16xf32>
        %mul3A_84 = arith.constant 16 : i32
        %mul3A_85 = arith.muli %scan3A_62, %mul3A_84 : i32
        %add3A_86 = arith.constant 0 : i32
        %add3A_87 = arith.addi %mul3A_85, %add3A_86 : i32
        %swap3A_88 = arith.index_cast %add3A_87 : i32 to index
        %swap3A_89 = arith.constant 16 : index
        %swap3A_90 = tpu.vector_load %arg8[%swap3A_88, %swap3A_89] {strides = array<i32>} : memref<128x128xf32, #tpu.memory_space<vmem>>, vector<1x16xf32>,
        %swap3A_91 = vector.shape_cast %swap3A_90 : vector<1x16xf32> to vector<16xf32>
        %swap3A_92 = vector.shape_cast %get3A_83 : vector<16xf32> to vector<1x16xf32>
        tpu.vector_store %arg8[%swap3A_88, %swap3A_89], %swap3A_92 {strides = array<i32>} : memref<128x128xf32, #tpu.memory_space<vmem>>, vector<1x16xf32>,
        %get3A_93 = arith.index_cast %squeeze3A : i32 to index
        %get3A_94 = arith.constant 32 : index
        %get3A_95 = tpu.vector_load %arg5[%get3A_93, %get3A_94] {strides = array<i32>} : memref<83x128xf32, #tpu.memory_space<vmem>>, vector<1x16xf32>,
        %get3A_96 = vector.shape_cast %get3A_95 : vector<1x16xf32> to vector<16xf32>
        %mul3A_97 = arith.constant 16 : i32
        %mul3A_98 = arith.muli %scan3A_62, %mul3A_97 : i32
        %add3A_99 = arith.constant 0 : i32
        %add3A_100 = arith.addi %mul3A_98, %add3A_99 : i32
        %swap3A_101 = arith.index_cast %add3A_100 : i32 to index
        %swap3A_102 = arith.constant 32 : index
        %swap3A_103 = tpu.vector_load %arg8[%swap3A_101, %swap3A_102] {strides = array<i32>} : memref<128x128xf32, #tpu.memory_space<vmem>>, vector<1x16xf32>,
        %swap3A_104 = vector.shape_cast %swap3A_103 : vector<1x16xf32> to vector<16xf32>
        %swap3A_105 = vector.shape_cast %get3A_96 : vector<16xf32> to vector<1x16xf32>
        tpu.vector_store %arg8[%swap3A_101, %swap3A_102], %swap3A_105 {strides = array<i32>} : memref<128x128xf32, #tpu.memory_space<vmem>>, vector<1x16xf32>,
        %get3A_106 = arith.index_cast %squeeze3A : i32 to index
        %get3A_107 = arith.constant 48 : index
        %get3A_108 = tpu.vector_load %arg5[%get3A_106, %get3A_107] {strides = array<i32>} : memref<83x128xf32, #tpu.memory_space<vmem>>, vector<1x16xf32>,
        %get3A_109 = vector.shape_cast %get3A_108 : vector<1x16xf32> to vector<16xf32>
        %mul3A_110 = arith.constant 16 : i32
        %mul3A_111 = arith.muli %scan3A_62, %mul3A_110 : i32
        %add3A_112 = arith.constant 0 : i32
        %add3A_113 = arith.addi %mul3A_111, %add3A_112 : i32
        %swap3A_114 = arith.index_cast %add3A_113 : i32 to index
        %swap3A_115 = arith.constant 48 : index
        %swap3A_116 = tpu.vector_load %arg8[%swap3A_114, %swap3A_115] {strides = array<i32>} : memref<128x128xf32, #tpu.memory_space<vmem>>, vector<1x16xf32>,
        %swap3A_117 = vector.shape_cast %swap3A_116 : vector<1x16xf32> to vector<16xf32>
        %swap3A_118 = vector.shape_cast %get3A_109 : vector<16xf32> to vector<1x16xf32>
        tpu.vector_store %arg8[%swap3A_114, %swap3A_115], %swap3A_118 {strides = array<i32>} : memref<128x128xf32, #tpu.memory_space<vmem>>, vector<1x16xf32>,
        %get3A_119 = arith.index_cast %squeeze3A : i32 to index
        %get3A_120 = arith.constant 64 : index
        %get3A_121 = tpu.vector_load %arg5[%get3A_119, %get3A_120] {strides = array<i32>} : memref<83x128xf32, #tpu.memory_space<vmem>>, vector<1x16xf32>,
        %get3A_122 = vector.shape_cast %get3A_121 : vector<1x16xf32> to vector<16xf32>
        %mul3A_123 = arith.constant 16 : i32
        %mul3A_124 = arith.muli %scan3A_62, %mul3A_123 : i32
        %add3A_125 = arith.constant 0 : i32
        %add3A_126 = arith.addi %mul3A_124, %add3A_125 : i32
        %swap3A_127 = arith.index_cast %add3A_126 : i32 to index
        %swap3A_128 = arith.constant 64 : index
        %swap3A_129 = tpu.vector_load %arg8[%swap3A_127, %swap3A_128] {strides = array<i32>} : memref<128x128xf32, #tpu.memory_space<vmem>>, vector<1x16xf32>,
        %swap3A_130 = vector.shape_cast %swap3A_129 : vector<1x16xf32> to vector<16xf32>
        %swap3A_131 = vector.shape_cast %get3A_122 : vector<16xf32> to vector<1x16xf32>
        tpu.vector_store %arg8[%swap3A_127, %swap3A_128], %swap3A_131 {strides = array<i32>} : memref<128x128xf32, #tpu.memory_space<vmem>>, vector<1x16xf32>,
        %get3A_132 = arith.index_cast %squeeze3A : i32 to index
        %get3A_133 = arith.constant 80 : index
        %get3A_134 = tpu.vector_load %arg5[%get3A_132, %get3A_133] {strides = array<i32>} : memref<83x128xf32, #tpu.memory_space<vmem>>, vector<1x16xf32>,
        %get3A_135 = vector.shape_cast %get3A_134 : vector<1x16xf32> to vector<16xf32>
        %mul3A_136 = arith.constant 16 : i32
        %mul3A_137 = arith.muli %scan3A_62, %mul3A_136 : i32
        %add3A_138 = arith.constant 0 : i32
        %add3A_139 = arith.addi %mul3A_137, %add3A_138 : i32
        %swap3A_140 = arith.index_cast %add3A_139 : i32 to index
        %swap3A_141 = arith.constant 80 : index
        %swap3A_142 = tpu.vector_load %arg8[%swap3A_140, %swap3A_141] {strides = array<i32>} : memref<128x128xf32, #tpu.memory_space<vmem>>, vector<1x16xf32>,
        %swap3A_143 = vector.shape_cast %swap3A_142 : vector<1x16xf32> to vector<16xf32>
        %swap3A_144 = vector.shape_cast %get3A_135 : vector<16xf32> to vector<1x16xf32>
        tpu.vector_store %arg8[%swap3A_140, %swap3A_141], %swap3A_144 {strides = array<i32>} : memref<128x128xf32, #tpu.memory_space<vmem>>, vector<1x16xf32>,
        %get3A_145 = arith.index_cast %squeeze3A : i32 to index
        %get3A_146 = arith.constant 96 : index
        %get3A_147 = tpu.vector_load %arg5[%get3A_145, %get3A_146] {strides = array<i32>} : memref<83x128xf32, #tpu.memory_space<vmem>>, vector<1x16xf32>,
        %get3A_148 = vector.shape_cast %get3A_147 : vector<1x16xf32> to vector<16xf32>
        %mul3A_149 = arith.constant 16 : i32
        %mul3A_150 = arith.muli %scan3A_62, %mul3A_149 : i32
        %add3A_151 = arith.constant 0 : i32
        %add3A_152 = arith.addi %mul3A_150, %add3A_151 : i32
        %swap3A_153 = arith.index_cast %add3A_152 : i32 to index
        %swap3A_154 = arith.constant 96 : index
        %swap3A_155 = tpu.vector_load %arg8[%swap3A_153, %swap3A_154] {strides = array<i32>} : memref<128x128xf32, #tpu.memory_space<vmem>>, vector<1x16xf32>,
        %swap3A_156 = vector.shape_cast %swap3A_155 : vector<1x16xf32> to vector<16xf32>
        %swap3A_157 = vector.shape_cast %get3A_148 : vector<16xf32> to vector<1x16xf32>
        tpu.vector_store %arg8[%swap3A_153, %swap3A_154], %swap3A_157 {strides = array<i32>} : memref<128x128xf32, #tpu.memory_space<vmem>>, vector<1x16xf32>,
        %get3A_158 = arith.index_cast %squeeze3A : i32 to index
        %get3A_159 = arith.constant 112 : index
        %get3A_160 = tpu.vector_load %arg5[%get3A_158, %get3A_159] {strides = array<i32>} : memref<83x128xf32, #tpu.memory_space<vmem>>, vector<1x16xf32>,
        %get3A_161 = vector.shape_cast %get3A_160 : vector<1x16xf32> to vector<16xf32>
        %mul3A_162 = arith.constant 16 : i32
        %mul3A_163 = arith.muli %scan3A_62, %mul3A_162 : i32
        %add3A_164 = arith.constant 0 : i32
        %add3A_165 = arith.addi %mul3A_163, %add3A_164 : i32
        %swap3A_166 = arith.index_cast %add3A_165 : i32 to index
        %swap3A_167 = arith.constant 112 : index
        %swap3A_168 = tpu.vector_load %arg8[%swap3A_166, %swap3A_167] {strides = array<i32>} : memref<128x128xf32, #tpu.memory_space<vmem>>, vector<1x16xf32>,
        %swap3A_169 = vector.shape_cast %swap3A_168 : vector<1x16xf32> to vector<16xf32>
        %swap3A_170 = vector.shape_cast %get3A_161 : vector<16xf32> to vector<1x16xf32>
        tpu.vector_store %arg8[%swap3A_166, %swap3A_167], %swap3A_170 {strides = array<i32>} : memref<128x128xf32, #tpu.memory_space<vmem>>, vector<1x16xf32>,
        %slice3A_171 = vector.extract_strided_slice %get3A_67 {offsets = [1], sizes = [1], strides = [1]} : vector<16xi32> to vector<1xi32>
        %squeeze3A_172 = vector.extract %slice3A_171[0] : i32 from vector<1xi32>
        %get3A_173 = arith.index_cast %squeeze3A_172 : i32 to index
        %get3A_174 = arith.constant 0 : index
        %get3A_175 = tpu.vector_load %arg5[%get3A_173, %get3A_174] {strides = array<i32>} : memref<83x128xf32, #tpu.memory_space<vmem>>, vector<1x16xf32>,
        %get3A_176 = vector.shape_cast %get3A_175 : vector<1x16xf32> to vector<16xf32>
        %mul3A_177 = arith.constant 16 : i32
        %mul3A_178 = arith.muli %scan3A_62, %mul3A_177 : i32
        %add3A_179 = arith.constant 1 : i32
        %add3A_180 = arith.addi %mul3A_178, %add3A_179 : i32
        %swap3A_181 = arith.index_cast %add3A_180 : i32 to index
        %swap3A_182 = arith.constant 0 : index
        %swap3A_183 = tpu.vector_load %arg8[%swap3A_181, %swap3A_182] {strides = array<i32>} : memref<128x128xf32, #tpu.memory_space<vmem>>, vector<1x16xf32>,
        %swap3A_184 = vector.shape_cast %swap3A_183 : vector<1x16xf32> to vector<16xf32>
        %swap3A_185 = vector.shape_cast %get3A_176 : vector<16xf32> to vector<1x16xf32>
        tpu.vector_store %arg8[%swap3A_181, %swap3A_182], %swap3A_185 {strides = array<i32>} : memref<128x128xf32, #tpu.memory_space<vmem>>, vector<1x16xf32>,
        %get3A_186 = arith.index_cast %squeeze3A_172 : i32 to index
        %get3A_187 = arith.constant 16 : index
        %get3A_188 = tpu.vector_load %arg5[%get3A_186, %get3A_187] {strides = array<i32>} : memref<83x128xf32, #tpu.memory_space<vmem>>, vector<1x16xf32>,
        %get3A_189 = vector.shape_cast %get3A_188 : vector<1x16xf32> to vector<16xf32>
        %mul3A_190 = arith.constant 16 : i32
        %mul3A_191 = arith.muli %scan3A_62, %mul3A_190 : i32
        %add3A_192 = arith.constant 1 : i32
        %add3A_193 = arith.addi %mul3A_191, %add3A_192 : i32
        %swap3A_194 = arith.index_cast %add3A_193 : i32 to index
        %swap3A_195 = arith.constant 16 : index
        %swap3A_196 = tpu.vector_load %arg8[%swap3A_194, %swap3A_195] {strides = array<i32>} : memref<128x128xf32, #tpu.memory_space<vmem>>, vector<1x16xf32>,
        %swap3A_197 = vector.shape_cast %swap3A_196 : vector<1x16xf32> to vector<16xf32>
        %swap3A_198 = vector.shape_cast %get3A_189 : vector<16xf32> to vector<1x16xf32>
        tpu.vector_store %arg8[%swap3A_194, %swap3A_195], %swap3A_198 {strides = array<i32>} : memref<128x128xf32, #tpu.memory_space<vmem>>, vector<1x16xf32>,
        %get3A_199 = arith.index_cast %squeeze3A_172 : i32 to index
        %get3A_200 = arith.constant 32 : index
        %get3A_201 = tpu.vector_load %arg5[%get3A_199, %get3A_200] {strides = array<i32>} : memref<83x128xf32, #tpu.memory_space<vmem>>, vector<1x16xf32>,
        %get3A_202 = vector.shape_cast %get3A_201 : vector<1x16xf32> to vector<16xf32>
        %mul3A_203 = arith.constant 16 : i32
        %mul3A_204 = arith.muli %scan3A_62, %mul3A_203 : i32
        %add3A_205 = arith.constant 1 : i32
        %add3A_206 = arith.addi %mul3A_204, %add3A_205 : i32
        %swap3A_207 = arith.index_cast %add3A_206 : i32 to index
        %swap3A_208 = arith.constant 32 : index
        %swap3A_209 = tpu.vector_load %arg8[%swap3A_207, %swap3A_208] {strides = array<i32>} : memref<128x128xf32, #tpu.memory_space<vmem>>, vector<1x16xf32>,
        %swap3A_210 = vector.shape_cast %swap3A_209 : vector<1x16xf32> to vector<16xf32>
        %swap3A_211 = vector.shape_cast %get3A_202 : vector<16xf32> to vector<1x16xf32>
        tpu.vector_store %arg8[%swap3A_207, %swap3A_208], %swap3A_211 {strides = array<i32>} : memref<128x128xf32, #tpu.memory_space<vmem>>, vector<1x16xf32>,
        %get3A_212 = arith.index_cast %squeeze3A_172 : i32 to index
        %get3A_213 = arith.constant 48 : index
        %get3A_214 = tpu.vector_load %arg5[%get3A_212, %get3A_213] {strides = array<i32>} : memref<83x128xf32, #tpu.memory_space<vmem>>, vector<1x16xf32>,
        %get3A_215 = vector.shape_cast %get3A_214 : vector<1x16xf32> to vector<16xf32>
        %mul3A_216 = arith.constant 16 : i32
        %mul3A_217 = arith.muli %scan3A_62, %mul3A_216 : i32
        %add3A_218 = arith.constant 1 : i32
        %add3A_219 = arith.addi %mul3A_217, %add3A_218 : i32
        %swap3A_220 = arith.index_cast %add3A_219 : i32 to index
        %swap3A_221 = arith.constant 48 : index
        %swap3A_222 = tpu.vector_load %arg8[%swap3A_220, %swap3A_221] {strides = array<i32>} : memref<128x128xf32, #tpu.memory_space<vmem>>, vector<1x16xf32>,
        %swap3A_223 = vector.shape_cast %swap3A_222 : vector<1x16xf32> to vector<16xf32>
        %swap3A_224 = vector.shape_cast %get3A_215 : vector<16xf32> to vector<1x16xf32>
        tpu.vector_store %arg8[%swap3A_220, %swap3A_221], %swap3A_224 {strides = array<i32>} : memref<128x128xf32, #tpu.memory_space<vmem>>, vector<1x16xf32>,
        %get3A_225 = arith.index_cast %squeeze3A_172 : i32 to index
        %get3A_226 = arith.constant 64 : index
        %get3A_227 = tpu.vector_load %arg5[%get3A_225, %get3A_226] {strides = array<i32>} : memref<83x128xf32, #tpu.memory_space<vmem>>, vector<1x16xf32>,
        %get3A_228 = vector.shape_cast %get3A_227 : vector<1x16xf32> to vector<16xf32>
        %mul3A_229 = arith.constant 16 : i32
        %mul3A_230 = arith.muli %scan3A_62, %mul3A_229 : i32
        %add3A_231 = arith.constant 1 : i32
        %add3A_232 = arith.addi %mul3A_230, %add3A_231 : i32
        %swap3A_233 = arith.index_cast %add3A_232 : i32 to index
        %swap3A_234 = arith.constant 64 : index
        %swap3A_235 = tpu.vector_load %arg8[%swap3A_233, %swap3A_234] {strides = array<i32>} : memref<128x128xf32, #tpu.memory_space<vmem>>, vector<1x16xf32>,
        %swap3A_236 = vector.shape_cast %swap3A_235 : vector<1x16xf32> to vector<16xf32>
        %swap3A_237 = vector.shape_cast %get3A_228 : vector<16xf32> to vector<1x16xf32>
        tpu.vector_store %arg8[%swap3A_233, %swap3A_234], %swap3A_237 {strides = array<i32>} : memref<128x128xf32, #tpu.memory_space<vmem>>, vector<1x16xf32>,
        %get3A_238 = arith.index_cast %squeeze3A_172 : i32 to index
        %get3A_239 = arith.constant 80 : index
        %get3A_240 = tpu.vector_load %arg5[%get3A_238, %get3A_239] {strides = array<i32>} : memref<83x128xf32, #tpu.memory_space<vmem>>, vector<1x16xf32>,
        %get3A_241 = vector.shape_cast %get3A_240 : vector<1x16xf32> to vector<16xf32>
        %mul3A_242 = arith.constant 16 : i32
        %mul3A_243 = arith.muli %scan3A_62, %mul3A_242 : i32
        %add3A_244 = arith.constant 1 : i32
        %add3A_245 = arith.addi %mul3A_243, %add3A_244 : i32
        %swap3A_246 = arith.index_cast %add3A_245 : i32 to index
        %swap3A_247 = arith.constant 80 : index
        %swap3A_248 = tpu.vector_load %arg8[%swap3A_246, %swap3A_247] {strides = array<i32>} : memref<128x128xf32, #tpu.memory_space<vmem>>, vector<1x16xf32>,
        %swap3A_249 = vector.shape_cast %swap3A_248 : vector<1x16xf32> to vector<16xf32>
        %swap3A_250 = vector.shape_cast %get3A_241 : vector<16xf32> to vector<1x16xf32>
        tpu.vector_store %arg8[%swap3A_246, %swap3A_247], %swap3A_250 {strides = array<i32>} : memref<128x128xf32, #tpu.memory_space<vmem>>, vector<1x16xf32>,
        %get3A_251 = arith.index_cast %squeeze3A_172 : i32 to index
        %get3A_252 = arith.constant 96 : index
        %get3A_253 = tpu.vector_load %arg5[%get3A_251, %get3A_252] {strides = array<i32>} : memref<83x128xf32, #tpu.memory_space<vmem>>, vector<1x16xf32>,
        %get3A_254 = vector.shape_cast %get3A_253 : vector<1x16xf32> to vector<16xf32>
        %mul3A_255 = arith.constant 16 : i32
        %mul3A_256 = arith.muli %scan3A_62, %mul3A_255 : i32
        %add3A_257 = arith.constant 1 : i32
        %add3A_258 = arith.addi %mul3A_256, %add3A_257 : i32
        %swap3A_259 = arith.index_cast %add3A_258 : i32 to index
        %swap3A_260 = arith.constant 96 : index
        %swap3A_261 = tpu.vector_load %arg8[%swap3A_259, %swap3A_260] {strides = array<i32>} : memref<128x128xf32, #tpu.memory_space<vmem>>, vector<1x16xf32>,
        %swap3A_262 = vector.shape_cast %swap3A_261 : vector<1x16xf32> to vector<16xf32>
        %swap3A_263 = vector.shape_cast %get3A_254 : vector<16xf32> to vector<1x16xf32>
        tpu.vector_store %arg8[%swap3A_259, %swap3A_260], %swap3A_263 {strides = array<i32>} : memref<128x128xf32, #tpu.memory_space<vmem>>, vector<1x16xf32>,
        %get3A_264 = arith.index_cast %squeeze3A_172 : i32 to index
        %get3A_265 = arith.constant 112 : index
        %get3A_266 = tpu.vector_load %arg5[%get3A_264, %get3A_265] {strides = array<i32>} : memref<83x128xf32, #tpu.memory_space<vmem>>, vector<1x16xf32>,
        %get3A_267 = vector.shape_cast %get3A_266 : vector<1x16xf32> to vector<16xf32>
        %mul3A_268 = arith.constant 16 : i32
        %mul3A_269 = arith.muli %scan3A_62, %mul3A_268 : i32
        %add3A_270 = arith.constant 1 : i32
        %add3A_271 = arith.addi %mul3A_269, %add3A_270 : i32
        %swap3A_272 = arith.index_cast %add3A_271 : i32 to index
        %swap3A_273 = arith.constant 112 : index
        %swap3A_274 = tpu.vector_load %arg8[%swap3A_272, %swap3A_273] {strides = array<i32>} : memref<128x128xf32, #tpu.memory_space<vmem>>, vector<1x16xf32>,
        %swap3A_275 = vector.shape_cast %swap3A_274 : vector<1x16xf32> to vector<16xf32>
        %swap3A_276 = vector.shape_cast %get3A_267 : vector<16xf32> to vector<1x16xf32>
        tpu.vector_store %arg8[%swap3A_272, %swap3A_273], %swap3A_276 {strides = array<i32>} : memref<128x128xf32, #tpu.memory_space<vmem>>, vector<1x16xf32>,
        %slice3A_277 = vector.extract_strided_slice %get3A_67 {offsets = [2], sizes = [1], strides = [1]} : vector<16xi32> to vector<1xi32>
        %squeeze3A_278 = vector.extract %slice3A_277[0] : i32 from vector<1xi32>
        %get3A_279 = arith.index_cast %squeeze3A_278 : i32 to index
        %get3A_280 = arith.constant 0 : index
        %get3A_281 = tpu.vector_load %arg5[%get3A_279, %get3A_280] {strides = array<i32>} : memref<83x128xf32, #tpu.memory_space<vmem>>, vector<1x16xf32>,
        %get3A_282 = vector.shape_cast %get3A_281 : vector<1x16xf32> to vector<16xf32>
        %mul3A_283 = arith.constant 16 : i32
        %mul3A_284 = arith.muli %scan3A_62, %mul3A_283 : i32
        %add3A_285 = arith.constant 2 : i32
        %add3A_286 = arith.addi %mul3A_284, %add3A_285 : i32
        %swap3A_287 = arith.index_cast %add3A_286 : i32 to index
        %swap3A_288 = arith.constant 0 : index
        %swap3A_289 = tpu.vector_load %arg8[%swap3A_287, %swap3A_288] {strides = array<i32>} : memref<128x128xf32, #tpu.memory_space<vmem>>, vector<1x16xf32>,
        %swap3A_290 = vector.shape_cast %swap3A_289 : vector<1x16xf32> to vector<16xf32>
        %swap3A_291 = vector.shape_cast %get3A_282 : vector<16xf32> to vector<1x16xf32>
        tpu.vector_store %arg8[%swap3A_287, %swap3A_288], %swap3A_291 {strides = array<i32>} : memref<128x128xf32, #tpu.memory_space<vmem>>, vector<1x16xf32>,
        %get3A_292 = arith.index_cast %squeeze3A_278 : i32 to index
        %get3A_293 = arith.constant 16 : index
        %get3A_294 = tpu.vector_load %arg5[%get3A_292, %get3A_293] {strides = array<i32>} : memref<83x128xf32, #tpu.memory_space<vmem>>, vector<1x16xf32>,
        %get3A_295 = vector.shape_cast %get3A_294 : vector<1x16xf32> to vector<16xf32>
        %mul3A_296 = arith.constant 16 : i32
        %mul3A_297 = arith.muli %scan3A_62, %mul3A_296 : i32
        %add3A_298 = arith.constant 2 : i32
        %add3A_299 = arith.addi %mul3A_297, %add3A_298 : i32
        %swap3A_300 = arith.index_cast %add3A_299 : i32 to index
        %swap3A_301 = arith.constant 16 : index
        %swap3A_302 = tpu.vector_load %arg8[%swap3A_300, %swap3A_301] {strides = array<i32>} : memref<128x128xf32, #tpu.memory_space<vmem>>, vector<1x16xf32>,
        %swap3A_303 = vector.shape_cast %swap3A_302 : vector<1x16xf32> to vector<16xf32>
        %swap3A_304 = vector.shape_cast %get3A_295 : vector<16xf32> to vector<1x16xf32>
        tpu.vector_store %arg8[%swap3A_300, %swap3A_301], %swap3A_304 {strides = array<i32>} : memref<128x128xf32, #tpu.memory_space<vmem>>, vector<1x16xf32>,
        %get3A_305 = arith.index_cast %squeeze3A_278 : i32 to index
        %get3A_306 = arith.constant 32 : index
        %get3A_307 = tpu.vector_load %arg5[%get3A_305, %get3A_306] {strides = array<i32>} : memref<83x128xf32, #tpu.memory_space<vmem>>, vector<1x16xf32>,
        %get3A_308 = vector.shape_cast %get3A_307 : vector<1x16xf32> to vector<16xf32>
        %mul3A_309 = arith.constant 16 : i32
        %mul3A_310 = arith.muli %scan3A_62, %mul3A_309 : i32
        %add3A_311 = arith.constant 2 : i32
        %add3A_312 = arith.addi %mul3A_310, %add3A_311 : i32
        %swap3A_313 = arith.index_cast %add3A_312 : i32 to index
        %swap3A_314 = arith.constant 32 : index
        %swap3A_315 = tpu.vector_load %arg8[%swap3A_313, %swap3A_314] {strides = array<i32>} : memref<128x128xf32, #tpu.memory_space<vmem>>, vector<1x16xf32>,
        %swap3A_316 = vector.shape_cast %swap3A_315 : vector<1x16xf32> to vector<16xf32>
        %swap3A_317 = vector.shape_cast %get3A_308 : vector<16xf32> to vector<1x16xf32>
        tpu.vector_store %arg8[%swap3A_313, %swap3A_314], %swap3A_317 {strides = array<i32>} : memref<128x128xf32, #tpu.memory_space<vmem>>, vector<1x16xf32>,
        %get3A_318 = arith.index_cast %squeeze3A_278 : i32 to index
        %get3A_319 = arith.constant 48 : index
        %get3A_320 = tpu.vector_load %arg5[%get3A_318, %get3A_319] {strides = array<i32>} : memref<83x128xf32, #tpu.memory_space<vmem>>, vector<1x16xf32>,
        %get3A_321 = vector.shape_cast %get3A_320 : vector<1x16xf32> to vector<16xf32>
        %mul3A_322 = arith.constant 16 : i32
        %mul3A_323 = arith.muli %scan3A_62, %mul3A_322 : i32
        %add3A_324 = arith.constant 2 : i32
        %add3A_325 = arith.addi %mul3A_323, %add3A_324 : i32
        %swap3A_326 = arith.index_cast %add3A_325 : i32 to index
        %swap3A_327 = arith.constant 48 : index
        %swap3A_328 = tpu.vector_load %arg8[%swap3A_326, %swap3A_327] {strides = array<i32>} : memref<128x128xf32, #tpu.memory_space<vmem>>, vector<1x16xf32>,
        %swap3A_329 = vector.shape_cast %swap3A_328 : vector<1x16xf32> to vector<16xf32>
        %swap3A_330 = vector.shape_cast %get3A_321 : vector<16xf32> to vector<1x16xf32>
        tpu.vector_store %arg8[%swap3A_326, %swap3A_327], %swap3A_330 {strides = array<i32>} : memref<128x128xf32, #tpu.memory_space<vmem>>, vector<1x16xf32>,
        %get3A_331 = arith.index_cast %squeeze3A_278 : i32 to index
        %get3A_332 = arith.constant 64 : index
        %get3A_333 = tpu.vector_load %arg5[%get3A_331, %get3A_332] {strides = array<i32>} : memref<83x128xf32, #tpu.memory_space<vmem>>, vector<1x16xf32>,
        %get3A_334 = vector.shape_cast %get3A_333 : vector<1x16xf32> to vector<16xf32>
        %mul3A_335 = arith.constant 16 : i32
        %mul3A_336 = arith.muli %scan3A_62, %mul3A_335 : i32
        %add3A_337 = arith.constant 2 : i32
        %add3A_338 = arith.addi %mul3A_336, %add3A_337 : i32
        %swap3A_339 = arith.index_cast %add3A_338 : i32 to index
        %swap3A_340 = arith.constant 64 : index
        %swap3A_341 = tpu.vector_load %arg8[%swap3A_339, %swap3A_340] {strides = array<i32>} : memref<128x128xf32, #tpu.memory_space<vmem>>, vector<1x16xf32>,
        %swap3A_342 = vector.shape_cast %swap3A_341 : vector<1x16xf32> to vector<16xf32>
        %swap3A_343 = vector.shape_cast %get3A_334 : vector<16xf32> to vector<1x16xf32>
        tpu.vector_store %arg8[%swap3A_339, %swap3A_340], %swap3A_343 {strides = array<i32>} : memref<128x128xf32, #tpu.memory_space<vmem>>, vector<1x16xf32>,
        %get3A_344 = arith.index_cast %squeeze3A_278 : i32 to index
        %get3A_345 = arith.constant 80 : index
        %get3A_346 = tpu.vector_load %arg5[%get3A_344, %get3A_345] {strides = array<i32>} : memref<83x128xf32, #tpu.memory_space<vmem>>, vector<1x16xf32>,
        %get3A_347 = vector.shape_cast %get3A_346 : vector<1x16xf32> to vector<16xf32>
        %mul3A_348 = arith.constant 16 : i32
        %mul3A_349 = arith.muli %scan3A_62, %mul3A_348 : i32
        %add3A_350 = arith.constant 2 : i32
        %add3A_351 = arith.addi %mul3A_349, %add3A_350 : i32
        %swap3A_352 = arith.index_cast %add3A_351 : i32 to index
        %swap3A_353 = arith.constant 80 : index
        %swap3A_354 = tpu.vector_load %arg8[%swap3A_352, %swap3A_353] {strides = array<i32>} : memref<128x128xf32, #tpu.memory_space<vmem>>, vector<1x16xf32>,
        %swap3A_355 = vector.shape_cast %swap3A_354 : vector<1x16xf32> to vector<16xf32>
        %swap3A_356 = vector.shape_cast %get3A_347 : vector<16xf32> to vector<1x16xf32>
        tpu.vector_store %arg8[%swap3A_352, %swap3A_353], %swap3A_356 {strides = array<i32>} : memref<128x128xf32, #tpu.memory_space<vmem>>, vector<1x16xf32>,
        %get3A_357 = arith.index_cast %squeeze3A_278 : i32 to index
        %get3A_358 = arith.constant 96 : index
        %get3A_359 = tpu.vector_load %arg5[%get3A_357, %get3A_358] {strides = array<i32>} : memref<83x128xf32, #tpu.memory_space<vmem>>, vector<1x16xf32>,
        %get3A_360 = vector.shape_cast %get3A_359 : vector<1x16xf32> to vector<16xf32>
        %mul3A_361 = arith.constant 16 : i32
        %mul3A_362 = arith.muli %scan3A_62, %mul3A_361 : i32
        %add3A_363 = arith.constant 2 : i32
        %add3A_364 = arith.addi %mul3A_362, %add3A_363 : i32
        %swap3A_365 = arith.index_cast %add3A_364 : i32 to index
        %swap3A_366 = arith.constant 96 : index
        %swap3A_367 = tpu.vector_load %arg8[%swap3A_365, %swap3A_366] {strides = array<i32>} : memref<128x128xf32, #tpu.memory_space<vmem>>, vector<1x16xf32>,
        %swap3A_368 = vector.shape_cast %swap3A_367 : vector<1x16xf32> to vector<16xf32>
        %swap3A_369 = vector.shape_cast %get3A_360 : vector<16xf32> to vector<1x16xf32>
        tpu.vector_store %arg8[%swap3A_365, %swap3A_366], %swap3A_369 {strides = array<i32>} : memref<128x128xf32, #tpu.memory_space<vmem>>, vector<1x16xf32>,
        %get3A_370 = arith.index_cast %squeeze3A_278 : i32 to index
        %get3A_371 = arith.constant 112 : index
        %get3A_372 = tpu.vector_load %arg5[%get3A_370, %get3A_371] {strides = array<i32>} : memref<83x128xf32, #tpu.memory_space<vmem>>, vector<1x16xf32>,
        %get3A_373 = vector.shape_cast %get3A_372 : vector<1x16xf32> to vector<16xf32>
        %mul3A_374 = arith.constant 16 : i32
        %mul3A_375 = arith.muli %scan3A_62, %mul3A_374 : i32
        %add3A_376 = arith.constant 2 : i32
        %add3A_377 = arith.addi %mul3A_375, %add3A_376 : i32
        %swap3A_378 = arith.index_cast %add3A_377 : i32 to index
        %swap3A_379 = arith.constant 112 : index
        %swap3A_380 = tpu.vector_load %arg8[%swap3A_378, %swap3A_379] {strides = array<i32>} : memref<128x128xf32, #tpu.memory_space<vmem>>, vector<1x16xf32>,
        %swap3A_381 = vector.shape_cast %swap3A_380 : vector<1x16xf32> to vector<16xf32>
        %swap3A_382 = vector.shape_cast %get3A_373 : vector<16xf32> to vector<1x16xf32>
        tpu.vector_store %arg8[%swap3A_378, %swap3A_379], %swap3A_382 {strides = array<i32>} : memref<128x128xf32, #tpu.memory_space<vmem>>, vector<1x16xf32>,
        %slice3A_383 = vector.extract_strided_slice %get3A_67 {offsets = [3], sizes = [1], strides = [1]} : vector<16xi32> to vector<1xi32>
        %squeeze3A_384 = vector.extract %slice3A_383[0] : i32 from vector<1xi32>
        %get3A_385 = arith.index_cast %squeeze3A_384 : i32 to index
        %get3A_386 = arith.constant 0 : index
        %get3A_387 = tpu.vector_load %arg5[%get3A_385, %get3A_386] {strides = array<i32>} : memref<83x128xf32, #tpu.memory_space<vmem>>, vector<1x16xf32>,
        %get3A_388 = vector.shape_cast %get3A_387 : vector<1x16xf32> to vector<16xf32>
        %mul3A_389 = arith.constant 16 : i32
        %mul3A_390 = arith.muli %scan3A_62, %mul3A_389 : i32
        %add3A_391 = arith.constant 3 : i32
        %add3A_392 = arith.addi %mul3A_390, %add3A_391 : i32
        %swap3A_393 = arith.index_cast %add3A_392 : i32 to index
        %swap3A_394 = arith.constant 0 : index
        %swap3A_395 = tpu.vector_load %arg8[%swap3A_393, %swap3A_394] {strides = array<i32>} : memref<128x128xf32, #tpu.memory_space<vmem>>, vector<1x16xf32>,
        %swap3A_396 = vector.shape_cast %swap3A_395 : vector<1x16xf32> to vector<16xf32>
        %swap3A_397 = vector.shape_cast %get3A_388 : vector<16xf32> to vector<1x16xf32>
        tpu.vector_store %arg8[%swap3A_393, %swap3A_394], %swap3A_397 {strides = array<i32>} : memref<128x128xf32, #tpu.memory_space<vmem>>, vector<1x16xf32>,
        %get3A_398 = arith.index_cast %squeeze3A_384 : i32 to index
        %get3A_399 = arith.constant 16 : index
        %get3A_400 = tpu.vector_load %arg5[%get3A_398, %get3A_399] {strides = array<i32>} : memref<83x128xf32, #tpu.memory_space<vmem>>, vector<1x16xf32>,
        %get3A_401 = vector.shape_cast %get3A_400 : vector<1x16xf32> to vector<16xf32>
        %mul3A_402 = arith.constant 16 : i32
        %mul3A_403 = arith.muli %scan3A_62, %mul3A_402 : i32
        %add3A_404 = arith.constant 3 : i32
        %add3A_405 = arith.addi %mul3A_403, %add3A_404 : i32
        %swap3A_406 = arith.index_cast %add3A_405 : i32 to index
        %swap3A_407 = arith.constant 16 : index
        %swap3A_408 = tpu.vector_load %arg8[%swap3A_406, %swap3A_407] {strides = array<i32>} : memref<128x128xf32, #tpu.memory_space<vmem>>, vector<1x16xf32>,
        %swap3A_409 = vector.shape_cast %swap3A_408 : vector<1x16xf32> to vector<16xf32>
        %swap3A_410 = vector.shape_cast %get3A_401 : vector<16xf32> to vector<1x16xf32>
        tpu.vector_store %arg8[%swap3A_406, %swap3A_407], %swap3A_410 {strides = array<i32>} : memref<128x128xf32, #tpu.memory_space<vmem>>, vector<1x16xf32>,
        %get3A_411 = arith.index_cast %squeeze3A_384 : i32 to index
        %get3A_412 = arith.constant 32 : index
        %get3A_413 = tpu.vector_load %arg5[%get3A_411, %get3A_412] {strides = array<i32>} : memref<83x128xf32, #tpu.memory_space<vmem>>, vector<1x16xf32>,
        %get3A_414 = vector.shape_cast %get3A_413 : vector<1x16xf32> to vector<16xf32>
        %mul3A_415 = arith.constant 16 : i32
        %mul3A_416 = arith.muli %scan3A_62, %mul3A_415 : i32
        %add3A_417 = arith.constant 3 : i32
        %add3A_418 = arith.addi %mul3A_416, %add3A_417 : i32
        %swap3A_419 = arith.index_cast %add3A_418 : i32 to index
        %swap3A_420 = arith.constant 32 : index
        %swap3A_421 = tpu.vector_load %arg8[%swap3A_419, %swap3A_420] {strides = array<i32>} : memref<128x128xf32, #tpu.memory_space<vmem>>, vector<1x16xf32>,
        %swap3A_422 = vector.shape_cast %swap3A_421 : vector<1x16xf32> to vector<16xf32>
        %swap3A_423 = vector.shape_cast %get3A_414 : vector<16xf32> to vector<1x16xf32>
        tpu.vector_store %arg8[%swap3A_419, %swap3A_420], %swap3A_423 {strides = array<i32>} : memref<128x128xf32, #tpu.memory_space<vmem>>, vector<1x16xf32>,
        %get3A_424 = arith.index_cast %squeeze3A_384 : i32 to index
        %get3A_425 = arith.constant 48 : index
        %get3A_426 = tpu.vector_load %arg5[%get3A_424, %get3A_425] {strides = array<i32>} : memref<83x128xf32, #tpu.memory_space<vmem>>, vector<1x16xf32>,
        %get3A_427 = vector.shape_cast %get3A_426 : vector<1x16xf32> to vector<16xf32>
        %mul3A_428 = arith.constant 16 : i32
        %mul3A_429 = arith.muli %scan3A_62, %mul3A_428 : i32
        %add3A_430 = arith.constant 3 : i32
        %add3A_431 = arith.addi %mul3A_429, %add3A_430 : i32
        %swap3A_432 = arith.index_cast %add3A_431 : i32 to index
        %swap3A_433 = arith.constant 48 : index
        %swap3A_434 = tpu.vector_load %arg8[%swap3A_432, %swap3A_433] {strides = array<i32>} : memref<128x128xf32, #tpu.memory_space<vmem>>, vector<1x16xf32>,
        %swap3A_435 = vector.shape_cast %swap3A_434 : vector<1x16xf32> to vector<16xf32>
        %swap3A_436 = vector.shape_cast %get3A_427 : vector<16xf32> to vector<1x16xf32>
        tpu.vector_store %arg8[%swap3A_432, %swap3A_433], %swap3A_436 {strides = array<i32>} : memref<128x128xf32, #tpu.memory_space<vmem>>, vector<1x16xf32>,
        %get3A_437 = arith.index_cast %squeeze3A_384 : i32 to index
        %get3A_438 = arith.constant 64 : index
        %get3A_439 = tpu.vector_load %arg5[%get3A_437, %get3A_438] {strides = array<i32>} : memref<83x128xf32, #tpu.memory_space<vmem>>, vector<1x16xf32>,
        %get3A_440 = vector.shape_cast %get3A_439 : vector<1x16xf32> to vector<16xf32>
        %mul3A_441 = arith.constant 16 : i32
        %mul3A_442 = arith.muli %scan3A_62, %mul3A_441 : i32
        %add3A_443 = arith.constant 3 : i32
        %add3A_444 = arith.addi %mul3A_442, %add3A_443 : i32
        %swap3A_445 = arith.index_cast %add3A_444 : i32 to index
        %swap3A_446 = arith.constant 64 : index
        %swap3A_447 = tpu.vector_load %arg8[%swap3A_445, %swap3A_446] {strides = array<i32>} : memref<128x128xf32, #tpu.memory_space<vmem>>, vector<1x16xf32>,
        %swap3A_448 = vector.shape_cast %swap3A_447 : vector<1x16xf32> to vector<16xf32>
        %swap3A_449 = vector.shape_cast %get3A_440 : vector<16xf32> to vector<1x16xf32>
        tpu.vector_store %arg8[%swap3A_445, %swap3A_446], %swap3A_449 {strides = array<i32>} : memref<128x128xf32, #tpu.memory_space<vmem>>, vector<1x16xf32>,
        %get3A_450 = arith.index_cast %squeeze3A_384 : i32 to index
        %get3A_451 = arith.constant 80 : index
        %get3A_452 = tpu.vector_load %arg5[%get3A_450, %get3A_451] {strides = array<i32>} : memref<83x128xf32, #tpu.memory_space<vmem>>, vector<1x16xf32>,
        %get3A_453 = vector.shape_cast %get3A_452 : vector<1x16xf32> to vector<16xf32>
        %mul3A_454 = arith.constant 16 : i32
        %mul3A_455 = arith.muli %scan3A_62, %mul3A_454 : i32
        %add3A_456 = arith.constant 3 : i32
        %add3A_457 = arith.addi %mul3A_455, %add3A_456 : i32
        %swap3A_458 = arith.index_cast %add3A_457 : i32 to index
        %swap3A_459 = arith.constant 80 : index
        %swap3A_460 = tpu.vector_load %arg8[%swap3A_458, %swap3A_459] {strides = array<i32>} : memref<128x128xf32, #tpu.memory_space<vmem>>, vector<1x16xf32>,
        %swap3A_461 = vector.shape_cast %swap3A_460 : vector<1x16xf32> to vector<16xf32>
        %swap3A_462 = vector.shape_cast %get3A_453 : vector<16xf32> to vector<1x16xf32>
        tpu.vector_store %arg8[%swap3A_458, %swap3A_459], %swap3A_462 {strides = array<i32>} : memref<128x128xf32, #tpu.memory_space<vmem>>, vector<1x16xf32>,
        %get3A_463 = arith.index_cast %squeeze3A_384 : i32 to index
        %get3A_464 = arith.constant 96 : index
        %get3A_465 = tpu.vector_load %arg5[%get3A_463, %get3A_464] {strides = array<i32>} : memref<83x128xf32, #tpu.memory_space<vmem>>, vector<1x16xf32>,
        %get3A_466 = vector.shape_cast %get3A_465 : vector<1x16xf32> to vector<16xf32>
        %mul3A_467 = arith.constant 16 : i32
        %mul3A_468 = arith.muli %scan3A_62, %mul3A_467 : i32
        %add3A_469 = arith.constant 3 : i32
        %add3A_470 = arith.addi %mul3A_468, %add3A_469 : i32
        %swap3A_471 = arith.index_cast %add3A_470 : i32 to index
        %swap3A_472 = arith.constant 96 : index
        %swap3A_473 = tpu.vector_load %arg8[%swap3A_471, %swap3A_472] {strides = array<i32>} : memref<128x128xf32, #tpu.memory_space<vmem>>, vector<1x16xf32>,
        %swap3A_474 = vector.shape_cast %swap3A_473 : vector<1x16xf32> to vector<16xf32>
        %swap3A_475 = vector.shape_cast %get3A_466 : vector<16xf32> to vector<1x16xf32>
        tpu.vector_store %arg8[%swap3A_471, %swap3A_472], %swap3A_475 {strides = array<i32>} : memref<128x128xf32, #tpu.memory_space<vmem>>, vector<1x16xf32>,
        %get3A_476 = arith.index_cast %squeeze3A_384 : i32 to index
        %get3A_477 = arith.constant 112 : index
        %get3A_478 = tpu.vector_load %arg5[%get3A_476, %get3A_477] {strides = array<i32>} : memref<83x128xf32, #tpu.memory_space<vmem>>, vector<1x16xf32>,
        %get3A_479 = vector.shape_cast %get3A_478 : vector<1x16xf32> to vector<16xf32>
        %mul3A_480 = arith.constant 16 : i32
        %mul3A_481 = arith.muli %scan3A_62, %mul3A_480 : i32
        %add3A_482 = arith.constant 3 : i32
        %add3A_483 = arith.addi %mul3A_481, %add3A_482 : i32
        %swap3A_484 = arith.index_cast %add3A_483 : i32 to index
        %swap3A_485 = arith.constant 112 : index
        %swap3A_486 = tpu.vector_load %arg8[%swap3A_484, %swap3A_485] {strides = array<i32>} : memref<128x128xf32, #tpu.memory_space<vmem>>, vector<1x16xf32>,
        %swap3A_487 = vector.shape_cast %swap3A_486 : vector<1x16xf32> to vector<16xf32>
        %swap3A_488 = vector.shape_cast %get3A_479 : vector<16xf32> to vector<1x16xf32>
        tpu.vector_store %arg8[%swap3A_484, %swap3A_485], %swap3A_488 {strides = array<i32>} : memref<128x128xf32, #tpu.memory_space<vmem>>, vector<1x16xf32>,
        %slice3A_489 = vector.extract_strided_slice %get3A_67 {offsets = [4], sizes = [1], strides = [1]} : vector<16xi32> to vector<1xi32>
        %squeeze3A_490 = vector.extract %slice3A_489[0] : i32 from vector<1xi32>
        %get3A_491 = arith.index_cast %squeeze3A_490 : i32 to index
        %get3A_492 = arith.constant 0 : index
        %get3A_493 = tpu.vector_load %arg5[%get3A_491, %get3A_492] {strides = array<i32>} : memref<83x128xf32, #tpu.memory_space<vmem>>, vector<1x16xf32>,
        %get3A_494 = vector.shape_cast %get3A_493 : vector<1x16xf32> to vector<16xf32>
        %mul3A_495 = arith.constant 16 : i32
        %mul3A_496 = arith.muli %scan3A_62, %mul3A_495 : i32
        %add3A_497 = arith.constant 4 : i32
        %add3A_498 = arith.addi %mul3A_496, %add3A_497 : i32
        %swap3A_499 = arith.index_cast %add3A_498 : i32 to index
        %swap3A_500 = arith.constant 0 : index
        %swap3A_501 = tpu.vector_load %arg8[%swap3A_499, %swap3A_500] {strides = array<i32>} : memref<128x128xf32, #tpu.memory_space<vmem>>, vector<1x16xf32>,
        %swap3A_502 = vector.shape_cast %swap3A_501 : vector<1x16xf32> to vector<16xf32>
        %swap3A_503 = vector.shape_cast %get3A_494 : vector<16xf32> to vector<1x16xf32>
        tpu.vector_store %arg8[%swap3A_499, %swap3A_500], %swap3A_503 {strides = array<i32>} : memref<128x128xf32, #tpu.memory_space<vmem>>, vector<1x16xf32>,
        %get3A_504 = arith.index_cast %squeeze3A_490 : i32 to index
        %get3A_505 = arith.constant 16 : index
        %get3A_506 = tpu.vector_load %arg5[%get3A_504, %get3A_505] {strides = array<i32>} : memref<83x128xf32, #tpu.memory_space<vmem>>, vector<1x16xf32>,
        %get3A_507 = vector.shape_cast %get3A_506 : vector<1x16xf32> to vector<16xf32>
        %mul3A_508 = arith.constant 16 : i32
        %mul3A_509 = arith.muli %scan3A_62, %mul3A_508 : i32
        %add3A_510 = arith.constant 4 : i32
        %add3A_511 = arith.addi %mul3A_509, %add3A_510 : i32
        %swap3A_512 = arith.index_cast %add3A_511 : i32 to index
        %swap3A_513 = arith.constant 16 : index
        %swap3A_514 = tpu.vector_load %arg8[%swap3A_512, %swap3A_513] {strides = array<i32>} : memref<128x128xf32, #tpu.memory_space<vmem>>, vector<1x16xf32>,
        %swap3A_515 = vector.shape_cast %swap3A_514 : vector<1x16xf32> to vector<16xf32>
        %swap3A_516 = vector.shape_cast %get3A_507 : vector<16xf32> to vector<1x16xf32>
        tpu.vector_store %arg8[%swap3A_512, %swap3A_513], %swap3A_516 {strides = array<i32>} : memref<128x128xf32, #tpu.memory_space<vmem>>, vector<1x16xf32>,
        %get3A_517 = arith.index_cast %squeeze3A_490 : i32 to index
        %get3A_518 = arith.constant 32 : index
        %get3A_519 = tpu.vector_load %arg5[%get3A_517, %get3A_518] {strides = array<i32>} : memref<83x128xf32, #tpu.memory_space<vmem>>, vector<1x16xf32>,
        %get3A_520 = vector.shape_cast %get3A_519 : vector<1x16xf32> to vector<16xf32>
        %mul3A_521 = arith.constant 16 : i32
        %mul3A_522 = arith.muli %scan3A_62, %mul3A_521 : i32
        %add3A_523 = arith.constant 4 : i32
        %add3A_524 = arith.addi %mul3A_522, %add3A_523 : i32
        %swap3A_525 = arith.index_cast %add3A_524 : i32 to index
        %swap3A_526 = arith.constant 32 : index
        %swap3A_527 = tpu.vector_load %arg8[%swap3A_525, %swap3A_526] {strides = array<i32>} : memref<128x128xf32, #tpu.memory_space<vmem>>, vector<1x16xf32>,
        %swap3A_528 = vector.shape_cast %swap3A_527 : vector<1x16xf32> to vector<16xf32>
        %swap3A_529 = vector.shape_cast %get3A_520 : vector<16xf32> to vector<1x16xf32>
        tpu.vector_store %arg8[%swap3A_525, %swap3A_526], %swap3A_529 {strides = array<i32>} : memref<128x128xf32, #tpu.memory_space<vmem>>, vector<1x16xf32>,
        %get3A_530 = arith.index_cast %squeeze3A_490 : i32 to index
        %get3A_531 = arith.constant 48 : index
        %get3A_532 = tpu.vector_load %arg5[%get3A_530, %get3A_531] {strides = array<i32>} : memref<83x128xf32, #tpu.memory_space<vmem>>, vector<1x16xf32>,
        %get3A_533 = vector.shape_cast %get3A_532 : vector<1x16xf32> to vector<16xf32>
        %mul3A_534 = arith.constant 16 : i32
        %mul3A_535 = arith.muli %scan3A_62, %mul3A_534 : i32
        %add3A_536 = arith.constant 4 : i32
        %add3A_537 = arith.addi %mul3A_535, %add3A_536 : i32
        %swap3A_538 = arith.index_cast %add3A_537 : i32 to index
        %swap3A_539 = arith.constant 48 : index
        %swap3A_540 = tpu.vector_load %arg8[%swap3A_538, %swap3A_539] {strides = array<i32>} : memref<128x128xf32, #tpu.memory_space<vmem>>, vector<1x16xf32>,
        %swap3A_541 = vector.shape_cast %swap3A_540 : vector<1x16xf32> to vector<16xf32>
        %swap3A_542 = vector.shape_cast %get3A_533 : vector<16xf32> to vector<1x16xf32>
        tpu.vector_store %arg8[%swap3A_538, %swap3A_539], %swap3A_542 {strides = array<i32>} : memref<128x128xf32, #tpu.memory_space<vmem>>, vector<1x16xf32>,
        %get3A_543 = arith.index_cast %squeeze3A_490 : i32 to index
        %get3A_544 = arith.constant 64 : index
        %get3A_545 = tpu.vector_load %arg5[%get3A_543, %get3A_544] {strides = array<i32>} : memref<83x128xf32, #tpu.memory_space<vmem>>, vector<1x16xf32>,
        %get3A_546 = vector.shape_cast %get3A_545 : vector<1x16xf32> to vector<16xf32>
        %mul3A_547 = arith.constant 16 : i32
        %mul3A_548 = arith.muli %scan3A_62, %mul3A_547 : i32
        %add3A_549 = arith.constant 4 : i32
        %add3A_550 = arith.addi %mul3A_548, %add3A_549 : i32
        %swap3A_551 = arith.index_cast %add3A_550 : i32 to index
        %swap3A_552 = arith.constant 64 : index
        %swap3A_553 = tpu.vector_load %arg8[%swap3A_551, %swap3A_552] {strides = array<i32>} : memref<128x128xf32, #tpu.memory_space<vmem>>, vector<1x16xf32>,
        %swap3A_554 = vector.shape_cast %swap3A_553 : vector<1x16xf32> to vector<16xf32>
        %swap3A_555 = vector.shape_cast %get3A_546 : vector<16xf32> to vector<1x16xf32>
        tpu.vector_store %arg8[%swap3A_551, %swap3A_552], %swap3A_555 {strides = array<i32>} : memref<128x128xf32, #tpu.memory_space<vmem>>, vector<1x16xf32>,
        %get3A_556 = arith.index_cast %squeeze3A_490 : i32 to index
        %get3A_557 = arith.constant 80 : index
        %get3A_558 = tpu.vector_load %arg5[%get3A_556, %get3A_557] {strides = array<i32>} : memref<83x128xf32, #tpu.memory_space<vmem>>, vector<1x16xf32>,
        %get3A_559 = vector.shape_cast %get3A_558 : vector<1x16xf32> to vector<16xf32>
        %mul3A_560 = arith.constant 16 : i32
        %mul3A_561 = arith.muli %scan3A_62, %mul3A_560 : i32
        %add3A_562 = arith.constant 4 : i32
        %add3A_563 = arith.addi %mul3A_561, %add3A_562 : i32
        %swap3A_564 = arith.index_cast %add3A_563 : i32 to index
        %swap3A_565 = arith.constant 80 : index
        %swap3A_566 = tpu.vector_load %arg8[%swap3A_564, %swap3A_565] {strides = array<i32>} : memref<128x128xf32, #tpu.memory_space<vmem>>, vector<1x16xf32>,
        %swap3A_567 = vector.shape_cast %swap3A_566 : vector<1x16xf32> to vector<16xf32>
        %swap3A_568 = vector.shape_cast %get3A_559 : vector<16xf32> to vector<1x16xf32>
        tpu.vector_store %arg8[%swap3A_564, %swap3A_565], %swap3A_568 {strides = array<i32>} : memref<128x128xf32, #tpu.memory_space<vmem>>, vector<1x16xf32>,
        %get3A_569 = arith.index_cast %squeeze3A_490 : i32 to index
        %get3A_570 = arith.constant 96 : index
        %get3A_571 = tpu.vector_load %arg5[%get3A_569, %get3A_570] {strides = array<i32>} : memref<83x128xf32, #tpu.memory_space<vmem>>, vector<1x16xf32>,
        %get3A_572 = vector.shape_cast %get3A_571 : vector<1x16xf32> to vector<16xf32>
        %mul3A_573 = arith.constant 16 : i32
        %mul3A_574 = arith.muli %scan3A_62, %mul3A_573 : i32
        %add3A_575 = arith.constant 4 : i32
        %add3A_576 = arith.addi %mul3A_574, %add3A_575 : i32
        %swap3A_577 = arith.index_cast %add3A_576 : i32 to index
        %swap3A_578 = arith.constant 96 : index
        %swap3A_579 = tpu.vector_load %arg8[%swap3A_577, %swap3A_578] {strides = array<i32>} : memref<128x128xf32, #tpu.memory_space<vmem>>, vector<1x16xf32>,
        %swap3A_580 = vector.shape_cast %swap3A_579 : vector<1x16xf32> to vector<16xf32>
        %swap3A_581 = vector.shape_cast %get3A_572 : vector<16xf32> to vector<1x16xf32>
        tpu.vector_store %arg8[%swap3A_577, %swap3A_578], %swap3A_581 {strides = array<i32>} : memref<128x128xf32, #tpu.memory_space<vmem>>, vector<1x16xf32>,
        %get3A_582 = arith.index_cast %squeeze3A_490 : i32 to index
        %get3A_583 = arith.constant 112 : index
        %get3A_584 = tpu.vector_load %arg5[%get3A_582, %get3A_583] {strides = array<i32>} : memref<83x128xf32, #tpu.memory_space<vmem>>, vector<1x16xf32>,
        %get3A_585 = vector.shape_cast %get3A_584 : vector<1x16xf32> to vector<16xf32>
        %mul3A_586 = arith.constant 16 : i32
        %mul3A_587 = arith.muli %scan3A_62, %mul3A_586 : i32
        %add3A_588 = arith.constant 4 : i32
        %add3A_589 = arith.addi %mul3A_587, %add3A_588 : i32
        %swap3A_590 = arith.index_cast %add3A_589 : i32 to index
        %swap3A_591 = arith.constant 112 : index
        %swap3A_592 = tpu.vector_load %arg8[%swap3A_590, %swap3A_591] {strides = array<i32>} : memref<128x128xf32, #tpu.memory_space<vmem>>, vector<1x16xf32>,
        %swap3A_593 = vector.shape_cast %swap3A_592 : vector<1x16xf32> to vector<16xf32>
        %swap3A_594 = vector.shape_cast %get3A_585 : vector<16xf32> to vector<1x16xf32>
        tpu.vector_store %arg8[%swap3A_590, %swap3A_591], %swap3A_594 {strides = array<i32>} : memref<128x128xf32, #tpu.memory_space<vmem>>, vector<1x16xf32>,
        %slice3A_595 = vector.extract_strided_slice %get3A_67 {offsets = [5], sizes = [1], strides = [1]} : vector<16xi32> to vector<1xi32>
        %squeeze3A_596 = vector.extract %slice3A_595[0] : i32 from vector<1xi32>
        %get3A_597 = arith.index_cast %squeeze3A_596 : i32 to index
        %get3A_598 = arith.constant 0 : index
        %get3A_599 = tpu.vector_load %arg5[%get3A_597, %get3A_598] {strides = array<i32>} : memref<83x128xf32, #tpu.memory_space<vmem>>, vector<1x16xf32>,
        %get3A_600 = vector.shape_cast %get3A_599 : vector<1x16xf32> to vector<16xf32>
        %mul3A_601 = arith.constant 16 : i32
        %mul3A_602 = arith.muli %scan3A_62, %mul3A_601 : i32
        %add3A_603 = arith.constant 5 : i32
        %add3A_604 = arith.addi %mul3A_602, %add3A_603 : i32
        %swap3A_605 = arith.index_cast %add3A_604 : i32 to index
        %swap3A_606 = arith.constant 0 : index
        %swap3A_607 = tpu.vector_load %arg8[%swap3A_605, %swap3A_606] {strides = array<i32>} : memref<128x128xf32, #tpu.memory_space<vmem>>, vector<1x16xf32>,
        %swap3A_608 = vector.shape_cast %swap3A_607 : vector<1x16xf32> to vector<16xf32>
        %swap3A_609 = vector.shape_cast %get3A_600 : vector<16xf32> to vector<1x16xf32>
        tpu.vector_store %arg8[%swap3A_605, %swap3A_606], %swap3A_609 {strides = array<i32>} : memref<128x128xf32, #tpu.memory_space<vmem>>, vector<1x16xf32>,
        %get3A_610 = arith.index_cast %squeeze3A_596 : i32 to index
        %get3A_611 = arith.constant 16 : index
        %get3A_612 = tpu.vector_load %arg5[%get3A_610, %get3A_611] {strides = array<i32>} : memref<83x128xf32, #tpu.memory_space<vmem>>, vector<1x16xf32>,
        %get3A_613 = vector.shape_cast %get3A_612 : vector<1x16xf32> to vector<16xf32>
        %mul3A_614 = arith.constant 16 : i32
        %mul3A_615 = arith.muli %scan3A_62, %mul3A_614 : i32
        %add3A_616 = arith.constant 5 : i32
        %add3A_617 = arith.addi %mul3A_615, %add3A_616 : i32
        %swap3A_618 = arith.index_cast %add3A_617 : i32 to index
        %swap3A_619 = arith.constant 16 : index
        %swap3A_620 = tpu.vector_load %arg8[%swap3A_618, %swap3A_619] {strides = array<i32>} : memref<128x128xf32, #tpu.memory_space<vmem>>, vector<1x16xf32>,
        %swap3A_621 = vector.shape_cast %swap3A_620 : vector<1x16xf32> to vector<16xf32>
        %swap3A_622 = vector.shape_cast %get3A_613 : vector<16xf32> to vector<1x16xf32>
        tpu.vector_store %arg8[%swap3A_618, %swap3A_619], %swap3A_622 {strides = array<i32>} : memref<128x128xf32, #tpu.memory_space<vmem>>, vector<1x16xf32>,
        %get3A_623 = arith.index_cast %squeeze3A_596 : i32 to index
        %get3A_624 = arith.constant 32 : index
        %get3A_625 = tpu.vector_load %arg5[%get3A_623, %get3A_624] {strides = array<i32>} : memref<83x128xf32, #tpu.memory_space<vmem>>, vector<1x16xf32>,
        %get3A_626 = vector.shape_cast %get3A_625 : vector<1x16xf32> to vector<16xf32>
        %mul3A_627 = arith.constant 16 : i32
        %mul3A_628 = arith.muli %scan3A_62, %mul3A_627 : i32
        %add3A_629 = arith.constant 5 : i32
        %add3A_630 = arith.addi %mul3A_628, %add3A_629 : i32
        %swap3A_631 = arith.index_cast %add3A_630 : i32 to index
        %swap3A_632 = arith.constant 32 : index
        %swap3A_633 = tpu.vector_load %arg8[%swap3A_631, %swap3A_632] {strides = array<i32>} : memref<128x128xf32, #tpu.memory_space<vmem>>, vector<1x16xf32>,
        %swap3A_634 = vector.shape_cast %swap3A_633 : vector<1x16xf32> to vector<16xf32>
        %swap3A_635 = vector.shape_cast %get3A_626 : vector<16xf32> to vector<1x16xf32>
        tpu.vector_store %arg8[%swap3A_631, %swap3A_632], %swap3A_635 {strides = array<i32>} : memref<128x128xf32, #tpu.memory_space<vmem>>, vector<1x16xf32>,
        %get3A_636 = arith.index_cast %squeeze3A_596 : i32 to index
        %get3A_637 = arith.constant 48 : index
        %get3A_638 = tpu.vector_load %arg5[%get3A_636, %get3A_637] {strides = array<i32>} : memref<83x128xf32, #tpu.memory_space<vmem>>, vector<1x16xf32>,
        %get3A_639 = vector.shape_cast %get3A_638 : vector<1x16xf32> to vector<16xf32>
        %mul3A_640 = arith.constant 16 : i32
        %mul3A_641 = arith.muli %scan3A_62, %mul3A_640 : i32
        %add3A_642 = arith.constant 5 : i32
        %add3A_643 = arith.addi %mul3A_641, %add3A_642 : i32
        %swap3A_644 = arith.index_cast %add3A_643 : i32 to index
        %swap3A_645 = arith.constant 48 : index
        %swap3A_646 = tpu.vector_load %arg8[%swap3A_644, %swap3A_645] {strides = array<i32>} : memref<128x128xf32, #tpu.memory_space<vmem>>, vector<1x16xf32>,
        %swap3A_647 = vector.shape_cast %swap3A_646 : vector<1x16xf32> to vector<16xf32>
        %swap3A_648 = vector.shape_cast %get3A_639 : vector<16xf32> to vector<1x16xf32>
        tpu.vector_store %arg8[%swap3A_644, %swap3A_645], %swap3A_648 {strides = array<i32>} : memref<128x128xf32, #tpu.memory_space<vmem>>, vector<1x16xf32>,
        %get3A_649 = arith.index_cast %squeeze3A_596 : i32 to index
        %get3A_650 = arith.constant 64 : index
        %get3A_651 = tpu.vector_load %arg5[%get3A_649, %get3A_650] {strides = array<i32>} : memref<83x128xf32, #tpu.memory_space<vmem>>, vector<1x16xf32>,
        %get3A_652 = vector.shape_cast %get3A_651 : vector<1x16xf32> to vector<16xf32>
        %mul3A_653 = arith.constant 16 : i32
        %mul3A_654 = arith.muli %scan3A_62, %mul3A_653 : i32
        %add3A_655 = arith.constant 5 : i32
        %add3A_656 = arith.addi %mul3A_654, %add3A_655 : i32
        %swap3A_657 = arith.index_cast %add3A_656 : i32 to index
        %swap3A_658 = arith.constant 64 : index
        %swap3A_659 = tpu.vector_load %arg8[%swap3A_657, %swap3A_658] {strides = array<i32>} : memref<128x128xf32, #tpu.memory_space<vmem>>, vector<1x16xf32>,
        %swap3A_660 = vector.shape_cast %swap3A_659 : vector<1x16xf32> to vector<16xf32>
        %swap3A_661 = vector.shape_cast %get3A_652 : vector<16xf32> to vector<1x16xf32>
        tpu.vector_store %arg8[%swap3A_657, %swap3A_658], %swap3A_661 {strides = array<i32>} : memref<128x128xf32, #tpu.memory_space<vmem>>, vector<1x16xf32>,
        %get3A_662 = arith.index_cast %squeeze3A_596 : i32 to index
        %get3A_663 = arith.constant 80 : index
        %get3A_664 = tpu.vector_load %arg5[%get3A_662, %get3A_663] {strides = array<i32>} : memref<83x128xf32, #tpu.memory_space<vmem>>, vector<1x16xf32>,
        %get3A_665 = vector.shape_cast %get3A_664 : vector<1x16xf32> to vector<16xf32>
        %mul3A_666 = arith.constant 16 : i32
        %mul3A_667 = arith.muli %scan3A_62, %mul3A_666 : i32
        %add3A_668 = arith.constant 5 : i32
        %add3A_669 = arith.addi %mul3A_667, %add3A_668 : i32
        %swap3A_670 = arith.index_cast %add3A_669 : i32 to index
        %swap3A_671 = arith.constant 80 : index
        %swap3A_672 = tpu.vector_load %arg8[%swap3A_670, %swap3A_671] {strides = array<i32>} : memref<128x128xf32, #tpu.memory_space<vmem>>, vector<1x16xf32>,
        %swap3A_673 = vector.shape_cast %swap3A_672 : vector<1x16xf32> to vector<16xf32>
        %swap3A_674 = vector.shape_cast %get3A_665 : vector<16xf32> to vector<1x16xf32>
        tpu.vector_store %arg8[%swap3A_670, %swap3A_671], %swap3A_674 {strides = array<i32>} : memref<128x128xf32, #tpu.memory_space<vmem>>, vector<1x16xf32>,
        %get3A_675 = arith.index_cast %squeeze3A_596 : i32 to index
        %get3A_676 = arith.constant 96 : index
        %get3A_677 = tpu.vector_load %arg5[%get3A_675, %get3A_676] {strides = array<i32>} : memref<83x128xf32, #tpu.memory_space<vmem>>, vector<1x16xf32>,
        %get3A_678 = vector.shape_cast %get3A_677 : vector<1x16xf32> to vector<16xf32>
        %mul3A_679 = arith.constant 16 : i32
        %mul3A_680 = arith.muli %scan3A_62, %mul3A_679 : i32
        %add3A_681 = arith.constant 5 : i32
        %add3A_682 = arith.addi %mul3A_680, %add3A_681 : i32
        %swap3A_683 = arith.index_cast %add3A_682 : i32 to index
        %swap3A_684 = arith.constant 96 : index
        %swap3A_685 = tpu.vector_load %arg8[%swap3A_683, %swap3A_684] {strides = array<i32>} : memref<128x128xf32, #tpu.memory_space<vmem>>, vector<1x16xf32>,
        %swap3A_686 = vector.shape_cast %swap3A_685 : vector<1x16xf32> to vector<16xf32>
        %swap3A_687 = vector.shape_cast %get3A_678 : vector<16xf32> to vector<1x16xf32>
        tpu.vector_store %arg8[%swap3A_683, %swap3A_684], %swap3A_687 {strides = array<i32>} : memref<128x128xf32, #tpu.memory_space<vmem>>, vector<1x16xf32>,
        %get3A_688 = arith.index_cast %squeeze3A_596 : i32 to index
        %get3A_689 = arith.constant 112 : index
        %get3A_690 = tpu.vector_load %arg5[%get3A_688, %get3A_689] {strides = array<i32>} : memref<83x128xf32, #tpu.memory_space<vmem>>, vector<1x16xf32>,
        %get3A_691 = vector.shape_cast %get3A_690 : vector<1x16xf32> to vector<16xf32>
        %mul3A_692 = arith.constant 16 : i32
        %mul3A_693 = arith.muli %scan3A_62, %mul3A_692 : i32
        %add3A_694 = arith.constant 5 : i32
        %add3A_695 = arith.addi %mul3A_693, %add3A_694 : i32
        %swap3A_696 = arith.index_cast %add3A_695 : i32 to index
        %swap3A_697 = arith.constant 112 : index
        %swap3A_698 = tpu.vector_load %arg8[%swap3A_696, %swap3A_697] {strides = array<i32>} : memref<128x128xf32, #tpu.memory_space<vmem>>, vector<1x16xf32>,
        %swap3A_699 = vector.shape_cast %swap3A_698 : vector<1x16xf32> to vector<16xf32>
        %swap3A_700 = vector.shape_cast %get3A_691 : vector<16xf32> to vector<1x16xf32>
        tpu.vector_store %arg8[%swap3A_696, %swap3A_697], %swap3A_700 {strides = array<i32>} : memref<128x128xf32, #tpu.memory_space<vmem>>, vector<1x16xf32>,
        %slice3A_701 = vector.extract_strided_slice %get3A_67 {offsets = [6], sizes = [1], strides = [1]} : vector<16xi32> to vector<1xi32>
        %squeeze3A_702 = vector.extract %slice3A_701[0] : i32 from vector<1xi32>
        %get3A_703 = arith.index_cast %squeeze3A_702 : i32 to index
        %get3A_704 = arith.constant 0 : index
        %get3A_705 = tpu.vector_load %arg5[%get3A_703, %get3A_704] {strides = array<i32>} : memref<83x128xf32, #tpu.memory_space<vmem>>, vector<1x16xf32>,
        %get3A_706 = vector.shape_cast %get3A_705 : vector<1x16xf32> to vector<16xf32>
        %mul3A_707 = arith.constant 16 : i32
        %mul3A_708 = arith.muli %scan3A_62, %mul3A_707 : i32
        %add3A_709 = arith.constant 6 : i32
        %add3A_710 = arith.addi %mul3A_708, %add3A_709 : i32
        %swap3A_711 = arith.index_cast %add3A_710 : i32 to index
        %swap3A_712 = arith.constant 0 : index
        %swap3A_713 = tpu.vector_load %arg8[%swap3A_711, %swap3A_712] {strides = array<i32>} : memref<128x128xf32, #tpu.memory_space<vmem>>, vector<1x16xf32>,
        %swap3A_714 = vector.shape_cast %swap3A_713 : vector<1x16xf32> to vector<16xf32>
        %swap3A_715 = vector.shape_cast %get3A_706 : vector<16xf32> to vector<1x16xf32>
        tpu.vector_store %arg8[%swap3A_711, %swap3A_712], %swap3A_715 {strides = array<i32>} : memref<128x128xf32, #tpu.memory_space<vmem>>, vector<1x16xf32>,
        %get3A_716 = arith.index_cast %squeeze3A_702 : i32 to index
        %get3A_717 = arith.constant 16 : index
        %get3A_718 = tpu.vector_load %arg5[%get3A_716, %get3A_717] {strides = array<i32>} : memref<83x128xf32, #tpu.memory_space<vmem>>, vector<1x16xf32>,
        %get3A_719 = vector.shape_cast %get3A_718 : vector<1x16xf32> to vector<16xf32>
        %mul3A_720 = arith.constant 16 : i32
        %mul3A_721 = arith.muli %scan3A_62, %mul3A_720 : i32
        %add3A_722 = arith.constant 6 : i32
        %add3A_723 = arith.addi %mul3A_721, %add3A_722 : i32
        %swap3A_724 = arith.index_cast %add3A_723 : i32 to index
        %swap3A_725 = arith.constant 16 : index
        %swap3A_726 = tpu.vector_load %arg8[%swap3A_724, %swap3A_725] {strides = array<i32>} : memref<128x128xf32, #tpu.memory_space<vmem>>, vector<1x16xf32>,
        %swap3A_727 = vector.shape_cast %swap3A_726 : vector<1x16xf32> to vector<16xf32>
        %swap3A_728 = vector.shape_cast %get3A_719 : vector<16xf32> to vector<1x16xf32>
        tpu.vector_store %arg8[%swap3A_724, %swap3A_725], %swap3A_728 {strides = array<i32>} : memref<128x128xf32, #tpu.memory_space<vmem>>, vector<1x16xf32>,
        %get3A_729 = arith.index_cast %squeeze3A_702 : i32 to index
        %get3A_730 = arith.constant 32 : index
        %get3A_731 = tpu.vector_load %arg5[%get3A_729, %get3A_730] {strides = array<i32>} : memref<83x128xf32, #tpu.memory_space<vmem>>, vector<1x16xf32>,
        %get3A_732 = vector.shape_cast %get3A_731 : vector<1x16xf32> to vector<16xf32>
        %mul3A_733 = arith.constant 16 : i32
        %mul3A_734 = arith.muli %scan3A_62, %mul3A_733 : i32
        %add3A_735 = arith.constant 6 : i32
        %add3A_736 = arith.addi %mul3A_734, %add3A_735 : i32
        %swap3A_737 = arith.index_cast %add3A_736 : i32 to index
        %swap3A_738 = arith.constant 32 : index
        %swap3A_739 = tpu.vector_load %arg8[%swap3A_737, %swap3A_738] {strides = array<i32>} : memref<128x128xf32, #tpu.memory_space<vmem>>, vector<1x16xf32>,
        %swap3A_740 = vector.shape_cast %swap3A_739 : vector<1x16xf32> to vector<16xf32>
        %swap3A_741 = vector.shape_cast %get3A_732 : vector<16xf32> to vector<1x16xf32>
        tpu.vector_store %arg8[%swap3A_737, %swap3A_738], %swap3A_741 {strides = array<i32>} : memref<128x128xf32, #tpu.memory_space<vmem>>, vector<1x16xf32>,
        %get3A_742 = arith.index_cast %squeeze3A_702 : i32 to index
        %get3A_743 = arith.constant 48 : index
        %get3A_744 = tpu.vector_load %arg5[%get3A_742, %get3A_743] {strides = array<i32>} : memref<83x128xf32, #tpu.memory_space<vmem>>, vector<1x16xf32>,
        %get3A_745 = vector.shape_cast %get3A_744 : vector<1x16xf32> to vector<16xf32>
        %mul3A_746 = arith.constant 16 : i32
        %mul3A_747 = arith.muli %scan3A_62, %mul3A_746 : i32
        %add3A_748 = arith.constant 6 : i32
        %add3A_749 = arith.addi %mul3A_747, %add3A_748 : i32
        %swap3A_750 = arith.index_cast %add3A_749 : i32 to index
        %swap3A_751 = arith.constant 48 : index
        %swap3A_752 = tpu.vector_load %arg8[%swap3A_750, %swap3A_751] {strides = array<i32>} : memref<128x128xf32, #tpu.memory_space<vmem>>, vector<1x16xf32>,
        %swap3A_753 = vector.shape_cast %swap3A_752 : vector<1x16xf32> to vector<16xf32>
        %swap3A_754 = vector.shape_cast %get3A_745 : vector<16xf32> to vector<1x16xf32>
        tpu.vector_store %arg8[%swap3A_750, %swap3A_751], %swap3A_754 {strides = array<i32>} : memref<128x128xf32, #tpu.memory_space<vmem>>, vector<1x16xf32>,
        %get3A_755 = arith.index_cast %squeeze3A_702 : i32 to index
        %get3A_756 = arith.constant 64 : index
        %get3A_757 = tpu.vector_load %arg5[%get3A_755, %get3A_756] {strides = array<i32>} : memref<83x128xf32, #tpu.memory_space<vmem>>, vector<1x16xf32>,
        %get3A_758 = vector.shape_cast %get3A_757 : vector<1x16xf32> to vector<16xf32>
        %mul3A_759 = arith.constant 16 : i32
        %mul3A_760 = arith.muli %scan3A_62, %mul3A_759 : i32
        %add3A_761 = arith.constant 6 : i32
        %add3A_762 = arith.addi %mul3A_760, %add3A_761 : i32
        %swap3A_763 = arith.index_cast %add3A_762 : i32 to index
        %swap3A_764 = arith.constant 64 : index
        %swap3A_765 = tpu.vector_load %arg8[%swap3A_763, %swap3A_764] {strides = array<i32>} : memref<128x128xf32, #tpu.memory_space<vmem>>, vector<1x16xf32>,
        %swap3A_766 = vector.shape_cast %swap3A_765 : vector<1x16xf32> to vector<16xf32>
        %swap3A_767 = vector.shape_cast %get3A_758 : vector<16xf32> to vector<1x16xf32>
        tpu.vector_store %arg8[%swap3A_763, %swap3A_764], %swap3A_767 {strides = array<i32>} : memref<128x128xf32, #tpu.memory_space<vmem>>, vector<1x16xf32>,
        %get3A_768 = arith.index_cast %squeeze3A_702 : i32 to index
        %get3A_769 = arith.constant 80 : index
        %get3A_770 = tpu.vector_load %arg5[%get3A_768, %get3A_769] {strides = array<i32>} : memref<83x128xf32, #tpu.memory_space<vmem>>, vector<1x16xf32>,
        %get3A_771 = vector.shape_cast %get3A_770 : vector<1x16xf32> to vector<16xf32>
        %mul3A_772 = arith.constant 16 : i32
        %mul3A_773 = arith.muli %scan3A_62, %mul3A_772 : i32
        %add3A_774 = arith.constant 6 : i32
        %add3A_775 = arith.addi %mul3A_773, %add3A_774 : i32
        %swap3A_776 = arith.index_cast %add3A_775 : i32 to index
        %swap3A_777 = arith.constant 80 : index
        %swap3A_778 = tpu.vector_load %arg8[%swap3A_776, %swap3A_777] {strides = array<i32>} : memref<128x128xf32, #tpu.memory_space<vmem>>, vector<1x16xf32>,
        %swap3A_779 = vector.shape_cast %swap3A_778 : vector<1x16xf32> to vector<16xf32>
        %swap3A_780 = vector.shape_cast %get3A_771 : vector<16xf32> to vector<1x16xf32>
        tpu.vector_store %arg8[%swap3A_776, %swap3A_777], %swap3A_780 {strides = array<i32>} : memref<128x128xf32, #tpu.memory_space<vmem>>, vector<1x16xf32>,
        %get3A_781 = arith.index_cast %squeeze3A_702 : i32 to index
        %get3A_782 = arith.constant 96 : index
        %get3A_783 = tpu.vector_load %arg5[%get3A_781, %get3A_782] {strides = array<i32>} : memref<83x128xf32, #tpu.memory_space<vmem>>, vector<1x16xf32>,
        %get3A_784 = vector.shape_cast %get3A_783 : vector<1x16xf32> to vector<16xf32>
        %mul3A_785 = arith.constant 16 : i32
        %mul3A_786 = arith.muli %scan3A_62, %mul3A_785 : i32
        %add3A_787 = arith.constant 6 : i32
        %add3A_788 = arith.addi %mul3A_786, %add3A_787 : i32
        %swap3A_789 = arith.index_cast %add3A_788 : i32 to index
        %swap3A_790 = arith.constant 96 : index
        %swap3A_791 = tpu.vector_load %arg8[%swap3A_789, %swap3A_790] {strides = array<i32>} : memref<128x128xf32, #tpu.memory_space<vmem>>, vector<1x16xf32>,
        %swap3A_792 = vector.shape_cast %swap3A_791 : vector<1x16xf32> to vector<16xf32>
        %swap3A_793 = vector.shape_cast %get3A_784 : vector<16xf32> to vector<1x16xf32>
        tpu.vector_store %arg8[%swap3A_789, %swap3A_790], %swap3A_793 {strides = array<i32>} : memref<128x128xf32, #tpu.memory_space<vmem>>, vector<1x16xf32>,
        %get3A_794 = arith.index_cast %squeeze3A_702 : i32 to index
        %get3A_795 = arith.constant 112 : index
        %get3A_796 = tpu.vector_load %arg5[%get3A_794, %get3A_795] {strides = array<i32>} : memref<83x128xf32, #tpu.memory_space<vmem>>, vector<1x16xf32>,
        %get3A_797 = vector.shape_cast %get3A_796 : vector<1x16xf32> to vector<16xf32>
        %mul3A_798 = arith.constant 16 : i32
        %mul3A_799 = arith.muli %scan3A_62, %mul3A_798 : i32
        %add3A_800 = arith.constant 6 : i32
        %add3A_801 = arith.addi %mul3A_799, %add3A_800 : i32
        %swap3A_802 = arith.index_cast %add3A_801 : i32 to index
        %swap3A_803 = arith.constant 112 : index
        %swap3A_804 = tpu.vector_load %arg8[%swap3A_802, %swap3A_803] {strides = array<i32>} : memref<128x128xf32, #tpu.memory_space<vmem>>, vector<1x16xf32>,
        %swap3A_805 = vector.shape_cast %swap3A_804 : vector<1x16xf32> to vector<16xf32>
        %swap3A_806 = vector.shape_cast %get3A_797 : vector<16xf32> to vector<1x16xf32>
        tpu.vector_store %arg8[%swap3A_802, %swap3A_803], %swap3A_806 {strides = array<i32>} : memref<128x128xf32, #tpu.memory_space<vmem>>, vector<1x16xf32>,
        %slice3A_807 = vector.extract_strided_slice %get3A_67 {offsets = [7], sizes = [1], strides = [1]} : vector<16xi32> to vector<1xi32>
        %squeeze3A_808 = vector.extract %slice3A_807[0] : i32 from vector<1xi32>
        %get3A_809 = arith.index_cast %squeeze3A_808 : i32 to index
        %get3A_810 = arith.constant 0 : index
        %get3A_811 = tpu.vector_load %arg5[%get3A_809, %get3A_810] {strides = array<i32>} : memref<83x128xf32, #tpu.memory_space<vmem>>, vector<1x16xf32>,
        %get3A_812 = vector.shape_cast %get3A_811 : vector<1x16xf32> to vector<16xf32>
        %mul3A_813 = arith.constant 16 : i32
        %mul3A_814 = arith.muli %scan3A_62, %mul3A_813 : i32
        %add3A_815 = arith.constant 7 : i32
        %add3A_816 = arith.addi %mul3A_814, %add3A_815 : i32
        %swap3A_817 = arith.index_cast %add3A_816 : i32 to index
        %swap3A_818 = arith.constant 0 : index
        %swap3A_819 = tpu.vector_load %arg8[%swap3A_817, %swap3A_818] {strides = array<i32>} : memref<128x128xf32, #tpu.memory_space<vmem>>, vector<1x16xf32>,
        %swap3A_820 = vector.shape_cast %swap3A_819 : vector<1x16xf32> to vector<16xf32>
        %swap3A_821 = vector.shape_cast %get3A_812 : vector<16xf32> to vector<1x16xf32>
        tpu.vector_store %arg8[%swap3A_817, %swap3A_818], %swap3A_821 {strides = array<i32>} : memref<128x128xf32, #tpu.memory_space<vmem>>, vector<1x16xf32>,
        %get3A_822 = arith.index_cast %squeeze3A_808 : i32 to index
        %get3A_823 = arith.constant 16 : index
        %get3A_824 = tpu.vector_load %arg5[%get3A_822, %get3A_823] {strides = array<i32>} : memref<83x128xf32, #tpu.memory_space<vmem>>, vector<1x16xf32>,
        %get3A_825 = vector.shape_cast %get3A_824 : vector<1x16xf32> to vector<16xf32>
        %mul3A_826 = arith.constant 16 : i32
        %mul3A_827 = arith.muli %scan3A_62, %mul3A_826 : i32
        %add3A_828 = arith.constant 7 : i32
        %add3A_829 = arith.addi %mul3A_827, %add3A_828 : i32
        %swap3A_830 = arith.index_cast %add3A_829 : i32 to index
        %swap3A_831 = arith.constant 16 : index
        %swap3A_832 = tpu.vector_load %arg8[%swap3A_830, %swap3A_831] {strides = array<i32>} : memref<128x128xf32, #tpu.memory_space<vmem>>, vector<1x16xf32>,
        %swap3A_833 = vector.shape_cast %swap3A_832 : vector<1x16xf32> to vector<16xf32>
        %swap3A_834 = vector.shape_cast %get3A_825 : vector<16xf32> to vector<1x16xf32>
        tpu.vector_store %arg8[%swap3A_830, %swap3A_831], %swap3A_834 {strides = array<i32>} : memref<128x128xf32, #tpu.memory_space<vmem>>, vector<1x16xf32>,
        %get3A_835 = arith.index_cast %squeeze3A_808 : i32 to index
        %get3A_836 = arith.constant 32 : index
        %get3A_837 = tpu.vector_load %arg5[%get3A_835, %get3A_836] {strides = array<i32>} : memref<83x128xf32, #tpu.memory_space<vmem>>, vector<1x16xf32>,
        %get3A_838 = vector.shape_cast %get3A_837 : vector<1x16xf32> to vector<16xf32>
        %mul3A_839 = arith.constant 16 : i32
        %mul3A_840 = arith.muli %scan3A_62, %mul3A_839 : i32
        %add3A_841 = arith.constant 7 : i32
        %add3A_842 = arith.addi %mul3A_840, %add3A_841 : i32
        %swap3A_843 = arith.index_cast %add3A_842 : i32 to index
        %swap3A_844 = arith.constant 32 : index
        %swap3A_845 = tpu.vector_load %arg8[%swap3A_843, %swap3A_844] {strides = array<i32>} : memref<128x128xf32, #tpu.memory_space<vmem>>, vector<1x16xf32>,
        %swap3A_846 = vector.shape_cast %swap3A_845 : vector<1x16xf32> to vector<16xf32>
        %swap3A_847 = vector.shape_cast %get3A_838 : vector<16xf32> to vector<1x16xf32>
        tpu.vector_store %arg8[%swap3A_843, %swap3A_844], %swap3A_847 {strides = array<i32>} : memref<128x128xf32, #tpu.memory_space<vmem>>, vector<1x16xf32>,
        %get3A_848 = arith.index_cast %squeeze3A_808 : i32 to index
        %get3A_849 = arith.constant 48 : index
        %get3A_850 = tpu.vector_load %arg5[%get3A_848, %get3A_849] {strides = array<i32>} : memref<83x128xf32, #tpu.memory_space<vmem>>, vector<1x16xf32>,
        %get3A_851 = vector.shape_cast %get3A_850 : vector<1x16xf32> to vector<16xf32>
        %mul3A_852 = arith.constant 16 : i32
        %mul3A_853 = arith.muli %scan3A_62, %mul3A_852 : i32
        %add3A_854 = arith.constant 7 : i32
        %add3A_855 = arith.addi %mul3A_853, %add3A_854 : i32
        %swap3A_856 = arith.index_cast %add3A_855 : i32 to index
        %swap3A_857 = arith.constant 48 : index
        %swap3A_858 = tpu.vector_load %arg8[%swap3A_856, %swap3A_857] {strides = array<i32>} : memref<128x128xf32, #tpu.memory_space<vmem>>, vector<1x16xf32>,
        %swap3A_859 = vector.shape_cast %swap3A_858 : vector<1x16xf32> to vector<16xf32>
        %swap3A_860 = vector.shape_cast %get3A_851 : vector<16xf32> to vector<1x16xf32>
        tpu.vector_store %arg8[%swap3A_856, %swap3A_857], %swap3A_860 {strides = array<i32>} : memref<128x128xf32, #tpu.memory_space<vmem>>, vector<1x16xf32>,
        %get3A_861 = arith.index_cast %squeeze3A_808 : i32 to index
        %get3A_862 = arith.constant 64 : index
        %get3A_863 = tpu.vector_load %arg5[%get3A_861, %get3A_862] {strides = array<i32>} : memref<83x128xf32, #tpu.memory_space<vmem>>, vector<1x16xf32>,
        %get3A_864 = vector.shape_cast %get3A_863 : vector<1x16xf32> to vector<16xf32>
        %mul3A_865 = arith.constant 16 : i32
        %mul3A_866 = arith.muli %scan3A_62, %mul3A_865 : i32
        %add3A_867 = arith.constant 7 : i32
        %add3A_868 = arith.addi %mul3A_866, %add3A_867 : i32
        %swap3A_869 = arith.index_cast %add3A_868 : i32 to index
        %swap3A_870 = arith.constant 64 : index
        %swap3A_871 = tpu.vector_load %arg8[%swap3A_869, %swap3A_870] {strides = array<i32>} : memref<128x128xf32, #tpu.memory_space<vmem>>, vector<1x16xf32>,
        %swap3A_872 = vector.shape_cast %swap3A_871 : vector<1x16xf32> to vector<16xf32>
        %swap3A_873 = vector.shape_cast %get3A_864 : vector<16xf32> to vector<1x16xf32>
        tpu.vector_store %arg8[%swap3A_869, %swap3A_870], %swap3A_873 {strides = array<i32>} : memref<128x128xf32, #tpu.memory_space<vmem>>, vector<1x16xf32>,
        %get3A_874 = arith.index_cast %squeeze3A_808 : i32 to index
        %get3A_875 = arith.constant 80 : index
        %get3A_876 = tpu.vector_load %arg5[%get3A_874, %get3A_875] {strides = array<i32>} : memref<83x128xf32, #tpu.memory_space<vmem>>, vector<1x16xf32>,
        %get3A_877 = vector.shape_cast %get3A_876 : vector<1x16xf32> to vector<16xf32>
        %mul3A_878 = arith.constant 16 : i32
        %mul3A_879 = arith.muli %scan3A_62, %mul3A_878 : i32
        %add3A_880 = arith.constant 7 : i32
        %add3A_881 = arith.addi %mul3A_879, %add3A_880 : i32
        %swap3A_882 = arith.index_cast %add3A_881 : i32 to index
        %swap3A_883 = arith.constant 80 : index
        %swap3A_884 = tpu.vector_load %arg8[%swap3A_882, %swap3A_883] {strides = array<i32>} : memref<128x128xf32, #tpu.memory_space<vmem>>, vector<1x16xf32>,
        %swap3A_885 = vector.shape_cast %swap3A_884 : vector<1x16xf32> to vector<16xf32>
        %swap3A_886 = vector.shape_cast %get3A_877 : vector<16xf32> to vector<1x16xf32>
        tpu.vector_store %arg8[%swap3A_882, %swap3A_883], %swap3A_886 {strides = array<i32>} : memref<128x128xf32, #tpu.memory_space<vmem>>, vector<1x16xf32>,
        %get3A_887 = arith.index_cast %squeeze3A_808 : i32 to index
        %get3A_888 = arith.constant 96 : index
        %get3A_889 = tpu.vector_load %arg5[%get3A_887, %get3A_888] {strides = array<i32>} : memref<83x128xf32, #tpu.memory_space<vmem>>, vector<1x16xf32>,
        %get3A_890 = vector.shape_cast %get3A_889 : vector<1x16xf32> to vector<16xf32>
        %mul3A_891 = arith.constant 16 : i32
        %mul3A_892 = arith.muli %scan3A_62, %mul3A_891 : i32
        %add3A_893 = arith.constant 7 : i32
        %add3A_894 = arith.addi %mul3A_892, %add3A_893 : i32
        %swap3A_895 = arith.index_cast %add3A_894 : i32 to index
        %swap3A_896 = arith.constant 96 : index
        %swap3A_897 = tpu.vector_load %arg8[%swap3A_895, %swap3A_896] {strides = array<i32>} : memref<128x128xf32, #tpu.memory_space<vmem>>, vector<1x16xf32>,
        %swap3A_898 = vector.shape_cast %swap3A_897 : vector<1x16xf32> to vector<16xf32>
        %swap3A_899 = vector.shape_cast %get3A_890 : vector<16xf32> to vector<1x16xf32>
        tpu.vector_store %arg8[%swap3A_895, %swap3A_896], %swap3A_899 {strides = array<i32>} : memref<128x128xf32, #tpu.memory_space<vmem>>, vector<1x16xf32>,
        %get3A_900 = arith.index_cast %squeeze3A_808 : i32 to index
        %get3A_901 = arith.constant 112 : index
        %get3A_902 = tpu.vector_load %arg5[%get3A_900, %get3A_901] {strides = array<i32>} : memref<83x128xf32, #tpu.memory_space<vmem>>, vector<1x16xf32>,
        %get3A_903 = vector.shape_cast %get3A_902 : vector<1x16xf32> to vector<16xf32>
        %mul3A_904 = arith.constant 16 : i32
        %mul3A_905 = arith.muli %scan3A_62, %mul3A_904 : i32
        %add3A_906 = arith.constant 7 : i32
        %add3A_907 = arith.addi %mul3A_905, %add3A_906 : i32
        %swap3A_908 = arith.index_cast %add3A_907 : i32 to index
        %swap3A_909 = arith.constant 112 : index
        %swap3A_910 = tpu.vector_load %arg8[%swap3A_908, %swap3A_909] {strides = array<i32>} : memref<128x128xf32, #tpu.memory_space<vmem>>, vector<1x16xf32>,
        %swap3A_911 = vector.shape_cast %swap3A_910 : vector<1x16xf32> to vector<16xf32>
        %swap3A_912 = vector.shape_cast %get3A_903 : vector<16xf32> to vector<1x16xf32>
        tpu.vector_store %arg8[%swap3A_908, %swap3A_909], %swap3A_912 {strides = array<i32>} : memref<128x128xf32, #tpu.memory_space<vmem>>, vector<1x16xf32>,
        %slice3A_913 = vector.extract_strided_slice %get3A_67 {offsets = [8], sizes = [1], strides = [1]} : vector<16xi32> to vector<1xi32>
        %squeeze3A_914 = vector.extract %slice3A_913[0] : i32 from vector<1xi32>
        %get3A_915 = arith.index_cast %squeeze3A_914 : i32 to index
        %get3A_916 = arith.constant 0 : index
        %get3A_917 = tpu.vector_load %arg5[%get3A_915, %get3A_916] {strides = array<i32>} : memref<83x128xf32, #tpu.memory_space<vmem>>, vector<1x16xf32>,
        %get3A_918 = vector.shape_cast %get3A_917 : vector<1x16xf32> to vector<16xf32>
        %mul3A_919 = arith.constant 16 : i32
        %mul3A_920 = arith.muli %scan3A_62, %mul3A_919 : i32
        %add3A_921 = arith.constant 8 : i32
        %add3A_922 = arith.addi %mul3A_920, %add3A_921 : i32
        %swap3A_923 = arith.index_cast %add3A_922 : i32 to index
        %swap3A_924 = arith.constant 0 : index
        %swap3A_925 = tpu.vector_load %arg8[%swap3A_923, %swap3A_924] {strides = array<i32>} : memref<128x128xf32, #tpu.memory_space<vmem>>, vector<1x16xf32>,
        %swap3A_926 = vector.shape_cast %swap3A_925 : vector<1x16xf32> to vector<16xf32>
        %swap3A_927 = vector.shape_cast %get3A_918 : vector<16xf32> to vector<1x16xf32>
        tpu.vector_store %arg8[%swap3A_923, %swap3A_924], %swap3A_927 {strides = array<i32>} : memref<128x128xf32, #tpu.memory_space<vmem>>, vector<1x16xf32>,
        %get3A_928 = arith.index_cast %squeeze3A_914 : i32 to index
        %get3A_929 = arith.constant 16 : index
        %get3A_930 = tpu.vector_load %arg5[%get3A_928, %get3A_929] {strides = array<i32>} : memref<83x128xf32, #tpu.memory_space<vmem>>, vector<1x16xf32>,
        %get3A_931 = vector.shape_cast %get3A_930 : vector<1x16xf32> to vector<16xf32>
        %mul3A_932 = arith.constant 16 : i32
        %mul3A_933 = arith.muli %scan3A_62, %mul3A_932 : i32
        %add3A_934 = arith.constant 8 : i32
        %add3A_935 = arith.addi %mul3A_933, %add3A_934 : i32
        %swap3A_936 = arith.index_cast %add3A_935 : i32 to index
        %swap3A_937 = arith.constant 16 : index
        %swap3A_938 = tpu.vector_load %arg8[%swap3A_936, %swap3A_937] {strides = array<i32>} : memref<128x128xf32, #tpu.memory_space<vmem>>, vector<1x16xf32>,
        %swap3A_939 = vector.shape_cast %swap3A_938 : vector<1x16xf32> to vector<16xf32>
        %swap3A_940 = vector.shape_cast %get3A_931 : vector<16xf32> to vector<1x16xf32>
        tpu.vector_store %arg8[%swap3A_936, %swap3A_937], %swap3A_940 {strides = array<i32>} : memref<128x128xf32, #tpu.memory_space<vmem>>, vector<1x16xf32>,
        %get3A_941 = arith.index_cast %squeeze3A_914 : i32 to index
        %get3A_942 = arith.constant 32 : index
        %get3A_943 = tpu.vector_load %arg5[%get3A_941, %get3A_942] {strides = array<i32>} : memref<83x128xf32, #tpu.memory_space<vmem>>, vector<1x16xf32>,
        %get3A_944 = vector.shape_cast %get3A_943 : vector<1x16xf32> to vector<16xf32>
        %mul3A_945 = arith.constant 16 : i32
        %mul3A_946 = arith.muli %scan3A_62, %mul3A_945 : i32
        %add3A_947 = arith.constant 8 : i32
        %add3A_948 = arith.addi %mul3A_946, %add3A_947 : i32
        %swap3A_949 = arith.index_cast %add3A_948 : i32 to index
        %swap3A_950 = arith.constant 32 : index
        %swap3A_951 = tpu.vector_load %arg8[%swap3A_949, %swap3A_950] {strides = array<i32>} : memref<128x128xf32, #tpu.memory_space<vmem>>, vector<1x16xf32>,
        %swap3A_952 = vector.shape_cast %swap3A_951 : vector<1x16xf32> to vector<16xf32>
        %swap3A_953 = vector.shape_cast %get3A_944 : vector<16xf32> to vector<1x16xf32>
        tpu.vector_store %arg8[%swap3A_949, %swap3A_950], %swap3A_953 {strides = array<i32>} : memref<128x128xf32, #tpu.memory_space<vmem>>, vector<1x16xf32>,
        %get3A_954 = arith.index_cast %squeeze3A_914 : i32 to index
        %get3A_955 = arith.constant 48 : index
        %get3A_956 = tpu.vector_load %arg5[%get3A_954, %get3A_955] {strides = array<i32>} : memref<83x128xf32, #tpu.memory_space<vmem>>, vector<1x16xf32>,
        %get3A_957 = vector.shape_cast %get3A_956 : vector<1x16xf32> to vector<16xf32>
        %mul3A_958 = arith.constant 16 : i32
        %mul3A_959 = arith.muli %scan3A_62, %mul3A_958 : i32
        %add3A_960 = arith.constant 8 : i32
        %add3A_961 = arith.addi %mul3A_959, %add3A_960 : i32
        %swap3A_962 = arith.index_cast %add3A_961 : i32 to index
        %swap3A_963 = arith.constant 48 : index
        %swap3A_964 = tpu.vector_load %arg8[%swap3A_962, %swap3A_963] {strides = array<i32>} : memref<128x128xf32, #tpu.memory_space<vmem>>, vector<1x16xf32>,
        %swap3A_965 = vector.shape_cast %swap3A_964 : vector<1x16xf32> to vector<16xf32>
        %swap3A_966 = vector.shape_cast %get3A_957 : vector<16xf32> to vector<1x16xf32>
        tpu.vector_store %arg8[%swap3A_962, %swap3A_963], %swap3A_966 {strides = array<i32>} : memref<128x128xf32, #tpu.memory_space<vmem>>, vector<1x16xf32>,
        %get3A_967 = arith.index_cast %squeeze3A_914 : i32 to index
        %get3A_968 = arith.constant 64 : index
        %get3A_969 = tpu.vector_load %arg5[%get3A_967, %get3A_968] {strides = array<i32>} : memref<83x128xf32, #tpu.memory_space<vmem>>, vector<1x16xf32>,
        %get3A_970 = vector.shape_cast %get3A_969 : vector<1x16xf32> to vector<16xf32>
        %mul3A_971 = arith.constant 16 : i32
        %mul3A_972 = arith.muli %scan3A_62, %mul3A_971 : i32
        %add3A_973 = arith.constant 8 : i32
        %add3A_974 = arith.addi %mul3A_972, %add3A_973 : i32
        %swap3A_975 = arith.index_cast %add3A_974 : i32 to index
        %swap3A_976 = arith.constant 64 : index
        %swap3A_977 = tpu.vector_load %arg8[%swap3A_975, %swap3A_976] {strides = array<i32>} : memref<128x128xf32, #tpu.memory_space<vmem>>, vector<1x16xf32>,
        %swap3A_978 = vector.shape_cast %swap3A_977 : vector<1x16xf32> to vector<16xf32>
        %swap3A_979 = vector.shape_cast %get3A_970 : vector<16xf32> to vector<1x16xf32>
        tpu.vector_store %arg8[%swap3A_975, %swap3A_976], %swap3A_979 {strides = array<i32>} : memref<128x128xf32, #tpu.memory_space<vmem>>, vector<1x16xf32>,
        %get3A_980 = arith.index_cast %squeeze3A_914 : i32 to index
        %get3A_981 = arith.constant 80 : index
        %get3A_982 = tpu.vector_load %arg5[%get3A_980, %get3A_981] {strides = array<i32>} : memref<83x128xf32, #tpu.memory_space<vmem>>, vector<1x16xf32>,
        %get3A_983 = vector.shape_cast %get3A_982 : vector<1x16xf32> to vector<16xf32>
        %mul3A_984 = arith.constant 16 : i32
        %mul3A_985 = arith.muli %scan3A_62, %mul3A_984 : i32
        %add3A_986 = arith.constant 8 : i32
        %add3A_987 = arith.addi %mul3A_985, %add3A_986 : i32
        %swap3A_988 = arith.index_cast %add3A_987 : i32 to index
        %swap3A_989 = arith.constant 80 : index
        %swap3A_990 = tpu.vector_load %arg8[%swap3A_988, %swap3A_989] {strides = array<i32>} : memref<128x128xf32, #tpu.memory_space<vmem>>, vector<1x16xf32>,
        %swap3A_991 = vector.shape_cast %swap3A_990 : vector<1x16xf32> to vector<16xf32>
        %swap3A_992 = vector.shape_cast %get3A_983 : vector<16xf32> to vector<1x16xf32>
        tpu.vector_store %arg8[%swap3A_988, %swap3A_989], %swap3A_992 {strides = array<i32>} : memref<128x128xf32, #tpu.memory_space<vmem>>, vector<1x16xf32>,
        %get3A_993 = arith.index_cast %squeeze3A_914 : i32 to index
        %get3A_994 = arith.constant 96 : index
        %get3A_995 = tpu.vector_load %arg5[%get3A_993, %get3A_994] {strides = array<i32>} : memref<83x128xf32, #tpu.memory_space<vmem>>, vector<1x16xf32>,
        %get3A_996 = vector.shape_cast %get3A_995 : vector<1x16xf32> to vector<16xf32>
        %mul3A_997 = arith.constant 16 : i32
        %mul3A_998 = arith.muli %scan3A_62, %mul3A_997 : i32
        %add3A_999 = arith.constant 8 : i32
        %add3A_1000 = arith.addi %mul3A_998, %add3A_999 : i32
        %swap3A_1001 = arith.index_cast %add3A_1000 : i32 to index
        %swap3A_1002 = arith.constant 96 : index
        %swap3A_1003 = tpu.vector_load %arg8[%swap3A_1001, %swap3A_1002] {strides = array<i32>} : memref<128x128xf32, #tpu.memory_space<vmem>>, vector<1x16xf32>,
        %swap3A_1004 = vector.shape_cast %swap3A_1003 : vector<1x16xf32> to vector<16xf32>
        %swap3A_1005 = vector.shape_cast %get3A_996 : vector<16xf32> to vector<1x16xf32>
        tpu.vector_store %arg8[%swap3A_1001, %swap3A_1002], %swap3A_1005 {strides = array<i32>} : memref<128x128xf32, #tpu.memory_space<vmem>>, vector<1x16xf32>,
        %get3A_1006 = arith.index_cast %squeeze3A_914 : i32 to index
        %get3A_1007 = arith.constant 112 : index
        %get3A_1008 = tpu.vector_load %arg5[%get3A_1006, %get3A_1007] {strides = array<i32>} : memref<83x128xf32, #tpu.memory_space<vmem>>, vector<1x16xf32>,
        %get3A_1009 = vector.shape_cast %get3A_1008 : vector<1x16xf32> to vector<16xf32>
        %mul3A_1010 = arith.constant 16 : i32
        %mul3A_1011 = arith.muli %scan3A_62, %mul3A_1010 : i32
        %add3A_1012 = arith.constant 8 : i32
        %add3A_1013 = arith.addi %mul3A_1011, %add3A_1012 : i32
        %swap3A_1014 = arith.index_cast %add3A_1013 : i32 to index
        %swap3A_1015 = arith.constant 112 : index
        %swap3A_1016 = tpu.vector_load %arg8[%swap3A_1014, %swap3A_1015] {strides = array<i32>} : memref<128x128xf32, #tpu.memory_space<vmem>>, vector<1x16xf32>,
        %swap3A_1017 = vector.shape_cast %swap3A_1016 : vector<1x16xf32> to vector<16xf32>
        %swap3A_1018 = vector.shape_cast %get3A_1009 : vector<16xf32> to vector<1x16xf32>
        tpu.vector_store %arg8[%swap3A_1014, %swap3A_1015], %swap3A_1018 {strides = array<i32>} : memref<128x128xf32, #tpu.memory_space<vmem>>, vector<1x16xf32>,
        %slice3A_1019 = vector.extract_strided_slice %get3A_67 {offsets = [9], sizes = [1], strides = [1]} : vector<16xi32> to vector<1xi32>
        %squeeze3A_1020 = vector.extract %slice3A_1019[0] : i32 from vector<1xi32>
        %get3A_1021 = arith.index_cast %squeeze3A_1020 : i32 to index
        %get3A_1022 = arith.constant 0 : index
        %get3A_1023 = tpu.vector_load %arg5[%get3A_1021, %get3A_1022] {strides = array<i32>} : memref<83x128xf32, #tpu.memory_space<vmem>>, vector<1x16xf32>,
        %get3A_1024 = vector.shape_cast %get3A_1023 : vector<1x16xf32> to vector<16xf32>
        %mul3A_1025 = arith.constant 16 : i32
        %mul3A_1026 = arith.muli %scan3A_62, %mul3A_1025 : i32
        %add3A_1027 = arith.constant 9 : i32
        %add3A_1028 = arith.addi %mul3A_1026, %add3A_1027 : i32
        %swap3A_1029 = arith.index_cast %add3A_1028 : i32 to index
        %swap3A_1030 = arith.constant 0 : index
        %swap3A_1031 = tpu.vector_load %arg8[%swap3A_1029, %swap3A_1030] {strides = array<i32>} : memref<128x128xf32, #tpu.memory_space<vmem>>, vector<1x16xf32>,
        %swap3A_1032 = vector.shape_cast %swap3A_1031 : vector<1x16xf32> to vector<16xf32>
        %swap3A_1033 = vector.shape_cast %get3A_1024 : vector<16xf32> to vector<1x16xf32>
        tpu.vector_store %arg8[%swap3A_1029, %swap3A_1030], %swap3A_1033 {strides = array<i32>} : memref<128x128xf32, #tpu.memory_space<vmem>>, vector<1x16xf32>,
        %get3A_1034 = arith.index_cast %squeeze3A_1020 : i32 to index
        %get3A_1035 = arith.constant 16 : index
        %get3A_1036 = tpu.vector_load %arg5[%get3A_1034, %get3A_1035] {strides = array<i32>} : memref<83x128xf32, #tpu.memory_space<vmem>>, vector<1x16xf32>,
        %get3A_1037 = vector.shape_cast %get3A_1036 : vector<1x16xf32> to vector<16xf32>
        %mul3A_1038 = arith.constant 16 : i32
        %mul3A_1039 = arith.muli %scan3A_62, %mul3A_1038 : i32
        %add3A_1040 = arith.constant 9 : i32
        %add3A_1041 = arith.addi %mul3A_1039, %add3A_1040 : i32
        %swap3A_1042 = arith.index_cast %add3A_1041 : i32 to index
        %swap3A_1043 = arith.constant 16 : index
        %swap3A_1044 = tpu.vector_load %arg8[%swap3A_1042, %swap3A_1043] {strides = array<i32>} : memref<128x128xf32, #tpu.memory_space<vmem>>, vector<1x16xf32>,
        %swap3A_1045 = vector.shape_cast %swap3A_1044 : vector<1x16xf32> to vector<16xf32>
        %swap3A_1046 = vector.shape_cast %get3A_1037 : vector<16xf32> to vector<1x16xf32>
        tpu.vector_store %arg8[%swap3A_1042, %swap3A_1043], %swap3A_1046 {strides = array<i32>} : memref<128x128xf32, #tpu.memory_space<vmem>>, vector<1x16xf32>,
        %get3A_1047 = arith.index_cast %squeeze3A_1020 : i32 to index
        %get3A_1048 = arith.constant 32 : index
        %get3A_1049 = tpu.vector_load %arg5[%get3A_1047, %get3A_1048] {strides = array<i32>} : memref<83x128xf32, #tpu.memory_space<vmem>>, vector<1x16xf32>,
        %get3A_1050 = vector.shape_cast %get3A_1049 : vector<1x16xf32> to vector<16xf32>
        %mul3A_1051 = arith.constant 16 : i32
        %mul3A_1052 = arith.muli %scan3A_62, %mul3A_1051 : i32
        %add3A_1053 = arith.constant 9 : i32
        %add3A_1054 = arith.addi %mul3A_1052, %add3A_1053 : i32
        %swap3A_1055 = arith.index_cast %add3A_1054 : i32 to index
        %swap3A_1056 = arith.constant 32 : index
        %swap3A_1057 = tpu.vector_load %arg8[%swap3A_1055, %swap3A_1056] {strides = array<i32>} : memref<128x128xf32, #tpu.memory_space<vmem>>, vector<1x16xf32>,
        %swap3A_1058 = vector.shape_cast %swap3A_1057 : vector<1x16xf32> to vector<16xf32>
        %swap3A_1059 = vector.shape_cast %get3A_1050 : vector<16xf32> to vector<1x16xf32>
        tpu.vector_store %arg8[%swap3A_1055, %swap3A_1056], %swap3A_1059 {strides = array<i32>} : memref<128x128xf32, #tpu.memory_space<vmem>>, vector<1x16xf32>,
        %get3A_1060 = arith.index_cast %squeeze3A_1020 : i32 to index
        %get3A_1061 = arith.constant 48 : index
        %get3A_1062 = tpu.vector_load %arg5[%get3A_1060, %get3A_1061] {strides = array<i32>} : memref<83x128xf32, #tpu.memory_space<vmem>>, vector<1x16xf32>,
        %get3A_1063 = vector.shape_cast %get3A_1062 : vector<1x16xf32> to vector<16xf32>
        %mul3A_1064 = arith.constant 16 : i32
        %mul3A_1065 = arith.muli %scan3A_62, %mul3A_1064 : i32
        %add3A_1066 = arith.constant 9 : i32
        %add3A_1067 = arith.addi %mul3A_1065, %add3A_1066 : i32
        %swap3A_1068 = arith.index_cast %add3A_1067 : i32 to index
        %swap3A_1069 = arith.constant 48 : index
        %swap3A_1070 = tpu.vector_load %arg8[%swap3A_1068, %swap3A_1069] {strides = array<i32>} : memref<128x128xf32, #tpu.memory_space<vmem>>, vector<1x16xf32>,
        %swap3A_1071 = vector.shape_cast %swap3A_1070 : vector<1x16xf32> to vector<16xf32>
        %swap3A_1072 = vector.shape_cast %get3A_1063 : vector<16xf32> to vector<1x16xf32>
        tpu.vector_store %arg8[%swap3A_1068, %swap3A_1069], %swap3A_1072 {strides = array<i32>} : memref<128x128xf32, #tpu.memory_space<vmem>>, vector<1x16xf32>,
        %get3A_1073 = arith.index_cast %squeeze3A_1020 : i32 to index
        %get3A_1074 = arith.constant 64 : index
        %get3A_1075 = tpu.vector_load %arg5[%get3A_1073, %get3A_1074] {strides = array<i32>} : memref<83x128xf32, #tpu.memory_space<vmem>>, vector<1x16xf32>,
        %get3A_1076 = vector.shape_cast %get3A_1075 : vector<1x16xf32> to vector<16xf32>
        %mul3A_1077 = arith.constant 16 : i32
        %mul3A_1078 = arith.muli %scan3A_62, %mul3A_1077 : i32
        %add3A_1079 = arith.constant 9 : i32
        %add3A_1080 = arith.addi %mul3A_1078, %add3A_1079 : i32
        %swap3A_1081 = arith.index_cast %add3A_1080 : i32 to index
        %swap3A_1082 = arith.constant 64 : index
        %swap3A_1083 = tpu.vector_load %arg8[%swap3A_1081, %swap3A_1082] {strides = array<i32>} : memref<128x128xf32, #tpu.memory_space<vmem>>, vector<1x16xf32>,
        %swap3A_1084 = vector.shape_cast %swap3A_1083 : vector<1x16xf32> to vector<16xf32>
        %swap3A_1085 = vector.shape_cast %get3A_1076 : vector<16xf32> to vector<1x16xf32>
        tpu.vector_store %arg8[%swap3A_1081, %swap3A_1082], %swap3A_1085 {strides = array<i32>} : memref<128x128xf32, #tpu.memory_space<vmem>>, vector<1x16xf32>,
        %get3A_1086 = arith.index_cast %squeeze3A_1020 : i32 to index
        %get3A_1087 = arith.constant 80 : index
        %get3A_1088 = tpu.vector_load %arg5[%get3A_1086, %get3A_1087] {strides = array<i32>} : memref<83x128xf32, #tpu.memory_space<vmem>>, vector<1x16xf32>,
        %get3A_1089 = vector.shape_cast %get3A_1088 : vector<1x16xf32> to vector<16xf32>
        %mul3A_1090 = arith.constant 16 : i32
        %mul3A_1091 = arith.muli %scan3A_62, %mul3A_1090 : i32
        %add3A_1092 = arith.constant 9 : i32
        %add3A_1093 = arith.addi %mul3A_1091, %add3A_1092 : i32
        %swap3A_1094 = arith.index_cast %add3A_1093 : i32 to index
        %swap3A_1095 = arith.constant 80 : index
        %swap3A_1096 = tpu.vector_load %arg8[%swap3A_1094, %swap3A_1095] {strides = array<i32>} : memref<128x128xf32, #tpu.memory_space<vmem>>, vector<1x16xf32>,
        %swap3A_1097 = vector.shape_cast %swap3A_1096 : vector<1x16xf32> to vector<16xf32>
        %swap3A_1098 = vector.shape_cast %get3A_1089 : vector<16xf32> to vector<1x16xf32>
        tpu.vector_store %arg8[%swap3A_1094, %swap3A_1095], %swap3A_1098 {strides = array<i32>} : memref<128x128xf32, #tpu.memory_space<vmem>>, vector<1x16xf32>,
        %get3A_1099 = arith.index_cast %squeeze3A_1020 : i32 to index
        %get3A_1100 = arith.constant 96 : index
        %get3A_1101 = tpu.vector_load %arg5[%get3A_1099, %get3A_1100] {strides = array<i32>} : memref<83x128xf32, #tpu.memory_space<vmem>>, vector<1x16xf32>,
        %get3A_1102 = vector.shape_cast %get3A_1101 : vector<1x16xf32> to vector<16xf32>
        %mul3A_1103 = arith.constant 16 : i32
        %mul3A_1104 = arith.muli %scan3A_62, %mul3A_1103 : i32
        %add3A_1105 = arith.constant 9 : i32
        %add3A_1106 = arith.addi %mul3A_1104, %add3A_1105 : i32
        %swap3A_1107 = arith.index_cast %add3A_1106 : i32 to index
        %swap3A_1108 = arith.constant 96 : index
        %swap3A_1109 = tpu.vector_load %arg8[%swap3A_1107, %swap3A_1108] {strides = array<i32>} : memref<128x128xf32, #tpu.memory_space<vmem>>, vector<1x16xf32>,
        %swap3A_1110 = vector.shape_cast %swap3A_1109 : vector<1x16xf32> to vector<16xf32>
        %swap3A_1111 = vector.shape_cast %get3A_1102 : vector<16xf32> to vector<1x16xf32>
        tpu.vector_store %arg8[%swap3A_1107, %swap3A_1108], %swap3A_1111 {strides = array<i32>} : memref<128x128xf32, #tpu.memory_space<vmem>>, vector<1x16xf32>,
        %get3A_1112 = arith.index_cast %squeeze3A_1020 : i32 to index
        %get3A_1113 = arith.constant 112 : index
        %get3A_1114 = tpu.vector_load %arg5[%get3A_1112, %get3A_1113] {strides = array<i32>} : memref<83x128xf32, #tpu.memory_space<vmem>>, vector<1x16xf32>,
        %get3A_1115 = vector.shape_cast %get3A_1114 : vector<1x16xf32> to vector<16xf32>
        %mul3A_1116 = arith.constant 16 : i32
        %mul3A_1117 = arith.muli %scan3A_62, %mul3A_1116 : i32
        %add3A_1118 = arith.constant 9 : i32
        %add3A_1119 = arith.addi %mul3A_1117, %add3A_1118 : i32
        %swap3A_1120 = arith.index_cast %add3A_1119 : i32 to index
        %swap3A_1121 = arith.constant 112 : index
        %swap3A_1122 = tpu.vector_load %arg8[%swap3A_1120, %swap3A_1121] {strides = array<i32>} : memref<128x128xf32, #tpu.memory_space<vmem>>, vector<1x16xf32>,
        %swap3A_1123 = vector.shape_cast %swap3A_1122 : vector<1x16xf32> to vector<16xf32>
        %swap3A_1124 = vector.shape_cast %get3A_1115 : vector<16xf32> to vector<1x16xf32>
        tpu.vector_store %arg8[%swap3A_1120, %swap3A_1121], %swap3A_1124 {strides = array<i32>} : memref<128x128xf32, #tpu.memory_space<vmem>>, vector<1x16xf32>,
        %slice3A_1125 = vector.extract_strided_slice %get3A_67 {offsets = [10], sizes = [1], strides = [1]} : vector<16xi32> to vector<1xi32>
        %squeeze3A_1126 = vector.extract %slice3A_1125[0] : i32 from vector<1xi32>
        %get3A_1127 = arith.index_cast %squeeze3A_1126 : i32 to index
        %get3A_1128 = arith.constant 0 : index
        %get3A_1129 = tpu.vector_load %arg5[%get3A_1127, %get3A_1128] {strides = array<i32>} : memref<83x128xf32, #tpu.memory_space<vmem>>, vector<1x16xf32>,
        %get3A_1130 = vector.shape_cast %get3A_1129 : vector<1x16xf32> to vector<16xf32>
        %mul3A_1131 = arith.constant 16 : i32
        %mul3A_1132 = arith.muli %scan3A_62, %mul3A_1131 : i32
        %add3A_1133 = arith.constant 10 : i32
        %add3A_1134 = arith.addi %mul3A_1132, %add3A_1133 : i32
        %swap3A_1135 = arith.index_cast %add3A_1134 : i32 to index
        %swap3A_1136 = arith.constant 0 : index
        %swap3A_1137 = tpu.vector_load %arg8[%swap3A_1135, %swap3A_1136] {strides = array<i32>} : memref<128x128xf32, #tpu.memory_space<vmem>>, vector<1x16xf32>,
        %swap3A_1138 = vector.shape_cast %swap3A_1137 : vector<1x16xf32> to vector<16xf32>
        %swap3A_1139 = vector.shape_cast %get3A_1130 : vector<16xf32> to vector<1x16xf32>
        tpu.vector_store %arg8[%swap3A_1135, %swap3A_1136], %swap3A_1139 {strides = array<i32>} : memref<128x128xf32, #tpu.memory_space<vmem>>, vector<1x16xf32>,
        %get3A_1140 = arith.index_cast %squeeze3A_1126 : i32 to index
        %get3A_1141 = arith.constant 16 : index
        %get3A_1142 = tpu.vector_load %arg5[%get3A_1140, %get3A_1141] {strides = array<i32>} : memref<83x128xf32, #tpu.memory_space<vmem>>, vector<1x16xf32>,
        %get3A_1143 = vector.shape_cast %get3A_1142 : vector<1x16xf32> to vector<16xf32>
        %mul3A_1144 = arith.constant 16 : i32
        %mul3A_1145 = arith.muli %scan3A_62, %mul3A_1144 : i32
        %add3A_1146 = arith.constant 10 : i32
        %add3A_1147 = arith.addi %mul3A_1145, %add3A_1146 : i32
        %swap3A_1148 = arith.index_cast %add3A_1147 : i32 to index
        %swap3A_1149 = arith.constant 16 : index
        %swap3A_1150 = tpu.vector_load %arg8[%swap3A_1148, %swap3A_1149] {strides = array<i32>} : memref<128x128xf32, #tpu.memory_space<vmem>>, vector<1x16xf32>,
        %swap3A_1151 = vector.shape_cast %swap3A_1150 : vector<1x16xf32> to vector<16xf32>
        %swap3A_1152 = vector.shape_cast %get3A_1143 : vector<16xf32> to vector<1x16xf32>
        tpu.vector_store %arg8[%swap3A_1148, %swap3A_1149], %swap3A_1152 {strides = array<i32>} : memref<128x128xf32, #tpu.memory_space<vmem>>, vector<1x16xf32>,
        %get3A_1153 = arith.index_cast %squeeze3A_1126 : i32 to index
        %get3A_1154 = arith.constant 32 : index
        %get3A_1155 = tpu.vector_load %arg5[%get3A_1153, %get3A_1154] {strides = array<i32>} : memref<83x128xf32, #tpu.memory_space<vmem>>, vector<1x16xf32>,
        %get3A_1156 = vector.shape_cast %get3A_1155 : vector<1x16xf32> to vector<16xf32>
        %mul3A_1157 = arith.constant 16 : i32
        %mul3A_1158 = arith.muli %scan3A_62, %mul3A_1157 : i32
        %add3A_1159 = arith.constant 10 : i32
        %add3A_1160 = arith.addi %mul3A_1158, %add3A_1159 : i32
        %swap3A_1161 = arith.index_cast %add3A_1160 : i32 to index
        %swap3A_1162 = arith.constant 32 : index
        %swap3A_1163 = tpu.vector_load %arg8[%swap3A_1161, %swap3A_1162] {strides = array<i32>} : memref<128x128xf32, #tpu.memory_space<vmem>>, vector<1x16xf32>,
        %swap3A_1164 = vector.shape_cast %swap3A_1163 : vector<1x16xf32> to vector<16xf32>
        %swap3A_1165 = vector.shape_cast %get3A_1156 : vector<16xf32> to vector<1x16xf32>
        tpu.vector_store %arg8[%swap3A_1161, %swap3A_1162], %swap3A_1165 {strides = array<i32>} : memref<128x128xf32, #tpu.memory_space<vmem>>, vector<1x16xf32>,
        %get3A_1166 = arith.index_cast %squeeze3A_1126 : i32 to index
        %get3A_1167 = arith.constant 48 : index
        %get3A_1168 = tpu.vector_load %arg5[%get3A_1166, %get3A_1167] {strides = array<i32>} : memref<83x128xf32, #tpu.memory_space<vmem>>, vector<1x16xf32>,
        %get3A_1169 = vector.shape_cast %get3A_1168 : vector<1x16xf32> to vector<16xf32>
        %mul3A_1170 = arith.constant 16 : i32
        %mul3A_1171 = arith.muli %scan3A_62, %mul3A_1170 : i32
        %add3A_1172 = arith.constant 10 : i32
        %add3A_1173 = arith.addi %mul3A_1171, %add3A_1172 : i32
        %swap3A_1174 = arith.index_cast %add3A_1173 : i32 to index
        %swap3A_1175 = arith.constant 48 : index
        %swap3A_1176 = tpu.vector_load %arg8[%swap3A_1174, %swap3A_1175] {strides = array<i32>} : memref<128x128xf32, #tpu.memory_space<vmem>>, vector<1x16xf32>,
        %swap3A_1177 = vector.shape_cast %swap3A_1176 : vector<1x16xf32> to vector<16xf32>
        %swap3A_1178 = vector.shape_cast %get3A_1169 : vector<16xf32> to vector<1x16xf32>
        tpu.vector_store %arg8[%swap3A_1174, %swap3A_1175], %swap3A_1178 {strides = array<i32>} : memref<128x128xf32, #tpu.memory_space<vmem>>, vector<1x16xf32>,
        %get3A_1179 = arith.index_cast %squeeze3A_1126 : i32 to index
        %get3A_1180 = arith.constant 64 : index
        %get3A_1181 = tpu.vector_load %arg5[%get3A_1179, %get3A_1180] {strides = array<i32>} : memref<83x128xf32, #tpu.memory_space<vmem>>, vector<1x16xf32>,
        %get3A_1182 = vector.shape_cast %get3A_1181 : vector<1x16xf32> to vector<16xf32>
        %mul3A_1183 = arith.constant 16 : i32
        %mul3A_1184 = arith.muli %scan3A_62, %mul3A_1183 : i32
        %add3A_1185 = arith.constant 10 : i32
        %add3A_1186 = arith.addi %mul3A_1184, %add3A_1185 : i32
        %swap3A_1187 = arith.index_cast %add3A_1186 : i32 to index
        %swap3A_1188 = arith.constant 64 : index
        %swap3A_1189 = tpu.vector_load %arg8[%swap3A_1187, %swap3A_1188] {strides = array<i32>} : memref<128x128xf32, #tpu.memory_space<vmem>>, vector<1x16xf32>,
        %swap3A_1190 = vector.shape_cast %swap3A_1189 : vector<1x16xf32> to vector<16xf32>
        %swap3A_1191 = vector.shape_cast %get3A_1182 : vector<16xf32> to vector<1x16xf32>
        tpu.vector_store %arg8[%swap3A_1187, %swap3A_1188], %swap3A_1191 {strides = array<i32>} : memref<128x128xf32, #tpu.memory_space<vmem>>, vector<1x16xf32>,
        %get3A_1192 = arith.index_cast %squeeze3A_1126 : i32 to index
        %get3A_1193 = arith.constant 80 : index
        %get3A_1194 = tpu.vector_load %arg5[%get3A_1192, %get3A_1193] {strides = array<i32>} : memref<83x128xf32, #tpu.memory_space<vmem>>, vector<1x16xf32>,
        %get3A_1195 = vector.shape_cast %get3A_1194 : vector<1x16xf32> to vector<16xf32>
        %mul3A_1196 = arith.constant 16 : i32
        %mul3A_1197 = arith.muli %scan3A_62, %mul3A_1196 : i32
        %add3A_1198 = arith.constant 10 : i32
        %add3A_1199 = arith.addi %mul3A_1197, %add3A_1198 : i32
        %swap3A_1200 = arith.index_cast %add3A_1199 : i32 to index
        %swap3A_1201 = arith.constant 80 : index
        %swap3A_1202 = tpu.vector_load %arg8[%swap3A_1200, %swap3A_1201] {strides = array<i32>} : memref<128x128xf32, #tpu.memory_space<vmem>>, vector<1x16xf32>,
        %swap3A_1203 = vector.shape_cast %swap3A_1202 : vector<1x16xf32> to vector<16xf32>
        %swap3A_1204 = vector.shape_cast %get3A_1195 : vector<16xf32> to vector<1x16xf32>
        tpu.vector_store %arg8[%swap3A_1200, %swap3A_1201], %swap3A_1204 {strides = array<i32>} : memref<128x128xf32, #tpu.memory_space<vmem>>, vector<1x16xf32>,
        %get3A_1205 = arith.index_cast %squeeze3A_1126 : i32 to index
        %get3A_1206 = arith.constant 96 : index
        %get3A_1207 = tpu.vector_load %arg5[%get3A_1205, %get3A_1206] {strides = array<i32>} : memref<83x128xf32, #tpu.memory_space<vmem>>, vector<1x16xf32>,
        %get3A_1208 = vector.shape_cast %get3A_1207 : vector<1x16xf32> to vector<16xf32>
        %mul3A_1209 = arith.constant 16 : i32
        %mul3A_1210 = arith.muli %scan3A_62, %mul3A_1209 : i32
        %add3A_1211 = arith.constant 10 : i32
        %add3A_1212 = arith.addi %mul3A_1210, %add3A_1211 : i32
        %swap3A_1213 = arith.index_cast %add3A_1212 : i32 to index
        %swap3A_1214 = arith.constant 96 : index
        %swap3A_1215 = tpu.vector_load %arg8[%swap3A_1213, %swap3A_1214] {strides = array<i32>} : memref<128x128xf32, #tpu.memory_space<vmem>>, vector<1x16xf32>,
        %swap3A_1216 = vector.shape_cast %swap3A_1215 : vector<1x16xf32> to vector<16xf32>
        %swap3A_1217 = vector.shape_cast %get3A_1208 : vector<16xf32> to vector<1x16xf32>
        tpu.vector_store %arg8[%swap3A_1213, %swap3A_1214], %swap3A_1217 {strides = array<i32>} : memref<128x128xf32, #tpu.memory_space<vmem>>, vector<1x16xf32>,
        %get3A_1218 = arith.index_cast %squeeze3A_1126 : i32 to index
        %get3A_1219 = arith.constant 112 : index
        %get3A_1220 = tpu.vector_load %arg5[%get3A_1218, %get3A_1219] {strides = array<i32>} : memref<83x128xf32, #tpu.memory_space<vmem>>, vector<1x16xf32>,
        %get3A_1221 = vector.shape_cast %get3A_1220 : vector<1x16xf32> to vector<16xf32>
        %mul3A_1222 = arith.constant 16 : i32
        %mul3A_1223 = arith.muli %scan3A_62, %mul3A_1222 : i32
        %add3A_1224 = arith.constant 10 : i32
        %add3A_1225 = arith.addi %mul3A_1223, %add3A_1224 : i32
        %swap3A_1226 = arith.index_cast %add3A_1225 : i32 to index
        %swap3A_1227 = arith.constant 112 : index
        %swap3A_1228 = tpu.vector_load %arg8[%swap3A_1226, %swap3A_1227] {strides = array<i32>} : memref<128x128xf32, #tpu.memory_space<vmem>>, vector<1x16xf32>,
        %swap3A_1229 = vector.shape_cast %swap3A_1228 : vector<1x16xf32> to vector<16xf32>
        %swap3A_1230 = vector.shape_cast %get3A_1221 : vector<16xf32> to vector<1x16xf32>
        tpu.vector_store %arg8[%swap3A_1226, %swap3A_1227], %swap3A_1230 {strides = array<i32>} : memref<128x128xf32, #tpu.memory_space<vmem>>, vector<1x16xf32>,
        %slice3A_1231 = vector.extract_strided_slice %get3A_67 {offsets = [11], sizes = [1], strides = [1]} : vector<16xi32> to vector<1xi32>
        %squeeze3A_1232 = vector.extract %slice3A_1231[0] : i32 from vector<1xi32>
        %get3A_1233 = arith.index_cast %squeeze3A_1232 : i32 to index
        %get3A_1234 = arith.constant 0 : index
        %get3A_1235 = tpu.vector_load %arg5[%get3A_1233, %get3A_1234] {strides = array<i32>} : memref<83x128xf32, #tpu.memory_space<vmem>>, vector<1x16xf32>,
        %get3A_1236 = vector.shape_cast %get3A_1235 : vector<1x16xf32> to vector<16xf32>
        %mul3A_1237 = arith.constant 16 : i32
        %mul3A_1238 = arith.muli %scan3A_62, %mul3A_1237 : i32
        %add3A_1239 = arith.constant 11 : i32
        %add3A_1240 = arith.addi %mul3A_1238, %add3A_1239 : i32
        %swap3A_1241 = arith.index_cast %add3A_1240 : i32 to index
        %swap3A_1242 = arith.constant 0 : index
        %swap3A_1243 = tpu.vector_load %arg8[%swap3A_1241, %swap3A_1242] {strides = array<i32>} : memref<128x128xf32, #tpu.memory_space<vmem>>, vector<1x16xf32>,
        %swap3A_1244 = vector.shape_cast %swap3A_1243 : vector<1x16xf32> to vector<16xf32>
        %swap3A_1245 = vector.shape_cast %get3A_1236 : vector<16xf32> to vector<1x16xf32>
        tpu.vector_store %arg8[%swap3A_1241, %swap3A_1242], %swap3A_1245 {strides = array<i32>} : memref<128x128xf32, #tpu.memory_space<vmem>>, vector<1x16xf32>,
        %get3A_1246 = arith.index_cast %squeeze3A_1232 : i32 to index
        %get3A_1247 = arith.constant 16 : index
        %get3A_1248 = tpu.vector_load %arg5[%get3A_1246, %get3A_1247] {strides = array<i32>} : memref<83x128xf32, #tpu.memory_space<vmem>>, vector<1x16xf32>,
        %get3A_1249 = vector.shape_cast %get3A_1248 : vector<1x16xf32> to vector<16xf32>
        %mul3A_1250 = arith.constant 16 : i32
        %mul3A_1251 = arith.muli %scan3A_62, %mul3A_1250 : i32
        %add3A_1252 = arith.constant 11 : i32
        %add3A_1253 = arith.addi %mul3A_1251, %add3A_1252 : i32
        %swap3A_1254 = arith.index_cast %add3A_1253 : i32 to index
        %swap3A_1255 = arith.constant 16 : index
        %swap3A_1256 = tpu.vector_load %arg8[%swap3A_1254, %swap3A_1255] {strides = array<i32>} : memref<128x128xf32, #tpu.memory_space<vmem>>, vector<1x16xf32>,
        %swap3A_1257 = vector.shape_cast %swap3A_1256 : vector<1x16xf32> to vector<16xf32>
        %swap3A_1258 = vector.shape_cast %get3A_1249 : vector<16xf32> to vector<1x16xf32>
        tpu.vector_store %arg8[%swap3A_1254, %swap3A_1255], %swap3A_1258 {strides = array<i32>} : memref<128x128xf32, #tpu.memory_space<vmem>>, vector<1x16xf32>,
        %get3A_1259 = arith.index_cast %squeeze3A_1232 : i32 to index
        %get3A_1260 = arith.constant 32 : index
        %get3A_1261 = tpu.vector_load %arg5[%get3A_1259, %get3A_1260] {strides = array<i32>} : memref<83x128xf32, #tpu.memory_space<vmem>>, vector<1x16xf32>,
        %get3A_1262 = vector.shape_cast %get3A_1261 : vector<1x16xf32> to vector<16xf32>
        %mul3A_1263 = arith.constant 16 : i32
        %mul3A_1264 = arith.muli %scan3A_62, %mul3A_1263 : i32
        %add3A_1265 = arith.constant 11 : i32
        %add3A_1266 = arith.addi %mul3A_1264, %add3A_1265 : i32
        %swap3A_1267 = arith.index_cast %add3A_1266 : i32 to index
        %swap3A_1268 = arith.constant 32 : index
        %swap3A_1269 = tpu.vector_load %arg8[%swap3A_1267, %swap3A_1268] {strides = array<i32>} : memref<128x128xf32, #tpu.memory_space<vmem>>, vector<1x16xf32>,
        %swap3A_1270 = vector.shape_cast %swap3A_1269 : vector<1x16xf32> to vector<16xf32>
        %swap3A_1271 = vector.shape_cast %get3A_1262 : vector<16xf32> to vector<1x16xf32>
        tpu.vector_store %arg8[%swap3A_1267, %swap3A_1268], %swap3A_1271 {strides = array<i32>} : memref<128x128xf32, #tpu.memory_space<vmem>>, vector<1x16xf32>,
        %get3A_1272 = arith.index_cast %squeeze3A_1232 : i32 to index
        %get3A_1273 = arith.constant 48 : index
        %get3A_1274 = tpu.vector_load %arg5[%get3A_1272, %get3A_1273] {strides = array<i32>} : memref<83x128xf32, #tpu.memory_space<vmem>>, vector<1x16xf32>,
        %get3A_1275 = vector.shape_cast %get3A_1274 : vector<1x16xf32> to vector<16xf32>
        %mul3A_1276 = arith.constant 16 : i32
        %mul3A_1277 = arith.muli %scan3A_62, %mul3A_1276 : i32
        %add3A_1278 = arith.constant 11 : i32
        %add3A_1279 = arith.addi %mul3A_1277, %add3A_1278 : i32
        %swap3A_1280 = arith.index_cast %add3A_1279 : i32 to index
        %swap3A_1281 = arith.constant 48 : index
        %swap3A_1282 = tpu.vector_load %arg8[%swap3A_1280, %swap3A_1281] {strides = array<i32>} : memref<128x128xf32, #tpu.memory_space<vmem>>, vector<1x16xf32>,
        %swap3A_1283 = vector.shape_cast %swap3A_1282 : vector<1x16xf32> to vector<16xf32>
        %swap3A_1284 = vector.shape_cast %get3A_1275 : vector<16xf32> to vector<1x16xf32>
        tpu.vector_store %arg8[%swap3A_1280, %swap3A_1281], %swap3A_1284 {strides = array<i32>} : memref<128x128xf32, #tpu.memory_space<vmem>>, vector<1x16xf32>,
        %get3A_1285 = arith.index_cast %squeeze3A_1232 : i32 to index
        %get3A_1286 = arith.constant 64 : index
        %get3A_1287 = tpu.vector_load %arg5[%get3A_1285, %get3A_1286] {strides = array<i32>} : memref<83x128xf32, #tpu.memory_space<vmem>>, vector<1x16xf32>,
        %get3A_1288 = vector.shape_cast %get3A_1287 : vector<1x16xf32> to vector<16xf32>
        %mul3A_1289 = arith.constant 16 : i32
        %mul3A_1290 = arith.muli %scan3A_62, %mul3A_1289 : i32
        %add3A_1291 = arith.constant 11 : i32
        %add3A_1292 = arith.addi %mul3A_1290, %add3A_1291 : i32
        %swap3A_1293 = arith.index_cast %add3A_1292 : i32 to index
        %swap3A_1294 = arith.constant 64 : index
        %swap3A_1295 = tpu.vector_load %arg8[%swap3A_1293, %swap3A_1294] {strides = array<i32>} : memref<128x128xf32, #tpu.memory_space<vmem>>, vector<1x16xf32>,
        %swap3A_1296 = vector.shape_cast %swap3A_1295 : vector<1x16xf32> to vector<16xf32>
        %swap3A_1297 = vector.shape_cast %get3A_1288 : vector<16xf32> to vector<1x16xf32>
        tpu.vector_store %arg8[%swap3A_1293, %swap3A_1294], %swap3A_1297 {strides = array<i32>} : memref<128x128xf32, #tpu.memory_space<vmem>>, vector<1x16xf32>,
        %get3A_1298 = arith.index_cast %squeeze3A_1232 : i32 to index
        %get3A_1299 = arith.constant 80 : index
        %get3A_1300 = tpu.vector_load %arg5[%get3A_1298, %get3A_1299] {strides = array<i32>} : memref<83x128xf32, #tpu.memory_space<vmem>>, vector<1x16xf32>,
        %get3A_1301 = vector.shape_cast %get3A_1300 : vector<1x16xf32> to vector<16xf32>
        %mul3A_1302 = arith.constant 16 : i32
        %mul3A_1303 = arith.muli %scan3A_62, %mul3A_1302 : i32
        %add3A_1304 = arith.constant 11 : i32
        %add3A_1305 = arith.addi %mul3A_1303, %add3A_1304 : i32
        %swap3A_1306 = arith.index_cast %add3A_1305 : i32 to index
        %swap3A_1307 = arith.constant 80 : index
        %swap3A_1308 = tpu.vector_load %arg8[%swap3A_1306, %swap3A_1307] {strides = array<i32>} : memref<128x128xf32, #tpu.memory_space<vmem>>, vector<1x16xf32>,
        %swap3A_1309 = vector.shape_cast %swap3A_1308 : vector<1x16xf32> to vector<16xf32>
        %swap3A_1310 = vector.shape_cast %get3A_1301 : vector<16xf32> to vector<1x16xf32>
        tpu.vector_store %arg8[%swap3A_1306, %swap3A_1307], %swap3A_1310 {strides = array<i32>} : memref<128x128xf32, #tpu.memory_space<vmem>>, vector<1x16xf32>,
        %get3A_1311 = arith.index_cast %squeeze3A_1232 : i32 to index
        %get3A_1312 = arith.constant 96 : index
        %get3A_1313 = tpu.vector_load %arg5[%get3A_1311, %get3A_1312] {strides = array<i32>} : memref<83x128xf32, #tpu.memory_space<vmem>>, vector<1x16xf32>,
        %get3A_1314 = vector.shape_cast %get3A_1313 : vector<1x16xf32> to vector<16xf32>
        %mul3A_1315 = arith.constant 16 : i32
        %mul3A_1316 = arith.muli %scan3A_62, %mul3A_1315 : i32
        %add3A_1317 = arith.constant 11 : i32
        %add3A_1318 = arith.addi %mul3A_1316, %add3A_1317 : i32
        %swap3A_1319 = arith.index_cast %add3A_1318 : i32 to index
        %swap3A_1320 = arith.constant 96 : index
        %swap3A_1321 = tpu.vector_load %arg8[%swap3A_1319, %swap3A_1320] {strides = array<i32>} : memref<128x128xf32, #tpu.memory_space<vmem>>, vector<1x16xf32>,
        %swap3A_1322 = vector.shape_cast %swap3A_1321 : vector<1x16xf32> to vector<16xf32>
        %swap3A_1323 = vector.shape_cast %get3A_1314 : vector<16xf32> to vector<1x16xf32>
        tpu.vector_store %arg8[%swap3A_1319, %swap3A_1320], %swap3A_1323 {strides = array<i32>} : memref<128x128xf32, #tpu.memory_space<vmem>>, vector<1x16xf32>,
        %get3A_1324 = arith.index_cast %squeeze3A_1232 : i32 to index
        %get3A_1325 = arith.constant 112 : index
        %get3A_1326 = tpu.vector_load %arg5[%get3A_1324, %get3A_1325] {strides = array<i32>} : memref<83x128xf32, #tpu.memory_space<vmem>>, vector<1x16xf32>,
        %get3A_1327 = vector.shape_cast %get3A_1326 : vector<1x16xf32> to vector<16xf32>
        %mul3A_1328 = arith.constant 16 : i32
        %mul3A_1329 = arith.muli %scan3A_62, %mul3A_1328 : i32
        %add3A_1330 = arith.constant 11 : i32
        %add3A_1331 = arith.addi %mul3A_1329, %add3A_1330 : i32
        %swap3A_1332 = arith.index_cast %add3A_1331 : i32 to index
        %swap3A_1333 = arith.constant 112 : index
        %swap3A_1334 = tpu.vector_load %arg8[%swap3A_1332, %swap3A_1333] {strides = array<i32>} : memref<128x128xf32, #tpu.memory_space<vmem>>, vector<1x16xf32>,
        %swap3A_1335 = vector.shape_cast %swap3A_1334 : vector<1x16xf32> to vector<16xf32>
        %swap3A_1336 = vector.shape_cast %get3A_1327 : vector<16xf32> to vector<1x16xf32>
        tpu.vector_store %arg8[%swap3A_1332, %swap3A_1333], %swap3A_1336 {strides = array<i32>} : memref<128x128xf32, #tpu.memory_space<vmem>>, vector<1x16xf32>,
        %slice3A_1337 = vector.extract_strided_slice %get3A_67 {offsets = [12], sizes = [1], strides = [1]} : vector<16xi32> to vector<1xi32>
        %squeeze3A_1338 = vector.extract %slice3A_1337[0] : i32 from vector<1xi32>
        %get3A_1339 = arith.index_cast %squeeze3A_1338 : i32 to index
        %get3A_1340 = arith.constant 0 : index
        %get3A_1341 = tpu.vector_load %arg5[%get3A_1339, %get3A_1340] {strides = array<i32>} : memref<83x128xf32, #tpu.memory_space<vmem>>, vector<1x16xf32>,
        %get3A_1342 = vector.shape_cast %get3A_1341 : vector<1x16xf32> to vector<16xf32>
        %mul3A_1343 = arith.constant 16 : i32
        %mul3A_1344 = arith.muli %scan3A_62, %mul3A_1343 : i32
        %add3A_1345 = arith.constant 12 : i32
        %add3A_1346 = arith.addi %mul3A_1344, %add3A_1345 : i32
        %swap3A_1347 = arith.index_cast %add3A_1346 : i32 to index
        %swap3A_1348 = arith.constant 0 : index
        %swap3A_1349 = tpu.vector_load %arg8[%swap3A_1347, %swap3A_1348] {strides = array<i32>} : memref<128x128xf32, #tpu.memory_space<vmem>>, vector<1x16xf32>,
        %swap3A_1350 = vector.shape_cast %swap3A_1349 : vector<1x16xf32> to vector<16xf32>
        %swap3A_1351 = vector.shape_cast %get3A_1342 : vector<16xf32> to vector<1x16xf32>
        tpu.vector_store %arg8[%swap3A_1347, %swap3A_1348], %swap3A_1351 {strides = array<i32>} : memref<128x128xf32, #tpu.memory_space<vmem>>, vector<1x16xf32>,
        %get3A_1352 = arith.index_cast %squeeze3A_1338 : i32 to index
        %get3A_1353 = arith.constant 16 : index
        %get3A_1354 = tpu.vector_load %arg5[%get3A_1352, %get3A_1353] {strides = array<i32>} : memref<83x128xf32, #tpu.memory_space<vmem>>, vector<1x16xf32>,
        %get3A_1355 = vector.shape_cast %get3A_1354 : vector<1x16xf32> to vector<16xf32>
        %mul3A_1356 = arith.constant 16 : i32
        %mul3A_1357 = arith.muli %scan3A_62, %mul3A_1356 : i32
        %add3A_1358 = arith.constant 12 : i32
        %add3A_1359 = arith.addi %mul3A_1357, %add3A_1358 : i32
        %swap3A_1360 = arith.index_cast %add3A_1359 : i32 to index
        %swap3A_1361 = arith.constant 16 : index
        %swap3A_1362 = tpu.vector_load %arg8[%swap3A_1360, %swap3A_1361] {strides = array<i32>} : memref<128x128xf32, #tpu.memory_space<vmem>>, vector<1x16xf32>,
        %swap3A_1363 = vector.shape_cast %swap3A_1362 : vector<1x16xf32> to vector<16xf32>
        %swap3A_1364 = vector.shape_cast %get3A_1355 : vector<16xf32> to vector<1x16xf32>
        tpu.vector_store %arg8[%swap3A_1360, %swap3A_1361], %swap3A_1364 {strides = array<i32>} : memref<128x128xf32, #tpu.memory_space<vmem>>, vector<1x16xf32>,
        %get3A_1365 = arith.index_cast %squeeze3A_1338 : i32 to index
        %get3A_1366 = arith.constant 32 : index
        %get3A_1367 = tpu.vector_load %arg5[%get3A_1365, %get3A_1366] {strides = array<i32>} : memref<83x128xf32, #tpu.memory_space<vmem>>, vector<1x16xf32>,
        %get3A_1368 = vector.shape_cast %get3A_1367 : vector<1x16xf32> to vector<16xf32>
        %mul3A_1369 = arith.constant 16 : i32
        %mul3A_1370 = arith.muli %scan3A_62, %mul3A_1369 : i32
        %add3A_1371 = arith.constant 12 : i32
        %add3A_1372 = arith.addi %mul3A_1370, %add3A_1371 : i32
        %swap3A_1373 = arith.index_cast %add3A_1372 : i32 to index
        %swap3A_1374 = arith.constant 32 : index
        %swap3A_1375 = tpu.vector_load %arg8[%swap3A_1373, %swap3A_1374] {strides = array<i32>} : memref<128x128xf32, #tpu.memory_space<vmem>>, vector<1x16xf32>,
        %swap3A_1376 = vector.shape_cast %swap3A_1375 : vector<1x16xf32> to vector<16xf32>
        %swap3A_1377 = vector.shape_cast %get3A_1368 : vector<16xf32> to vector<1x16xf32>
        tpu.vector_store %arg8[%swap3A_1373, %swap3A_1374], %swap3A_1377 {strides = array<i32>} : memref<128x128xf32, #tpu.memory_space<vmem>>, vector<1x16xf32>,
        %get3A_1378 = arith.index_cast %squeeze3A_1338 : i32 to index
        %get3A_1379 = arith.constant 48 : index
        %get3A_1380 = tpu.vector_load %arg5[%get3A_1378, %get3A_1379] {strides = array<i32>} : memref<83x128xf32, #tpu.memory_space<vmem>>, vector<1x16xf32>,
        %get3A_1381 = vector.shape_cast %get3A_1380 : vector<1x16xf32> to vector<16xf32>
        %mul3A_1382 = arith.constant 16 : i32
        %mul3A_1383 = arith.muli %scan3A_62, %mul3A_1382 : i32
        %add3A_1384 = arith.constant 12 : i32
        %add3A_1385 = arith.addi %mul3A_1383, %add3A_1384 : i32
        %swap3A_1386 = arith.index_cast %add3A_1385 : i32 to index
        %swap3A_1387 = arith.constant 48 : index
        %swap3A_1388 = tpu.vector_load %arg8[%swap3A_1386, %swap3A_1387] {strides = array<i32>} : memref<128x128xf32, #tpu.memory_space<vmem>>, vector<1x16xf32>,
        %swap3A_1389 = vector.shape_cast %swap3A_1388 : vector<1x16xf32> to vector<16xf32>
        %swap3A_1390 = vector.shape_cast %get3A_1381 : vector<16xf32> to vector<1x16xf32>
        tpu.vector_store %arg8[%swap3A_1386, %swap3A_1387], %swap3A_1390 {strides = array<i32>} : memref<128x128xf32, #tpu.memory_space<vmem>>, vector<1x16xf32>,
        %get3A_1391 = arith.index_cast %squeeze3A_1338 : i32 to index
        %get3A_1392 = arith.constant 64 : index
        %get3A_1393 = tpu.vector_load %arg5[%get3A_1391, %get3A_1392] {strides = array<i32>} : memref<83x128xf32, #tpu.memory_space<vmem>>, vector<1x16xf32>,
        %get3A_1394 = vector.shape_cast %get3A_1393 : vector<1x16xf32> to vector<16xf32>
        %mul3A_1395 = arith.constant 16 : i32
        %mul3A_1396 = arith.muli %scan3A_62, %mul3A_1395 : i32
        %add3A_1397 = arith.constant 12 : i32
        %add3A_1398 = arith.addi %mul3A_1396, %add3A_1397 : i32
        %swap3A_1399 = arith.index_cast %add3A_1398 : i32 to index
        %swap3A_1400 = arith.constant 64 : index
        %swap3A_1401 = tpu.vector_load %arg8[%swap3A_1399, %swap3A_1400] {strides = array<i32>} : memref<128x128xf32, #tpu.memory_space<vmem>>, vector<1x16xf32>,
        %swap3A_1402 = vector.shape_cast %swap3A_1401 : vector<1x16xf32> to vector<16xf32>
        %swap3A_1403 = vector.shape_cast %get3A_1394 : vector<16xf32> to vector<1x16xf32>
        tpu.vector_store %arg8[%swap3A_1399, %swap3A_1400], %swap3A_1403 {strides = array<i32>} : memref<128x128xf32, #tpu.memory_space<vmem>>, vector<1x16xf32>,
        %get3A_1404 = arith.index_cast %squeeze3A_1338 : i32 to index
        %get3A_1405 = arith.constant 80 : index
        %get3A_1406 = tpu.vector_load %arg5[%get3A_1404, %get3A_1405] {strides = array<i32>} : memref<83x128xf32, #tpu.memory_space<vmem>>, vector<1x16xf32>,
        %get3A_1407 = vector.shape_cast %get3A_1406 : vector<1x16xf32> to vector<16xf32>
        %mul3A_1408 = arith.constant 16 : i32
        %mul3A_1409 = arith.muli %scan3A_62, %mul3A_1408 : i32
        %add3A_1410 = arith.constant 12 : i32
        %add3A_1411 = arith.addi %mul3A_1409, %add3A_1410 : i32
        %swap3A_1412 = arith.index_cast %add3A_1411 : i32 to index
        %swap3A_1413 = arith.constant 80 : index
        %swap3A_1414 = tpu.vector_load %arg8[%swap3A_1412, %swap3A_1413] {strides = array<i32>} : memref<128x128xf32, #tpu.memory_space<vmem>>, vector<1x16xf32>,
        %swap3A_1415 = vector.shape_cast %swap3A_1414 : vector<1x16xf32> to vector<16xf32>
        %swap3A_1416 = vector.shape_cast %get3A_1407 : vector<16xf32> to vector<1x16xf32>
        tpu.vector_store %arg8[%swap3A_1412, %swap3A_1413], %swap3A_1416 {strides = array<i32>} : memref<128x128xf32, #tpu.memory_space<vmem>>, vector<1x16xf32>,
        %get3A_1417 = arith.index_cast %squeeze3A_1338 : i32 to index
        %get3A_1418 = arith.constant 96 : index
        %get3A_1419 = tpu.vector_load %arg5[%get3A_1417, %get3A_1418] {strides = array<i32>} : memref<83x128xf32, #tpu.memory_space<vmem>>, vector<1x16xf32>,
        %get3A_1420 = vector.shape_cast %get3A_1419 : vector<1x16xf32> to vector<16xf32>
        %mul3A_1421 = arith.constant 16 : i32
        %mul3A_1422 = arith.muli %scan3A_62, %mul3A_1421 : i32
        %add3A_1423 = arith.constant 12 : i32
        %add3A_1424 = arith.addi %mul3A_1422, %add3A_1423 : i32
        %swap3A_1425 = arith.index_cast %add3A_1424 : i32 to index
        %swap3A_1426 = arith.constant 96 : index
        %swap3A_1427 = tpu.vector_load %arg8[%swap3A_1425, %swap3A_1426] {strides = array<i32>} : memref<128x128xf32, #tpu.memory_space<vmem>>, vector<1x16xf32>,
        %swap3A_1428 = vector.shape_cast %swap3A_1427 : vector<1x16xf32> to vector<16xf32>
        %swap3A_1429 = vector.shape_cast %get3A_1420 : vector<16xf32> to vector<1x16xf32>
        tpu.vector_store %arg8[%swap3A_1425, %swap3A_1426], %swap3A_1429 {strides = array<i32>} : memref<128x128xf32, #tpu.memory_space<vmem>>, vector<1x16xf32>,
        %get3A_1430 = arith.index_cast %squeeze3A_1338 : i32 to index
        %get3A_1431 = arith.constant 112 : index
        %get3A_1432 = tpu.vector_load %arg5[%get3A_1430, %get3A_1431] {strides = array<i32>} : memref<83x128xf32, #tpu.memory_space<vmem>>, vector<1x16xf32>,
        %get3A_1433 = vector.shape_cast %get3A_1432 : vector<1x16xf32> to vector<16xf32>
        %mul3A_1434 = arith.constant 16 : i32
        %mul3A_1435 = arith.muli %scan3A_62, %mul3A_1434 : i32
        %add3A_1436 = arith.constant 12 : i32
        %add3A_1437 = arith.addi %mul3A_1435, %add3A_1436 : i32
        %swap3A_1438 = arith.index_cast %add3A_1437 : i32 to index
        %swap3A_1439 = arith.constant 112 : index
        %swap3A_1440 = tpu.vector_load %arg8[%swap3A_1438, %swap3A_1439] {strides = array<i32>} : memref<128x128xf32, #tpu.memory_space<vmem>>, vector<1x16xf32>,
        %swap3A_1441 = vector.shape_cast %swap3A_1440 : vector<1x16xf32> to vector<16xf32>
        %swap3A_1442 = vector.shape_cast %get3A_1433 : vector<16xf32> to vector<1x16xf32>
        tpu.vector_store %arg8[%swap3A_1438, %swap3A_1439], %swap3A_1442 {strides = array<i32>} : memref<128x128xf32, #tpu.memory_space<vmem>>, vector<1x16xf32>,
        %slice3A_1443 = vector.extract_strided_slice %get3A_67 {offsets = [13], sizes = [1], strides = [1]} : vector<16xi32> to vector<1xi32>
        %squeeze3A_1444 = vector.extract %slice3A_1443[0] : i32 from vector<1xi32>
        %get3A_1445 = arith.index_cast %squeeze3A_1444 : i32 to index
        %get3A_1446 = arith.constant 0 : index
        %get3A_1447 = tpu.vector_load %arg5[%get3A_1445, %get3A_1446] {strides = array<i32>} : memref<83x128xf32, #tpu.memory_space<vmem>>, vector<1x16xf32>,
        %get3A_1448 = vector.shape_cast %get3A_1447 : vector<1x16xf32> to vector<16xf32>
        %mul3A_1449 = arith.constant 16 : i32
        %mul3A_1450 = arith.muli %scan3A_62, %mul3A_1449 : i32
        %add3A_1451 = arith.constant 13 : i32
        %add3A_1452 = arith.addi %mul3A_1450, %add3A_1451 : i32
        %swap3A_1453 = arith.index_cast %add3A_1452 : i32 to index
        %swap3A_1454 = arith.constant 0 : index
        %swap3A_1455 = tpu.vector_load %arg8[%swap3A_1453, %swap3A_1454] {strides = array<i32>} : memref<128x128xf32, #tpu.memory_space<vmem>>, vector<1x16xf32>,
        %swap3A_1456 = vector.shape_cast %swap3A_1455 : vector<1x16xf32> to vector<16xf32>
        %swap3A_1457 = vector.shape_cast %get3A_1448 : vector<16xf32> to vector<1x16xf32>
        tpu.vector_store %arg8[%swap3A_1453, %swap3A_1454], %swap3A_1457 {strides = array<i32>} : memref<128x128xf32, #tpu.memory_space<vmem>>, vector<1x16xf32>,
        %get3A_1458 = arith.index_cast %squeeze3A_1444 : i32 to index
        %get3A_1459 = arith.constant 16 : index
        %get3A_1460 = tpu.vector_load %arg5[%get3A_1458, %get3A_1459] {strides = array<i32>} : memref<83x128xf32, #tpu.memory_space<vmem>>, vector<1x16xf32>,
        %get3A_1461 = vector.shape_cast %get3A_1460 : vector<1x16xf32> to vector<16xf32>
        %mul3A_1462 = arith.constant 16 : i32
        %mul3A_1463 = arith.muli %scan3A_62, %mul3A_1462 : i32
        %add3A_1464 = arith.constant 13 : i32
        %add3A_1465 = arith.addi %mul3A_1463, %add3A_1464 : i32
        %swap3A_1466 = arith.index_cast %add3A_1465 : i32 to index
        %swap3A_1467 = arith.constant 16 : index
        %swap3A_1468 = tpu.vector_load %arg8[%swap3A_1466, %swap3A_1467] {strides = array<i32>} : memref<128x128xf32, #tpu.memory_space<vmem>>, vector<1x16xf32>,
        %swap3A_1469 = vector.shape_cast %swap3A_1468 : vector<1x16xf32> to vector<16xf32>
        %swap3A_1470 = vector.shape_cast %get3A_1461 : vector<16xf32> to vector<1x16xf32>
        tpu.vector_store %arg8[%swap3A_1466, %swap3A_1467], %swap3A_1470 {strides = array<i32>} : memref<128x128xf32, #tpu.memory_space<vmem>>, vector<1x16xf32>,
        %get3A_1471 = arith.index_cast %squeeze3A_1444 : i32 to index
        %get3A_1472 = arith.constant 32 : index
        %get3A_1473 = tpu.vector_load %arg5[%get3A_1471, %get3A_1472] {strides = array<i32>} : memref<83x128xf32, #tpu.memory_space<vmem>>, vector<1x16xf32>,
        %get3A_1474 = vector.shape_cast %get3A_1473 : vector<1x16xf32> to vector<16xf32>
        %mul3A_1475 = arith.constant 16 : i32
        %mul3A_1476 = arith.muli %scan3A_62, %mul3A_1475 : i32
        %add3A_1477 = arith.constant 13 : i32
        %add3A_1478 = arith.addi %mul3A_1476, %add3A_1477 : i32
        %swap3A_1479 = arith.index_cast %add3A_1478 : i32 to index
        %swap3A_1480 = arith.constant 32 : index
        %swap3A_1481 = tpu.vector_load %arg8[%swap3A_1479, %swap3A_1480] {strides = array<i32>} : memref<128x128xf32, #tpu.memory_space<vmem>>, vector<1x16xf32>,
        %swap3A_1482 = vector.shape_cast %swap3A_1481 : vector<1x16xf32> to vector<16xf32>
        %swap3A_1483 = vector.shape_cast %get3A_1474 : vector<16xf32> to vector<1x16xf32>
        tpu.vector_store %arg8[%swap3A_1479, %swap3A_1480], %swap3A_1483 {strides = array<i32>} : memref<128x128xf32, #tpu.memory_space<vmem>>, vector<1x16xf32>,
        %get3A_1484 = arith.index_cast %squeeze3A_1444 : i32 to index
        %get3A_1485 = arith.constant 48 : index
        %get3A_1486 = tpu.vector_load %arg5[%get3A_1484, %get3A_1485] {strides = array<i32>} : memref<83x128xf32, #tpu.memory_space<vmem>>, vector<1x16xf32>,
        %get3A_1487 = vector.shape_cast %get3A_1486 : vector<1x16xf32> to vector<16xf32>
        %mul3A_1488 = arith.constant 16 : i32
        %mul3A_1489 = arith.muli %scan3A_62, %mul3A_1488 : i32
        %add3A_1490 = arith.constant 13 : i32
        %add3A_1491 = arith.addi %mul3A_1489, %add3A_1490 : i32
        %swap3A_1492 = arith.index_cast %add3A_1491 : i32 to index
        %swap3A_1493 = arith.constant 48 : index
        %swap3A_1494 = tpu.vector_load %arg8[%swap3A_1492, %swap3A_1493] {strides = array<i32>} : memref<128x128xf32, #tpu.memory_space<vmem>>, vector<1x16xf32>,
        %swap3A_1495 = vector.shape_cast %swap3A_1494 : vector<1x16xf32> to vector<16xf32>
        %swap3A_1496 = vector.shape_cast %get3A_1487 : vector<16xf32> to vector<1x16xf32>
        tpu.vector_store %arg8[%swap3A_1492, %swap3A_1493], %swap3A_1496 {strides = array<i32>} : memref<128x128xf32, #tpu.memory_space<vmem>>, vector<1x16xf32>,
        %get3A_1497 = arith.index_cast %squeeze3A_1444 : i32 to index
        %get3A_1498 = arith.constant 64 : index
        %get3A_1499 = tpu.vector_load %arg5[%get3A_1497, %get3A_1498] {strides = array<i32>} : memref<83x128xf32, #tpu.memory_space<vmem>>, vector<1x16xf32>,
        %get3A_1500 = vector.shape_cast %get3A_1499 : vector<1x16xf32> to vector<16xf32>
        %mul3A_1501 = arith.constant 16 : i32
        %mul3A_1502 = arith.muli %scan3A_62, %mul3A_1501 : i32
        %add3A_1503 = arith.constant 13 : i32
        %add3A_1504 = arith.addi %mul3A_1502, %add3A_1503 : i32
        %swap3A_1505 = arith.index_cast %add3A_1504 : i32 to index
        %swap3A_1506 = arith.constant 64 : index
        %swap3A_1507 = tpu.vector_load %arg8[%swap3A_1505, %swap3A_1506] {strides = array<i32>} : memref<128x128xf32, #tpu.memory_space<vmem>>, vector<1x16xf32>,
        %swap3A_1508 = vector.shape_cast %swap3A_1507 : vector<1x16xf32> to vector<16xf32>
        %swap3A_1509 = vector.shape_cast %get3A_1500 : vector<16xf32> to vector<1x16xf32>
        tpu.vector_store %arg8[%swap3A_1505, %swap3A_1506], %swap3A_1509 {strides = array<i32>} : memref<128x128xf32, #tpu.memory_space<vmem>>, vector<1x16xf32>,
        %get3A_1510 = arith.index_cast %squeeze3A_1444 : i32 to index
        %get3A_1511 = arith.constant 80 : index
        %get3A_1512 = tpu.vector_load %arg5[%get3A_1510, %get3A_1511] {strides = array<i32>} : memref<83x128xf32, #tpu.memory_space<vmem>>, vector<1x16xf32>,
        %get3A_1513 = vector.shape_cast %get3A_1512 : vector<1x16xf32> to vector<16xf32>
        %mul3A_1514 = arith.constant 16 : i32
        %mul3A_1515 = arith.muli %scan3A_62, %mul3A_1514 : i32
        %add3A_1516 = arith.constant 13 : i32
        %add3A_1517 = arith.addi %mul3A_1515, %add3A_1516 : i32
        %swap3A_1518 = arith.index_cast %add3A_1517 : i32 to index
        %swap3A_1519 = arith.constant 80 : index
        %swap3A_1520 = tpu.vector_load %arg8[%swap3A_1518, %swap3A_1519] {strides = array<i32>} : memref<128x128xf32, #tpu.memory_space<vmem>>, vector<1x16xf32>,
        %swap3A_1521 = vector.shape_cast %swap3A_1520 : vector<1x16xf32> to vector<16xf32>
        %swap3A_1522 = vector.shape_cast %get3A_1513 : vector<16xf32> to vector<1x16xf32>
        tpu.vector_store %arg8[%swap3A_1518, %swap3A_1519], %swap3A_1522 {strides = array<i32>} : memref<128x128xf32, #tpu.memory_space<vmem>>, vector<1x16xf32>,
        %get3A_1523 = arith.index_cast %squeeze3A_1444 : i32 to index
        %get3A_1524 = arith.constant 96 : index
        %get3A_1525 = tpu.vector_load %arg5[%get3A_1523, %get3A_1524] {strides = array<i32>} : memref<83x128xf32, #tpu.memory_space<vmem>>, vector<1x16xf32>,
        %get3A_1526 = vector.shape_cast %get3A_1525 : vector<1x16xf32> to vector<16xf32>
        %mul3A_1527 = arith.constant 16 : i32
        %mul3A_1528 = arith.muli %scan3A_62, %mul3A_1527 : i32
        %add3A_1529 = arith.constant 13 : i32
        %add3A_1530 = arith.addi %mul3A_1528, %add3A_1529 : i32
        %swap3A_1531 = arith.index_cast %add3A_1530 : i32 to index
        %swap3A_1532 = arith.constant 96 : index
        %swap3A_1533 = tpu.vector_load %arg8[%swap3A_1531, %swap3A_1532] {strides = array<i32>} : memref<128x128xf32, #tpu.memory_space<vmem>>, vector<1x16xf32>,
        %swap3A_1534 = vector.shape_cast %swap3A_1533 : vector<1x16xf32> to vector<16xf32>
        %swap3A_1535 = vector.shape_cast %get3A_1526 : vector<16xf32> to vector<1x16xf32>
        tpu.vector_store %arg8[%swap3A_1531, %swap3A_1532], %swap3A_1535 {strides = array<i32>} : memref<128x128xf32, #tpu.memory_space<vmem>>, vector<1x16xf32>,
        %get3A_1536 = arith.index_cast %squeeze3A_1444 : i32 to index
        %get3A_1537 = arith.constant 112 : index
        %get3A_1538 = tpu.vector_load %arg5[%get3A_1536, %get3A_1537] {strides = array<i32>} : memref<83x128xf32, #tpu.memory_space<vmem>>, vector<1x16xf32>,
        %get3A_1539 = vector.shape_cast %get3A_1538 : vector<1x16xf32> to vector<16xf32>
        %mul3A_1540 = arith.constant 16 : i32
        %mul3A_1541 = arith.muli %scan3A_62, %mul3A_1540 : i32
        %add3A_1542 = arith.constant 13 : i32
        %add3A_1543 = arith.addi %mul3A_1541, %add3A_1542 : i32
        %swap3A_1544 = arith.index_cast %add3A_1543 : i32 to index
        %swap3A_1545 = arith.constant 112 : index
        %swap3A_1546 = tpu.vector_load %arg8[%swap3A_1544, %swap3A_1545] {strides = array<i32>} : memref<128x128xf32, #tpu.memory_space<vmem>>, vector<1x16xf32>,
        %swap3A_1547 = vector.shape_cast %swap3A_1546 : vector<1x16xf32> to vector<16xf32>
        %swap3A_1548 = vector.shape_cast %get3A_1539 : vector<16xf32> to vector<1x16xf32>
        tpu.vector_store %arg8[%swap3A_1544, %swap3A_1545], %swap3A_1548 {strides = array<i32>} : memref<128x128xf32, #tpu.memory_space<vmem>>, vector<1x16xf32>,
        %slice3A_1549 = vector.extract_strided_slice %get3A_67 {offsets = [14], sizes = [1], strides = [1]} : vector<16xi32> to vector<1xi32>
        %squeeze3A_1550 = vector.extract %slice3A_1549[0] : i32 from vector<1xi32>
        %get3A_1551 = arith.index_cast %squeeze3A_1550 : i32 to index
        %get3A_1552 = arith.constant 0 : index
        %get3A_1553 = tpu.vector_load %arg5[%get3A_1551, %get3A_1552] {strides = array<i32>} : memref<83x128xf32, #tpu.memory_space<vmem>>, vector<1x16xf32>,
        %get3A_1554 = vector.shape_cast %get3A_1553 : vector<1x16xf32> to vector<16xf32>
        %mul3A_1555 = arith.constant 16 : i32
        %mul3A_1556 = arith.muli %scan3A_62, %mul3A_1555 : i32
        %add3A_1557 = arith.constant 14 : i32
        %add3A_1558 = arith.addi %mul3A_1556, %add3A_1557 : i32
        %swap3A_1559 = arith.index_cast %add3A_1558 : i32 to index
        %swap3A_1560 = arith.constant 0 : index
        %swap3A_1561 = tpu.vector_load %arg8[%swap3A_1559, %swap3A_1560] {strides = array<i32>} : memref<128x128xf32, #tpu.memory_space<vmem>>, vector<1x16xf32>,
        %swap3A_1562 = vector.shape_cast %swap3A_1561 : vector<1x16xf32> to vector<16xf32>
        %swap3A_1563 = vector.shape_cast %get3A_1554 : vector<16xf32> to vector<1x16xf32>
        tpu.vector_store %arg8[%swap3A_1559, %swap3A_1560], %swap3A_1563 {strides = array<i32>} : memref<128x128xf32, #tpu.memory_space<vmem>>, vector<1x16xf32>,
        %get3A_1564 = arith.index_cast %squeeze3A_1550 : i32 to index
        %get3A_1565 = arith.constant 16 : index
        %get3A_1566 = tpu.vector_load %arg5[%get3A_1564, %get3A_1565] {strides = array<i32>} : memref<83x128xf32, #tpu.memory_space<vmem>>, vector<1x16xf32>,
        %get3A_1567 = vector.shape_cast %get3A_1566 : vector<1x16xf32> to vector<16xf32>
        %mul3A_1568 = arith.constant 16 : i32
        %mul3A_1569 = arith.muli %scan3A_62, %mul3A_1568 : i32
        %add3A_1570 = arith.constant 14 : i32
        %add3A_1571 = arith.addi %mul3A_1569, %add3A_1570 : i32
        %swap3A_1572 = arith.index_cast %add3A_1571 : i32 to index
        %swap3A_1573 = arith.constant 16 : index
        %swap3A_1574 = tpu.vector_load %arg8[%swap3A_1572, %swap3A_1573] {strides = array<i32>} : memref<128x128xf32, #tpu.memory_space<vmem>>, vector<1x16xf32>,
        %swap3A_1575 = vector.shape_cast %swap3A_1574 : vector<1x16xf32> to vector<16xf32>
        %swap3A_1576 = vector.shape_cast %get3A_1567 : vector<16xf32> to vector<1x16xf32>
        tpu.vector_store %arg8[%swap3A_1572, %swap3A_1573], %swap3A_1576 {strides = array<i32>} : memref<128x128xf32, #tpu.memory_space<vmem>>, vector<1x16xf32>,
        %get3A_1577 = arith.index_cast %squeeze3A_1550 : i32 to index
        %get3A_1578 = arith.constant 32 : index
        %get3A_1579 = tpu.vector_load %arg5[%get3A_1577, %get3A_1578] {strides = array<i32>} : memref<83x128xf32, #tpu.memory_space<vmem>>, vector<1x16xf32>,
        %get3A_1580 = vector.shape_cast %get3A_1579 : vector<1x16xf32> to vector<16xf32>
        %mul3A_1581 = arith.constant 16 : i32
        %mul3A_1582 = arith.muli %scan3A_62, %mul3A_1581 : i32
        %add3A_1583 = arith.constant 14 : i32
        %add3A_1584 = arith.addi %mul3A_1582, %add3A_1583 : i32
        %swap3A_1585 = arith.index_cast %add3A_1584 : i32 to index
        %swap3A_1586 = arith.constant 32 : index
        %swap3A_1587 = tpu.vector_load %arg8[%swap3A_1585, %swap3A_1586] {strides = array<i32>} : memref<128x128xf32, #tpu.memory_space<vmem>>, vector<1x16xf32>,
        %swap3A_1588 = vector.shape_cast %swap3A_1587 : vector<1x16xf32> to vector<16xf32>
        %swap3A_1589 = vector.shape_cast %get3A_1580 : vector<16xf32> to vector<1x16xf32>
        tpu.vector_store %arg8[%swap3A_1585, %swap3A_1586], %swap3A_1589 {strides = array<i32>} : memref<128x128xf32, #tpu.memory_space<vmem>>, vector<1x16xf32>,
        %get3A_1590 = arith.index_cast %squeeze3A_1550 : i32 to index
        %get3A_1591 = arith.constant 48 : index
        %get3A_1592 = tpu.vector_load %arg5[%get3A_1590, %get3A_1591] {strides = array<i32>} : memref<83x128xf32, #tpu.memory_space<vmem>>, vector<1x16xf32>,
        %get3A_1593 = vector.shape_cast %get3A_1592 : vector<1x16xf32> to vector<16xf32>
        %mul3A_1594 = arith.constant 16 : i32
        %mul3A_1595 = arith.muli %scan3A_62, %mul3A_1594 : i32
        %add3A_1596 = arith.constant 14 : i32
        %add3A_1597 = arith.addi %mul3A_1595, %add3A_1596 : i32
        %swap3A_1598 = arith.index_cast %add3A_1597 : i32 to index
        %swap3A_1599 = arith.constant 48 : index
        %swap3A_1600 = tpu.vector_load %arg8[%swap3A_1598, %swap3A_1599] {strides = array<i32>} : memref<128x128xf32, #tpu.memory_space<vmem>>, vector<1x16xf32>,
        %swap3A_1601 = vector.shape_cast %swap3A_1600 : vector<1x16xf32> to vector<16xf32>
        %swap3A_1602 = vector.shape_cast %get3A_1593 : vector<16xf32> to vector<1x16xf32>
        tpu.vector_store %arg8[%swap3A_1598, %swap3A_1599], %swap3A_1602 {strides = array<i32>} : memref<128x128xf32, #tpu.memory_space<vmem>>, vector<1x16xf32>,
        %get3A_1603 = arith.index_cast %squeeze3A_1550 : i32 to index
        %get3A_1604 = arith.constant 64 : index
        %get3A_1605 = tpu.vector_load %arg5[%get3A_1603, %get3A_1604] {strides = array<i32>} : memref<83x128xf32, #tpu.memory_space<vmem>>, vector<1x16xf32>,
        %get3A_1606 = vector.shape_cast %get3A_1605 : vector<1x16xf32> to vector<16xf32>
        %mul3A_1607 = arith.constant 16 : i32
        %mul3A_1608 = arith.muli %scan3A_62, %mul3A_1607 : i32
        %add3A_1609 = arith.constant 14 : i32
        %add3A_1610 = arith.addi %mul3A_1608, %add3A_1609 : i32
        %swap3A_1611 = arith.index_cast %add3A_1610 : i32 to index
        %swap3A_1612 = arith.constant 64 : index
        %swap3A_1613 = tpu.vector_load %arg8[%swap3A_1611, %swap3A_1612] {strides = array<i32>} : memref<128x128xf32, #tpu.memory_space<vmem>>, vector<1x16xf32>,
        %swap3A_1614 = vector.shape_cast %swap3A_1613 : vector<1x16xf32> to vector<16xf32>
        %swap3A_1615 = vector.shape_cast %get3A_1606 : vector<16xf32> to vector<1x16xf32>
        tpu.vector_store %arg8[%swap3A_1611, %swap3A_1612], %swap3A_1615 {strides = array<i32>} : memref<128x128xf32, #tpu.memory_space<vmem>>, vector<1x16xf32>,
        %get3A_1616 = arith.index_cast %squeeze3A_1550 : i32 to index
        %get3A_1617 = arith.constant 80 : index
        %get3A_1618 = tpu.vector_load %arg5[%get3A_1616, %get3A_1617] {strides = array<i32>} : memref<83x128xf32, #tpu.memory_space<vmem>>, vector<1x16xf32>,
        %get3A_1619 = vector.shape_cast %get3A_1618 : vector<1x16xf32> to vector<16xf32>
        %mul3A_1620 = arith.constant 16 : i32
        %mul3A_1621 = arith.muli %scan3A_62, %mul3A_1620 : i32
        %add3A_1622 = arith.constant 14 : i32
        %add3A_1623 = arith.addi %mul3A_1621, %add3A_1622 : i32
        %swap3A_1624 = arith.index_cast %add3A_1623 : i32 to index
        %swap3A_1625 = arith.constant 80 : index
        %swap3A_1626 = tpu.vector_load %arg8[%swap3A_1624, %swap3A_1625] {strides = array<i32>} : memref<128x128xf32, #tpu.memory_space<vmem>>, vector<1x16xf32>,
        %swap3A_1627 = vector.shape_cast %swap3A_1626 : vector<1x16xf32> to vector<16xf32>
        %swap3A_1628 = vector.shape_cast %get3A_1619 : vector<16xf32> to vector<1x16xf32>
        tpu.vector_store %arg8[%swap3A_1624, %swap3A_1625], %swap3A_1628 {strides = array<i32>} : memref<128x128xf32, #tpu.memory_space<vmem>>, vector<1x16xf32>,
        %get3A_1629 = arith.index_cast %squeeze3A_1550 : i32 to index
        %get3A_1630 = arith.constant 96 : index
        %get3A_1631 = tpu.vector_load %arg5[%get3A_1629, %get3A_1630] {strides = array<i32>} : memref<83x128xf32, #tpu.memory_space<vmem>>, vector<1x16xf32>,
        %get3A_1632 = vector.shape_cast %get3A_1631 : vector<1x16xf32> to vector<16xf32>
        %mul3A_1633 = arith.constant 16 : i32
        %mul3A_1634 = arith.muli %scan3A_62, %mul3A_1633 : i32
        %add3A_1635 = arith.constant 14 : i32
        %add3A_1636 = arith.addi %mul3A_1634, %add3A_1635 : i32
        %swap3A_1637 = arith.index_cast %add3A_1636 : i32 to index
        %swap3A_1638 = arith.constant 96 : index
        %swap3A_1639 = tpu.vector_load %arg8[%swap3A_1637, %swap3A_1638] {strides = array<i32>} : memref<128x128xf32, #tpu.memory_space<vmem>>, vector<1x16xf32>,
        %swap3A_1640 = vector.shape_cast %swap3A_1639 : vector<1x16xf32> to vector<16xf32>
        %swap3A_1641 = vector.shape_cast %get3A_1632 : vector<16xf32> to vector<1x16xf32>
        tpu.vector_store %arg8[%swap3A_1637, %swap3A_1638], %swap3A_1641 {strides = array<i32>} : memref<128x128xf32, #tpu.memory_space<vmem>>, vector<1x16xf32>,
        %get3A_1642 = arith.index_cast %squeeze3A_1550 : i32 to index
        %get3A_1643 = arith.constant 112 : index
        %get3A_1644 = tpu.vector_load %arg5[%get3A_1642, %get3A_1643] {strides = array<i32>} : memref<83x128xf32, #tpu.memory_space<vmem>>, vector<1x16xf32>,
        %get3A_1645 = vector.shape_cast %get3A_1644 : vector<1x16xf32> to vector<16xf32>
        %mul3A_1646 = arith.constant 16 : i32
        %mul3A_1647 = arith.muli %scan3A_62, %mul3A_1646 : i32
        %add3A_1648 = arith.constant 14 : i32
        %add3A_1649 = arith.addi %mul3A_1647, %add3A_1648 : i32
        %swap3A_1650 = arith.index_cast %add3A_1649 : i32 to index
        %swap3A_1651 = arith.constant 112 : index
        %swap3A_1652 = tpu.vector_load %arg8[%swap3A_1650, %swap3A_1651] {strides = array<i32>} : memref<128x128xf32, #tpu.memory_space<vmem>>, vector<1x16xf32>,
        %swap3A_1653 = vector.shape_cast %swap3A_1652 : vector<1x16xf32> to vector<16xf32>
        %swap3A_1654 = vector.shape_cast %get3A_1645 : vector<16xf32> to vector<1x16xf32>
        tpu.vector_store %arg8[%swap3A_1650, %swap3A_1651], %swap3A_1654 {strides = array<i32>} : memref<128x128xf32, #tpu.memory_space<vmem>>, vector<1x16xf32>,
        %slice3A_1655 = vector.extract_strided_slice %get3A_67 {offsets = [15], sizes = [1], strides = [1]} : vector<16xi32> to vector<1xi32>
        %squeeze3A_1656 = vector.extract %slice3A_1655[0] : i32 from vector<1xi32>
        %get3A_1657 = arith.index_cast %squeeze3A_1656 : i32 to index
        %get3A_1658 = arith.constant 0 : index
        %get3A_1659 = tpu.vector_load %arg5[%get3A_1657, %get3A_1658] {strides = array<i32>} : memref<83x128xf32, #tpu.memory_space<vmem>>, vector<1x16xf32>,
        %get3A_1660 = vector.shape_cast %get3A_1659 : vector<1x16xf32> to vector<16xf32>
        %mul3A_1661 = arith.constant 16 : i32
        %mul3A_1662 = arith.muli %scan3A_62, %mul3A_1661 : i32
        %add3A_1663 = arith.constant 15 : i32
        %add3A_1664 = arith.addi %mul3A_1662, %add3A_1663 : i32
        %swap3A_1665 = arith.index_cast %add3A_1664 : i32 to index
        %swap3A_1666 = arith.constant 0 : index
        %swap3A_1667 = tpu.vector_load %arg8[%swap3A_1665, %swap3A_1666] {strides = array<i32>} : memref<128x128xf32, #tpu.memory_space<vmem>>, vector<1x16xf32>,
        %swap3A_1668 = vector.shape_cast %swap3A_1667 : vector<1x16xf32> to vector<16xf32>
        %swap3A_1669 = vector.shape_cast %get3A_1660 : vector<16xf32> to vector<1x16xf32>
        tpu.vector_store %arg8[%swap3A_1665, %swap3A_1666], %swap3A_1669 {strides = array<i32>} : memref<128x128xf32, #tpu.memory_space<vmem>>, vector<1x16xf32>,
        %get3A_1670 = arith.index_cast %squeeze3A_1656 : i32 to index
        %get3A_1671 = arith.constant 16 : index
        %get3A_1672 = tpu.vector_load %arg5[%get3A_1670, %get3A_1671] {strides = array<i32>} : memref<83x128xf32, #tpu.memory_space<vmem>>, vector<1x16xf32>,
        %get3A_1673 = vector.shape_cast %get3A_1672 : vector<1x16xf32> to vector<16xf32>
        %mul3A_1674 = arith.constant 16 : i32
        %mul3A_1675 = arith.muli %scan3A_62, %mul3A_1674 : i32
        %add3A_1676 = arith.constant 15 : i32
        %add3A_1677 = arith.addi %mul3A_1675, %add3A_1676 : i32
        %swap3A_1678 = arith.index_cast %add3A_1677 : i32 to index
        %swap3A_1679 = arith.constant 16 : index
        %swap3A_1680 = tpu.vector_load %arg8[%swap3A_1678, %swap3A_1679] {strides = array<i32>} : memref<128x128xf32, #tpu.memory_space<vmem>>, vector<1x16xf32>,
        %swap3A_1681 = vector.shape_cast %swap3A_1680 : vector<1x16xf32> to vector<16xf32>
        %swap3A_1682 = vector.shape_cast %get3A_1673 : vector<16xf32> to vector<1x16xf32>
        tpu.vector_store %arg8[%swap3A_1678, %swap3A_1679], %swap3A_1682 {strides = array<i32>} : memref<128x128xf32, #tpu.memory_space<vmem>>, vector<1x16xf32>,
        %get3A_1683 = arith.index_cast %squeeze3A_1656 : i32 to index
        %get3A_1684 = arith.constant 32 : index
        %get3A_1685 = tpu.vector_load %arg5[%get3A_1683, %get3A_1684] {strides = array<i32>} : memref<83x128xf32, #tpu.memory_space<vmem>>, vector<1x16xf32>,
        %get3A_1686 = vector.shape_cast %get3A_1685 : vector<1x16xf32> to vector<16xf32>
        %mul3A_1687 = arith.constant 16 : i32
        %mul3A_1688 = arith.muli %scan3A_62, %mul3A_1687 : i32
        %add3A_1689 = arith.constant 15 : i32
        %add3A_1690 = arith.addi %mul3A_1688, %add3A_1689 : i32
        %swap3A_1691 = arith.index_cast %add3A_1690 : i32 to index
        %swap3A_1692 = arith.constant 32 : index
        %swap3A_1693 = tpu.vector_load %arg8[%swap3A_1691, %swap3A_1692] {strides = array<i32>} : memref<128x128xf32, #tpu.memory_space<vmem>>, vector<1x16xf32>,
        %swap3A_1694 = vector.shape_cast %swap3A_1693 : vector<1x16xf32> to vector<16xf32>
        %swap3A_1695 = vector.shape_cast %get3A_1686 : vector<16xf32> to vector<1x16xf32>
        tpu.vector_store %arg8[%swap3A_1691, %swap3A_1692], %swap3A_1695 {strides = array<i32>} : memref<128x128xf32, #tpu.memory_space<vmem>>, vector<1x16xf32>,
        %get3A_1696 = arith.index_cast %squeeze3A_1656 : i32 to index
        %get3A_1697 = arith.constant 48 : index
        %get3A_1698 = tpu.vector_load %arg5[%get3A_1696, %get3A_1697] {strides = array<i32>} : memref<83x128xf32, #tpu.memory_space<vmem>>, vector<1x16xf32>,
        %get3A_1699 = vector.shape_cast %get3A_1698 : vector<1x16xf32> to vector<16xf32>
        %mul3A_1700 = arith.constant 16 : i32
        %mul3A_1701 = arith.muli %scan3A_62, %mul3A_1700 : i32
        %add3A_1702 = arith.constant 15 : i32
        %add3A_1703 = arith.addi %mul3A_1701, %add3A_1702 : i32
        %swap3A_1704 = arith.index_cast %add3A_1703 : i32 to index
        %swap3A_1705 = arith.constant 48 : index
        %swap3A_1706 = tpu.vector_load %arg8[%swap3A_1704, %swap3A_1705] {strides = array<i32>} : memref<128x128xf32, #tpu.memory_space<vmem>>, vector<1x16xf32>,
        %swap3A_1707 = vector.shape_cast %swap3A_1706 : vector<1x16xf32> to vector<16xf32>
        %swap3A_1708 = vector.shape_cast %get3A_1699 : vector<16xf32> to vector<1x16xf32>
        tpu.vector_store %arg8[%swap3A_1704, %swap3A_1705], %swap3A_1708 {strides = array<i32>} : memref<128x128xf32, #tpu.memory_space<vmem>>, vector<1x16xf32>,
        %get3A_1709 = arith.index_cast %squeeze3A_1656 : i32 to index
        %get3A_1710 = arith.constant 64 : index
        %get3A_1711 = tpu.vector_load %arg5[%get3A_1709, %get3A_1710] {strides = array<i32>} : memref<83x128xf32, #tpu.memory_space<vmem>>, vector<1x16xf32>,
        %get3A_1712 = vector.shape_cast %get3A_1711 : vector<1x16xf32> to vector<16xf32>
        %mul3A_1713 = arith.constant 16 : i32
        %mul3A_1714 = arith.muli %scan3A_62, %mul3A_1713 : i32
        %add3A_1715 = arith.constant 15 : i32
        %add3A_1716 = arith.addi %mul3A_1714, %add3A_1715 : i32
        %swap3A_1717 = arith.index_cast %add3A_1716 : i32 to index
        %swap3A_1718 = arith.constant 64 : index
        %swap3A_1719 = tpu.vector_load %arg8[%swap3A_1717, %swap3A_1718] {strides = array<i32>} : memref<128x128xf32, #tpu.memory_space<vmem>>, vector<1x16xf32>,
        %swap3A_1720 = vector.shape_cast %swap3A_1719 : vector<1x16xf32> to vector<16xf32>
        %swap3A_1721 = vector.shape_cast %get3A_1712 : vector<16xf32> to vector<1x16xf32>
        tpu.vector_store %arg8[%swap3A_1717, %swap3A_1718], %swap3A_1721 {strides = array<i32>} : memref<128x128xf32, #tpu.memory_space<vmem>>, vector<1x16xf32>,
        %get3A_1722 = arith.index_cast %squeeze3A_1656 : i32 to index
        %get3A_1723 = arith.constant 80 : index
        %get3A_1724 = tpu.vector_load %arg5[%get3A_1722, %get3A_1723] {strides = array<i32>} : memref<83x128xf32, #tpu.memory_space<vmem>>, vector<1x16xf32>,
        %get3A_1725 = vector.shape_cast %get3A_1724 : vector<1x16xf32> to vector<16xf32>
        %mul3A_1726 = arith.constant 16 : i32
        %mul3A_1727 = arith.muli %scan3A_62, %mul3A_1726 : i32
        %add3A_1728 = arith.constant 15 : i32
        %add3A_1729 = arith.addi %mul3A_1727, %add3A_1728 : i32
        %swap3A_1730 = arith.index_cast %add3A_1729 : i32 to index
        %swap3A_1731 = arith.constant 80 : index
        %swap3A_1732 = tpu.vector_load %arg8[%swap3A_1730, %swap3A_1731] {strides = array<i32>} : memref<128x128xf32, #tpu.memory_space<vmem>>, vector<1x16xf32>,
        %swap3A_1733 = vector.shape_cast %swap3A_1732 : vector<1x16xf32> to vector<16xf32>
        %swap3A_1734 = vector.shape_cast %get3A_1725 : vector<16xf32> to vector<1x16xf32>
        tpu.vector_store %arg8[%swap3A_1730, %swap3A_1731], %swap3A_1734 {strides = array<i32>} : memref<128x128xf32, #tpu.memory_space<vmem>>, vector<1x16xf32>,
        %get3A_1735 = arith.index_cast %squeeze3A_1656 : i32 to index
        %get3A_1736 = arith.constant 96 : index
        %get3A_1737 = tpu.vector_load %arg5[%get3A_1735, %get3A_1736] {strides = array<i32>} : memref<83x128xf32, #tpu.memory_space<vmem>>, vector<1x16xf32>,
        %get3A_1738 = vector.shape_cast %get3A_1737 : vector<1x16xf32> to vector<16xf32>
        %mul3A_1739 = arith.constant 16 : i32
        %mul3A_1740 = arith.muli %scan3A_62, %mul3A_1739 : i32
        %add3A_1741 = arith.constant 15 : i32
        %add3A_1742 = arith.addi %mul3A_1740, %add3A_1741 : i32
        %swap3A_1743 = arith.index_cast %add3A_1742 : i32 to index
        %swap3A_1744 = arith.constant 96 : index
        %swap3A_1745 = tpu.vector_load %arg8[%swap3A_1743, %swap3A_1744] {strides = array<i32>} : memref<128x128xf32, #tpu.memory_space<vmem>>, vector<1x16xf32>,
        %swap3A_1746 = vector.shape_cast %swap3A_1745 : vector<1x16xf32> to vector<16xf32>
        %swap3A_1747 = vector.shape_cast %get3A_1738 : vector<16xf32> to vector<1x16xf32>
        tpu.vector_store %arg8[%swap3A_1743, %swap3A_1744], %swap3A_1747 {strides = array<i32>} : memref<128x128xf32, #tpu.memory_space<vmem>>, vector<1x16xf32>,
        %get3A_1748 = arith.index_cast %squeeze3A_1656 : i32 to index
        %get3A_1749 = arith.constant 112 : index
        %get3A_1750 = tpu.vector_load %arg5[%get3A_1748, %get3A_1749] {strides = array<i32>} : memref<83x128xf32, #tpu.memory_space<vmem>>, vector<1x16xf32>,
        %get3A_1751 = vector.shape_cast %get3A_1750 : vector<1x16xf32> to vector<16xf32>
        %mul3A_1752 = arith.constant 16 : i32
        %mul3A_1753 = arith.muli %scan3A_62, %mul3A_1752 : i32
        %add3A_1754 = arith.constant 15 : i32
        %add3A_1755 = arith.addi %mul3A_1753, %add3A_1754 : i32
        %swap3A_1756 = arith.index_cast %add3A_1755 : i32 to index
        %swap3A_1757 = arith.constant 112 : index
        %swap3A_1758 = tpu.vector_load %arg8[%swap3A_1756, %swap3A_1757] {strides = array<i32>} : memref<128x128xf32, #tpu.memory_space<vmem>>, vector<1x16xf32>,
        %swap3A_1759 = vector.shape_cast %swap3A_1758 : vector<1x16xf32> to vector<16xf32>
        %swap3A_1760 = vector.shape_cast %get3A_1751 : vector<16xf32> to vector<1x16xf32>
        tpu.vector_store %arg8[%swap3A_1756, %swap3A_1757], %swap3A_1760 {strides = array<i32>} : memref<128x128xf32, #tpu.memory_space<vmem>>, vector<1x16xf32>,
      }
      %scan3A_54 = arith.constant 8 : i32
      %mul3A_55 = arith.constant 128 : i32
      %mul3A_56 = arith.muli %add3A_43, %mul3A_55 : i32
      %add3A_57 = arith.addi %mul3A_2, %mul3A_56 : i32
      %dma_start3A_58 = arith.constant 0 : i32
      %dma_start3A_59 = tpu.memref_slice %arg4[%add3A_57, %dma_start3A_58] : memref<819200x128xf32, #tpu.memory_space<hbm>> -> memref<128x128xf32, #tpu.memory_space<hbm>>
      %dma_start3A_60 = arith.constant 0 : i32
      %dma_start3A_61 = tpu.memref_slice %arg4[%add3A_57, %dma_start3A_60] : memref<819200x128xf32, #tpu.memory_space<hbm>> -> memref<128x128xf32, #tpu.memory_space<hbm>>
      tpu.enqueue_dma source(%arg8 : memref<128x128xf32, #tpu.memory_space<vmem>>) target(%dma_start3A_61 : memref<128x128xf32, #tpu.memory_space<hbm>>) target_semaphore(%arg9 : memref<!tpu.dma_semaphore, #tpu.memory_space<semaphore_mem>>)
    }
    %scan3A_9 = arith.constant 100 : i32
    %add3A_10 = arith.constant 25344 : i32
    %add3A_11 = arith.addi %mul3A_2, %add3A_10 : i32
    %dma_wait3A = arith.constant 0 : i32
    %dma_wait3A_12 = tpu.memref_slice %arg4[%add3A_11, %dma_wait3A] : memref<819200x128xf32, #tpu.memory_space<hbm>> -> memref<128x128xf32, #tpu.memory_space<hbm>>
    %dma_wait3A_13 = arith.constant 0 : i32
    %dma_wait3A_14 = tpu.memref_slice %arg4[%add3A_11, %dma_wait3A_13] : memref<819200x128xf32, #tpu.memory_space<hbm>> -> memref<128x128xf32, #tpu.memory_space<hbm>>
    tpu.wait_dma2 semaphore(%arg9 : memref<!tpu.dma_semaphore, #tpu.memory_space<semaphore_mem>>) src(%arg7 : memref<128x128xf32, #tpu.memory_space<vmem>>) dst(%dma_wait3A_14 : memref<128x128xf32, #tpu.memory_space<hbm>>)
    %add3A_15 = arith.constant 25472 : i32
    %add3A_16 = arith.addi %mul3A_2, %add3A_15 : i32
    %dma_wait3A_17 = arith.constant 0 : i32
    %dma_wait3A_18 = tpu.memref_slice %arg4[%add3A_16, %dma_wait3A_17] : memref<819200x128xf32, #tpu.memory_space<hbm>> -> memref<128x128xf32, #tpu.memory_space<hbm>>
    %dma_wait3A_19 = arith.constant 0 : i32
    %dma_wait3A_20 = tpu.memref_slice %arg4[%add3A_16, %dma_wait3A_19] : memref<819200x128xf32, #tpu.memory_space<hbm>> -> memref<128x128xf32, #tpu.memory_space<hbm>>
    tpu.wait_dma2 semaphore(%arg9 : memref<!tpu.dma_semaphore, #tpu.memory_space<semaphore_mem>>) src(%arg8 : memref<128x128xf32, #tpu.memory_space<vmem>>) dst(%dma_wait3A_20 : memref<128x128xf32, #tpu.memory_space<hbm>>)
    return
  }
}

</mosaic_0001>

<sc_bundles>
// kernel: kernel.3.cloned.1.call-start
scs
__scs_entry_jumppad:
0x0: {  	(pc) =	sbr.rel $0x88, $3  }
0x1: {  	(tag) =	ssettag $0x0;
	lr =	simm.s32 $0x1  }
0x2: {  	[smem:$0x3F9F] =	sst lr;
	_ =	strace $0xD0000000  }
0x3: {  	_ = 	snop  }
0x4: {  	_ = 	snop  }
0x5: {  	_ = 	snop  }
0x6: {  	_ = 	snop  }
0x7: {  	_ = 	snop  }
__scs_overlays_trampoline_lowered:
0x8: {  	[smem:$0x3FAE] =	sst s0  }
0x9: {  	[smem:$0x3FAF] =	sst s1  }
0xa: {  	[smem:$0x3FB0] =	sst s2  }
0xb: {  	[smem:$0x3FB1] =	sst s3  }
0xc: {  	[smem:$0x3FB2] =	sst s4  }
0xd: {  	[smem:$0x3FB3] =	sst s5  }
0xe: {  	[smem:$0x3FB4] =	sst s6  }
0xf: {  	[smem:$0x3FB5] =	sst s7  }
0x10: {  	[smem:$0x3FB6] =	sst s8  }
0x11: {  	[smem:$0x3FB7] =	sst s9;
	s0 =	simm.s32 @!p0 $0x0  }
0x12: {  	s1 =	sld [smem:$0x3F9D];
	s0 =	simm.s32 @p0 $0x1  }
0x13: {  	[smem:$0x3FB8] =	sst s0;
	s0 =	simm.s32 @!p1 $0x0  }
0x14: {  	s2 =	sld [smem:$0x3F9C];
	s0 =	simm.s32 @p1 $0x1  }
0x15: {  	[smem:$0x3FB9] =	sst s0;
	s0 =	simm.s32 @!p2 $0x0  }
0x16: {  	s3 =	sld [smem:$0x3FDB];
	s0 =	simm.s32 @p2 $0x1  }
0x17: {  	s4 =	simm.s32 $0x1BF5;
	[smem:$0x3FBB] =	sst s0  }
0x18: {  	s0 =	sld [smem:$0x3F9E];
	_ =	swait.ge [sflag:s4], $0x0  }
0x19: {  	s7 =	sld [smem:$0x3F9F]  }
0x1a: {  	s8 =	sadd.s32 $0xFFFFE003, lr  }
0x1b: {  	s9 =	sadd.s32 $0xFFFFFEF7, lr;
	s5 =	simm.s32 $0xFFFFFFFF;
	p2 =	slt.u32 s8, $0xFFFFF086  }
0x1c: {  	p1 =	slt.u32 s9, $0xF7A;
	s5 =	simm.s32 @!p2 $0x0  }
0x1d: {  	s5 =	simm.s32 @p1 $0x1;
	p0 =	seq.s32 s7, s2  }
0x1e: {  	s7 =	smul.u32 @!p0 $0xF7A, s2;
	p2 =	seq.s32 @!p0 s5, $0x0  }
0x1f: {  	s9 =	smul.u32 $0xF7A, s1;
	s8 =	simm.s32 @!p0 $0x1BF5;
	p2 =	por !p2, p0  }
0x20: {  	[sflag:s8] =	ssyncset.s32 @!p0 $0xFFFFF086;
	s6 =	sadd.s32 @!p0 s3, s7;
	s7 =	simm.s32 @!p0 $0x108  }
0x21: {  	s3 =	sadd.s32 s3, s9;
	s6 =	sadd.s32 @!p0 $0x88, s6;
	s7 =	simm.s32 @p2 $0x1082  }
0x22: {  	[simem:s7], [sflag:s8] =	dma.local @!p0 [hbm:s6], $0xF7A  }
0x23: {  	s9 =	sor.u32 $0xD0000000, s2;
	s6 =	simm.s32 $0x108;
	_ =	swait.ge @!p0 [sflag:s8], $0x0  }
0x24: {  	s3 =	sadd.s32 $0x88, s3;
	s6 =	simm.s32 @!p1 $0x1082;
	[sflag:s4] =	ssyncset.s32 $0xFFFFF086  }
0x25: {  	[simem:s6], [sflag:s4] =	dma.local [hbm:s3], $0xF7A  }
0x26: {  	[smem:$0x3F9F] =	sst s1;
	(tag) =	ssettag s2;
	_ =	strace s9  }
0x27: {  	s1 =	sld [smem:$0x3FAF]  }
0x28: {  	s2 =	sld [smem:$0x3FB0]  }
0x29: {  	s4 =	sld [smem:$0x3FB2]  }
0x2a: {  	p0 =	seq.s32 s5, $0x0;
	s5 =	sld [smem:$0x3FB3]  }
0x2b: {  	s6 =	sld [smem:$0x3FB4]  }
0x2c: {  	s7 =	sld [smem:$0x3FB5]  }
0x2d: {  	s3 =	simm.s32 $0x108;
	s8 =	sld [smem:$0x3FB6]  }
0x2e: {  	s3 =	simm.s32 @!p0 $0x1082;
	s9 =	sld [smem:$0x3FB7]  }
0x2f: {  	lr =	sadd.s32 s0, s3;
	s0 =	sld [smem:$0x3FAE]  }
0x30: {  	s3 =	sld [smem:$0x3FB1]  }
0x31: {  	[smem:$0x3FBA] =	sst s10  }
0x32: {  	s10 =	sld [smem:$0x3FB8];
	_ =	sdelay $0x3  }
0x33: {  	p0 =	seq.s32 s10, $0x1;
	s10 =	sld [smem:$0x3FBA];
	_ =	sdelay $0x3  }
0x34: {  	[smem:$0x3FBA] =	sst s10  }
0x35: {  	s10 =	sld [smem:$0x3FB9];
	_ =	sdelay $0x3  }
0x36: {  	p1 =	seq.s32 s10, $0x1;
	s10 =	sld [smem:$0x3FBA];
	_ =	sdelay $0x3  }
0x37: {  	[smem:$0x3FBA] =	sst s10  }
0x38: {  	s10 =	sld [smem:$0x3FBB]  }
0x39: {  	_ = 	snop;
	(pc) =	sbr.ind lr, $3  }
0x3a: {  	_ = 	snop  }
0x3b: {  	_ = 	snop  }
0x3c: {  	p2 =	seq.s32 s10, $0x1;
	s10 =	sld [smem:$0x3FBA]  }
0x3d: {  	_ =	shalt  }
0x3e: {  	_ =	shalt  }
0x3f: {  	_ =	shalt  }
0x40: {  	_ =	shalt  }
0x41: {  	_ =	shalt  }
0x42: {  	_ =	shalt  }
0x43: {  	_ =	shalt  }
0x44: {  	_ =	shalt  }
0x45: {  	_ =	shalt  }
0x46: {  	_ =	shalt  }
0x47: {  	_ =	shalt  }
0x48: {  	_ =	shalt  }
0x49: {  	_ =	shalt  }
0x4a: {  	_ =	shalt  }
0x4b: {  	_ =	shalt  }
0x4c: {  	_ =	shalt  }
0x4d: {  	_ =	shalt  }
0x4e: {  	_ =	shalt  }
0x4f: {  	_ =	shalt  }
0x50: {  	_ =	shalt  }
0x51: {  	_ =	shalt  }
0x52: {  	_ =	shalt  }
0x53: {  	_ =	shalt  }
0x54: {  	_ =	shalt  }
0x55: {  	_ =	shalt  }
0x56: {  	_ =	shalt  }
0x57: {  	_ =	shalt  }
0x58: {  	_ =	shalt  }
0x59: {  	_ =	shalt  }
0x5a: {  	_ =	shalt  }
0x5b: {  	_ =	shalt  }
0x5c: {  	_ =	shalt  }
0x5d: {  	_ =	shalt  }
0x5e: {  	_ =	shalt  }
0x5f: {  	_ =	shalt  }
0x60: {  	_ =	shalt  }
0x61: {  	_ =	shalt  }
0x62: {  	_ =	shalt  }
0x63: {  	_ =	shalt  }
0x64: {  	_ =	shalt  }
0x65: {  	_ =	shalt  }
0x66: {  	_ =	shalt  }
0x67: {  	_ =	shalt  }
0x68: {  	_ =	shalt  }
0x69: {  	_ =	shalt  }
0x6a: {  	_ =	shalt  }
0x6b: {  	_ =	shalt  }
0x6c: {  	_ =	shalt  }
0x6d: {  	_ =	shalt  }
0x6e: {  	_ =	shalt  }
0x6f: {  	_ =	shalt  }
0x70: {  	_ =	shalt  }
0x71: {  	_ =	shalt  }
0x72: {  	_ =	shalt  }
0x73: {  	_ =	shalt  }
0x74: {  	_ =	shalt  }
0x75: {  	_ =	shalt  }
0x76: {  	_ =	shalt  }
0x77: {  	_ =	shalt  }
0x78: {  	_ =	shalt  }
0x79: {  	_ =	shalt  }
0x7a: {  	_ =	shalt  }
0x7b: {  	_ =	shalt  }
0x7c: {  	_ =	shalt  }
0x7d: {  	_ =	shalt  }
0x7e: {  	_ =	shalt  }
0x7f: {  	_ =	shalt  }
0x80: {  	_ =	shalt  }
0x81: {  	_ =	shalt  }
0x82: {  	_ =	shalt  }
0x83: {  	_ =	shalt  }
0x84: {  	_ =	shalt  }
0x85: {  	_ =	shalt  }
0x86: {  	_ =	shalt  }
0x87: {  	_ =	shalt  }
.Lfunc_end0:
.L_simem_size_0:
called_computation.1_lowered:
.L_overlay_start_0:
0x88: {  	s2 =	sld [smem:$0x3FD9]  }
0x89: {  	s3 =	sld [smem:$0x3FFE];
	_ =	sdelay $0x1  }
0x8a: {  	s1 =	srdreg.scid  }
0x8b: {  	s0 =	sand.u32 $0x1, s1  }
0x8c: {  	s17 =	sshll.u32 s0, $0xA;
	s2 =	sadd.s32 s3, s2  }
0x8d: {  	s2 =	sadd.s32 s2, s17  }
0x8e: {  	[smem:$0x3FC6] =	sst s2  }
0x8f: {  	_ = 	snop  }
0x90: {  	s2 =	sld [smem:$0x3FC8]  }
0x91: {  	s18 =	sld [smem:$0x3FD0];
	(tm) =	ssettm $0x1  }
0x92: {  	s4 =	sld [smem:$0x3FFB];
	_ =	sdelay $0x3  }
0x93: {  	_ =	strace s4  }
0x94: {  	s4 =	sld [smem:$0x3FFC];
	_ =	sdelay $0x3  }
0x95: {  	_ =	strace s4  }
0x96: {  	s4 =	sld [smem:$0x3FFD];
	_ =	sdelay $0x3  }
0x97: {  	_ =	strace s4  }
0x98: {  	_ =	strace $0x8FFFFFFF  }
0x99: {  	s19 =	sld [smem:$0x3FDB];
	_ =	sdelay $0x1  }
0x9a: {  	s5 =	simm.s32 $_scs_section_size  }
0x9b: {  	s6 =	simm.s32 $_size__tile_overlayer_lowered;
	s7 =	simm.s32 $_tile_overlayer_lowered  }
0x9c: {  	s22 =	simm.s32 $0x1BFF;
	s21 =	sshll.u32 s7, $0x1;
	s4 =	sadd.s32 s5, s19  }
0x9d: {  	s8 =	simm.s32 $0x0;
	s20 =	sshll.u32 s6, $0x1;
	s6 =	sadd.s32 s21, s4  }
0x9e: {  	[timem:s8], [sflag:s22] =	dma.local [hbm:s6], s20  }
0x9f: {  	_ =	swait.ge [sflag:s22], s20  }
0xa0: {  	s5 =	ssub.s32 $0x0, s20;
	[sflag:s22] =	ssyncset.done $0x0  }
0xa1: {  	[sflag:s22] =	ssyncadd.s32 s5;
	_ =	sdelay $0x1  }
0xa2: {  	s23 =	simm.s32 $0x1B8B  }
0xa3: {  	_ =	swait.ge [sflag:s23], $0x1  }
0xa4: {  	[sflag:s23] =	ssyncset.done $0x0  }
0xa5: {  	s25 =	simm.s32 $0x1B8E;
	s24 =	sld [smem:$0x3FFE];
	[sflag:s23] =	ssyncadd.s32 $0xFFFFFFFF  }
0xa6: {  	s26 =	simm.s32 $execute0_lowered;
	[smem:$0x3FD2] =	sst s25  }
0xa7: {  	s6 =	sshll.u32 s26, $0x1;
	_ =	strace $0x80000046;
	[dreg:$0x1] =	wrdreg $0xFFFFFFFF  }
0xa8: {  	s28 =	simm.s32 $_size_execute0_lowered;
	s4 =	sadd.s32 s4, s6;
	[dreg:$0x0] =	wrdreg $0x0  }
0xa9: {  	s6 =	sshll.u32 s28, $0x1;
	[dreg:$0x2] =	wrdreg s4  }
0xaa: {  	[dreg:$0x3] =	wrdreg s6  }
0xab: {  	[dreg:$0x4] =	wrdreg $0xC0  }
0xac: {  	_ =	task [dreg:s8], $0x5FFFF  }
0xad: {  	[dreg:$0x1] =	wrdreg $0xFFFFFFFF  }
0xae: {  	[dreg:$0x0] =	wrdreg $0x60  }
0xaf: {  	[dreg:$0x2] =	wrdreg s2  }
0xb0: {  	[dreg:$0x3] =	wrdreg s24  }
0xb1: {  	[dreg:$0x4] =	wrdreg s18  }
0xb2: {  	[dreg:$0x5] =	wrdreg $0x9  }
0xb3: {  	_ =	task.clear_ibuf [dreg:s8], $0x6FFFF;
	_ =	strace $0x90000046  }
0xb4: {  	s29 =	simm.s32 $0x9;
	_ =	strace $0x80000048  }
0xb5: {  	_ =	swait.ge [sflag:s29], $0x1  }
0xb6: {  	[sflag:s29] =	ssyncadd.s32 $0xFFFFFFFF  }
0xb7: {  	_ =	strace $0x90000048  }
0xb8: {  	_ =	sfence  }
0xb9: {  	s30 =	sld [smem:$0x0];
	_ =	sdelay $0x2  }
0xba: {  	s31 =	sshll.u32 s1, $0xD;
	s1 =	sshrl.u32 s1, $0x2  }
0xbb: {  	s3 =	sand.u32 $0x4000, s31;
	s1 =	sadd.s32 s1, s30  }
0xbc: {  	s0 =	sor.u32 s3, s0;
	s1 =	sshll.u32 s1, $0x11  }
0xbd: {  	s0 =	sor.u32 s1, s0  }
0xbe: {  	s0 =	sadd.s32 $0x8F2B, s0  }
0xbf: {  	[sflag:s0] =	ssyncadd.remote.s32 $0x1  }
0xc0: {  	_ =	sfence.sel $0xFFFF  }
0xc1: {  	[dreg:$0x0] =	wrdreg $0xFFFFFFFF;
	(pc) =	sbr.abs _section_cstart, $3  }
0xc2: {  	[dreg:$0x1] =	wrdreg $0xFFFFFFFF  }
0xc3: {  	_ =	task.clear_ibuf [dreg:s8], $0x2FFFF;
	_ =	strace $0x9FFFFFFF  }
0xc4: {  	(tm) =	ssettm $0x7FFFFFFF  }
0xc5: {  	_ =	shalt  }
tec
execute0_lowered:
.L_overlay_start_1:
0x0: {  	(tag) =	ssettag $0x1  }
0x1: {  	s0 =	srdreg.scid  }
0x2: {  	s2 =	stileid.u32;
	s1 =	rddreg [dreg:$0x1]  }
0x3: {  	s3 =	rddreg [dreg:$0x2];
	s0 =	sand.u32 $0x1, s0;
	s2 =	sshll.u32 s2, $0x1  }
0x4: {  	s4 =	simm.s32 $0x0;
	s8 =	simm.s32 $0x2;
	s2 =	sor.u32 s0, s2  }
0x5: {  	s9 =	simm.s32 $0x9000;
	s10 =	simm.s32 $0xD000;
	s5 =	smul.u32 $0xC80, s2  }
0x6: {  	s11 =	simm.s32 $0x1;
	s12 =	simm.s32 $0x0;
	s0 =	ssub.s32 $0x2, s0  }
0x7: {  	[smem:$0x7FF] =	sst s4;
	s31 =	sshrl.u32 s0, $0x1;
	s1 =	sadd.s32 s5, s1  }
0x8: {  	_ =	strace $0x80000047;
	s0 =	ssub.s32 s0, s31;
	s1 =	sadd.s32 $0x800, s1  }
0x9: {  	s6 =	smul.u32 $0x320000, s2;
	s7 =	smax.u32 s0, $0x1;
	[dreg:$0x4] =	wrdreg s1  }
.LBB2_1:
0xa: {  	s0 =	rddreg [dreg:$0x0]  }
0xb: {  	[tilespmem:s4], [sflag:$0x2] =	stream.linear.gather [hbm4b:s0+s4], $0x2980, $0x38;
	[tilespmem:$0x11000] =	vst v63  }
0xc: {  	_ =	swait.ge [sflag:s8], $0x2980  }
0xd: {  	[sflag:s8] =	ssyncset.done $0x0  }
0xe: {  	s13 =	simm.s32 $0x2C00;
	s31 =	rddreg [dreg:$0x4];
	[sflag:s8] =	ssyncadd.s32 $0xFFFFD680  }
0xf: {  	[tilespmem:s13], [sflag:$0x2] =	stream.linear.gather [hbm4b:s31+s4], $0x6400, $0x38;
	[tilespmem:$0x11000] =	vst v63  }
0x10: {  	_ =	swait.ge [sflag:s8], $0x6400  }
0x11: {  	[sflag:s8] =	ssyncset.done $0x0  }
0x12: {  	s14 =	simm.s32 $0x2C80;
	s15 =	simm.s32 $0x0;
	[sflag:s8] =	ssyncadd.s32 $0xFFFF9C00  }
.LBB2_2:
0x13: {  	p0 =	seq.s32 s15, $0x0;
	v0 =	vmov s13  }
0x14: {  	s0 =	simm.s32 @!p0 $0x1  }
0x15: {  	_ =	swait.ge @!p0 [sflag:s0], $0x4000  }
0x16: {  	[sflag:s0] =	ssyncset.done @!p0 $0x0  }
0x17: {  	s1 =	simm.s32 $0x0;
	[sflag:s0] =	ssyncadd.s32 @!p0 $0xFFFFC000  }
0x18: {  	v1 =	vld.idx.msk [tilespmem:v0+s1+$0x0 ss:$0x1], $0xffff;
	_ =	sdelay $0x4  }
0x19: {  	v1 =	vshll.u32 v1, $0x9  }
0x1a: {  	v1 =	vshra.s32 v1, $0x2  }
0x1b: {  	(v2sf) =	vpush v1, $0x0;
	_ =	sdelay $0xe  }
0x1c: {  	s2 =	spop (v2sf)  }
0x1d: {  	v2 =	vld [tilespmem:s2+$0x0];
	_ =	sdelay $0x3  }
0x1e: {  	s17 =	simm.s32 $0x9400  }
0x1f: {  	[tilespmem:s17+$0xFFFFFC00] =	vst v2  }
0x20: {  	v2 =	vld [tilespmem:s2+$0x10];
	_ =	sdelay $0x4  }
0x21: {  	[tilespmem:s17+$0xFFFFFC10] =	vst v2  }
0x22: {  	v2 =	vld [tilespmem:s2+$0x20];
	_ =	sdelay $0x4  }
0x23: {  	[tilespmem:s17+$0xFFFFFC20] =	vst v2  }
0x24: {  	v2 =	vld [tilespmem:s2+$0x30];
	_ =	sdelay $0x4  }
0x25: {  	[tilespmem:s17+$0xFFFFFC30] =	vst v2  }
0x26: {  	v2 =	vld [tilespmem:s2+$0x40];
	_ =	sdelay $0x4  }
0x27: {  	[tilespmem:s17+$0xFFFFFC40] =	vst v2  }
0x28: {  	v2 =	vld [tilespmem:s2+$0x50];
	_ =	sdelay $0x1  }
0x29: {  	(v2sf) =	vpush v1, $0x1;
	_ =	sdelay $0x2  }
0x2a: {  	[tilespmem:s17+$0xFFFFFC50] =	vst v2  }
0x2b: {  	v2 =	vld [tilespmem:s2+$0x60];
	_ =	sdelay $0x4  }
0x2c: {  	[tilespmem:s17+$0xFFFFFC60] =	vst v2  }
0x2d: {  	v2 =	vld [tilespmem:s2+$0x70];
	_ =	sdelay $0x4  }
0x2e: {  	s5 =	spop (v2sf);
	[tilespmem:s17+$0xFFFFFC70] =	vst v2  }
0x2f: {  	v2 =	vld [tilespmem:s5+$0x0];
	_ =	sdelay $0x4  }
0x30: {  	[tilespmem:s17+$0xFFFFFC80] =	vst v2  }
0x31: {  	v2 =	vld [tilespmem:s5+$0x10];
	_ =	sdelay $0x4  }
0x32: {  	[tilespmem:s17+$0xFFFFFC90] =	vst v2  }
0x33: {  	v2 =	vld [tilespmem:s5+$0x20];
	_ =	sdelay $0x4  }
0x34: {  	[tilespmem:s17+$0xFFFFFCA0] =	vst v2  }
0x35: {  	v2 =	vld [tilespmem:s5+$0x30];
	_ =	sdelay $0x4  }
0x36: {  	[tilespmem:s17+$0xFFFFFCB0] =	vst v2  }
0x37: {  	v2 =	vld [tilespmem:s5+$0x40];
	_ =	sdelay $0x4  }
0x38: {  	[tilespmem:s17+$0xFFFFFCC0] =	vst v2  }
0x39: {  	v2 =	vld [tilespmem:s5+$0x50];
	_ =	sdelay $0x1  }
0x3a: {  	(v2sf) =	vpush v1, $0x2;
	_ =	sdelay $0x2  }
0x3b: {  	[tilespmem:s17+$0xFFFFFCD0] =	vst v2  }
0x3c: {  	v2 =	vld [tilespmem:s5+$0x60];
	_ =	sdelay $0x4  }
0x3d: {  	[tilespmem:s17+$0xFFFFFCE0] =	vst v2  }
0x3e: {  	v2 =	vld [tilespmem:s5+$0x70];
	_ =	sdelay $0x4  }
0x3f: {  	s16 =	spop (v2sf);
	[tilespmem:s17+$0xFFFFFCF0] =	vst v2  }
0x40: {  	v2 =	vld [tilespmem:s16+$0x0];
	_ =	sdelay $0x4  }
0x41: {  	[tilespmem:s17+$0xFFFFFD00] =	vst v2  }
0x42: {  	v2 =	vld [tilespmem:s16+$0x10];
	_ =	sdelay $0x4  }
0x43: {  	[tilespmem:s17+$0xFFFFFD10] =	vst v2  }
0x44: {  	v2 =	vld [tilespmem:s16+$0x20];
	_ =	sdelay $0x4  }
0x45: {  	[tilespmem:s17+$0xFFFFFD20] =	vst v2  }
0x46: {  	v2 =	vld [tilespmem:s16+$0x30];
	_ =	sdelay $0x4  }
0x47: {  	[tilespmem:s17+$0xFFFFFD30] =	vst v2  }
0x48: {  	v2 =	vld [tilespmem:s16+$0x40];
	_ =	sdelay $0x4  }
0x49: {  	[tilespmem:s17+$0xFFFFFD40] =	vst v2  }
0x4a: {  	v2 =	vld [tilespmem:s16+$0x50];
	_ =	sdelay $0x1  }
0x4b: {  	(v2sf) =	vpush v1, $0x3;
	_ =	sdelay $0x2  }
0x4c: {  	[tilespmem:s17+$0xFFFFFD50] =	vst v2  }
0x4d: {  	v2 =	vld [tilespmem:s16+$0x60];
	_ =	sdelay $0x4  }
0x4e: {  	[tilespmem:s17+$0xFFFFFD60] =	vst v2  }
0x4f: {  	v2 =	vld [tilespmem:s16+$0x70];
	_ =	sdelay $0x4  }
0x50: {  	s18 =	spop (v2sf);
	[tilespmem:s17+$0xFFFFFD70] =	vst v2  }
0x51: {  	v2 =	vld [tilespmem:s18+$0x0];
	_ =	sdelay $0x4  }
0x52: {  	[tilespmem:s17+$0xFFFFFD80] =	vst v2  }
0x53: {  	v2 =	vld [tilespmem:s18+$0x10];
	_ =	sdelay $0x4  }
0x54: {  	[tilespmem:s17+$0xFFFFFD90] =	vst v2  }
0x55: {  	v2 =	vld [tilespmem:s18+$0x20];
	_ =	sdelay $0x4  }
0x56: {  	[tilespmem:s17+$0xFFFFFDA0] =	vst v2  }
0x57: {  	v2 =	vld [tilespmem:s18+$0x30];
	_ =	sdelay $0x4  }
0x58: {  	[tilespmem:s17+$0xFFFFFDB0] =	vst v2  }
0x59: {  	v2 =	vld [tilespmem:s18+$0x40];
	_ =	sdelay $0x4  }
0x5a: {  	[tilespmem:s17+$0xFFFFFDC0] =	vst v2  }
0x5b: {  	v2 =	vld [tilespmem:s18+$0x50];
	_ =	sdelay $0x1  }
0x5c: {  	(v2sf) =	vpush v1, $0x4;
	_ =	sdelay $0x2  }
0x5d: {  	[tilespmem:s17+$0xFFFFFDD0] =	vst v2  }
0x5e: {  	v2 =	vld [tilespmem:s18+$0x60];
	_ =	sdelay $0x4  }
0x5f: {  	[tilespmem:s17+$0xFFFFFDE0] =	vst v2  }
0x60: {  	v2 =	vld [tilespmem:s18+$0x70];
	_ =	sdelay $0x4  }
0x61: {  	s19 =	spop (v2sf);
	[tilespmem:s17+$0xFFFFFDF0] =	vst v2  }
0x62: {  	v2 =	vld [tilespmem:s19+$0x0];
	_ =	sdelay $0x4  }
0x63: {  	[tilespmem:s17+$0xFFFFFE00] =	vst v2  }
0x64: {  	v2 =	vld [tilespmem:s19+$0x10];
	_ =	sdelay $0x4  }
0x65: {  	[tilespmem:s17+$0xFFFFFE10] =	vst v2  }
0x66: {  	v2 =	vld [tilespmem:s19+$0x20];
	_ =	sdelay $0x4  }
0x67: {  	[tilespmem:s17+$0xFFFFFE20] =	vst v2  }
0x68: {  	v2 =	vld [tilespmem:s19+$0x30];
	_ =	sdelay $0x4  }
0x69: {  	[tilespmem:s17+$0xFFFFFE30] =	vst v2  }
0x6a: {  	v2 =	vld [tilespmem:s19+$0x40];
	_ =	sdelay $0x4  }
0x6b: {  	[tilespmem:s17+$0xFFFFFE40] =	vst v2  }
0x6c: {  	v2 =	vld [tilespmem:s19+$0x50];
	_ =	sdelay $0x1  }
0x6d: {  	(v2sf) =	vpush v1, $0x5;
	_ =	sdelay $0x2  }
0x6e: {  	[tilespmem:s17+$0xFFFFFE50] =	vst v2  }
0x6f: {  	v2 =	vld [tilespmem:s19+$0x60];
	_ =	sdelay $0x4  }
0x70: {  	[tilespmem:s17+$0xFFFFFE60] =	vst v2  }
0x71: {  	v2 =	vld [tilespmem:s19+$0x70];
	_ =	sdelay $0x4  }
0x72: {  	s20 =	spop (v2sf);
	[tilespmem:s17+$0xFFFFFE70] =	vst v2  }
0x73: {  	v2 =	vld [tilespmem:s20+$0x0];
	_ =	sdelay $0x4  }
0x74: {  	[tilespmem:s17+$0xFFFFFE80] =	vst v2  }
0x75: {  	v2 =	vld [tilespmem:s20+$0x10];
	_ =	sdelay $0x4  }
0x76: {  	[tilespmem:s17+$0xFFFFFE90] =	vst v2  }
0x77: {  	v2 =	vld [tilespmem:s20+$0x20];
	_ =	sdelay $0x4  }
0x78: {  	[tilespmem:s17+$0xFFFFFEA0] =	vst v2  }
0x79: {  	v2 =	vld [tilespmem:s20+$0x30];
	_ =	sdelay $0x4  }
0x7a: {  	[tilespmem:s17+$0xFFFFFEB0] =	vst v2  }
0x7b: {  	v2 =	vld [tilespmem:s20+$0x40];
	_ =	sdelay $0x4  }
0x7c: {  	[tilespmem:s17+$0xFFFFFEC0] =	vst v2  }
0x7d: {  	v2 =	vld [tilespmem:s20+$0x50];
	_ =	sdelay $0x1  }
0x7e: {  	(v2sf) =	vpush v1, $0x6;
	_ =	sdelay $0x2  }
0x7f: {  	[tilespmem:s17+$0xFFFFFED0] =	vst v2  }
0x80: {  	v2 =	vld [tilespmem:s20+$0x60];
	_ =	sdelay $0x4  }
0x81: {  	[tilespmem:s17+$0xFFFFFEE0] =	vst v2  }
0x82: {  	v2 =	vld [tilespmem:s20+$0x70];
	_ =	sdelay $0x4  }
0x83: {  	s21 =	spop (v2sf);
	[tilespmem:s17+$0xFFFFFEF0] =	vst v2  }
0x84: {  	v2 =	vld [tilespmem:s21+$0x0];
	_ =	sdelay $0x4  }
0x85: {  	[tilespmem:s17+$0xFFFFFF00] =	vst v2  }
0x86: {  	v2 =	vld [tilespmem:s21+$0x10];
	_ =	sdelay $0x4  }
0x87: {  	[tilespmem:s17+$0xFFFFFF10] =	vst v2  }
0x88: {  	v2 =	vld [tilespmem:s21+$0x20];
	_ =	sdelay $0x4  }
0x89: {  	[tilespmem:s17+$0xFFFFFF20] =	vst v2  }
0x8a: {  	v2 =	vld [tilespmem:s21+$0x30];
	_ =	sdelay $0x4  }
0x8b: {  	[tilespmem:s17+$0xFFFFFF30] =	vst v2  }
0x8c: {  	v2 =	vld [tilespmem:s21+$0x40];
	_ =	sdelay $0x4  }
0x8d: {  	[tilespmem:s17+$0xFFFFFF40] =	vst v2  }
0x8e: {  	v2 =	vld [tilespmem:s21+$0x50];
	_ =	sdelay $0x1  }
0x8f: {  	(v2sf) =	vpush v1, $0x7;
	_ =	sdelay $0x2  }
0x90: {  	[tilespmem:s17+$0xFFFFFF50] =	vst v2  }
0x91: {  	v2 =	vld [tilespmem:s21+$0x60];
	_ =	sdelay $0x4  }
0x92: {  	[tilespmem:s17+$0xFFFFFF60] =	vst v2  }
0x93: {  	v2 =	vld [tilespmem:s21+$0x70];
	_ =	sdelay $0x4  }
0x94: {  	s22 =	spop (v2sf);
	[tilespmem:s17+$0xFFFFFF70] =	vst v2  }
0x95: {  	v2 =	vld [tilespmem:s22+$0x0];
	_ =	sdelay $0x4  }
0x96: {  	[tilespmem:s17+$0xFFFFFF80] =	vst v2  }
0x97: {  	v2 =	vld [tilespmem:s22+$0x10];
	_ =	sdelay $0x4  }
0x98: {  	[tilespmem:s17+$0xFFFFFF90] =	vst v2  }
0x99: {  	v2 =	vld [tilespmem:s22+$0x20];
	_ =	sdelay $0x4  }
0x9a: {  	[tilespmem:s17+$0xFFFFFFA0] =	vst v2  }
0x9b: {  	v2 =	vld [tilespmem:s22+$0x30];
	_ =	sdelay $0x4  }
0x9c: {  	[tilespmem:s17+$0xFFFFFFB0] =	vst v2  }
0x9d: {  	v2 =	vld [tilespmem:s22+$0x40];
	_ =	sdelay $0x4  }
0x9e: {  	[tilespmem:s17+$0xFFFFFFC0] =	vst v2  }
0x9f: {  	v2 =	vld [tilespmem:s22+$0x50];
	_ =	sdelay $0x1  }
0xa0: {  	(v2sf) =	vpush v1, $0x8;
	_ =	sdelay $0x2  }
0xa1: {  	[tilespmem:s17+$0xFFFFFFD0] =	vst v2  }
0xa2: {  	v2 =	vld [tilespmem:s22+$0x60];
	_ =	sdelay $0x4  }
0xa3: {  	[tilespmem:s17+$0xFFFFFFE0] =	vst v2  }
0xa4: {  	v2 =	vld [tilespmem:s22+$0x70];
	_ =	sdelay $0x4  }
0xa5: {  	s23 =	spop (v2sf);
	[tilespmem:s17+$0xFFFFFFF0] =	vst v2  }
0xa6: {  	v2 =	vld [tilespmem:s23+$0x0];
	_ =	sdelay $0x4  }
0xa7: {  	[tilespmem:s17+$0x0] =	vst v2  }
0xa8: {  	v2 =	vld [tilespmem:s23+$0x10];
	_ =	sdelay $0x4  }
0xa9: {  	[tilespmem:s17+$0x10] =	vst v2  }
0xaa: {  	v2 =	vld [tilespmem:s23+$0x20];
	_ =	sdelay $0x4  }
0xab: {  	[tilespmem:s17+$0x20] =	vst v2  }
0xac: {  	v2 =	vld [tilespmem:s23+$0x30];
	_ =	sdelay $0x4  }
0xad: {  	[tilespmem:s17+$0x30] =	vst v2  }
0xae: {  	v2 =	vld [tilespmem:s23+$0x40];
	_ =	sdelay $0x4  }
0xaf: {  	[tilespmem:s17+$0x40] =	vst v2  }
0xb0: {  	v2 =	vld [tilespmem:s23+$0x50];
	_ =	sdelay $0x1  }
0xb1: {  	(v2sf) =	vpush v1, $0x9;
	_ =	sdelay $0x2  }
0xb2: {  	[tilespmem:s17+$0x50] =	vst v2  }
0xb3: {  	v2 =	vld [tilespmem:s23+$0x60];
	_ =	sdelay $0x4  }
0xb4: {  	[tilespmem:s17+$0x60] =	vst v2  }
0xb5: {  	v2 =	vld [tilespmem:s23+$0x70];
	_ =	sdelay $0x4  }
0xb6: {  	s24 =	spop (v2sf);
	[tilespmem:s17+$0x70] =	vst v2  }
0xb7: {  	v2 =	vld [tilespmem:s24+$0x0];
	_ =	sdelay $0x4  }
0xb8: {  	[tilespmem:s17+$0x80] =	vst v2  }
0xb9: {  	v2 =	vld [tilespmem:s24+$0x10];
	_ =	sdelay $0x4  }
0xba: {  	[tilespmem:s17+$0x90] =	vst v2  }
0xbb: {  	v2 =	vld [tilespmem:s24+$0x20];
	_ =	sdelay $0x4  }
0xbc: {  	[tilespmem:s17+$0xA0] =	vst v2  }
0xbd: {  	v2 =	vld [tilespmem:s24+$0x30];
	_ =	sdelay $0x4  }
0xbe: {  	[tilespmem:s17+$0xB0] =	vst v2  }
0xbf: {  	v2 =	vld [tilespmem:s24+$0x40];
	_ =	sdelay $0x4  }
0xc0: {  	[tilespmem:s17+$0xC0] =	vst v2  }
0xc1: {  	v2 =	vld [tilespmem:s24+$0x50];
	_ =	sdelay $0x1  }
0xc2: {  	(v2sf) =	vpush v1, $0xA;
	_ =	sdelay $0x2  }
0xc3: {  	[tilespmem:s17+$0xD0] =	vst v2  }
0xc4: {  	v2 =	vld [tilespmem:s24+$0x60];
	_ =	sdelay $0x4  }
0xc5: {  	[tilespmem:s17+$0xE0] =	vst v2  }
0xc6: {  	v2 =	vld [tilespmem:s24+$0x70];
	_ =	sdelay $0x4  }
0xc7: {  	s25 =	spop (v2sf);
	[tilespmem:s17+$0xF0] =	vst v2  }
0xc8: {  	v2 =	vld [tilespmem:s25+$0x0];
	_ =	sdelay $0x4  }
0xc9: {  	[tilespmem:s17+$0x100] =	vst v2  }
0xca: {  	v2 =	vld [tilespmem:s25+$0x10];
	_ =	sdelay $0x4  }
0xcb: {  	[tilespmem:s17+$0x110] =	vst v2  }
0xcc: {  	v2 =	vld [tilespmem:s25+$0x20];
	_ =	sdelay $0x4  }
0xcd: {  	[tilespmem:s17+$0x120] =	vst v2  }
0xce: {  	v2 =	vld [tilespmem:s25+$0x30];
	_ =	sdelay $0x4  }
0xcf: {  	[tilespmem:s17+$0x130] =	vst v2  }
0xd0: {  	v2 =	vld [tilespmem:s25+$0x40];
	_ =	sdelay $0x4  }
0xd1: {  	[tilespmem:s17+$0x140] =	vst v2  }
0xd2: {  	v2 =	vld [tilespmem:s25+$0x50];
	_ =	sdelay $0x1  }
0xd3: {  	(v2sf) =	vpush v1, $0xB;
	_ =	sdelay $0x2  }
0xd4: {  	[tilespmem:s17+$0x150] =	vst v2  }
0xd5: {  	v2 =	vld [tilespmem:s25+$0x60];
	_ =	sdelay $0x4  }
0xd6: {  	[tilespmem:s17+$0x160] =	vst v2  }
0xd7: {  	v2 =	vld [tilespmem:s25+$0x70];
	_ =	sdelay $0x4  }
0xd8: {  	s26 =	spop (v2sf);
	[tilespmem:s17+$0x170] =	vst v2  }
0xd9: {  	v2 =	vld [tilespmem:s26+$0x0];
	_ =	sdelay $0x4  }
0xda: {  	[tilespmem:s17+$0x180] =	vst v2  }
0xdb: {  	v2 =	vld [tilespmem:s26+$0x10];
	_ =	sdelay $0x4  }
0xdc: {  	[tilespmem:s17+$0x190] =	vst v2  }
0xdd: {  	v2 =	vld [tilespmem:s26+$0x20];
	_ =	sdelay $0x4  }
0xde: {  	[tilespmem:s17+$0x1A0] =	vst v2  }
0xdf: {  	v2 =	vld [tilespmem:s26+$0x30];
	_ =	sdelay $0x4  }
0xe0: {  	[tilespmem:s17+$0x1B0] =	vst v2  }
0xe1: {  	v2 =	vld [tilespmem:s26+$0x40];
	_ =	sdelay $0x4  }
0xe2: {  	[tilespmem:s17+$0x1C0] =	vst v2  }
0xe3: {  	v2 =	vld [tilespmem:s26+$0x50];
	_ =	sdelay $0x1  }
0xe4: {  	(v2sf) =	vpush v1, $0xC;
	_ =	sdelay $0x2  }
0xe5: {  	[tilespmem:s17+$0x1D0] =	vst v2  }
0xe6: {  	v2 =	vld [tilespmem:s26+$0x60];
	_ =	sdelay $0x4  }
0xe7: {  	[tilespmem:s17+$0x1E0] =	vst v2  }
0xe8: {  	v2 =	vld [tilespmem:s26+$0x70];
	_ =	sdelay $0x4  }
0xe9: {  	s28 =	spop (v2sf);
	[tilespmem:s17+$0x1F0] =	vst v2  }
0xea: {  	v2 =	vld [tilespmem:s28+$0x0];
	_ =	sdelay $0x4  }
0xeb: {  	[tilespmem:s17+$0x200] =	vst v2  }
0xec: {  	v2 =	vld [tilespmem:s28+$0x10];
	_ =	sdelay $0x4  }
0xed: {  	[tilespmem:s17+$0x210] =	vst v2  }
0xee: {  	v2 =	vld [tilespmem:s28+$0x20];
	_ =	sdelay $0x4  }
0xef: {  	[tilespmem:s17+$0x220] =	vst v2  }
0xf0: {  	v2 =	vld [tilespmem:s28+$0x30];
	_ =	sdelay $0x4  }
0xf1: {  	[tilespmem:s17+$0x230] =	vst v2  }
0xf2: {  	v2 =	vld [tilespmem:s28+$0x40];
	_ =	sdelay $0x4  }
0xf3: {  	[tilespmem:s17+$0x240] =	vst v2  }
0xf4: {  	v2 =	vld [tilespmem:s28+$0x50];
	_ =	sdelay $0x1  }
0xf5: {  	(v2sf) =	vpush v1, $0xD;
	_ =	sdelay $0x2  }
0xf6: {  	[tilespmem:s17+$0x250] =	vst v2  }
0xf7: {  	v2 =	vld [tilespmem:s28+$0x60];
	_ =	sdelay $0x4  }
0xf8: {  	[tilespmem:s17+$0x260] =	vst v2  }
0xf9: {  	v2 =	vld [tilespmem:s28+$0x70];
	_ =	sdelay $0x4  }
0xfa: {  	s29 =	spop (v2sf);
	[tilespmem:s17+$0x270] =	vst v2  }
0xfb: {  	v2 =	vld [tilespmem:s29+$0x0];
	_ =	sdelay $0x4  }
0xfc: {  	[tilespmem:s17+$0x280] =	vst v2  }
0xfd: {  	v2 =	vld [tilespmem:s29+$0x10];
	_ =	sdelay $0x4  }
0xfe: {  	[tilespmem:s17+$0x290] =	vst v2  }
0xff: {  	v2 =	vld [tilespmem:s29+$0x20];
	_ =	sdelay $0x4  }
0x100: {  	[tilespmem:s17+$0x2A0] =	vst v2  }
0x101: {  	v2 =	vld [tilespmem:s29+$0x30];
	_ =	sdelay $0x4  }
0x102: {  	[tilespmem:s17+$0x2B0] =	vst v2  }
0x103: {  	v2 =	vld [tilespmem:s29+$0x40];
	_ =	sdelay $0x4  }
0x104: {  	[tilespmem:s17+$0x2C0] =	vst v2  }
0x105: {  	v2 =	vld [tilespmem:s29+$0x50];
	_ =	sdelay $0x1  }
0x106: {  	(v2sf) =	vpush v1, $0xE;
	_ =	sdelay $0x2  }
0x107: {  	[tilespmem:s17+$0x2D0] =	vst v2  }
0x108: {  	v2 =	vld [tilespmem:s29+$0x60];
	_ =	sdelay $0x4  }
0x109: {  	[tilespmem:s17+$0x2E0] =	vst v2  }
0x10a: {  	v2 =	vld [tilespmem:s29+$0x70];
	_ =	sdelay $0x4  }
0x10b: {  	s30 =	spop (v2sf);
	[tilespmem:s17+$0x2F0] =	vst v2  }
0x10c: {  	v2 =	vld [tilespmem:s30+$0x0];
	_ =	sdelay $0x4  }
0x10d: {  	[tilespmem:s17+$0x300] =	vst v2  }
0x10e: {  	v2 =	vld [tilespmem:s30+$0x10];
	_ =	sdelay $0x4  }
0x10f: {  	[tilespmem:s17+$0x310] =	vst v2  }
0x110: {  	v2 =	vld [tilespmem:s30+$0x20];
	_ =	sdelay $0x4  }
0x111: {  	[tilespmem:s17+$0x320] =	vst v2  }
0x112: {  	v2 =	vld [tilespmem:s30+$0x30];
	_ =	sdelay $0x4  }
0x113: {  	[tilespmem:s17+$0x330] =	vst v2  }
0x114: {  	v2 =	vld [tilespmem:s30+$0x40];
	_ =	sdelay $0x4  }
0x115: {  	[tilespmem:s17+$0x340] =	vst v2  }
0x116: {  	v2 =	vld [tilespmem:s30+$0x50];
	_ =	sdelay $0x1  }
0x117: {  	(v2sf) =	vpush v1, $0xF;
	_ =	sdelay $0x2  }
0x118: {  	[tilespmem:s17+$0x350] =	vst v2  }
0x119: {  	v1 =	vld [tilespmem:s30+$0x60];
	_ =	sdelay $0x4  }
0x11a: {  	[tilespmem:s17+$0x360] =	vst v1  }
0x11b: {  	v1 =	vld [tilespmem:s30+$0x70];
	_ =	sdelay $0x4  }
0x11c: {  	s31 =	spop (v2sf);
	[tilespmem:s17+$0x370] =	vst v1  }
0x11d: {  	v1 =	vld [tilespmem:s31+$0x0];
	_ =	sdelay $0x4  }
0x11e: {  	[tilespmem:s17+$0x380] =	vst v1  }
0x11f: {  	v1 =	vld [tilespmem:s31+$0x10];
	_ =	sdelay $0x4  }
0x120: {  	[tilespmem:s17+$0x390] =	vst v1  }
0x121: {  	v1 =	vld [tilespmem:s31+$0x20];
	_ =	sdelay $0x4  }
0x122: {  	[tilespmem:s17+$0x3A0] =	vst v1  }
0x123: {  	v1 =	vld [tilespmem:s31+$0x30];
	_ =	sdelay $0x4  }
0x124: {  	[tilespmem:s17+$0x3B0] =	vst v1  }
0x125: {  	v1 =	vld [tilespmem:s31+$0x40];
	_ =	sdelay $0x4  }
0x126: {  	[tilespmem:s17+$0x3C0] =	vst v1  }
0x127: {  	v1 =	vld [tilespmem:s31+$0x50];
	_ =	sdelay $0x4  }
0x128: {  	[tilespmem:s17+$0x3D0] =	vst v1  }
0x129: {  	v1 =	vld [tilespmem:s31+$0x60];
	_ =	sdelay $0x4  }
0x12a: {  	[tilespmem:s17+$0x3E0] =	vst v1  }
0x12b: {  	v1 =	vld [tilespmem:s31+$0x70];
	_ =	sdelay $0x4  }
0x12c: {  	s0 =	simm.s32 $0x10;
	s16 =	sshll.u32 s15, $0x1;
	s18 =	simm.s32 $0x80;
	[tilespmem:s17+$0x3F0] =	vst v1  }
.LBB2_3:
0x12d: {  	p1 =	sne.s32 s18, $0x1C0;
	v1 =	vld.idx.msk [tilespmem:v0+s0+$0x0 ss:$0x1], $0xffff;
	_ =	sdelay $0x5  }
0x12e: {  	v1 =	vshll.u32 v1, $0x9  }
0x12f: {  	v1 =	vshra.s32 v1, $0x2  }
0x130: {  	(v2sf) =	vpush v1, $0x0  }
0x131: {  	(v2sf) =	vpush v1, $0x1  }
0x132: {  	(v2sf) =	vpush v1, $0x2  }
0x133: {  	(v2sf) =	vpush v1, $0x3  }
0x134: {  	(v2sf) =	vpush v1, $0x4  }
0x135: {  	(v2sf) =	vpush v1, $0x5  }
0x136: {  	(v2sf) =	vpush v1, $0x6  }
0x137: {  	(v2sf) =	vpush v1, $0x7  }
0x138: {  	(v2sf) =	vpush v1, $0x8  }
0x139: {  	(v2sf) =	vpush v1, $0x9  }
0x13a: {  	(v2sf) =	vpush v1, $0xA  }
0x13b: {  	(v2sf) =	vpush v1, $0xB  }
0x13c: {  	(v2sf) =	vpush v1, $0xC  }
0x13d: {  	(v2sf) =	vpush v1, $0xD  }
0x13e: {  	(v2sf) =	vpush v1, $0xE  }
0x13f: {  	s5 =	spop (v2sf);
	(v2sf) =	vpush v1, $0xF  }
0x140: {  	v1 =	vld [tilespmem:s5+$0x0];
	s1 =	spop (v2sf)  }
0x141: {  	s0 =	spop (v2sf)  }
0x142: {  	s2 =	spop (v2sf)  }
0x143: {  	s31 =	spop (v2sf)  }
0x144: {  	s17 =	sadd.s32 $0x800, s17;
	s30 =	spop (v2sf)  }
0x145: {  	[tilespmem:s17+$0xFFFFFC00] =	vst v1;
	s29 =	spop (v2sf)  }
0x146: {  	v1 =	vld [tilespmem:s5+$0x10];
	s28 =	spop (v2sf)  }
0x147: {  	s26 =	spop (v2sf)  }
0x148: {  	s25 =	spop (v2sf)  }
0x149: {  	s24 =	spop (v2sf)  }
0x14a: {  	s23 =	spop (v2sf)  }
0x14b: {  	[tilespmem:s17+$0xFFFFFC10] =	vst v1;
	s22 =	spop (v2sf)  }
0x14c: {  	v1 =	vld [tilespmem:s5+$0x20];
	s21 =	spop (v2sf)  }
0x14d: {  	s20 =	spop (v2sf)  }
0x14e: {  	s19 =	spop (v2sf);
	_ =	sdelay $0x2  }
0x14f: {  	[tilespmem:s17+$0xFFFFFC20] =	vst v1  }
0x150: {  	v1 =	vld [tilespmem:s5+$0x30];
	_ =	sdelay $0x4  }
0x151: {  	[tilespmem:s17+$0xFFFFFC30] =	vst v1  }
0x152: {  	v1 =	vld [tilespmem:s5+$0x40];
	_ =	sdelay $0x4  }
0x153: {  	[tilespmem:s17+$0xFFFFFC40] =	vst v1  }
0x154: {  	v1 =	vld [tilespmem:s5+$0x50];
	_ =	sdelay $0x4  }
0x155: {  	[tilespmem:s17+$0xFFFFFC50] =	vst v1  }
0x156: {  	v1 =	vld [tilespmem:s5+$0x60];
	_ =	sdelay $0x4  }
0x157: {  	[tilespmem:s17+$0xFFFFFC60] =	vst v1  }
0x158: {  	v1 =	vld [tilespmem:s5+$0x70];
	_ =	sdelay $0x4  }
0x159: {  	[tilespmem:s17+$0xFFFFFC70] =	vst v1  }
0x15a: {  	v1 =	vld [tilespmem:s1+$0x0];
	_ =	sdelay $0x4  }
0x15b: {  	[tilespmem:s17+$0xFFFFFC80] =	vst v1  }
0x15c: {  	v1 =	vld [tilespmem:s1+$0x10];
	_ =	sdelay $0x4  }
0x15d: {  	[tilespmem:s17+$0xFFFFFC90] =	vst v1  }
0x15e: {  	v1 =	vld [tilespmem:s1+$0x20];
	_ =	sdelay $0x4  }
0x15f: {  	[tilespmem:s17+$0xFFFFFCA0] =	vst v1  }
0x160: {  	v1 =	vld [tilespmem:s1+$0x30];
	_ =	sdelay $0x4  }
0x161: {  	[tilespmem:s17+$0xFFFFFCB0] =	vst v1  }
0x162: {  	v1 =	vld [tilespmem:s1+$0x40];
	_ =	sdelay $0x4  }
0x163: {  	[tilespmem:s17+$0xFFFFFCC0] =	vst v1  }
0x164: {  	v1 =	vld [tilespmem:s1+$0x50];
	_ =	sdelay $0x4  }
0x165: {  	[tilespmem:s17+$0xFFFFFCD0] =	vst v1  }
0x166: {  	v1 =	vld [tilespmem:s1+$0x60];
	_ =	sdelay $0x4  }
0x167: {  	[tilespmem:s17+$0xFFFFFCE0] =	vst v1  }
0x168: {  	v1 =	vld [tilespmem:s1+$0x70];
	_ =	sdelay $0x4  }
0x169: {  	[tilespmem:s17+$0xFFFFFCF0] =	vst v1  }
0x16a: {  	v1 =	vld [tilespmem:s0+$0x0];
	_ =	sdelay $0x4  }
0x16b: {  	[tilespmem:s17+$0xFFFFFD00] =	vst v1  }
0x16c: {  	v1 =	vld [tilespmem:s0+$0x10];
	_ =	sdelay $0x4  }
0x16d: {  	[tilespmem:s17+$0xFFFFFD10] =	vst v1  }
0x16e: {  	v1 =	vld [tilespmem:s0+$0x20];
	_ =	sdelay $0x4  }
0x16f: {  	[tilespmem:s17+$0xFFFFFD20] =	vst v1  }
0x170: {  	v1 =	vld [tilespmem:s0+$0x30];
	_ =	sdelay $0x4  }
0x171: {  	[tilespmem:s17+$0xFFFFFD30] =	vst v1  }
0x172: {  	v1 =	vld [tilespmem:s0+$0x40];
	_ =	sdelay $0x4  }
0x173: {  	[tilespmem:s17+$0xFFFFFD40] =	vst v1  }
0x174: {  	v1 =	vld [tilespmem:s0+$0x50];
	_ =	sdelay $0x4  }
0x175: {  	[tilespmem:s17+$0xFFFFFD50] =	vst v1  }
0x176: {  	v1 =	vld [tilespmem:s0+$0x60];
	_ =	sdelay $0x4  }
0x177: {  	[tilespmem:s17+$0xFFFFFD60] =	vst v1  }
0x178: {  	v1 =	vld [tilespmem:s0+$0x70];
	_ =	sdelay $0x4  }
0x179: {  	[tilespmem:s17+$0xFFFFFD70] =	vst v1  }
0x17a: {  	v1 =	vld [tilespmem:s2+$0x0];
	_ =	sdelay $0x4  }
0x17b: {  	[tilespmem:s17+$0xFFFFFD80] =	vst v1  }
0x17c: {  	v1 =	vld [tilespmem:s2+$0x10];
	_ =	sdelay $0x4  }
0x17d: {  	[tilespmem:s17+$0xFFFFFD90] =	vst v1  }
0x17e: {  	v1 =	vld [tilespmem:s2+$0x20];
	_ =	sdelay $0x4  }
0x17f: {  	[tilespmem:s17+$0xFFFFFDA0] =	vst v1  }
0x180: {  	v1 =	vld [tilespmem:s2+$0x30];
	_ =	sdelay $0x4  }
0x181: {  	[tilespmem:s17+$0xFFFFFDB0] =	vst v1  }
0x182: {  	v1 =	vld [tilespmem:s2+$0x40];
	_ =	sdelay $0x4  }
0x183: {  	[tilespmem:s17+$0xFFFFFDC0] =	vst v1  }
0x184: {  	v1 =	vld [tilespmem:s2+$0x50];
	_ =	sdelay $0x4  }
0x185: {  	[tilespmem:s17+$0xFFFFFDD0] =	vst v1  }
0x186: {  	v1 =	vld [tilespmem:s2+$0x60];
	_ =	sdelay $0x4  }
0x187: {  	[tilespmem:s17+$0xFFFFFDE0] =	vst v1  }
0x188: {  	v1 =	vld [tilespmem:s2+$0x70];
	_ =	sdelay $0x4  }
0x189: {  	[tilespmem:s17+$0xFFFFFDF0] =	vst v1  }
0x18a: {  	v1 =	vld [tilespmem:s31+$0x0];
	_ =	sdelay $0x4  }
0x18b: {  	[tilespmem:s17+$0xFFFFFE00] =	vst v1  }
0x18c: {  	v1 =	vld [tilespmem:s31+$0x10];
	_ =	sdelay $0x4  }
0x18d: {  	[tilespmem:s17+$0xFFFFFE10] =	vst v1  }
0x18e: {  	v1 =	vld [tilespmem:s31+$0x20];
	_ =	sdelay $0x4  }
0x18f: {  	[tilespmem:s17+$0xFFFFFE20] =	vst v1  }
0x190: {  	v1 =	vld [tilespmem:s31+$0x30];
	_ =	sdelay $0x4  }
0x191: {  	[tilespmem:s17+$0xFFFFFE30] =	vst v1  }
0x192: {  	v1 =	vld [tilespmem:s31+$0x40];
	_ =	sdelay $0x4  }
0x193: {  	[tilespmem:s17+$0xFFFFFE40] =	vst v1  }
0x194: {  	v1 =	vld [tilespmem:s31+$0x50];
	_ =	sdelay $0x4  }
0x195: {  	[tilespmem:s17+$0xFFFFFE50] =	vst v1  }
0x196: {  	v1 =	vld [tilespmem:s31+$0x60];
	_ =	sdelay $0x4  }
0x197: {  	[tilespmem:s17+$0xFFFFFE60] =	vst v1  }
0x198: {  	v1 =	vld [tilespmem:s31+$0x70];
	_ =	sdelay $0x4  }
0x199: {  	[tilespmem:s17+$0xFFFFFE70] =	vst v1  }
0x19a: {  	v1 =	vld [tilespmem:s30+$0x0];
	_ =	sdelay $0x4  }
0x19b: {  	[tilespmem:s17+$0xFFFFFE80] =	vst v1  }
0x19c: {  	v1 =	vld [tilespmem:s30+$0x10];
	_ =	sdelay $0x4  }
0x19d: {  	[tilespmem:s17+$0xFFFFFE90] =	vst v1  }
0x19e: {  	v1 =	vld [tilespmem:s30+$0x20];
	_ =	sdelay $0x4  }
0x19f: {  	[tilespmem:s17+$0xFFFFFEA0] =	vst v1  }
0x1a0: {  	v1 =	vld [tilespmem:s30+$0x30];
	_ =	sdelay $0x4  }
0x1a1: {  	[tilespmem:s17+$0xFFFFFEB0] =	vst v1  }
0x1a2: {  	v1 =	vld [tilespmem:s30+$0x40];
	_ =	sdelay $0x4  }
0x1a3: {  	[tilespmem:s17+$0xFFFFFEC0] =	vst v1  }
0x1a4: {  	v1 =	vld [tilespmem:s30+$0x50];
	_ =	sdelay $0x4  }
0x1a5: {  	[tilespmem:s17+$0xFFFFFED0] =	vst v1  }
0x1a6: {  	v1 =	vld [tilespmem:s30+$0x60];
	_ =	sdelay $0x4  }
0x1a7: {  	[tilespmem:s17+$0xFFFFFEE0] =	vst v1  }
0x1a8: {  	v1 =	vld [tilespmem:s30+$0x70];
	_ =	sdelay $0x4  }
0x1a9: {  	[tilespmem:s17+$0xFFFFFEF0] =	vst v1  }
0x1aa: {  	v1 =	vld [tilespmem:s29+$0x0];
	_ =	sdelay $0x4  }
0x1ab: {  	[tilespmem:s17+$0xFFFFFF00] =	vst v1  }
0x1ac: {  	v1 =	vld [tilespmem:s29+$0x10];
	_ =	sdelay $0x4  }
0x1ad: {  	[tilespmem:s17+$0xFFFFFF10] =	vst v1  }
0x1ae: {  	v1 =	vld [tilespmem:s29+$0x20];
	_ =	sdelay $0x4  }
0x1af: {  	[tilespmem:s17+$0xFFFFFF20] =	vst v1  }
0x1b0: {  	v1 =	vld [tilespmem:s29+$0x30];
	_ =	sdelay $0x4  }
0x1b1: {  	[tilespmem:s17+$0xFFFFFF30] =	vst v1  }
0x1b2: {  	v1 =	vld [tilespmem:s29+$0x40];
	_ =	sdelay $0x4  }
0x1b3: {  	[tilespmem:s17+$0xFFFFFF40] =	vst v1  }
0x1b4: {  	v1 =	vld [tilespmem:s29+$0x50];
	_ =	sdelay $0x4  }
0x1b5: {  	[tilespmem:s17+$0xFFFFFF50] =	vst v1  }
0x1b6: {  	v1 =	vld [tilespmem:s29+$0x60];
	_ =	sdelay $0x4  }
0x1b7: {  	[tilespmem:s17+$0xFFFFFF60] =	vst v1  }
0x1b8: {  	v1 =	vld [tilespmem:s29+$0x70];
	_ =	sdelay $0x4  }
0x1b9: {  	[tilespmem:s17+$0xFFFFFF70] =	vst v1  }
0x1ba: {  	v1 =	vld [tilespmem:s28+$0x0];
	_ =	sdelay $0x4  }
0x1bb: {  	[tilespmem:s17+$0xFFFFFF80] =	vst v1  }
0x1bc: {  	v1 =	vld [tilespmem:s28+$0x10];
	_ =	sdelay $0x4  }
0x1bd: {  	[tilespmem:s17+$0xFFFFFF90] =	vst v1  }
0x1be: {  	v1 =	vld [tilespmem:s28+$0x20];
	_ =	sdelay $0x4  }
0x1bf: {  	[tilespmem:s17+$0xFFFFFFA0] =	vst v1  }
0x1c0: {  	v1 =	vld [tilespmem:s28+$0x30];
	_ =	sdelay $0x4  }
0x1c1: {  	[tilespmem:s17+$0xFFFFFFB0] =	vst v1  }
0x1c2: {  	v1 =	vld [tilespmem:s28+$0x40];
	_ =	sdelay $0x4  }
0x1c3: {  	[tilespmem:s17+$0xFFFFFFC0] =	vst v1  }
0x1c4: {  	v1 =	vld [tilespmem:s28+$0x50];
	_ =	sdelay $0x4  }
0x1c5: {  	[tilespmem:s17+$0xFFFFFFD0] =	vst v1  }
0x1c6: {  	v1 =	vld [tilespmem:s28+$0x60];
	_ =	sdelay $0x4  }
0x1c7: {  	[tilespmem:s17+$0xFFFFFFE0] =	vst v1  }
0x1c8: {  	v1 =	vld [tilespmem:s28+$0x70];
	_ =	sdelay $0x4  }
0x1c9: {  	[tilespmem:s17+$0xFFFFFFF0] =	vst v1  }
0x1ca: {  	v1 =	vld [tilespmem:s26+$0x0];
	_ =	sdelay $0x4  }
0x1cb: {  	[tilespmem:s17+$0x0] =	vst v1  }
0x1cc: {  	v1 =	vld [tilespmem:s26+$0x10];
	_ =	sdelay $0x4  }
0x1cd: {  	[tilespmem:s17+$0x10] =	vst v1  }
0x1ce: {  	v1 =	vld [tilespmem:s26+$0x20];
	_ =	sdelay $0x4  }
0x1cf: {  	[tilespmem:s17+$0x20] =	vst v1  }
0x1d0: {  	v1 =	vld [tilespmem:s26+$0x30];
	_ =	sdelay $0x4  }
0x1d1: {  	[tilespmem:s17+$0x30] =	vst v1  }
0x1d2: {  	v1 =	vld [tilespmem:s26+$0x40];
	_ =	sdelay $0x4  }
0x1d3: {  	[tilespmem:s17+$0x40] =	vst v1  }
0x1d4: {  	v1 =	vld [tilespmem:s26+$0x50];
	_ =	sdelay $0x4  }
0x1d5: {  	[tilespmem:s17+$0x50] =	vst v1  }
0x1d6: {  	v1 =	vld [tilespmem:s26+$0x60];
	_ =	sdelay $0x4  }
0x1d7: {  	[tilespmem:s17+$0x60] =	vst v1  }
0x1d8: {  	v1 =	vld [tilespmem:s26+$0x70];
	_ =	sdelay $0x4  }
0x1d9: {  	[tilespmem:s17+$0x70] =	vst v1  }
0x1da: {  	v1 =	vld [tilespmem:s25+$0x0];
	_ =	sdelay $0x4  }
0x1db: {  	[tilespmem:s17+$0x80] =	vst v1  }
0x1dc: {  	v1 =	vld [tilespmem:s25+$0x10];
	_ =	sdelay $0x4  }
0x1dd: {  	[tilespmem:s17+$0x90] =	vst v1  }
0x1de: {  	v1 =	vld [tilespmem:s25+$0x20];
	_ =	sdelay $0x4  }
0x1df: {  	[tilespmem:s17+$0xA0] =	vst v1  }
0x1e0: {  	v1 =	vld [tilespmem:s25+$0x30];
	_ =	sdelay $0x4  }
0x1e1: {  	[tilespmem:s17+$0xB0] =	vst v1  }
0x1e2: {  	v1 =	vld [tilespmem:s25+$0x40];
	_ =	sdelay $0x4  }
0x1e3: {  	[tilespmem:s17+$0xC0] =	vst v1  }
0x1e4: {  	v1 =	vld [tilespmem:s25+$0x50];
	_ =	sdelay $0x4  }
0x1e5: {  	[tilespmem:s17+$0xD0] =	vst v1  }
0x1e6: {  	v1 =	vld [tilespmem:s25+$0x60];
	_ =	sdelay $0x4  }
0x1e7: {  	[tilespmem:s17+$0xE0] =	vst v1  }
0x1e8: {  	v1 =	vld [tilespmem:s25+$0x70];
	_ =	sdelay $0x4  }
0x1e9: {  	[tilespmem:s17+$0xF0] =	vst v1  }
0x1ea: {  	v1 =	vld [tilespmem:s24+$0x0];
	_ =	sdelay $0x4  }
0x1eb: {  	[tilespmem:s17+$0x100] =	vst v1  }
0x1ec: {  	v1 =	vld [tilespmem:s24+$0x10];
	_ =	sdelay $0x4  }
0x1ed: {  	[tilespmem:s17+$0x110] =	vst v1  }
0x1ee: {  	v1 =	vld [tilespmem:s24+$0x20];
	_ =	sdelay $0x4  }
0x1ef: {  	[tilespmem:s17+$0x120] =	vst v1  }
0x1f0: {  	v1 =	vld [tilespmem:s24+$0x30];
	_ =	sdelay $0x4  }
0x1f1: {  	[tilespmem:s17+$0x130] =	vst v1  }
0x1f2: {  	v1 =	vld [tilespmem:s24+$0x40];
	_ =	sdelay $0x4  }
0x1f3: {  	[tilespmem:s17+$0x140] =	vst v1  }
0x1f4: {  	v1 =	vld [tilespmem:s24+$0x50];
	_ =	sdelay $0x4  }
0x1f5: {  	[tilespmem:s17+$0x150] =	vst v1  }
0x1f6: {  	v1 =	vld [tilespmem:s24+$0x60];
	_ =	sdelay $0x4  }
0x1f7: {  	[tilespmem:s17+$0x160] =	vst v1  }
0x1f8: {  	v1 =	vld [tilespmem:s24+$0x70];
	_ =	sdelay $0x4  }
0x1f9: {  	[tilespmem:s17+$0x170] =	vst v1  }
0x1fa: {  	v1 =	vld [tilespmem:s23+$0x0];
	_ =	sdelay $0x4  }
0x1fb: {  	[tilespmem:s17+$0x180] =	vst v1  }
0x1fc: {  	v1 =	vld [tilespmem:s23+$0x10];
	_ =	sdelay $0x4  }
0x1fd: {  	[tilespmem:s17+$0x190] =	vst v1  }
0x1fe: {  	v1 =	vld [tilespmem:s23+$0x20];
	_ =	sdelay $0x4  }
0x1ff: {  	[tilespmem:s17+$0x1A0] =	vst v1  }
0x200: {  	v1 =	vld [tilespmem:s23+$0x30];
	_ =	sdelay $0x4  }
0x201: {  	[tilespmem:s17+$0x1B0] =	vst v1  }
0x202: {  	v1 =	vld [tilespmem:s23+$0x40];
	_ =	sdelay $0x4  }
0x203: {  	[tilespmem:s17+$0x1C0] =	vst v1  }
0x204: {  	v1 =	vld [tilespmem:s23+$0x50];
	_ =	sdelay $0x4  }
0x205: {  	[tilespmem:s17+$0x1D0] =	vst v1  }
0x206: {  	v1 =	vld [tilespmem:s23+$0x60];
	_ =	sdelay $0x4  }
0x207: {  	[tilespmem:s17+$0x1E0] =	vst v1  }
0x208: {  	v1 =	vld [tilespmem:s23+$0x70];
	_ =	sdelay $0x4  }
0x209: {  	[tilespmem:s17+$0x1F0] =	vst v1  }
0x20a: {  	v1 =	vld [tilespmem:s22+$0x0];
	_ =	sdelay $0x4  }
0x20b: {  	[tilespmem:s17+$0x200] =	vst v1  }
0x20c: {  	v1 =	vld [tilespmem:s22+$0x10];
	_ =	sdelay $0x4  }
0x20d: {  	[tilespmem:s17+$0x210] =	vst v1  }
0x20e: {  	v1 =	vld [tilespmem:s22+$0x20];
	_ =	sdelay $0x4  }
0x20f: {  	[tilespmem:s17+$0x220] =	vst v1  }
0x210: {  	v1 =	vld [tilespmem:s22+$0x30];
	_ =	sdelay $0x4  }
0x211: {  	[tilespmem:s17+$0x230] =	vst v1  }
0x212: {  	v1 =	vld [tilespmem:s22+$0x40];
	_ =	sdelay $0x4  }
0x213: {  	[tilespmem:s17+$0x240] =	vst v1  }
0x214: {  	v1 =	vld [tilespmem:s22+$0x50];
	_ =	sdelay $0x4  }
0x215: {  	[tilespmem:s17+$0x250] =	vst v1  }
0x216: {  	v1 =	vld [tilespmem:s22+$0x60];
	_ =	sdelay $0x4  }
0x217: {  	[tilespmem:s17+$0x260] =	vst v1  }
0x218: {  	v1 =	vld [tilespmem:s22+$0x70];
	_ =	sdelay $0x4  }
0x219: {  	[tilespmem:s17+$0x270] =	vst v1  }
0x21a: {  	v1 =	vld [tilespmem:s21+$0x0];
	_ =	sdelay $0x4  }
0x21b: {  	[tilespmem:s17+$0x280] =	vst v1  }
0x21c: {  	v1 =	vld [tilespmem:s21+$0x10];
	_ =	sdelay $0x4  }
0x21d: {  	[tilespmem:s17+$0x290] =	vst v1  }
0x21e: {  	v1 =	vld [tilespmem:s21+$0x20];
	_ =	sdelay $0x4  }
0x21f: {  	[tilespmem:s17+$0x2A0] =	vst v1  }
0x220: {  	v1 =	vld [tilespmem:s21+$0x30];
	_ =	sdelay $0x4  }
0x221: {  	[tilespmem:s17+$0x2B0] =	vst v1  }
0x222: {  	v1 =	vld [tilespmem:s21+$0x40];
	_ =	sdelay $0x4  }
0x223: {  	[tilespmem:s17+$0x2C0] =	vst v1  }
0x224: {  	v1 =	vld [tilespmem:s21+$0x50];
	_ =	sdelay $0x4  }
0x225: {  	[tilespmem:s17+$0x2D0] =	vst v1  }
0x226: {  	v1 =	vld [tilespmem:s21+$0x60];
	_ =	sdelay $0x4  }
0x227: {  	[tilespmem:s17+$0x2E0] =	vst v1  }
0x228: {  	v1 =	vld [tilespmem:s21+$0x70];
	_ =	sdelay $0x4  }
0x229: {  	[tilespmem:s17+$0x2F0] =	vst v1  }
0x22a: {  	v1 =	vld [tilespmem:s20+$0x0];
	_ =	sdelay $0x4  }
0x22b: {  	[tilespmem:s17+$0x300] =	vst v1  }
0x22c: {  	v1 =	vld [tilespmem:s20+$0x10];
	_ =	sdelay $0x4  }
0x22d: {  	[tilespmem:s17+$0x310] =	vst v1  }
0x22e: {  	v1 =	vld [tilespmem:s20+$0x20];
	_ =	sdelay $0x4  }
0x22f: {  	[tilespmem:s17+$0x320] =	vst v1  }
0x230: {  	v1 =	vld [tilespmem:s20+$0x30];
	_ =	sdelay $0x4  }
0x231: {  	[tilespmem:s17+$0x330] =	vst v1  }
0x232: {  	v1 =	vld [tilespmem:s20+$0x40];
	_ =	sdelay $0x4  }
0x233: {  	[tilespmem:s17+$0x340] =	vst v1  }
0x234: {  	v1 =	vld [tilespmem:s20+$0x50];
	_ =	sdelay $0x4  }
0x235: {  	[tilespmem:s17+$0x350] =	vst v1  }
0x236: {  	v1 =	vld [tilespmem:s20+$0x60];
	_ =	sdelay $0x4  }
0x237: {  	[tilespmem:s17+$0x360] =	vst v1  }
0x238: {  	v1 =	vld [tilespmem:s20+$0x70];
	_ =	sdelay $0x4  }
0x239: {  	[tilespmem:s17+$0x370] =	vst v1  }
0x23a: {  	v1 =	vld [tilespmem:s19+$0x0];
	_ =	sdelay $0x4  }
0x23b: {  	[tilespmem:s17+$0x380] =	vst v1  }
0x23c: {  	v1 =	vld [tilespmem:s19+$0x10];
	_ =	sdelay $0x4  }
0x23d: {  	[tilespmem:s17+$0x390] =	vst v1  }
0x23e: {  	v1 =	vld [tilespmem:s19+$0x20];
	_ =	sdelay $0x4  }
0x23f: {  	[tilespmem:s17+$0x3A0] =	vst v1  }
0x240: {  	v1 =	vld [tilespmem:s19+$0x30];
	_ =	sdelay $0x4  }
0x241: {  	[tilespmem:s17+$0x3B0] =	vst v1  }
0x242: {  	v1 =	vld [tilespmem:s19+$0x40];
	_ =	sdelay $0x4  }
0x243: {  	[tilespmem:s17+$0x3C0] =	vst v1  }
0x244: {  	v1 =	vld [tilespmem:s19+$0x50];
	_ =	sdelay $0x4  }
0x245: {  	[tilespmem:s17+$0x3D0] =	vst v1  }
0x246: {  	v1 =	vld [tilespmem:s19+$0x60];
	_ =	sdelay $0x4  }
0x247: {  	[tilespmem:s17+$0x3E0] =	vst v1  }
0x248: {  	v1 =	vld [tilespmem:s19+$0x70]  }
.Ltmp0:
0x249: {  	(pc) =	sbr.rel @p1 .LBB2_3-.Ltmp0, $2  }
0x24a: {  	_ =	sdelay $0x2  }
0x24b: {  	s0 =	sshra.s32 s18, $0x2;
	s18 =	sadd.s32 $0x40, s18;
	[tilespmem:s17+$0x3F0] =	vst v1  }
0x24c: {  	_ =	sdelay $0x3  }
0x24d: {  	v0 =	vld.idx.msk [tilespmem:v0+s0+$0x0 ss:$0x1], $0xffff;
	_ =	sdelay $0x4  }
0x24e: {  	v0 =	vshll.u32 v0, $0x9  }
0x24f: {  	v0 =	vshra.s32 v0, $0x2  }
0x250: {  	(v2sf) =	vpush v0, $0x0;
	_ =	sdelay $0xe  }
0x251: {  	s25 =	spop (v2sf)  }
0x252: {  	v1 =	vld [tilespmem:s25+$0x0];
	_ =	sdelay $0x3  }
0x253: {  	s17 =	sadd.s32 $0x800, s17  }
0x254: {  	[tilespmem:s17+$0xFFFFFC00] =	vst v1  }
0x255: {  	v1 =	vld [tilespmem:s25+$0x10];
	_ =	sdelay $0x4  }
0x256: {  	[tilespmem:s17+$0xFFFFFC10] =	vst v1  }
0x257: {  	v1 =	vld [tilespmem:s25+$0x20];
	_ =	sdelay $0x4  }
0x258: {  	[tilespmem:s17+$0xFFFFFC20] =	vst v1  }
0x259: {  	v1 =	vld [tilespmem:s25+$0x30];
	_ =	sdelay $0x4  }
0x25a: {  	[tilespmem:s17+$0xFFFFFC30] =	vst v1  }
0x25b: {  	v1 =	vld [tilespmem:s25+$0x40];
	_ =	sdelay $0x4  }
0x25c: {  	[tilespmem:s17+$0xFFFFFC40] =	vst v1  }
0x25d: {  	v1 =	vld [tilespmem:s25+$0x50];
	_ =	sdelay $0x1  }
0x25e: {  	(v2sf) =	vpush v0, $0x1;
	_ =	sdelay $0x2  }
0x25f: {  	[tilespmem:s17+$0xFFFFFC50] =	vst v1  }
0x260: {  	v1 =	vld [tilespmem:s25+$0x60];
	_ =	sdelay $0x4  }
0x261: {  	[tilespmem:s17+$0xFFFFFC60] =	vst v1  }
0x262: {  	v1 =	vld [tilespmem:s25+$0x70];
	_ =	sdelay $0x4  }
0x263: {  	s26 =	spop (v2sf);
	[tilespmem:s17+$0xFFFFFC70] =	vst v1  }
0x264: {  	v1 =	vld [tilespmem:s26+$0x0];
	_ =	sdelay $0x4  }
0x265: {  	[tilespmem:s17+$0xFFFFFC80] =	vst v1  }
0x266: {  	v1 =	vld [tilespmem:s26+$0x10];
	_ =	sdelay $0x4  }
0x267: {  	[tilespmem:s17+$0xFFFFFC90] =	vst v1  }
0x268: {  	v1 =	vld [tilespmem:s26+$0x20];
	_ =	sdelay $0x4  }
0x269: {  	[tilespmem:s17+$0xFFFFFCA0] =	vst v1  }
0x26a: {  	v1 =	vld [tilespmem:s26+$0x30];
	_ =	sdelay $0x4  }
0x26b: {  	[tilespmem:s17+$0xFFFFFCB0] =	vst v1  }
0x26c: {  	v1 =	vld [tilespmem:s26+$0x40];
	_ =	sdelay $0x4  }
0x26d: {  	[tilespmem:s17+$0xFFFFFCC0] =	vst v1  }
0x26e: {  	v1 =	vld [tilespmem:s26+$0x50];
	_ =	sdelay $0x1  }
0x26f: {  	(v2sf) =	vpush v0, $0x2;
	_ =	sdelay $0x2  }
0x270: {  	[tilespmem:s17+$0xFFFFFCD0] =	vst v1  }
0x271: {  	v1 =	vld [tilespmem:s26+$0x60];
	_ =	sdelay $0x4  }
0x272: {  	[tilespmem:s17+$0xFFFFFCE0] =	vst v1  }
0x273: {  	v1 =	vld [tilespmem:s26+$0x70];
	_ =	sdelay $0x4  }
0x274: {  	s28 =	spop (v2sf);
	[tilespmem:s17+$0xFFFFFCF0] =	vst v1  }
0x275: {  	v1 =	vld [tilespmem:s28+$0x0];
	_ =	sdelay $0x4  }
0x276: {  	[tilespmem:s17+$0xFFFFFD00] =	vst v1  }
0x277: {  	v1 =	vld [tilespmem:s28+$0x10];
	_ =	sdelay $0x4  }
0x278: {  	[tilespmem:s17+$0xFFFFFD10] =	vst v1  }
0x279: {  	v1 =	vld [tilespmem:s28+$0x20];
	_ =	sdelay $0x4  }
0x27a: {  	[tilespmem:s17+$0xFFFFFD20] =	vst v1  }
0x27b: {  	v1 =	vld [tilespmem:s28+$0x30];
	_ =	sdelay $0x1  }
0x27c: {  	(v2sf) =	vpush v0, $0x3  }
0x27d: {  	(v2sf) =	vpush v0, $0x4  }
0x27e: {  	(v2sf) =	vpush v0, $0x5  }
0x27f: {  	(v2sf) =	vpush v0, $0x6;
	[tilespmem:s17+$0xFFFFFD30] =	vst v1  }
0x280: {  	(v2sf) =	vpush v0, $0x7;
	v1 =	vld [tilespmem:s28+$0x40]  }
0x281: {  	(v2sf) =	vpush v0, $0x8  }
0x282: {  	(v2sf) =	vpush v0, $0x9  }
0x283: {  	(v2sf) =	vpush v0, $0xA  }
0x284: {  	(v2sf) =	vpush v0, $0xB  }
0x285: {  	(v2sf) =	vpush v0, $0xC;
	[tilespmem:s17+$0xFFFFFD40] =	vst v1  }
0x286: {  	(v2sf) =	vpush v0, $0xD;
	v1 =	vld [tilespmem:s28+$0x50]  }
0x287: {  	(v2sf) =	vpush v0, $0xE  }
0x288: {  	(v2sf) =	vpush v0, $0xF;
	_ =	sdelay $0x2  }
0x289: {  	s24 =	spop (v2sf);
	[tilespmem:s17+$0xFFFFFD50] =	vst v1  }
0x28a: {  	s25 =	spop (v2sf);
	v0 =	vld [tilespmem:s28+$0x60]  }
0x28b: {  	s26 =	spop (v2sf)  }
0x28c: {  	s5 =	spop (v2sf)  }
0x28d: {  	s23 =	spop (v2sf)  }
0x28e: {  	s22 =	spop (v2sf)  }
0x28f: {  	s21 =	spop (v2sf);
	[tilespmem:s17+$0xFFFFFD60] =	vst v0  }
0x290: {  	s1 =	spop (v2sf);
	v0 =	vld [tilespmem:s28+$0x70]  }
0x291: {  	s20 =	spop (v2sf)  }
0x292: {  	s19 =	spop (v2sf)  }
0x293: {  	s18 =	spop (v2sf)  }
0x294: {  	s29 =	spop (v2sf)  }
0x295: {  	s2 =	spop (v2sf);
	[tilespmem:s17+$0xFFFFFD70] =	vst v0  }
0x296: {  	v0 =	vld [tilespmem:s24+$0x0];
	_ =	sdelay $0x4  }
0x297: {  	[tilespmem:s17+$0xFFFFFD80] =	vst v0  }
0x298: {  	v0 =	vld [tilespmem:s24+$0x10];
	_ =	sdelay $0x4  }
0x299: {  	[tilespmem:s17+$0xFFFFFD90] =	vst v0  }
0x29a: {  	v0 =	vld [tilespmem:s24+$0x20];
	_ =	sdelay $0x4  }
0x29b: {  	[tilespmem:s17+$0xFFFFFDA0] =	vst v0  }
0x29c: {  	v0 =	vld [tilespmem:s24+$0x30];
	_ =	sdelay $0x4  }
0x29d: {  	[tilespmem:s17+$0xFFFFFDB0] =	vst v0  }
0x29e: {  	v0 =	vld [tilespmem:s24+$0x40];
	_ =	sdelay $0x4  }
0x29f: {  	[tilespmem:s17+$0xFFFFFDC0] =	vst v0  }
0x2a0: {  	v0 =	vld [tilespmem:s24+$0x50];
	_ =	sdelay $0x4  }
0x2a1: {  	[tilespmem:s17+$0xFFFFFDD0] =	vst v0  }
0x2a2: {  	v0 =	vld [tilespmem:s24+$0x60];
	_ =	sdelay $0x4  }
0x2a3: {  	[tilespmem:s17+$0xFFFFFDE0] =	vst v0  }
0x2a4: {  	v0 =	vld [tilespmem:s24+$0x70];
	_ =	sdelay $0x4  }
0x2a5: {  	[tilespmem:s17+$0xFFFFFDF0] =	vst v0  }
0x2a6: {  	v0 =	vld [tilespmem:s25+$0x0];
	_ =	sdelay $0x4  }
0x2a7: {  	[tilespmem:s17+$0xFFFFFE00] =	vst v0  }
0x2a8: {  	v0 =	vld [tilespmem:s25+$0x10];
	_ =	sdelay $0x4  }
0x2a9: {  	[tilespmem:s17+$0xFFFFFE10] =	vst v0  }
0x2aa: {  	v0 =	vld [tilespmem:s25+$0x20];
	_ =	sdelay $0x4  }
0x2ab: {  	[tilespmem:s17+$0xFFFFFE20] =	vst v0  }
0x2ac: {  	v0 =	vld [tilespmem:s25+$0x30];
	_ =	sdelay $0x4  }
0x2ad: {  	[tilespmem:s17+$0xFFFFFE30] =	vst v0  }
0x2ae: {  	v0 =	vld [tilespmem:s25+$0x40];
	_ =	sdelay $0x4  }
0x2af: {  	[tilespmem:s17+$0xFFFFFE40] =	vst v0  }
0x2b0: {  	v0 =	vld [tilespmem:s25+$0x50];
	_ =	sdelay $0x4  }
0x2b1: {  	[tilespmem:s17+$0xFFFFFE50] =	vst v0  }
0x2b2: {  	v0 =	vld [tilespmem:s25+$0x60];
	_ =	sdelay $0x4  }
0x2b3: {  	[tilespmem:s17+$0xFFFFFE60] =	vst v0  }
0x2b4: {  	v0 =	vld [tilespmem:s25+$0x70];
	_ =	sdelay $0x4  }
0x2b5: {  	[tilespmem:s17+$0xFFFFFE70] =	vst v0  }
0x2b6: {  	v0 =	vld [tilespmem:s26+$0x0];
	_ =	sdelay $0x4  }
0x2b7: {  	[tilespmem:s17+$0xFFFFFE80] =	vst v0  }
0x2b8: {  	v0 =	vld [tilespmem:s26+$0x10];
	_ =	sdelay $0x4  }
0x2b9: {  	[tilespmem:s17+$0xFFFFFE90] =	vst v0  }
0x2ba: {  	v0 =	vld [tilespmem:s26+$0x20];
	_ =	sdelay $0x4  }
0x2bb: {  	[tilespmem:s17+$0xFFFFFEA0] =	vst v0  }
0x2bc: {  	v0 =	vld [tilespmem:s26+$0x30];
	_ =	sdelay $0x4  }
0x2bd: {  	[tilespmem:s17+$0xFFFFFEB0] =	vst v0  }
0x2be: {  	v0 =	vld [tilespmem:s26+$0x40];
	_ =	sdelay $0x4  }
0x2bf: {  	[tilespmem:s17+$0xFFFFFEC0] =	vst v0  }
0x2c0: {  	v0 =	vld [tilespmem:s26+$0x50];
	_ =	sdelay $0x4  }
0x2c1: {  	[tilespmem:s17+$0xFFFFFED0] =	vst v0  }
0x2c2: {  	v0 =	vld [tilespmem:s26+$0x60];
	_ =	sdelay $0x4  }
0x2c3: {  	[tilespmem:s17+$0xFFFFFEE0] =	vst v0  }
0x2c4: {  	v0 =	vld [tilespmem:s26+$0x70];
	_ =	sdelay $0x4  }
0x2c5: {  	[tilespmem:s17+$0xFFFFFEF0] =	vst v0  }
0x2c6: {  	v0 =	vld [tilespmem:s5+$0x0];
	_ =	sdelay $0x4  }
0x2c7: {  	[tilespmem:s17+$0xFFFFFF00] =	vst v0  }
0x2c8: {  	v0 =	vld [tilespmem:s5+$0x10];
	_ =	sdelay $0x4  }
0x2c9: {  	[tilespmem:s17+$0xFFFFFF10] =	vst v0  }
0x2ca: {  	v0 =	vld [tilespmem:s5+$0x20];
	_ =	sdelay $0x4  }
0x2cb: {  	[tilespmem:s17+$0xFFFFFF20] =	vst v0  }
0x2cc: {  	v0 =	vld [tilespmem:s5+$0x30];
	_ =	sdelay $0x4  }
0x2cd: {  	[tilespmem:s17+$0xFFFFFF30] =	vst v0  }
0x2ce: {  	v0 =	vld [tilespmem:s5+$0x40];
	_ =	sdelay $0x4  }
0x2cf: {  	[tilespmem:s17+$0xFFFFFF40] =	vst v0  }
0x2d0: {  	v0 =	vld [tilespmem:s5+$0x50];
	_ =	sdelay $0x4  }
0x2d1: {  	[tilespmem:s17+$0xFFFFFF50] =	vst v0  }
0x2d2: {  	v0 =	vld [tilespmem:s5+$0x60];
	_ =	sdelay $0x4  }
0x2d3: {  	[tilespmem:s17+$0xFFFFFF60] =	vst v0  }
0x2d4: {  	v0 =	vld [tilespmem:s5+$0x70];
	_ =	sdelay $0x4  }
0x2d5: {  	[tilespmem:s17+$0xFFFFFF70] =	vst v0  }
0x2d6: {  	v0 =	vld [tilespmem:s23+$0x0];
	_ =	sdelay $0x4  }
0x2d7: {  	[tilespmem:s17+$0xFFFFFF80] =	vst v0  }
0x2d8: {  	v0 =	vld [tilespmem:s23+$0x10];
	_ =	sdelay $0x4  }
0x2d9: {  	[tilespmem:s17+$0xFFFFFF90] =	vst v0  }
0x2da: {  	v0 =	vld [tilespmem:s23+$0x20];
	_ =	sdelay $0x4  }
0x2db: {  	[tilespmem:s17+$0xFFFFFFA0] =	vst v0  }
0x2dc: {  	v0 =	vld [tilespmem:s23+$0x30];
	_ =	sdelay $0x4  }
0x2dd: {  	[tilespmem:s17+$0xFFFFFFB0] =	vst v0  }
0x2de: {  	v0 =	vld [tilespmem:s23+$0x40];
	_ =	sdelay $0x4  }
0x2df: {  	[tilespmem:s17+$0xFFFFFFC0] =	vst v0  }
0x2e0: {  	v0 =	vld [tilespmem:s23+$0x50];
	_ =	sdelay $0x4  }
0x2e1: {  	[tilespmem:s17+$0xFFFFFFD0] =	vst v0  }
0x2e2: {  	v0 =	vld [tilespmem:s23+$0x60];
	_ =	sdelay $0x4  }
0x2e3: {  	[tilespmem:s17+$0xFFFFFFE0] =	vst v0  }
0x2e4: {  	v0 =	vld [tilespmem:s23+$0x70];
	_ =	sdelay $0x4  }
0x2e5: {  	[tilespmem:s17+$0xFFFFFFF0] =	vst v0  }
0x2e6: {  	v0 =	vld [tilespmem:s22+$0x0];
	_ =	sdelay $0x4  }
0x2e7: {  	[tilespmem:s17+$0x0] =	vst v0  }
0x2e8: {  	v0 =	vld [tilespmem:s22+$0x10];
	_ =	sdelay $0x4  }
0x2e9: {  	[tilespmem:s17+$0x10] =	vst v0  }
0x2ea: {  	v0 =	vld [tilespmem:s22+$0x20];
	_ =	sdelay $0x4  }
0x2eb: {  	[tilespmem:s17+$0x20] =	vst v0  }
0x2ec: {  	v0 =	vld [tilespmem:s22+$0x30];
	_ =	sdelay $0x4  }
0x2ed: {  	[tilespmem:s17+$0x30] =	vst v0  }
0x2ee: {  	v0 =	vld [tilespmem:s22+$0x40];
	_ =	sdelay $0x4  }
0x2ef: {  	[tilespmem:s17+$0x40] =	vst v0  }
0x2f0: {  	v0 =	vld [tilespmem:s22+$0x50];
	_ =	sdelay $0x4  }
0x2f1: {  	[tilespmem:s17+$0x50] =	vst v0  }
0x2f2: {  	v0 =	vld [tilespmem:s22+$0x60];
	_ =	sdelay $0x4  }
0x2f3: {  	[tilespmem:s17+$0x60] =	vst v0  }
0x2f4: {  	v0 =	vld [tilespmem:s22+$0x70];
	_ =	sdelay $0x4  }
0x2f5: {  	[tilespmem:s17+$0x70] =	vst v0  }
0x2f6: {  	v0 =	vld [tilespmem:s21+$0x0];
	_ =	sdelay $0x4  }
0x2f7: {  	[tilespmem:s17+$0x80] =	vst v0  }
0x2f8: {  	v0 =	vld [tilespmem:s21+$0x10];
	_ =	sdelay $0x4  }
0x2f9: {  	[tilespmem:s17+$0x90] =	vst v0  }
0x2fa: {  	v0 =	vld [tilespmem:s21+$0x20];
	_ =	sdelay $0x4  }
0x2fb: {  	[tilespmem:s17+$0xA0] =	vst v0  }
0x2fc: {  	v0 =	vld [tilespmem:s21+$0x30];
	_ =	sdelay $0x4  }
0x2fd: {  	[tilespmem:s17+$0xB0] =	vst v0  }
0x2fe: {  	v0 =	vld [tilespmem:s21+$0x40];
	_ =	sdelay $0x4  }
0x2ff: {  	[tilespmem:s17+$0xC0] =	vst v0  }
0x300: {  	v0 =	vld [tilespmem:s21+$0x50];
	_ =	sdelay $0x4  }
0x301: {  	[tilespmem:s17+$0xD0] =	vst v0  }
0x302: {  	v0 =	vld [tilespmem:s21+$0x60];
	_ =	sdelay $0x4  }
0x303: {  	[tilespmem:s17+$0xE0] =	vst v0  }
0x304: {  	v0 =	vld [tilespmem:s21+$0x70];
	_ =	sdelay $0x4  }
0x305: {  	[tilespmem:s17+$0xF0] =	vst v0  }
0x306: {  	v0 =	vld [tilespmem:s1+$0x0];
	_ =	sdelay $0x4  }
0x307: {  	[tilespmem:s17+$0x100] =	vst v0  }
0x308: {  	v0 =	vld [tilespmem:s1+$0x10];
	_ =	sdelay $0x4  }
0x309: {  	[tilespmem:s17+$0x110] =	vst v0  }
0x30a: {  	v0 =	vld [tilespmem:s1+$0x20];
	_ =	sdelay $0x4  }
0x30b: {  	[tilespmem:s17+$0x120] =	vst v0  }
0x30c: {  	v0 =	vld [tilespmem:s1+$0x30];
	_ =	sdelay $0x4  }
0x30d: {  	[tilespmem:s17+$0x130] =	vst v0  }
0x30e: {  	v0 =	vld [tilespmem:s1+$0x40];
	_ =	sdelay $0x4  }
0x30f: {  	[tilespmem:s17+$0x140] =	vst v0  }
0x310: {  	v0 =	vld [tilespmem:s1+$0x50];
	_ =	sdelay $0x4  }
0x311: {  	[tilespmem:s17+$0x150] =	vst v0  }
0x312: {  	v0 =	vld [tilespmem:s1+$0x60];
	_ =	sdelay $0x4  }
0x313: {  	[tilespmem:s17+$0x160] =	vst v0  }
0x314: {  	v0 =	vld [tilespmem:s1+$0x70];
	_ =	sdelay $0x4  }
0x315: {  	[tilespmem:s17+$0x170] =	vst v0  }
0x316: {  	v0 =	vld [tilespmem:s20+$0x0];
	_ =	sdelay $0x4  }
0x317: {  	[tilespmem:s17+$0x180] =	vst v0  }
0x318: {  	v0 =	vld [tilespmem:s20+$0x10];
	_ =	sdelay $0x4  }
0x319: {  	[tilespmem:s17+$0x190] =	vst v0  }
0x31a: {  	v0 =	vld [tilespmem:s20+$0x20];
	_ =	sdelay $0x4  }
0x31b: {  	[tilespmem:s17+$0x1A0] =	vst v0  }
0x31c: {  	v0 =	vld [tilespmem:s20+$0x30];
	_ =	sdelay $0x4  }
0x31d: {  	[tilespmem:s17+$0x1B0] =	vst v0  }
0x31e: {  	v0 =	vld [tilespmem:s20+$0x40];
	_ =	sdelay $0x4  }
0x31f: {  	[tilespmem:s17+$0x1C0] =	vst v0  }
0x320: {  	v0 =	vld [tilespmem:s20+$0x50];
	_ =	sdelay $0x4  }
0x321: {  	[tilespmem:s17+$0x1D0] =	vst v0  }
0x322: {  	v0 =	vld [tilespmem:s20+$0x60];
	_ =	sdelay $0x4  }
0x323: {  	[tilespmem:s17+$0x1E0] =	vst v0  }
0x324: {  	v0 =	vld [tilespmem:s20+$0x70];
	_ =	sdelay $0x4  }
0x325: {  	[tilespmem:s17+$0x1F0] =	vst v0  }
0x326: {  	v0 =	vld [tilespmem:s19+$0x0];
	_ =	sdelay $0x4  }
0x327: {  	[tilespmem:s17+$0x200] =	vst v0  }
0x328: {  	v0 =	vld [tilespmem:s19+$0x10];
	_ =	sdelay $0x4  }
0x329: {  	[tilespmem:s17+$0x210] =	vst v0  }
0x32a: {  	v0 =	vld [tilespmem:s19+$0x20];
	_ =	sdelay $0x4  }
0x32b: {  	[tilespmem:s17+$0x220] =	vst v0  }
0x32c: {  	v0 =	vld [tilespmem:s19+$0x30];
	_ =	sdelay $0x4  }
0x32d: {  	[tilespmem:s17+$0x230] =	vst v0  }
0x32e: {  	v0 =	vld [tilespmem:s19+$0x40];
	_ =	sdelay $0x4  }
0x32f: {  	[tilespmem:s17+$0x240] =	vst v0  }
0x330: {  	v0 =	vld [tilespmem:s19+$0x50];
	_ =	sdelay $0x4  }
0x331: {  	[tilespmem:s17+$0x250] =	vst v0  }
0x332: {  	v0 =	vld [tilespmem:s19+$0x60];
	_ =	sdelay $0x4  }
0x333: {  	[tilespmem:s17+$0x260] =	vst v0  }
0x334: {  	v0 =	vld [tilespmem:s19+$0x70];
	_ =	sdelay $0x4  }
0x335: {  	[tilespmem:s17+$0x270] =	vst v0  }
0x336: {  	v0 =	vld [tilespmem:s18+$0x0];
	_ =	sdelay $0x4  }
0x337: {  	[tilespmem:s17+$0x280] =	vst v0  }
0x338: {  	v0 =	vld [tilespmem:s18+$0x10];
	_ =	sdelay $0x4  }
0x339: {  	[tilespmem:s17+$0x290] =	vst v0  }
0x33a: {  	v0 =	vld [tilespmem:s18+$0x20];
	_ =	sdelay $0x4  }
0x33b: {  	[tilespmem:s17+$0x2A0] =	vst v0  }
0x33c: {  	v0 =	vld [tilespmem:s18+$0x30];
	_ =	sdelay $0x4  }
0x33d: {  	[tilespmem:s17+$0x2B0] =	vst v0  }
0x33e: {  	v0 =	vld [tilespmem:s18+$0x40];
	_ =	sdelay $0x4  }
0x33f: {  	[tilespmem:s17+$0x2C0] =	vst v0  }
0x340: {  	v0 =	vld [tilespmem:s18+$0x50];
	_ =	sdelay $0x4  }
0x341: {  	[tilespmem:s17+$0x2D0] =	vst v0  }
0x342: {  	v0 =	vld [tilespmem:s18+$0x60];
	_ =	sdelay $0x4  }
0x343: {  	[tilespmem:s17+$0x2E0] =	vst v0  }
0x344: {  	v0 =	vld [tilespmem:s18+$0x70];
	_ =	sdelay $0x4  }
0x345: {  	[tilespmem:s17+$0x2F0] =	vst v0  }
0x346: {  	v0 =	vld [tilespmem:s29+$0x0];
	_ =	sdelay $0x4  }
0x347: {  	[tilespmem:s17+$0x300] =	vst v0  }
0x348: {  	v0 =	vld [tilespmem:s29+$0x10];
	_ =	sdelay $0x4  }
0x349: {  	[tilespmem:s17+$0x310] =	vst v0  }
0x34a: {  	v0 =	vld [tilespmem:s29+$0x20];
	_ =	sdelay $0x4  }
0x34b: {  	[tilespmem:s17+$0x320] =	vst v0  }
0x34c: {  	v0 =	vld [tilespmem:s29+$0x30];
	_ =	sdelay $0x4  }
0x34d: {  	[tilespmem:s17+$0x330] =	vst v0  }
0x34e: {  	v0 =	vld [tilespmem:s29+$0x40];
	_ =	sdelay $0x4  }
0x34f: {  	[tilespmem:s17+$0x340] =	vst v0  }
0x350: {  	v0 =	vld [tilespmem:s29+$0x50];
	_ =	sdelay $0x4  }
0x351: {  	[tilespmem:s17+$0x350] =	vst v0  }
0x352: {  	v0 =	vld [tilespmem:s29+$0x60];
	_ =	sdelay $0x4  }
0x353: {  	[tilespmem:s17+$0x360] =	vst v0  }
0x354: {  	v0 =	vld [tilespmem:s29+$0x70];
	_ =	sdelay $0x4  }
0x355: {  	[tilespmem:s17+$0x370] =	vst v0  }
0x356: {  	v0 =	vld [tilespmem:s2+$0x0];
	_ =	sdelay $0x4  }
0x357: {  	[tilespmem:s17+$0x380] =	vst v0  }
0x358: {  	v0 =	vld [tilespmem:s2+$0x10];
	_ =	sdelay $0x4  }
0x359: {  	[tilespmem:s17+$0x390] =	vst v0  }
0x35a: {  	v0 =	vld [tilespmem:s2+$0x20];
	_ =	sdelay $0x4  }
0x35b: {  	[tilespmem:s17+$0x3A0] =	vst v0  }
0x35c: {  	v0 =	vld [tilespmem:s2+$0x30];
	_ =	sdelay $0x4  }
0x35d: {  	[tilespmem:s17+$0x3B0] =	vst v0  }
0x35e: {  	v0 =	vld [tilespmem:s2+$0x40];
	_ =	sdelay $0x4  }
0x35f: {  	[tilespmem:s17+$0x3C0] =	vst v0  }
0x360: {  	v0 =	vld [tilespmem:s2+$0x50];
	_ =	sdelay $0x4  }
0x361: {  	[tilespmem:s17+$0x3D0] =	vst v0  }
0x362: {  	v0 =	vld [tilespmem:s2+$0x60];
	_ =	sdelay $0x4  }
0x363: {  	[tilespmem:s17+$0x3E0] =	vst v0  }
0x364: {  	v0 =	vld [tilespmem:s2+$0x70];
	_ =	sdelay $0x1  }
0x365: {  	s30 =	sshll.u32 s15, $0xF  }
0x366: {  	s0 =	sadd.s32 s6, s30  }
0x367: {  	s0 =	sshrl.u32 s0, $0x3  }
0x368: {  	s0 =	sadd.s32 s3, s0;
	[tilespmem:s17+$0x3F0] =	vst v0  }
0x369: {  	v0 =	vmov s14;
	[hbm4b:s0+s4] =	stream.linear.scatter [tilespmem:s9], [sflag:$0x1], $0x4000, $0x38;
	[tilespmem:$0x11000] =	vst v63  }
0x36a: {  	s0 =	simm.s32 @!p0 $0x1  }
0x36b: {  	_ =	swait.ge @!p0 [sflag:s0], $0x4000  }
0x36c: {  	[sflag:s0] =	ssyncset.done @!p0 $0x0  }
0x36d: {  	s31 =	simm.s32 $0x0;
	[sflag:s0] =	ssyncadd.s32 @!p0 $0xFFFFC000  }
0x36e: {  	v1 =	vld.idx.msk [tilespmem:v0+s31+$0x0 ss:$0x1], $0xffff;
	_ =	sdelay $0x4  }
0x36f: {  	v1 =	vshll.u32 v1, $0x9  }
0x370: {  	v1 =	vshra.s32 v1, $0x2  }
0x371: {  	(v2sf) =	vpush v1, $0x0;
	_ =	sdelay $0xe  }
0x372: {  	s1 =	spop (v2sf)  }
0x373: {  	v2 =	vld [tilespmem:s1+$0x0];
	_ =	sdelay $0x3  }
0x374: {  	s17 =	simm.s32 $0xD400  }
0x375: {  	[tilespmem:s17+$0xFFFFFC00] =	vst v2  }
0x376: {  	v2 =	vld [tilespmem:s1+$0x10];
	_ =	sdelay $0x4  }
0x377: {  	[tilespmem:s17+$0xFFFFFC10] =	vst v2  }
0x378: {  	v2 =	vld [tilespmem:s1+$0x20];
	_ =	sdelay $0x4  }
0x379: {  	[tilespmem:s17+$0xFFFFFC20] =	vst v2  }
0x37a: {  	v2 =	vld [tilespmem:s1+$0x30];
	_ =	sdelay $0x4  }
0x37b: {  	[tilespmem:s17+$0xFFFFFC30] =	vst v2  }
0x37c: {  	v2 =	vld [tilespmem:s1+$0x40];
	_ =	sdelay $0x4  }
0x37d: {  	[tilespmem:s17+$0xFFFFFC40] =	vst v2  }
0x37e: {  	v2 =	vld [tilespmem:s1+$0x50];
	_ =	sdelay $0x1  }
0x37f: {  	(v2sf) =	vpush v1, $0x1;
	_ =	sdelay $0x2  }
0x380: {  	[tilespmem:s17+$0xFFFFFC50] =	vst v2  }
0x381: {  	v2 =	vld [tilespmem:s1+$0x60];
	_ =	sdelay $0x4  }
0x382: {  	[tilespmem:s17+$0xFFFFFC60] =	vst v2  }
0x383: {  	v2 =	vld [tilespmem:s1+$0x70];
	_ =	sdelay $0x4  }
0x384: {  	s2 =	spop (v2sf);
	[tilespmem:s17+$0xFFFFFC70] =	vst v2  }
0x385: {  	v2 =	vld [tilespmem:s2+$0x0];
	_ =	sdelay $0x4  }
0x386: {  	[tilespmem:s17+$0xFFFFFC80] =	vst v2  }
0x387: {  	v2 =	vld [tilespmem:s2+$0x10];
	_ =	sdelay $0x4  }
0x388: {  	[tilespmem:s17+$0xFFFFFC90] =	vst v2  }
0x389: {  	v2 =	vld [tilespmem:s2+$0x20];
	_ =	sdelay $0x4  }
0x38a: {  	[tilespmem:s17+$0xFFFFFCA0] =	vst v2  }
0x38b: {  	v2 =	vld [tilespmem:s2+$0x30];
	_ =	sdelay $0x4  }
0x38c: {  	[tilespmem:s17+$0xFFFFFCB0] =	vst v2  }
0x38d: {  	v2 =	vld [tilespmem:s2+$0x40];
	_ =	sdelay $0x4  }
0x38e: {  	[tilespmem:s17+$0xFFFFFCC0] =	vst v2  }
0x38f: {  	v2 =	vld [tilespmem:s2+$0x50];
	_ =	sdelay $0x1  }
0x390: {  	(v2sf) =	vpush v1, $0x2;
	_ =	sdelay $0x2  }
0x391: {  	[tilespmem:s17+$0xFFFFFCD0] =	vst v2  }
0x392: {  	v2 =	vld [tilespmem:s2+$0x60];
	_ =	sdelay $0x4  }
0x393: {  	[tilespmem:s17+$0xFFFFFCE0] =	vst v2  }
0x394: {  	v2 =	vld [tilespmem:s2+$0x70];
	_ =	sdelay $0x4  }
0x395: {  	s5 =	spop (v2sf);
	[tilespmem:s17+$0xFFFFFCF0] =	vst v2  }
0x396: {  	v2 =	vld [tilespmem:s5+$0x0];
	_ =	sdelay $0x4  }
0x397: {  	[tilespmem:s17+$0xFFFFFD00] =	vst v2  }
0x398: {  	v2 =	vld [tilespmem:s5+$0x10];
	_ =	sdelay $0x4  }
0x399: {  	[tilespmem:s17+$0xFFFFFD10] =	vst v2  }
0x39a: {  	v2 =	vld [tilespmem:s5+$0x20];
	_ =	sdelay $0x4  }
0x39b: {  	[tilespmem:s17+$0xFFFFFD20] =	vst v2  }
0x39c: {  	v2 =	vld [tilespmem:s5+$0x30];
	_ =	sdelay $0x4  }
0x39d: {  	[tilespmem:s17+$0xFFFFFD30] =	vst v2  }
0x39e: {  	v2 =	vld [tilespmem:s5+$0x40];
	_ =	sdelay $0x4  }
0x39f: {  	[tilespmem:s17+$0xFFFFFD40] =	vst v2  }
0x3a0: {  	v2 =	vld [tilespmem:s5+$0x50];
	_ =	sdelay $0x1  }
0x3a1: {  	(v2sf) =	vpush v1, $0x3;
	_ =	sdelay $0x2  }
0x3a2: {  	[tilespmem:s17+$0xFFFFFD50] =	vst v2  }
0x3a3: {  	v2 =	vld [tilespmem:s5+$0x60];
	_ =	sdelay $0x4  }
0x3a4: {  	[tilespmem:s17+$0xFFFFFD60] =	vst v2  }
0x3a5: {  	v2 =	vld [tilespmem:s5+$0x70];
	_ =	sdelay $0x4  }
0x3a6: {  	s18 =	spop (v2sf);
	[tilespmem:s17+$0xFFFFFD70] =	vst v2  }
0x3a7: {  	v2 =	vld [tilespmem:s18+$0x0];
	_ =	sdelay $0x4  }
0x3a8: {  	[tilespmem:s17+$0xFFFFFD80] =	vst v2  }
0x3a9: {  	v2 =	vld [tilespmem:s18+$0x10];
	_ =	sdelay $0x4  }
0x3aa: {  	[tilespmem:s17+$0xFFFFFD90] =	vst v2  }
0x3ab: {  	v2 =	vld [tilespmem:s18+$0x20];
	_ =	sdelay $0x4  }
0x3ac: {  	[tilespmem:s17+$0xFFFFFDA0] =	vst v2  }
0x3ad: {  	v2 =	vld [tilespmem:s18+$0x30];
	_ =	sdelay $0x4  }
0x3ae: {  	[tilespmem:s17+$0xFFFFFDB0] =	vst v2  }
0x3af: {  	v2 =	vld [tilespmem:s18+$0x40];
	_ =	sdelay $0x4  }
0x3b0: {  	[tilespmem:s17+$0xFFFFFDC0] =	vst v2  }
0x3b1: {  	v2 =	vld [tilespmem:s18+$0x50];
	_ =	sdelay $0x1  }
0x3b2: {  	(v2sf) =	vpush v1, $0x4;
	_ =	sdelay $0x2  }
0x3b3: {  	[tilespmem:s17+$0xFFFFFDD0] =	vst v2  }
0x3b4: {  	v2 =	vld [tilespmem:s18+$0x60];
	_ =	sdelay $0x4  }
0x3b5: {  	[tilespmem:s17+$0xFFFFFDE0] =	vst v2  }
0x3b6: {  	v2 =	vld [tilespmem:s18+$0x70];
	_ =	sdelay $0x4  }
0x3b7: {  	s19 =	spop (v2sf);
	[tilespmem:s17+$0xFFFFFDF0] =	vst v2  }
0x3b8: {  	v2 =	vld [tilespmem:s19+$0x0];
	_ =	sdelay $0x4  }
0x3b9: {  	[tilespmem:s17+$0xFFFFFE00] =	vst v2  }
0x3ba: {  	v2 =	vld [tilespmem:s19+$0x10];
	_ =	sdelay $0x4  }
0x3bb: {  	[tilespmem:s17+$0xFFFFFE10] =	vst v2  }
0x3bc: {  	v2 =	vld [tilespmem:s19+$0x20];
	_ =	sdelay $0x4  }
0x3bd: {  	[tilespmem:s17+$0xFFFFFE20] =	vst v2  }
0x3be: {  	v2 =	vld [tilespmem:s19+$0x30];
	_ =	sdelay $0x4  }
0x3bf: {  	[tilespmem:s17+$0xFFFFFE30] =	vst v2  }
0x3c0: {  	v2 =	vld [tilespmem:s19+$0x40];
	_ =	sdelay $0x4  }
0x3c1: {  	[tilespmem:s17+$0xFFFFFE40] =	vst v2  }
0x3c2: {  	v2 =	vld [tilespmem:s19+$0x50];
	_ =	sdelay $0x1  }
0x3c3: {  	(v2sf) =	vpush v1, $0x5;
	_ =	sdelay $0x2  }
0x3c4: {  	[tilespmem:s17+$0xFFFFFE50] =	vst v2  }
0x3c5: {  	v2 =	vld [tilespmem:s19+$0x60];
	_ =	sdelay $0x4  }
0x3c6: {  	[tilespmem:s17+$0xFFFFFE60] =	vst v2  }
0x3c7: {  	v2 =	vld [tilespmem:s19+$0x70];
	_ =	sdelay $0x4  }
0x3c8: {  	s20 =	spop (v2sf);
	[tilespmem:s17+$0xFFFFFE70] =	vst v2  }
0x3c9: {  	v2 =	vld [tilespmem:s20+$0x0];
	_ =	sdelay $0x4  }
0x3ca: {  	[tilespmem:s17+$0xFFFFFE80] =	vst v2  }
0x3cb: {  	v2 =	vld [tilespmem:s20+$0x10];
	_ =	sdelay $0x4  }
0x3cc: {  	[tilespmem:s17+$0xFFFFFE90] =	vst v2  }
0x3cd: {  	v2 =	vld [tilespmem:s20+$0x20];
	_ =	sdelay $0x4  }
0x3ce: {  	[tilespmem:s17+$0xFFFFFEA0] =	vst v2  }
0x3cf: {  	v2 =	vld [tilespmem:s20+$0x30];
	_ =	sdelay $0x4  }
0x3d0: {  	[tilespmem:s17+$0xFFFFFEB0] =	vst v2  }
0x3d1: {  	v2 =	vld [tilespmem:s20+$0x40];
	_ =	sdelay $0x4  }
0x3d2: {  	[tilespmem:s17+$0xFFFFFEC0] =	vst v2  }
0x3d3: {  	v2 =	vld [tilespmem:s20+$0x50];
	_ =	sdelay $0x1  }
0x3d4: {  	(v2sf) =	vpush v1, $0x6;
	_ =	sdelay $0x2  }
0x3d5: {  	[tilespmem:s17+$0xFFFFFED0] =	vst v2  }
0x3d6: {  	v2 =	vld [tilespmem:s20+$0x60];
	_ =	sdelay $0x4  }
0x3d7: {  	[tilespmem:s17+$0xFFFFFEE0] =	vst v2  }
0x3d8: {  	v2 =	vld [tilespmem:s20+$0x70];
	_ =	sdelay $0x4  }
0x3d9: {  	s21 =	spop (v2sf);
	[tilespmem:s17+$0xFFFFFEF0] =	vst v2  }
0x3da: {  	v2 =	vld [tilespmem:s21+$0x0];
	_ =	sdelay $0x4  }
0x3db: {  	[tilespmem:s17+$0xFFFFFF00] =	vst v2  }
0x3dc: {  	v2 =	vld [tilespmem:s21+$0x10];
	_ =	sdelay $0x4  }
0x3dd: {  	[tilespmem:s17+$0xFFFFFF10] =	vst v2  }
0x3de: {  	v2 =	vld [tilespmem:s21+$0x20];
	_ =	sdelay $0x4  }
0x3df: {  	[tilespmem:s17+$0xFFFFFF20] =	vst v2  }
0x3e0: {  	v2 =	vld [tilespmem:s21+$0x30];
	_ =	sdelay $0x4  }
0x3e1: {  	[tilespmem:s17+$0xFFFFFF30] =	vst v2  }
0x3e2: {  	v2 =	vld [tilespmem:s21+$0x40];
	_ =	sdelay $0x4  }
0x3e3: {  	[tilespmem:s17+$0xFFFFFF40] =	vst v2  }
0x3e4: {  	v2 =	vld [tilespmem:s21+$0x50];
	_ =	sdelay $0x1  }
0x3e5: {  	(v2sf) =	vpush v1, $0x7;
	_ =	sdelay $0x2  }
0x3e6: {  	[tilespmem:s17+$0xFFFFFF50] =	vst v2  }
0x3e7: {  	v2 =	vld [tilespmem:s21+$0x60];
	_ =	sdelay $0x4  }
0x3e8: {  	[tilespmem:s17+$0xFFFFFF60] =	vst v2  }
0x3e9: {  	v2 =	vld [tilespmem:s21+$0x70];
	_ =	sdelay $0x4  }
0x3ea: {  	s22 =	spop (v2sf);
	[tilespmem:s17+$0xFFFFFF70] =	vst v2  }
0x3eb: {  	v2 =	vld [tilespmem:s22+$0x0];
	_ =	sdelay $0x4  }
0x3ec: {  	[tilespmem:s17+$0xFFFFFF80] =	vst v2  }
0x3ed: {  	v2 =	vld [tilespmem:s22+$0x10];
	_ =	sdelay $0x4  }
0x3ee: {  	[tilespmem:s17+$0xFFFFFF90] =	vst v2  }
0x3ef: {  	v2 =	vld [tilespmem:s22+$0x20];
	_ =	sdelay $0x4  }
0x3f0: {  	[tilespmem:s17+$0xFFFFFFA0] =	vst v2  }
0x3f1: {  	v2 =	vld [tilespmem:s22+$0x30];
	_ =	sdelay $0x4  }
0x3f2: {  	[tilespmem:s17+$0xFFFFFFB0] =	vst v2  }
0x3f3: {  	v2 =	vld [tilespmem:s22+$0x40];
	_ =	sdelay $0x4  }
0x3f4: {  	[tilespmem:s17+$0xFFFFFFC0] =	vst v2  }
0x3f5: {  	v2 =	vld [tilespmem:s22+$0x50];
	_ =	sdelay $0x1  }
0x3f6: {  	(v2sf) =	vpush v1, $0x8;
	_ =	sdelay $0x2  }
0x3f7: {  	[tilespmem:s17+$0xFFFFFFD0] =	vst v2  }
0x3f8: {  	v2 =	vld [tilespmem:s22+$0x60];
	_ =	sdelay $0x4  }
0x3f9: {  	[tilespmem:s17+$0xFFFFFFE0] =	vst v2  }
0x3fa: {  	v2 =	vld [tilespmem:s22+$0x70];
	_ =	sdelay $0x4  }
0x3fb: {  	s23 =	spop (v2sf);
	[tilespmem:s17+$0xFFFFFFF0] =	vst v2  }
0x3fc: {  	v2 =	vld [tilespmem:s23+$0x0];
	_ =	sdelay $0x4  }
0x3fd: {  	[tilespmem:s17+$0x0] =	vst v2  }
0x3fe: {  	v2 =	vld [tilespmem:s23+$0x10];
	_ =	sdelay $0x4  }
0x3ff: {  	[tilespmem:s17+$0x10] =	vst v2  }
0x400: {  	v2 =	vld [tilespmem:s23+$0x20];
	_ =	sdelay $0x4  }
0x401: {  	[tilespmem:s17+$0x20] =	vst v2  }
0x402: {  	v2 =	vld [tilespmem:s23+$0x30];
	_ =	sdelay $0x4  }
0x403: {  	[tilespmem:s17+$0x30] =	vst v2  }
0x404: {  	v2 =	vld [tilespmem:s23+$0x40];
	_ =	sdelay $0x4  }
0x405: {  	[tilespmem:s17+$0x40] =	vst v2  }
0x406: {  	v2 =	vld [tilespmem:s23+$0x50];
	_ =	sdelay $0x1  }
0x407: {  	(v2sf) =	vpush v1, $0x9;
	_ =	sdelay $0x2  }
0x408: {  	[tilespmem:s17+$0x50] =	vst v2  }
0x409: {  	v2 =	vld [tilespmem:s23+$0x60];
	_ =	sdelay $0x4  }
0x40a: {  	[tilespmem:s17+$0x60] =	vst v2  }
0x40b: {  	v2 =	vld [tilespmem:s23+$0x70];
	_ =	sdelay $0x4  }
0x40c: {  	s24 =	spop (v2sf);
	[tilespmem:s17+$0x70] =	vst v2  }
0x40d: {  	v2 =	vld [tilespmem:s24+$0x0];
	_ =	sdelay $0x4  }
0x40e: {  	[tilespmem:s17+$0x80] =	vst v2  }
0x40f: {  	v2 =	vld [tilespmem:s24+$0x10];
	_ =	sdelay $0x4  }
0x410: {  	[tilespmem:s17+$0x90] =	vst v2  }
0x411: {  	v2 =	vld [tilespmem:s24+$0x20];
	_ =	sdelay $0x4  }
0x412: {  	[tilespmem:s17+$0xA0] =	vst v2  }
0x413: {  	v2 =	vld [tilespmem:s24+$0x30];
	_ =	sdelay $0x4  }
0x414: {  	[tilespmem:s17+$0xB0] =	vst v2  }
0x415: {  	v2 =	vld [tilespmem:s24+$0x40];
	_ =	sdelay $0x4  }
0x416: {  	[tilespmem:s17+$0xC0] =	vst v2  }
0x417: {  	v2 =	vld [tilespmem:s24+$0x50];
	_ =	sdelay $0x1  }
0x418: {  	(v2sf) =	vpush v1, $0xA;
	_ =	sdelay $0x2  }
0x419: {  	[tilespmem:s17+$0xD0] =	vst v2  }
0x41a: {  	v2 =	vld [tilespmem:s24+$0x60];
	_ =	sdelay $0x4  }
0x41b: {  	[tilespmem:s17+$0xE0] =	vst v2  }
0x41c: {  	v2 =	vld [tilespmem:s24+$0x70];
	_ =	sdelay $0x4  }
0x41d: {  	s25 =	spop (v2sf);
	[tilespmem:s17+$0xF0] =	vst v2  }
0x41e: {  	v2 =	vld [tilespmem:s25+$0x0];
	_ =	sdelay $0x4  }
0x41f: {  	[tilespmem:s17+$0x100] =	vst v2  }
0x420: {  	v2 =	vld [tilespmem:s25+$0x10];
	_ =	sdelay $0x4  }
0x421: {  	[tilespmem:s17+$0x110] =	vst v2  }
0x422: {  	v2 =	vld [tilespmem:s25+$0x20];
	_ =	sdelay $0x4  }
0x423: {  	[tilespmem:s17+$0x120] =	vst v2  }
0x424: {  	v2 =	vld [tilespmem:s25+$0x30];
	_ =	sdelay $0x4  }
0x425: {  	[tilespmem:s17+$0x130] =	vst v2  }
0x426: {  	v2 =	vld [tilespmem:s25+$0x40];
	_ =	sdelay $0x4  }
0x427: {  	[tilespmem:s17+$0x140] =	vst v2  }
0x428: {  	v2 =	vld [tilespmem:s25+$0x50];
	_ =	sdelay $0x1  }
0x429: {  	(v2sf) =	vpush v1, $0xB;
	_ =	sdelay $0x2  }
0x42a: {  	[tilespmem:s17+$0x150] =	vst v2  }
0x42b: {  	v2 =	vld [tilespmem:s25+$0x60];
	_ =	sdelay $0x4  }
0x42c: {  	[tilespmem:s17+$0x160] =	vst v2  }
0x42d: {  	v2 =	vld [tilespmem:s25+$0x70];
	_ =	sdelay $0x4  }
0x42e: {  	s26 =	spop (v2sf);
	[tilespmem:s17+$0x170] =	vst v2  }
0x42f: {  	v2 =	vld [tilespmem:s26+$0x0];
	_ =	sdelay $0x4  }
0x430: {  	[tilespmem:s17+$0x180] =	vst v2  }
0x431: {  	v2 =	vld [tilespmem:s26+$0x10];
	_ =	sdelay $0x4  }
0x432: {  	[tilespmem:s17+$0x190] =	vst v2  }
0x433: {  	v2 =	vld [tilespmem:s26+$0x20];
	_ =	sdelay $0x4  }
0x434: {  	[tilespmem:s17+$0x1A0] =	vst v2  }
0x435: {  	v2 =	vld [tilespmem:s26+$0x30];
	_ =	sdelay $0x4  }
0x436: {  	[tilespmem:s17+$0x1B0] =	vst v2  }
0x437: {  	v2 =	vld [tilespmem:s26+$0x40];
	_ =	sdelay $0x4  }
0x438: {  	[tilespmem:s17+$0x1C0] =	vst v2  }
0x439: {  	v2 =	vld [tilespmem:s26+$0x50];
	_ =	sdelay $0x1  }
0x43a: {  	(v2sf) =	vpush v1, $0xC;
	_ =	sdelay $0x2  }
0x43b: {  	[tilespmem:s17+$0x1D0] =	vst v2  }
0x43c: {  	v2 =	vld [tilespmem:s26+$0x60];
	_ =	sdelay $0x4  }
0x43d: {  	[tilespmem:s17+$0x1E0] =	vst v2  }
0x43e: {  	v2 =	vld [tilespmem:s26+$0x70];
	_ =	sdelay $0x4  }
0x43f: {  	s28 =	spop (v2sf);
	[tilespmem:s17+$0x1F0] =	vst v2  }
0x440: {  	v2 =	vld [tilespmem:s28+$0x0];
	_ =	sdelay $0x4  }
0x441: {  	[tilespmem:s17+$0x200] =	vst v2  }
0x442: {  	v2 =	vld [tilespmem:s28+$0x10];
	_ =	sdelay $0x4  }
0x443: {  	[tilespmem:s17+$0x210] =	vst v2  }
0x444: {  	v2 =	vld [tilespmem:s28+$0x20];
	_ =	sdelay $0x4  }
0x445: {  	[tilespmem:s17+$0x220] =	vst v2  }
0x446: {  	v2 =	vld [tilespmem:s28+$0x30];
	_ =	sdelay $0x4  }
0x447: {  	[tilespmem:s17+$0x230] =	vst v2  }
0x448: {  	v2 =	vld [tilespmem:s28+$0x40];
	_ =	sdelay $0x4  }
0x449: {  	[tilespmem:s17+$0x240] =	vst v2  }
0x44a: {  	v2 =	vld [tilespmem:s28+$0x50];
	_ =	sdelay $0x1  }
0x44b: {  	(v2sf) =	vpush v1, $0xD;
	_ =	sdelay $0x2  }
0x44c: {  	[tilespmem:s17+$0x250] =	vst v2  }
0x44d: {  	v2 =	vld [tilespmem:s28+$0x60];
	_ =	sdelay $0x4  }
0x44e: {  	[tilespmem:s17+$0x260] =	vst v2  }
0x44f: {  	v2 =	vld [tilespmem:s28+$0x70];
	_ =	sdelay $0x4  }
0x450: {  	s29 =	spop (v2sf);
	[tilespmem:s17+$0x270] =	vst v2  }
0x451: {  	v2 =	vld [tilespmem:s29+$0x0];
	_ =	sdelay $0x4  }
0x452: {  	[tilespmem:s17+$0x280] =	vst v2  }
0x453: {  	v2 =	vld [tilespmem:s29+$0x10];
	_ =	sdelay $0x4  }
0x454: {  	[tilespmem:s17+$0x290] =	vst v2  }
0x455: {  	v2 =	vld [tilespmem:s29+$0x20];
	_ =	sdelay $0x4  }
0x456: {  	[tilespmem:s17+$0x2A0] =	vst v2  }
0x457: {  	v2 =	vld [tilespmem:s29+$0x30];
	_ =	sdelay $0x4  }
0x458: {  	[tilespmem:s17+$0x2B0] =	vst v2  }
0x459: {  	v2 =	vld [tilespmem:s29+$0x40];
	_ =	sdelay $0x4  }
0x45a: {  	[tilespmem:s17+$0x2C0] =	vst v2  }
0x45b: {  	v2 =	vld [tilespmem:s29+$0x50];
	_ =	sdelay $0x1  }
0x45c: {  	(v2sf) =	vpush v1, $0xE;
	_ =	sdelay $0x2  }
0x45d: {  	[tilespmem:s17+$0x2D0] =	vst v2  }
0x45e: {  	v2 =	vld [tilespmem:s29+$0x60];
	_ =	sdelay $0x4  }
0x45f: {  	[tilespmem:s17+$0x2E0] =	vst v2  }
0x460: {  	v2 =	vld [tilespmem:s29+$0x70];
	_ =	sdelay $0x4  }
0x461: {  	s30 =	spop (v2sf);
	[tilespmem:s17+$0x2F0] =	vst v2  }
0x462: {  	v2 =	vld [tilespmem:s30+$0x0];
	_ =	sdelay $0x4  }
0x463: {  	[tilespmem:s17+$0x300] =	vst v2  }
0x464: {  	v2 =	vld [tilespmem:s30+$0x10];
	_ =	sdelay $0x4  }
0x465: {  	[tilespmem:s17+$0x310] =	vst v2  }
0x466: {  	v2 =	vld [tilespmem:s30+$0x20];
	_ =	sdelay $0x4  }
0x467: {  	[tilespmem:s17+$0x320] =	vst v2  }
0x468: {  	v2 =	vld [tilespmem:s30+$0x30];
	_ =	sdelay $0x4  }
0x469: {  	[tilespmem:s17+$0x330] =	vst v2  }
0x46a: {  	v2 =	vld [tilespmem:s30+$0x40];
	_ =	sdelay $0x4  }
0x46b: {  	[tilespmem:s17+$0x340] =	vst v2  }
0x46c: {  	v2 =	vld [tilespmem:s30+$0x50];
	_ =	sdelay $0x1  }
0x46d: {  	(v2sf) =	vpush v1, $0xF;
	_ =	sdelay $0x2  }
0x46e: {  	[tilespmem:s17+$0x350] =	vst v2  }
0x46f: {  	v1 =	vld [tilespmem:s30+$0x60];
	_ =	sdelay $0x4  }
0x470: {  	[tilespmem:s17+$0x360] =	vst v1  }
0x471: {  	v1 =	vld [tilespmem:s30+$0x70];
	_ =	sdelay $0x4  }
0x472: {  	s31 =	spop (v2sf);
	[tilespmem:s17+$0x370] =	vst v1  }
0x473: {  	v1 =	vld [tilespmem:s31+$0x0];
	_ =	sdelay $0x4  }
0x474: {  	[tilespmem:s17+$0x380] =	vst v1  }
0x475: {  	v1 =	vld [tilespmem:s31+$0x10];
	_ =	sdelay $0x4  }
0x476: {  	[tilespmem:s17+$0x390] =	vst v1  }
0x477: {  	v1 =	vld [tilespmem:s31+$0x20];
	_ =	sdelay $0x4  }
0x478: {  	[tilespmem:s17+$0x3A0] =	vst v1  }
0x479: {  	v1 =	vld [tilespmem:s31+$0x30];
	_ =	sdelay $0x4  }
0x47a: {  	[tilespmem:s17+$0x3B0] =	vst v1  }
0x47b: {  	v1 =	vld [tilespmem:s31+$0x40];
	_ =	sdelay $0x4  }
0x47c: {  	[tilespmem:s17+$0x3C0] =	vst v1  }
0x47d: {  	v1 =	vld [tilespmem:s31+$0x50];
	_ =	sdelay $0x4  }
0x47e: {  	[tilespmem:s17+$0x3D0] =	vst v1  }
0x47f: {  	v1 =	vld [tilespmem:s31+$0x60];
	_ =	sdelay $0x4  }
0x480: {  	[tilespmem:s17+$0x3E0] =	vst v1  }
0x481: {  	v1 =	vld [tilespmem:s31+$0x70];
	_ =	sdelay $0x4  }
0x482: {  	s16 =	sor.u32 $0x1, s16;
	s0 =	simm.s32 $0x10;
	s18 =	simm.s32 $0x80;
	[tilespmem:s17+$0x3F0] =	vst v1  }
.LBB2_5:
0x483: {  	p0 =	sne.s32 s18, $0x1C0;
	v1 =	vld.idx.msk [tilespmem:v0+s0+$0x0 ss:$0x1], $0xffff;
	_ =	sdelay $0x5  }
0x484: {  	v1 =	vshll.u32 v1, $0x9  }
0x485: {  	v1 =	vshra.s32 v1, $0x2  }
0x486: {  	(v2sf) =	vpush v1, $0x0  }
0x487: {  	(v2sf) =	vpush v1, $0x1  }
0x488: {  	(v2sf) =	vpush v1, $0x2  }
0x489: {  	(v2sf) =	vpush v1, $0x3  }
0x48a: {  	(v2sf) =	vpush v1, $0x4  }
0x48b: {  	(v2sf) =	vpush v1, $0x5  }
0x48c: {  	(v2sf) =	vpush v1, $0x6  }
0x48d: {  	(v2sf) =	vpush v1, $0x7  }
0x48e: {  	(v2sf) =	vpush v1, $0x8  }
0x48f: {  	(v2sf) =	vpush v1, $0x9  }
0x490: {  	(v2sf) =	vpush v1, $0xA  }
0x491: {  	(v2sf) =	vpush v1, $0xB  }
0x492: {  	(v2sf) =	vpush v1, $0xC  }
0x493: {  	(v2sf) =	vpush v1, $0xD  }
0x494: {  	(v2sf) =	vpush v1, $0xE  }
0x495: {  	s5 =	spop (v2sf);
	(v2sf) =	vpush v1, $0xF  }
0x496: {  	v1 =	vld [tilespmem:s5+$0x0];
	s1 =	spop (v2sf)  }
0x497: {  	s0 =	spop (v2sf)  }
0x498: {  	s2 =	spop (v2sf)  }
0x499: {  	s31 =	spop (v2sf)  }
0x49a: {  	s17 =	sadd.s32 $0x800, s17;
	s30 =	spop (v2sf)  }
0x49b: {  	[tilespmem:s17+$0xFFFFFC00] =	vst v1;
	s29 =	spop (v2sf)  }
0x49c: {  	v1 =	vld [tilespmem:s5+$0x10];
	s28 =	spop (v2sf)  }
0x49d: {  	s26 =	spop (v2sf)  }
0x49e: {  	s25 =	spop (v2sf)  }
0x49f: {  	s24 =	spop (v2sf)  }
0x4a0: {  	s23 =	spop (v2sf)  }
0x4a1: {  	[tilespmem:s17+$0xFFFFFC10] =	vst v1;
	s22 =	spop (v2sf)  }
0x4a2: {  	v1 =	vld [tilespmem:s5+$0x20];
	s21 =	spop (v2sf)  }
0x4a3: {  	s20 =	spop (v2sf)  }
0x4a4: {  	s19 =	spop (v2sf);
	_ =	sdelay $0x2  }
0x4a5: {  	[tilespmem:s17+$0xFFFFFC20] =	vst v1  }
0x4a6: {  	v1 =	vld [tilespmem:s5+$0x30];
	_ =	sdelay $0x4  }
0x4a7: {  	[tilespmem:s17+$0xFFFFFC30] =	vst v1  }
0x4a8: {  	v1 =	vld [tilespmem:s5+$0x40];
	_ =	sdelay $0x4  }
0x4a9: {  	[tilespmem:s17+$0xFFFFFC40] =	vst v1  }
0x4aa: {  	v1 =	vld [tilespmem:s5+$0x50];
	_ =	sdelay $0x4  }
0x4ab: {  	[tilespmem:s17+$0xFFFFFC50] =	vst v1  }
0x4ac: {  	v1 =	vld [tilespmem:s5+$0x60];
	_ =	sdelay $0x4  }
0x4ad: {  	[tilespmem:s17+$0xFFFFFC60] =	vst v1  }
0x4ae: {  	v1 =	vld [tilespmem:s5+$0x70];
	_ =	sdelay $0x4  }
0x4af: {  	[tilespmem:s17+$0xFFFFFC70] =	vst v1  }
0x4b0: {  	v1 =	vld [tilespmem:s1+$0x0];
	_ =	sdelay $0x4  }
0x4b1: {  	[tilespmem:s17+$0xFFFFFC80] =	vst v1  }
0x4b2: {  	v1 =	vld [tilespmem:s1+$0x10];
	_ =	sdelay $0x4  }
0x4b3: {  	[tilespmem:s17+$0xFFFFFC90] =	vst v1  }
0x4b4: {  	v1 =	vld [tilespmem:s1+$0x20];
	_ =	sdelay $0x4  }
0x4b5: {  	[tilespmem:s17+$0xFFFFFCA0] =	vst v1  }
0x4b6: {  	v1 =	vld [tilespmem:s1+$0x30];
	_ =	sdelay $0x4  }
0x4b7: {  	[tilespmem:s17+$0xFFFFFCB0] =	vst v1  }
0x4b8: {  	v1 =	vld [tilespmem:s1+$0x40];
	_ =	sdelay $0x4  }
0x4b9: {  	[tilespmem:s17+$0xFFFFFCC0] =	vst v1  }
0x4ba: {  	v1 =	vld [tilespmem:s1+$0x50];
	_ =	sdelay $0x4  }
0x4bb: {  	[tilespmem:s17+$0xFFFFFCD0] =	vst v1  }
0x4bc: {  	v1 =	vld [tilespmem:s1+$0x60];
	_ =	sdelay $0x4  }
0x4bd: {  	[tilespmem:s17+$0xFFFFFCE0] =	vst v1  }
0x4be: {  	v1 =	vld [tilespmem:s1+$0x70];
	_ =	sdelay $0x4  }
0x4bf: {  	[tilespmem:s17+$0xFFFFFCF0] =	vst v1  }
0x4c0: {  	v1 =	vld [tilespmem:s0+$0x0];
	_ =	sdelay $0x4  }
0x4c1: {  	[tilespmem:s17+$0xFFFFFD00] =	vst v1  }
0x4c2: {  	v1 =	vld [tilespmem:s0+$0x10];
	_ =	sdelay $0x4  }
0x4c3: {  	[tilespmem:s17+$0xFFFFFD10] =	vst v1  }
0x4c4: {  	v1 =	vld [tilespmem:s0+$0x20];
	_ =	sdelay $0x4  }
0x4c5: {  	[tilespmem:s17+$0xFFFFFD20] =	vst v1  }
0x4c6: {  	v1 =	vld [tilespmem:s0+$0x30];
	_ =	sdelay $0x4  }
0x4c7: {  	[tilespmem:s17+$0xFFFFFD30] =	vst v1  }
0x4c8: {  	v1 =	vld [tilespmem:s0+$0x40];
	_ =	sdelay $0x4  }
0x4c9: {  	[tilespmem:s17+$0xFFFFFD40] =	vst v1  }
0x4ca: {  	v1 =	vld [tilespmem:s0+$0x50];
	_ =	sdelay $0x4  }
0x4cb: {  	[tilespmem:s17+$0xFFFFFD50] =	vst v1  }
0x4cc: {  	v1 =	vld [tilespmem:s0+$0x60];
	_ =	sdelay $0x4  }
0x4cd: {  	[tilespmem:s17+$0xFFFFFD60] =	vst v1  }
0x4ce: {  	v1 =	vld [tilespmem:s0+$0x70];
	_ =	sdelay $0x4  }
0x4cf: {  	[tilespmem:s17+$0xFFFFFD70] =	vst v1  }
0x4d0: {  	v1 =	vld [tilespmem:s2+$0x0];
	_ =	sdelay $0x4  }
0x4d1: {  	[tilespmem:s17+$0xFFFFFD80] =	vst v1  }
0x4d2: {  	v1 =	vld [tilespmem:s2+$0x10];
	_ =	sdelay $0x4  }
0x4d3: {  	[tilespmem:s17+$0xFFFFFD90] =	vst v1  }
0x4d4: {  	v1 =	vld [tilespmem:s2+$0x20];
	_ =	sdelay $0x4  }
0x4d5: {  	[tilespmem:s17+$0xFFFFFDA0] =	vst v1  }
0x4d6: {  	v1 =	vld [tilespmem:s2+$0x30];
	_ =	sdelay $0x4  }
0x4d7: {  	[tilespmem:s17+$0xFFFFFDB0] =	vst v1  }
0x4d8: {  	v1 =	vld [tilespmem:s2+$0x40];
	_ =	sdelay $0x4  }
0x4d9: {  	[tilespmem:s17+$0xFFFFFDC0] =	vst v1  }
0x4da: {  	v1 =	vld [tilespmem:s2+$0x50];
	_ =	sdelay $0x4  }
0x4db: {  	[tilespmem:s17+$0xFFFFFDD0] =	vst v1  }
0x4dc: {  	v1 =	vld [tilespmem:s2+$0x60];
	_ =	sdelay $0x4  }
0x4dd: {  	[tilespmem:s17+$0xFFFFFDE0] =	vst v1  }
0x4de: {  	v1 =	vld [tilespmem:s2+$0x70];
	_ =	sdelay $0x4  }
0x4df: {  	[tilespmem:s17+$0xFFFFFDF0] =	vst v1  }
0x4e0: {  	v1 =	vld [tilespmem:s31+$0x0];
	_ =	sdelay $0x4  }
0x4e1: {  	[tilespmem:s17+$0xFFFFFE00] =	vst v1  }
0x4e2: {  	v1 =	vld [tilespmem:s31+$0x10];
	_ =	sdelay $0x4  }
0x4e3: {  	[tilespmem:s17+$0xFFFFFE10] =	vst v1  }
0x4e4: {  	v1 =	vld [tilespmem:s31+$0x20];
	_ =	sdelay $0x4  }
0x4e5: {  	[tilespmem:s17+$0xFFFFFE20] =	vst v1  }
0x4e6: {  	v1 =	vld [tilespmem:s31+$0x30];
	_ =	sdelay $0x4  }
0x4e7: {  	[tilespmem:s17+$0xFFFFFE30] =	vst v1  }
0x4e8: {  	v1 =	vld [tilespmem:s31+$0x40];
	_ =	sdelay $0x4  }
0x4e9: {  	[tilespmem:s17+$0xFFFFFE40] =	vst v1  }
0x4ea: {  	v1 =	vld [tilespmem:s31+$0x50];
	_ =	sdelay $0x4  }
0x4eb: {  	[tilespmem:s17+$0xFFFFFE50] =	vst v1  }
0x4ec: {  	v1 =	vld [tilespmem:s31+$0x60];
	_ =	sdelay $0x4  }
0x4ed: {  	[tilespmem:s17+$0xFFFFFE60] =	vst v1  }
0x4ee: {  	v1 =	vld [tilespmem:s31+$0x70];
	_ =	sdelay $0x4  }
0x4ef: {  	[tilespmem:s17+$0xFFFFFE70] =	vst v1  }
0x4f0: {  	v1 =	vld [tilespmem:s30+$0x0];
	_ =	sdelay $0x4  }
0x4f1: {  	[tilespmem:s17+$0xFFFFFE80] =	vst v1  }
0x4f2: {  	v1 =	vld [tilespmem:s30+$0x10];
	_ =	sdelay $0x4  }
0x4f3: {  	[tilespmem:s17+$0xFFFFFE90] =	vst v1  }
0x4f4: {  	v1 =	vld [tilespmem:s30+$0x20];
	_ =	sdelay $0x4  }
0x4f5: {  	[tilespmem:s17+$0xFFFFFEA0] =	vst v1  }
0x4f6: {  	v1 =	vld [tilespmem:s30+$0x30];
	_ =	sdelay $0x4  }
0x4f7: {  	[tilespmem:s17+$0xFFFFFEB0] =	vst v1  }
0x4f8: {  	v1 =	vld [tilespmem:s30+$0x40];
	_ =	sdelay $0x4  }
0x4f9: {  	[tilespmem:s17+$0xFFFFFEC0] =	vst v1  }
0x4fa: {  	v1 =	vld [tilespmem:s30+$0x50];
	_ =	sdelay $0x4  }
0x4fb: {  	[tilespmem:s17+$0xFFFFFED0] =	vst v1  }
0x4fc: {  	v1 =	vld [tilespmem:s30+$0x60];
	_ =	sdelay $0x4  }
0x4fd: {  	[tilespmem:s17+$0xFFFFFEE0] =	vst v1  }
0x4fe: {  	v1 =	vld [tilespmem:s30+$0x70];
	_ =	sdelay $0x4  }
0x4ff: {  	[tilespmem:s17+$0xFFFFFEF0] =	vst v1  }
0x500: {  	v1 =	vld [tilespmem:s29+$0x0];
	_ =	sdelay $0x4  }
0x501: {  	[tilespmem:s17+$0xFFFFFF00] =	vst v1  }
0x502: {  	v1 =	vld [tilespmem:s29+$0x10];
	_ =	sdelay $0x4  }
0x503: {  	[tilespmem:s17+$0xFFFFFF10] =	vst v1  }
0x504: {  	v1 =	vld [tilespmem:s29+$0x20];
	_ =	sdelay $0x4  }
0x505: {  	[tilespmem:s17+$0xFFFFFF20] =	vst v1  }
0x506: {  	v1 =	vld [tilespmem:s29+$0x30];
	_ =	sdelay $0x4  }
0x507: {  	[tilespmem:s17+$0xFFFFFF30] =	vst v1  }
0x508: {  	v1 =	vld [tilespmem:s29+$0x40];
	_ =	sdelay $0x4  }
0x509: {  	[tilespmem:s17+$0xFFFFFF40] =	vst v1  }
0x50a: {  	v1 =	vld [tilespmem:s29+$0x50];
	_ =	sdelay $0x4  }
0x50b: {  	[tilespmem:s17+$0xFFFFFF50] =	vst v1  }
0x50c: {  	v1 =	vld [tilespmem:s29+$0x60];
	_ =	sdelay $0x4  }
0x50d: {  	[tilespmem:s17+$0xFFFFFF60] =	vst v1  }
0x50e: {  	v1 =	vld [tilespmem:s29+$0x70];
	_ =	sdelay $0x4  }
0x50f: {  	[tilespmem:s17+$0xFFFFFF70] =	vst v1  }
0x510: {  	v1 =	vld [tilespmem:s28+$0x0];
	_ =	sdelay $0x4  }
0x511: {  	[tilespmem:s17+$0xFFFFFF80] =	vst v1  }
0x512: {  	v1 =	vld [tilespmem:s28+$0x10];
	_ =	sdelay $0x4  }
0x513: {  	[tilespmem:s17+$0xFFFFFF90] =	vst v1  }
0x514: {  	v1 =	vld [tilespmem:s28+$0x20];
	_ =	sdelay $0x4  }
0x515: {  	[tilespmem:s17+$0xFFFFFFA0] =	vst v1  }
0x516: {  	v1 =	vld [tilespmem:s28+$0x30];
	_ =	sdelay $0x4  }
0x517: {  	[tilespmem:s17+$0xFFFFFFB0] =	vst v1  }
0x518: {  	v1 =	vld [tilespmem:s28+$0x40];
	_ =	sdelay $0x4  }
0x519: {  	[tilespmem:s17+$0xFFFFFFC0] =	vst v1  }
0x51a: {  	v1 =	vld [tilespmem:s28+$0x50];
	_ =	sdelay $0x4  }
0x51b: {  	[tilespmem:s17+$0xFFFFFFD0] =	vst v1  }
0x51c: {  	v1 =	vld [tilespmem:s28+$0x60];
	_ =	sdelay $0x4  }
0x51d: {  	[tilespmem:s17+$0xFFFFFFE0] =	vst v1  }
0x51e: {  	v1 =	vld [tilespmem:s28+$0x70];
	_ =	sdelay $0x4  }
0x51f: {  	[tilespmem:s17+$0xFFFFFFF0] =	vst v1  }
0x520: {  	v1 =	vld [tilespmem:s26+$0x0];
	_ =	sdelay $0x4  }
0x521: {  	[tilespmem:s17+$0x0] =	vst v1  }
0x522: {  	v1 =	vld [tilespmem:s26+$0x10];
	_ =	sdelay $0x4  }
0x523: {  	[tilespmem:s17+$0x10] =	vst v1  }
0x524: {  	v1 =	vld [tilespmem:s26+$0x20];
	_ =	sdelay $0x4  }
0x525: {  	[tilespmem:s17+$0x20] =	vst v1  }
0x526: {  	v1 =	vld [tilespmem:s26+$0x30];
	_ =	sdelay $0x4  }
0x527: {  	[tilespmem:s17+$0x30] =	vst v1  }
0x528: {  	v1 =	vld [tilespmem:s26+$0x40];
	_ =	sdelay $0x4  }
0x529: {  	[tilespmem:s17+$0x40] =	vst v1  }
0x52a: {  	v1 =	vld [tilespmem:s26+$0x50];
	_ =	sdelay $0x4  }
0x52b: {  	[tilespmem:s17+$0x50] =	vst v1  }
0x52c: {  	v1 =	vld [tilespmem:s26+$0x60];
	_ =	sdelay $0x4  }
0x52d: {  	[tilespmem:s17+$0x60] =	vst v1  }
0x52e: {  	v1 =	vld [tilespmem:s26+$0x70];
	_ =	sdelay $0x4  }
0x52f: {  	[tilespmem:s17+$0x70] =	vst v1  }
0x530: {  	v1 =	vld [tilespmem:s25+$0x0];
	_ =	sdelay $0x4  }
0x531: {  	[tilespmem:s17+$0x80] =	vst v1  }
0x532: {  	v1 =	vld [tilespmem:s25+$0x10];
	_ =	sdelay $0x4  }
0x533: {  	[tilespmem:s17+$0x90] =	vst v1  }
0x534: {  	v1 =	vld [tilespmem:s25+$0x20];
	_ =	sdelay $0x4  }
0x535: {  	[tilespmem:s17+$0xA0] =	vst v1  }
0x536: {  	v1 =	vld [tilespmem:s25+$0x30];
	_ =	sdelay $0x4  }
0x537: {  	[tilespmem:s17+$0xB0] =	vst v1  }
0x538: {  	v1 =	vld [tilespmem:s25+$0x40];
	_ =	sdelay $0x4  }
0x539: {  	[tilespmem:s17+$0xC0] =	vst v1  }
0x53a: {  	v1 =	vld [tilespmem:s25+$0x50];
	_ =	sdelay $0x4  }
0x53b: {  	[tilespmem:s17+$0xD0] =	vst v1  }
0x53c: {  	v1 =	vld [tilespmem:s25+$0x60];
	_ =	sdelay $0x4  }
0x53d: {  	[tilespmem:s17+$0xE0] =	vst v1  }
0x53e: {  	v1 =	vld [tilespmem:s25+$0x70];
	_ =	sdelay $0x4  }
0x53f: {  	[tilespmem:s17+$0xF0] =	vst v1  }
0x540: {  	v1 =	vld [tilespmem:s24+$0x0];
	_ =	sdelay $0x4  }
0x541: {  	[tilespmem:s17+$0x100] =	vst v1  }
0x542: {  	v1 =	vld [tilespmem:s24+$0x10];
	_ =	sdelay $0x4  }
0x543: {  	[tilespmem:s17+$0x110] =	vst v1  }
0x544: {  	v1 =	vld [tilespmem:s24+$0x20];
	_ =	sdelay $0x4  }
0x545: {  	[tilespmem:s17+$0x120] =	vst v1  }
0x546: {  	v1 =	vld [tilespmem:s24+$0x30];
	_ =	sdelay $0x4  }
0x547: {  	[tilespmem:s17+$0x130] =	vst v1  }
0x548: {  	v1 =	vld [tilespmem:s24+$0x40];
	_ =	sdelay $0x4  }
0x549: {  	[tilespmem:s17+$0x140] =	vst v1  }
0x54a: {  	v1 =	vld [tilespmem:s24+$0x50];
	_ =	sdelay $0x4  }
0x54b: {  	[tilespmem:s17+$0x150] =	vst v1  }
0x54c: {  	v1 =	vld [tilespmem:s24+$0x60];
	_ =	sdelay $0x4  }
0x54d: {  	[tilespmem:s17+$0x160] =	vst v1  }
0x54e: {  	v1 =	vld [tilespmem:s24+$0x70];
	_ =	sdelay $0x4  }
0x54f: {  	[tilespmem:s17+$0x170] =	vst v1  }
0x550: {  	v1 =	vld [tilespmem:s23+$0x0];
	_ =	sdelay $0x4  }
0x551: {  	[tilespmem:s17+$0x180] =	vst v1  }
0x552: {  	v1 =	vld [tilespmem:s23+$0x10];
	_ =	sdelay $0x4  }
0x553: {  	[tilespmem:s17+$0x190] =	vst v1  }
0x554: {  	v1 =	vld [tilespmem:s23+$0x20];
	_ =	sdelay $0x4  }
0x555: {  	[tilespmem:s17+$0x1A0] =	vst v1  }
0x556: {  	v1 =	vld [tilespmem:s23+$0x30];
	_ =	sdelay $0x4  }
0x557: {  	[tilespmem:s17+$0x1B0] =	vst v1  }
0x558: {  	v1 =	vld [tilespmem:s23+$0x40];
	_ =	sdelay $0x4  }
0x559: {  	[tilespmem:s17+$0x1C0] =	vst v1  }
0x55a: {  	v1 =	vld [tilespmem:s23+$0x50];
	_ =	sdelay $0x4  }
0x55b: {  	[tilespmem:s17+$0x1D0] =	vst v1  }
0x55c: {  	v1 =	vld [tilespmem:s23+$0x60];
	_ =	sdelay $0x4  }
0x55d: {  	[tilespmem:s17+$0x1E0] =	vst v1  }
0x55e: {  	v1 =	vld [tilespmem:s23+$0x70];
	_ =	sdelay $0x4  }
0x55f: {  	[tilespmem:s17+$0x1F0] =	vst v1  }
0x560: {  	v1 =	vld [tilespmem:s22+$0x0];
	_ =	sdelay $0x4  }
0x561: {  	[tilespmem:s17+$0x200] =	vst v1  }
0x562: {  	v1 =	vld [tilespmem:s22+$0x10];
	_ =	sdelay $0x4  }
0x563: {  	[tilespmem:s17+$0x210] =	vst v1  }
0x564: {  	v1 =	vld [tilespmem:s22+$0x20];
	_ =	sdelay $0x4  }
0x565: {  	[tilespmem:s17+$0x220] =	vst v1  }
0x566: {  	v1 =	vld [tilespmem:s22+$0x30];
	_ =	sdelay $0x4  }
0x567: {  	[tilespmem:s17+$0x230] =	vst v1  }
0x568: {  	v1 =	vld [tilespmem:s22+$0x40];
	_ =	sdelay $0x4  }
0x569: {  	[tilespmem:s17+$0x240] =	vst v1  }
0x56a: {  	v1 =	vld [tilespmem:s22+$0x50];
	_ =	sdelay $0x4  }
0x56b: {  	[tilespmem:s17+$0x250] =	vst v1  }
0x56c: {  	v1 =	vld [tilespmem:s22+$0x60];
	_ =	sdelay $0x4  }
0x56d: {  	[tilespmem:s17+$0x260] =	vst v1  }
0x56e: {  	v1 =	vld [tilespmem:s22+$0x70];
	_ =	sdelay $0x4  }
0x56f: {  	[tilespmem:s17+$0x270] =	vst v1  }
0x570: {  	v1 =	vld [tilespmem:s21+$0x0];
	_ =	sdelay $0x4  }
0x571: {  	[tilespmem:s17+$0x280] =	vst v1  }
0x572: {  	v1 =	vld [tilespmem:s21+$0x10];
	_ =	sdelay $0x4  }
0x573: {  	[tilespmem:s17+$0x290] =	vst v1  }
0x574: {  	v1 =	vld [tilespmem:s21+$0x20];
	_ =	sdelay $0x4  }
0x575: {  	[tilespmem:s17+$0x2A0] =	vst v1  }
0x576: {  	v1 =	vld [tilespmem:s21+$0x30];
	_ =	sdelay $0x4  }
0x577: {  	[tilespmem:s17+$0x2B0] =	vst v1  }
0x578: {  	v1 =	vld [tilespmem:s21+$0x40];
	_ =	sdelay $0x4  }
0x579: {  	[tilespmem:s17+$0x2C0] =	vst v1  }
0x57a: {  	v1 =	vld [tilespmem:s21+$0x50];
	_ =	sdelay $0x4  }
0x57b: {  	[tilespmem:s17+$0x2D0] =	vst v1  }
0x57c: {  	v1 =	vld [tilespmem:s21+$0x60];
	_ =	sdelay $0x4  }
0x57d: {  	[tilespmem:s17+$0x2E0] =	vst v1  }
0x57e: {  	v1 =	vld [tilespmem:s21+$0x70];
	_ =	sdelay $0x4  }
0x57f: {  	[tilespmem:s17+$0x2F0] =	vst v1  }
0x580: {  	v1 =	vld [tilespmem:s20+$0x0];
	_ =	sdelay $0x4  }
0x581: {  	[tilespmem:s17+$0x300] =	vst v1  }
0x582: {  	v1 =	vld [tilespmem:s20+$0x10];
	_ =	sdelay $0x4  }
0x583: {  	[tilespmem:s17+$0x310] =	vst v1  }
0x584: {  	v1 =	vld [tilespmem:s20+$0x20];
	_ =	sdelay $0x4  }
0x585: {  	[tilespmem:s17+$0x320] =	vst v1  }
0x586: {  	v1 =	vld [tilespmem:s20+$0x30];
	_ =	sdelay $0x4  }
0x587: {  	[tilespmem:s17+$0x330] =	vst v1  }
0x588: {  	v1 =	vld [tilespmem:s20+$0x40];
	_ =	sdelay $0x4  }
0x589: {  	[tilespmem:s17+$0x340] =	vst v1  }
0x58a: {  	v1 =	vld [tilespmem:s20+$0x50];
	_ =	sdelay $0x4  }
0x58b: {  	[tilespmem:s17+$0x350] =	vst v1  }
0x58c: {  	v1 =	vld [tilespmem:s20+$0x60];
	_ =	sdelay $0x4  }
0x58d: {  	[tilespmem:s17+$0x360] =	vst v1  }
0x58e: {  	v1 =	vld [tilespmem:s20+$0x70];
	_ =	sdelay $0x4  }
0x58f: {  	[tilespmem:s17+$0x370] =	vst v1  }
0x590: {  	v1 =	vld [tilespmem:s19+$0x0];
	_ =	sdelay $0x4  }
0x591: {  	[tilespmem:s17+$0x380] =	vst v1  }
0x592: {  	v1 =	vld [tilespmem:s19+$0x10];
	_ =	sdelay $0x4  }
0x593: {  	[tilespmem:s17+$0x390] =	vst v1  }
0x594: {  	v1 =	vld [tilespmem:s19+$0x20];
	_ =	sdelay $0x4  }
0x595: {  	[tilespmem:s17+$0x3A0] =	vst v1  }
0x596: {  	v1 =	vld [tilespmem:s19+$0x30];
	_ =	sdelay $0x4  }
0x597: {  	[tilespmem:s17+$0x3B0] =	vst v1  }
0x598: {  	v1 =	vld [tilespmem:s19+$0x40];
	_ =	sdelay $0x4  }
0x599: {  	[tilespmem:s17+$0x3C0] =	vst v1  }
0x59a: {  	v1 =	vld [tilespmem:s19+$0x50];
	_ =	sdelay $0x4  }
0x59b: {  	[tilespmem:s17+$0x3D0] =	vst v1  }
0x59c: {  	v1 =	vld [tilespmem:s19+$0x60];
	_ =	sdelay $0x4  }
0x59d: {  	[tilespmem:s17+$0x3E0] =	vst v1  }
0x59e: {  	v1 =	vld [tilespmem:s19+$0x70]  }
.Ltmp1:
0x59f: {  	(pc) =	sbr.rel @p0 .LBB2_5-.Ltmp1, $2  }
0x5a0: {  	_ =	sdelay $0x2  }
0x5a1: {  	s0 =	sshra.s32 s18, $0x2;
	s18 =	sadd.s32 $0x40, s18;
	[tilespmem:s17+$0x3F0] =	vst v1  }
0x5a2: {  	_ =	sdelay $0x3  }
0x5a3: {  	v0 =	vld.idx.msk [tilespmem:v0+s0+$0x0 ss:$0x1], $0xffff;
	_ =	sdelay $0x4  }
0x5a4: {  	v0 =	vshll.u32 v0, $0x9  }
0x5a5: {  	v0 =	vshra.s32 v0, $0x2  }
0x5a6: {  	(v2sf) =	vpush v0, $0x0;
	_ =	sdelay $0xe  }
0x5a7: {  	s31 =	spop (v2sf)  }
0x5a8: {  	v1 =	vld [tilespmem:s31+$0x0];
	_ =	sdelay $0x3  }
0x5a9: {  	s17 =	sadd.s32 $0x800, s17  }
0x5aa: {  	[tilespmem:s17+$0xFFFFFC00] =	vst v1  }
0x5ab: {  	v1 =	vld [tilespmem:s31+$0x10];
	_ =	sdelay $0x4  }
0x5ac: {  	[tilespmem:s17+$0xFFFFFC10] =	vst v1  }
0x5ad: {  	v1 =	vld [tilespmem:s31+$0x20];
	_ =	sdelay $0x4  }
0x5ae: {  	[tilespmem:s17+$0xFFFFFC20] =	vst v1  }
0x5af: {  	v1 =	vld [tilespmem:s31+$0x30];
	_ =	sdelay $0x4  }
0x5b0: {  	[tilespmem:s17+$0xFFFFFC30] =	vst v1  }
0x5b1: {  	v1 =	vld [tilespmem:s31+$0x40];
	_ =	sdelay $0x4  }
0x5b2: {  	[tilespmem:s17+$0xFFFFFC40] =	vst v1  }
0x5b3: {  	v1 =	vld [tilespmem:s31+$0x50];
	_ =	sdelay $0x1  }
0x5b4: {  	(v2sf) =	vpush v0, $0x1;
	_ =	sdelay $0x2  }
0x5b5: {  	[tilespmem:s17+$0xFFFFFC50] =	vst v1  }
0x5b6: {  	v1 =	vld [tilespmem:s31+$0x60];
	_ =	sdelay $0x4  }
0x5b7: {  	[tilespmem:s17+$0xFFFFFC60] =	vst v1  }
0x5b8: {  	v1 =	vld [tilespmem:s31+$0x70];
	_ =	sdelay $0x4  }
0x5b9: {  	s1 =	spop (v2sf);
	[tilespmem:s17+$0xFFFFFC70] =	vst v1  }
0x5ba: {  	v1 =	vld [tilespmem:s1+$0x0];
	_ =	sdelay $0x4  }
0x5bb: {  	[tilespmem:s17+$0xFFFFFC80] =	vst v1  }
0x5bc: {  	v1 =	vld [tilespmem:s1+$0x10];
	_ =	sdelay $0x4  }
0x5bd: {  	[tilespmem:s17+$0xFFFFFC90] =	vst v1  }
0x5be: {  	v1 =	vld [tilespmem:s1+$0x20];
	_ =	sdelay $0x4  }
0x5bf: {  	[tilespmem:s17+$0xFFFFFCA0] =	vst v1  }
0x5c0: {  	v1 =	vld [tilespmem:s1+$0x30];
	_ =	sdelay $0x4  }
0x5c1: {  	[tilespmem:s17+$0xFFFFFCB0] =	vst v1  }
0x5c2: {  	v1 =	vld [tilespmem:s1+$0x40];
	_ =	sdelay $0x4  }
0x5c3: {  	[tilespmem:s17+$0xFFFFFCC0] =	vst v1  }
0x5c4: {  	v1 =	vld [tilespmem:s1+$0x50];
	_ =	sdelay $0x1  }
0x5c5: {  	(v2sf) =	vpush v0, $0x2;
	_ =	sdelay $0x2  }
0x5c6: {  	[tilespmem:s17+$0xFFFFFCD0] =	vst v1  }
0x5c7: {  	v1 =	vld [tilespmem:s1+$0x60];
	_ =	sdelay $0x4  }
0x5c8: {  	[tilespmem:s17+$0xFFFFFCE0] =	vst v1  }
0x5c9: {  	v1 =	vld [tilespmem:s1+$0x70];
	_ =	sdelay $0x4  }
0x5ca: {  	s2 =	spop (v2sf);
	[tilespmem:s17+$0xFFFFFCF0] =	vst v1  }
0x5cb: {  	v1 =	vld [tilespmem:s2+$0x0];
	_ =	sdelay $0x4  }
0x5cc: {  	[tilespmem:s17+$0xFFFFFD00] =	vst v1  }
0x5cd: {  	v1 =	vld [tilespmem:s2+$0x10];
	_ =	sdelay $0x4  }
0x5ce: {  	[tilespmem:s17+$0xFFFFFD10] =	vst v1  }
0x5cf: {  	v1 =	vld [tilespmem:s2+$0x20];
	_ =	sdelay $0x4  }
0x5d0: {  	[tilespmem:s17+$0xFFFFFD20] =	vst v1  }
0x5d1: {  	v1 =	vld [tilespmem:s2+$0x30];
	_ =	sdelay $0x4  }
0x5d2: {  	[tilespmem:s17+$0xFFFFFD30] =	vst v1  }
0x5d3: {  	v1 =	vld [tilespmem:s2+$0x40];
	_ =	sdelay $0x4  }
0x5d4: {  	[tilespmem:s17+$0xFFFFFD40] =	vst v1  }
0x5d5: {  	v1 =	vld [tilespmem:s2+$0x50];
	_ =	sdelay $0x1  }
0x5d6: {  	(v2sf) =	vpush v0, $0x3;
	_ =	sdelay $0x2  }
0x5d7: {  	[tilespmem:s17+$0xFFFFFD50] =	vst v1  }
0x5d8: {  	v1 =	vld [tilespmem:s2+$0x60];
	_ =	sdelay $0x4  }
0x5d9: {  	[tilespmem:s17+$0xFFFFFD60] =	vst v1  }
0x5da: {  	v1 =	vld [tilespmem:s2+$0x70];
	_ =	sdelay $0x4  }
0x5db: {  	s5 =	spop (v2sf);
	[tilespmem:s17+$0xFFFFFD70] =	vst v1  }
0x5dc: {  	v1 =	vld [tilespmem:s5+$0x0];
	_ =	sdelay $0x4  }
0x5dd: {  	[tilespmem:s17+$0xFFFFFD80] =	vst v1  }
0x5de: {  	v1 =	vld [tilespmem:s5+$0x10];
	_ =	sdelay $0x4  }
0x5df: {  	[tilespmem:s17+$0xFFFFFD90] =	vst v1  }
0x5e0: {  	v1 =	vld [tilespmem:s5+$0x20];
	_ =	sdelay $0x4  }
0x5e1: {  	[tilespmem:s17+$0xFFFFFDA0] =	vst v1  }
0x5e2: {  	v1 =	vld [tilespmem:s5+$0x30];
	_ =	sdelay $0x4  }
0x5e3: {  	[tilespmem:s17+$0xFFFFFDB0] =	vst v1  }
0x5e4: {  	v1 =	vld [tilespmem:s5+$0x40];
	_ =	sdelay $0x4  }
0x5e5: {  	[tilespmem:s17+$0xFFFFFDC0] =	vst v1  }
0x5e6: {  	v1 =	vld [tilespmem:s5+$0x50];
	_ =	sdelay $0x1  }
0x5e7: {  	(v2sf) =	vpush v0, $0x4;
	_ =	sdelay $0x2  }
0x5e8: {  	[tilespmem:s17+$0xFFFFFDD0] =	vst v1  }
0x5e9: {  	v1 =	vld [tilespmem:s5+$0x60];
	_ =	sdelay $0x4  }
0x5ea: {  	[tilespmem:s17+$0xFFFFFDE0] =	vst v1  }
0x5eb: {  	v1 =	vld [tilespmem:s5+$0x70];
	_ =	sdelay $0x4  }
0x5ec: {  	s18 =	spop (v2sf);
	[tilespmem:s17+$0xFFFFFDF0] =	vst v1  }
0x5ed: {  	v1 =	vld [tilespmem:s18+$0x0];
	_ =	sdelay $0x4  }
0x5ee: {  	[tilespmem:s17+$0xFFFFFE00] =	vst v1  }
0x5ef: {  	v1 =	vld [tilespmem:s18+$0x10];
	_ =	sdelay $0x4  }
0x5f0: {  	[tilespmem:s17+$0xFFFFFE10] =	vst v1  }
0x5f1: {  	v1 =	vld [tilespmem:s18+$0x20];
	_ =	sdelay $0x4  }
0x5f2: {  	[tilespmem:s17+$0xFFFFFE20] =	vst v1  }
0x5f3: {  	v1 =	vld [tilespmem:s18+$0x30];
	_ =	sdelay $0x4  }
0x5f4: {  	[tilespmem:s17+$0xFFFFFE30] =	vst v1  }
0x5f5: {  	v1 =	vld [tilespmem:s18+$0x40];
	_ =	sdelay $0x4  }
0x5f6: {  	[tilespmem:s17+$0xFFFFFE40] =	vst v1  }
0x5f7: {  	v1 =	vld [tilespmem:s18+$0x50];
	_ =	sdelay $0x1  }
0x5f8: {  	(v2sf) =	vpush v0, $0x5;
	_ =	sdelay $0x2  }
0x5f9: {  	[tilespmem:s17+$0xFFFFFE50] =	vst v1  }
0x5fa: {  	v1 =	vld [tilespmem:s18+$0x60];
	_ =	sdelay $0x4  }
0x5fb: {  	[tilespmem:s17+$0xFFFFFE60] =	vst v1  }
0x5fc: {  	v1 =	vld [tilespmem:s18+$0x70];
	_ =	sdelay $0x4  }
0x5fd: {  	s19 =	spop (v2sf);
	[tilespmem:s17+$0xFFFFFE70] =	vst v1  }
0x5fe: {  	v1 =	vld [tilespmem:s19+$0x0];
	_ =	sdelay $0x4  }
0x5ff: {  	[tilespmem:s17+$0xFFFFFE80] =	vst v1  }
0x600: {  	v1 =	vld [tilespmem:s19+$0x10];
	_ =	sdelay $0x4  }
0x601: {  	[tilespmem:s17+$0xFFFFFE90] =	vst v1  }
0x602: {  	v1 =	vld [tilespmem:s19+$0x20];
	_ =	sdelay $0x4  }
0x603: {  	[tilespmem:s17+$0xFFFFFEA0] =	vst v1  }
0x604: {  	v1 =	vld [tilespmem:s19+$0x30];
	_ =	sdelay $0x4  }
0x605: {  	[tilespmem:s17+$0xFFFFFEB0] =	vst v1  }
0x606: {  	v1 =	vld [tilespmem:s19+$0x40];
	_ =	sdelay $0x4  }
0x607: {  	[tilespmem:s17+$0xFFFFFEC0] =	vst v1  }
0x608: {  	v1 =	vld [tilespmem:s19+$0x50];
	_ =	sdelay $0x1  }
0x609: {  	(v2sf) =	vpush v0, $0x6;
	_ =	sdelay $0x2  }
0x60a: {  	[tilespmem:s17+$0xFFFFFED0] =	vst v1  }
0x60b: {  	v1 =	vld [tilespmem:s19+$0x60];
	_ =	sdelay $0x4  }
0x60c: {  	[tilespmem:s17+$0xFFFFFEE0] =	vst v1  }
0x60d: {  	v1 =	vld [tilespmem:s19+$0x70];
	_ =	sdelay $0x4  }
0x60e: {  	s20 =	spop (v2sf);
	[tilespmem:s17+$0xFFFFFEF0] =	vst v1  }
0x60f: {  	v1 =	vld [tilespmem:s20+$0x0];
	_ =	sdelay $0x4  }
0x610: {  	[tilespmem:s17+$0xFFFFFF00] =	vst v1  }
0x611: {  	v1 =	vld [tilespmem:s20+$0x10];
	_ =	sdelay $0x4  }
0x612: {  	[tilespmem:s17+$0xFFFFFF10] =	vst v1  }
0x613: {  	v1 =	vld [tilespmem:s20+$0x20];
	_ =	sdelay $0x4  }
0x614: {  	[tilespmem:s17+$0xFFFFFF20] =	vst v1  }
0x615: {  	v1 =	vld [tilespmem:s20+$0x30];
	_ =	sdelay $0x4  }
0x616: {  	[tilespmem:s17+$0xFFFFFF30] =	vst v1  }
0x617: {  	v1 =	vld [tilespmem:s20+$0x40];
	_ =	sdelay $0x4  }
0x618: {  	[tilespmem:s17+$0xFFFFFF40] =	vst v1  }
0x619: {  	v1 =	vld [tilespmem:s20+$0x50];
	_ =	sdelay $0x1  }
0x61a: {  	(v2sf) =	vpush v0, $0x7;
	_ =	sdelay $0x2  }
0x61b: {  	[tilespmem:s17+$0xFFFFFF50] =	vst v1  }
0x61c: {  	v1 =	vld [tilespmem:s20+$0x60];
	_ =	sdelay $0x4  }
0x61d: {  	[tilespmem:s17+$0xFFFFFF60] =	vst v1  }
0x61e: {  	v1 =	vld [tilespmem:s20+$0x70];
	_ =	sdelay $0x4  }
0x61f: {  	s21 =	spop (v2sf);
	[tilespmem:s17+$0xFFFFFF70] =	vst v1  }
0x620: {  	v1 =	vld [tilespmem:s21+$0x0];
	_ =	sdelay $0x4  }
0x621: {  	[tilespmem:s17+$0xFFFFFF80] =	vst v1  }
0x622: {  	v1 =	vld [tilespmem:s21+$0x10];
	_ =	sdelay $0x4  }
0x623: {  	[tilespmem:s17+$0xFFFFFF90] =	vst v1  }
0x624: {  	v1 =	vld [tilespmem:s21+$0x20];
	_ =	sdelay $0x4  }
0x625: {  	[tilespmem:s17+$0xFFFFFFA0] =	vst v1  }
0x626: {  	v1 =	vld [tilespmem:s21+$0x30];
	_ =	sdelay $0x4  }
0x627: {  	[tilespmem:s17+$0xFFFFFFB0] =	vst v1  }
0x628: {  	v1 =	vld [tilespmem:s21+$0x40];
	_ =	sdelay $0x4  }
0x629: {  	[tilespmem:s17+$0xFFFFFFC0] =	vst v1  }
0x62a: {  	v1 =	vld [tilespmem:s21+$0x50];
	_ =	sdelay $0x1  }
0x62b: {  	(v2sf) =	vpush v0, $0x8;
	_ =	sdelay $0x2  }
0x62c: {  	[tilespmem:s17+$0xFFFFFFD0] =	vst v1  }
0x62d: {  	v1 =	vld [tilespmem:s21+$0x60];
	_ =	sdelay $0x4  }
0x62e: {  	[tilespmem:s17+$0xFFFFFFE0] =	vst v1  }
0x62f: {  	v1 =	vld [tilespmem:s21+$0x70];
	_ =	sdelay $0x4  }
0x630: {  	s22 =	spop (v2sf);
	[tilespmem:s17+$0xFFFFFFF0] =	vst v1  }
0x631: {  	v1 =	vld [tilespmem:s22+$0x0];
	_ =	sdelay $0x4  }
0x632: {  	[tilespmem:s17+$0x0] =	vst v1  }
0x633: {  	v1 =	vld [tilespmem:s22+$0x10];
	_ =	sdelay $0x4  }
0x634: {  	[tilespmem:s17+$0x10] =	vst v1  }
0x635: {  	v1 =	vld [tilespmem:s22+$0x20];
	_ =	sdelay $0x4  }
0x636: {  	[tilespmem:s17+$0x20] =	vst v1  }
0x637: {  	v1 =	vld [tilespmem:s22+$0x30];
	_ =	sdelay $0x4  }
0x638: {  	[tilespmem:s17+$0x30] =	vst v1  }
0x639: {  	v1 =	vld [tilespmem:s22+$0x40];
	_ =	sdelay $0x4  }
0x63a: {  	[tilespmem:s17+$0x40] =	vst v1  }
0x63b: {  	v1 =	vld [tilespmem:s22+$0x50];
	_ =	sdelay $0x1  }
0x63c: {  	(v2sf) =	vpush v0, $0x9;
	_ =	sdelay $0x2  }
0x63d: {  	[tilespmem:s17+$0x50] =	vst v1  }
0x63e: {  	v1 =	vld [tilespmem:s22+$0x60];
	_ =	sdelay $0x4  }
0x63f: {  	[tilespmem:s17+$0x60] =	vst v1  }
0x640: {  	v1 =	vld [tilespmem:s22+$0x70];
	_ =	sdelay $0x4  }
0x641: {  	s23 =	spop (v2sf);
	[tilespmem:s17+$0x70] =	vst v1  }
0x642: {  	v1 =	vld [tilespmem:s23+$0x0];
	_ =	sdelay $0x4  }
0x643: {  	[tilespmem:s17+$0x80] =	vst v1  }
0x644: {  	v1 =	vld [tilespmem:s23+$0x10];
	_ =	sdelay $0x4  }
0x645: {  	[tilespmem:s17+$0x90] =	vst v1  }
0x646: {  	v1 =	vld [tilespmem:s23+$0x20];
	_ =	sdelay $0x4  }
0x647: {  	[tilespmem:s17+$0xA0] =	vst v1  }
0x648: {  	v1 =	vld [tilespmem:s23+$0x30];
	_ =	sdelay $0x4  }
0x649: {  	[tilespmem:s17+$0xB0] =	vst v1  }
0x64a: {  	v1 =	vld [tilespmem:s23+$0x40];
	_ =	sdelay $0x4  }
0x64b: {  	[tilespmem:s17+$0xC0] =	vst v1  }
0x64c: {  	v1 =	vld [tilespmem:s23+$0x50];
	_ =	sdelay $0x1  }
0x64d: {  	(v2sf) =	vpush v0, $0xA;
	_ =	sdelay $0x2  }
0x64e: {  	[tilespmem:s17+$0xD0] =	vst v1  }
0x64f: {  	v1 =	vld [tilespmem:s23+$0x60];
	_ =	sdelay $0x4  }
0x650: {  	[tilespmem:s17+$0xE0] =	vst v1  }
0x651: {  	v1 =	vld [tilespmem:s23+$0x70];
	_ =	sdelay $0x4  }
0x652: {  	s24 =	spop (v2sf);
	[tilespmem:s17+$0xF0] =	vst v1  }
0x653: {  	v1 =	vld [tilespmem:s24+$0x0];
	_ =	sdelay $0x4  }
0x654: {  	[tilespmem:s17+$0x100] =	vst v1  }
0x655: {  	v1 =	vld [tilespmem:s24+$0x10];
	_ =	sdelay $0x4  }
0x656: {  	[tilespmem:s17+$0x110] =	vst v1  }
0x657: {  	v1 =	vld [tilespmem:s24+$0x20];
	_ =	sdelay $0x4  }
0x658: {  	[tilespmem:s17+$0x120] =	vst v1  }
0x659: {  	v1 =	vld [tilespmem:s24+$0x30];
	_ =	sdelay $0x4  }
0x65a: {  	[tilespmem:s17+$0x130] =	vst v1  }
0x65b: {  	v1 =	vld [tilespmem:s24+$0x40];
	_ =	sdelay $0x4  }
0x65c: {  	[tilespmem:s17+$0x140] =	vst v1  }
0x65d: {  	v1 =	vld [tilespmem:s24+$0x50];
	_ =	sdelay $0x1  }
0x65e: {  	(v2sf) =	vpush v0, $0xB;
	_ =	sdelay $0x2  }
0x65f: {  	[tilespmem:s17+$0x150] =	vst v1  }
0x660: {  	v1 =	vld [tilespmem:s24+$0x60];
	_ =	sdelay $0x4  }
0x661: {  	[tilespmem:s17+$0x160] =	vst v1  }
0x662: {  	v1 =	vld [tilespmem:s24+$0x70];
	_ =	sdelay $0x4  }
0x663: {  	s25 =	spop (v2sf);
	[tilespmem:s17+$0x170] =	vst v1  }
0x664: {  	v1 =	vld [tilespmem:s25+$0x0];
	_ =	sdelay $0x4  }
0x665: {  	[tilespmem:s17+$0x180] =	vst v1  }
0x666: {  	v1 =	vld [tilespmem:s25+$0x10];
	_ =	sdelay $0x4  }
0x667: {  	[tilespmem:s17+$0x190] =	vst v1  }
0x668: {  	v1 =	vld [tilespmem:s25+$0x20];
	_ =	sdelay $0x4  }
0x669: {  	[tilespmem:s17+$0x1A0] =	vst v1  }
0x66a: {  	v1 =	vld [tilespmem:s25+$0x30];
	_ =	sdelay $0x4  }
0x66b: {  	[tilespmem:s17+$0x1B0] =	vst v1  }
0x66c: {  	v1 =	vld [tilespmem:s25+$0x40];
	_ =	sdelay $0x4  }
0x66d: {  	[tilespmem:s17+$0x1C0] =	vst v1  }
0x66e: {  	v1 =	vld [tilespmem:s25+$0x50];
	_ =	sdelay $0x1  }
0x66f: {  	(v2sf) =	vpush v0, $0xC;
	_ =	sdelay $0x2  }
0x670: {  	[tilespmem:s17+$0x1D0] =	vst v1  }
0x671: {  	v1 =	vld [tilespmem:s25+$0x60];
	_ =	sdelay $0x4  }
0x672: {  	[tilespmem:s17+$0x1E0] =	vst v1  }
0x673: {  	v1 =	vld [tilespmem:s25+$0x70];
	_ =	sdelay $0x4  }
0x674: {  	s26 =	spop (v2sf);
	[tilespmem:s17+$0x1F0] =	vst v1  }
0x675: {  	v1 =	vld [tilespmem:s26+$0x0];
	_ =	sdelay $0x4  }
0x676: {  	[tilespmem:s17+$0x200] =	vst v1  }
0x677: {  	v1 =	vld [tilespmem:s26+$0x10];
	_ =	sdelay $0x4  }
0x678: {  	[tilespmem:s17+$0x210] =	vst v1  }
0x679: {  	v1 =	vld [tilespmem:s26+$0x20];
	_ =	sdelay $0x4  }
0x67a: {  	[tilespmem:s17+$0x220] =	vst v1  }
0x67b: {  	v1 =	vld [tilespmem:s26+$0x30];
	_ =	sdelay $0x4  }
0x67c: {  	[tilespmem:s17+$0x230] =	vst v1  }
0x67d: {  	v1 =	vld [tilespmem:s26+$0x40];
	_ =	sdelay $0x4  }
0x67e: {  	[tilespmem:s17+$0x240] =	vst v1  }
0x67f: {  	v1 =	vld [tilespmem:s26+$0x50];
	_ =	sdelay $0x1  }
0x680: {  	(v2sf) =	vpush v0, $0xD;
	_ =	sdelay $0x2  }
0x681: {  	[tilespmem:s17+$0x250] =	vst v1  }
0x682: {  	v1 =	vld [tilespmem:s26+$0x60];
	_ =	sdelay $0x4  }
0x683: {  	[tilespmem:s17+$0x260] =	vst v1  }
0x684: {  	v1 =	vld [tilespmem:s26+$0x70];
	_ =	sdelay $0x4  }
0x685: {  	s28 =	spop (v2sf);
	[tilespmem:s17+$0x270] =	vst v1  }
0x686: {  	v1 =	vld [tilespmem:s28+$0x0];
	_ =	sdelay $0x4  }
0x687: {  	[tilespmem:s17+$0x280] =	vst v1  }
0x688: {  	v1 =	vld [tilespmem:s28+$0x10];
	_ =	sdelay $0x4  }
0x689: {  	[tilespmem:s17+$0x290] =	vst v1  }
0x68a: {  	v1 =	vld [tilespmem:s28+$0x20];
	_ =	sdelay $0x4  }
0x68b: {  	[tilespmem:s17+$0x2A0] =	vst v1  }
0x68c: {  	v1 =	vld [tilespmem:s28+$0x30];
	_ =	sdelay $0x4  }
0x68d: {  	[tilespmem:s17+$0x2B0] =	vst v1  }
0x68e: {  	v1 =	vld [tilespmem:s28+$0x40];
	_ =	sdelay $0x4  }
0x68f: {  	[tilespmem:s17+$0x2C0] =	vst v1  }
0x690: {  	v1 =	vld [tilespmem:s28+$0x50];
	_ =	sdelay $0x1  }
0x691: {  	(v2sf) =	vpush v0, $0xE;
	_ =	sdelay $0x2  }
0x692: {  	[tilespmem:s17+$0x2D0] =	vst v1  }
0x693: {  	v1 =	vld [tilespmem:s28+$0x60];
	_ =	sdelay $0x4  }
0x694: {  	[tilespmem:s17+$0x2E0] =	vst v1  }
0x695: {  	v1 =	vld [tilespmem:s28+$0x70];
	_ =	sdelay $0x4  }
0x696: {  	s29 =	spop (v2sf);
	[tilespmem:s17+$0x2F0] =	vst v1  }
0x697: {  	v1 =	vld [tilespmem:s29+$0x0];
	_ =	sdelay $0x4  }
0x698: {  	[tilespmem:s17+$0x300] =	vst v1  }
0x699: {  	v1 =	vld [tilespmem:s29+$0x10];
	_ =	sdelay $0x4  }
0x69a: {  	[tilespmem:s17+$0x310] =	vst v1  }
0x69b: {  	v1 =	vld [tilespmem:s29+$0x20];
	_ =	sdelay $0x4  }
0x69c: {  	[tilespmem:s17+$0x320] =	vst v1  }
0x69d: {  	v1 =	vld [tilespmem:s29+$0x30];
	_ =	sdelay $0x4  }
0x69e: {  	[tilespmem:s17+$0x330] =	vst v1  }
0x69f: {  	v1 =	vld [tilespmem:s29+$0x40];
	_ =	sdelay $0x4  }
0x6a0: {  	[tilespmem:s17+$0x340] =	vst v1  }
0x6a1: {  	v1 =	vld [tilespmem:s29+$0x50];
	_ =	sdelay $0x1  }
0x6a2: {  	(v2sf) =	vpush v0, $0xF;
	_ =	sdelay $0x2  }
0x6a3: {  	[tilespmem:s17+$0x350] =	vst v1  }
0x6a4: {  	v63 =	vld [tilespmem:s29+$0x60];
	_ =	sdelay $0x4  }
0x6a5: {  	[tilespmem:s17+$0x360] =	vst v63  }
0x6a6: {  	v0 =	vld [tilespmem:s29+$0x70];
	_ =	sdelay $0x4  }
0x6a7: {  	s30 =	spop (v2sf);
	[tilespmem:s17+$0x370] =	vst v0  }
0x6a8: {  	v0 =	vld [tilespmem:s30+$0x0];
	_ =	sdelay $0x4  }
0x6a9: {  	[tilespmem:s17+$0x380] =	vst v0  }
0x6aa: {  	v0 =	vld [tilespmem:s30+$0x10];
	_ =	sdelay $0x4  }
0x6ab: {  	[tilespmem:s17+$0x390] =	vst v0  }
0x6ac: {  	v0 =	vld [tilespmem:s30+$0x20];
	_ =	sdelay $0x4  }
0x6ad: {  	[tilespmem:s17+$0x3A0] =	vst v0  }
0x6ae: {  	v0 =	vld [tilespmem:s30+$0x30];
	_ =	sdelay $0x4  }
0x6af: {  	[tilespmem:s17+$0x3B0] =	vst v0  }
0x6b0: {  	v0 =	vld [tilespmem:s30+$0x40];
	_ =	sdelay $0x4  }
0x6b1: {  	[tilespmem:s17+$0x3C0] =	vst v0  }
0x6b2: {  	v0 =	vld [tilespmem:s30+$0x50];
	_ =	sdelay $0x4  }
0x6b3: {  	[tilespmem:s17+$0x3D0] =	vst v0  }
0x6b4: {  	v0 =	vld [tilespmem:s30+$0x60];
	_ =	sdelay $0x4  }
0x6b5: {  	[tilespmem:s17+$0x3E0] =	vst v0  }
0x6b6: {  	s15 =	sadd.s32 $0x1, s15;
	v0 =	vld [tilespmem:s30+$0x70]  }
0x6b7: {  	p0 =	sne.s32 s15, $0x64  }
.Ltmp2:
0x6b8: {  	s31 =	sshll.u32 s16, $0xE;
	(pc) =	sbr.rel @p0 .LBB2_2-.Ltmp2, $4  }
0x6b9: {  	s0 =	sadd.s32 s6, s31  }
0x6ba: {  	s0 =	sshrl.u32 s0, $0x3  }
0x6bb: {  	s13 =	sadd.s32 $0x100, s13;
	s14 =	sadd.s32 $0x100, s14;
	s0 =	sadd.s32 s3, s0;
	[tilespmem:s17+$0x3F0] =	vst v0  }
0x6bc: {  	[hbm4b:s0+s4] =	stream.linear.scatter [tilespmem:s10], [sflag:$0x1], $0x4000, $0x38;
	[tilespmem:$0x11000] =	vst v63  }
0x6bd: {  	s12 =	sadd.s32 $0x1, s12  }
0x6be: {  	_ =	swait.ge [sflag:s11], $0x4000;
	p0 =	sne.s32 s12, s7  }
.Ltmp3:
0x6bf: {  	[sflag:s11] =	ssyncset.done $0x0;
	(pc) =	sbr.rel @p0 .LBB2_1-.Ltmp3, $4  }
0x6c0: {  	[sflag:s11] =	ssyncadd.s32 $0xFFFFC000  }
0x6c1: {  	_ =	swait.ge [sflag:s11], $0x4000  }
0x6c2: {  	[sflag:s11] =	ssyncset.done $0x0  }
0x6c3: {  	[sflag:s11] =	ssyncadd.s32 $0xFFFFC000  }
0x6c4: {  	_ =	sfence.sel $0x180000  }
0x6c5: {  	[bflag:$0x0] =	sbarrier.arrive $0xFFFF  }
0x6c6: {  	_ =	strace $0x90000047  }
0x6c7: {  	s0 =	stileid.u32;
	[bflag:$0x2] =	sbarrier.arrive $0xFFFF  }
0x6c8: {  	p0 =	sne.s32 s0, $0x0;
	s0 =	rddreg [dreg:$0x3]  }
0x6c9: {  	s0 =	sadd.s32 @!p0 $0x100000, s0  }
0x6ca: {  	[sflag:s0] =	ssyncadd.tile.s32 @!p0 $0x1;
	_ =	shalt  }
.Lfunc_end2:
_tile_overlayer_lowered:
.L_overlay_start_2:
0x6cb: {  	(tag) =	ssettag $0x2  }
0x6cc: {  	s0 =	rddreg [dreg:$0x0];
	s2 =	stileid.u32  }
0x6cd: {  	s1 =	rddreg [dreg:$0x1];
	p0 =	sne.s32 s2, $0x0  }
0x6ce: {  	s3 =	rddreg [dreg:$0x2];
	[bflag:$0x3] =	sbarrier.arrive $0xFFFF;
	s2 =	simm.s32 @!p0 $0x1C02  }
0x6cf: {  	[timem:s3], [sflag:s2] =	dma.local @!p0 [hbm:s0], s1  }
0x6d0: {  	s0 =	simm.s32 @!p0 $0x2  }
0x6d1: {  	_ =	swait.ge @!p0 [sflag:s0], s1  }
0x6d2: {  	s1 =	ssub.s32 @!p0 $0x0, s1;
	[sflag:s0] =	ssyncset.done @!p0 $0x0  }
0x6d3: {  	[sflag:s0] =	ssyncadd.s32 @!p0 s1  }
0x6d4: {  	[bflag:$0x3] =	sbarrier.arrive $0xFFFF  }
0x6d5: {  	_ =	shalt  }

// kernel: sparse-core-data-format-call.cloned.1.call-start
scs
called_computation_lowered:
.L_overlay_start_0:
0x0: {  	s2 =	sld [smem:$0x3FD9]  }
0x1: {  	s3 =	sld [smem:$0x3FFE];
	_ =	sdelay $0x1  }
0x2: {  	s1 =	srdreg.scid  }
0x3: {  	s0 =	sand.u32 $0x1, s1  }
0x4: {  	s18 =	sshll.u32 s0, $0xA;
	s2 =	sadd.s32 s3, s2  }
0x5: {  	s2 =	sadd.s32 s2, s18  }
0x6: {  	[smem:$0x3FC6] =	sst s2  }
0x7: {  	_ = 	snop  }
0x8: {  	s2 =	sld [smem:$0x3FD0];
	(tm) =	ssettm $0x1  }
0x9: {  	s19 =	sld [smem:$0x3FFB];
	_ =	sdelay $0x3  }
0xa: {  	_ =	strace s19  }
0xb: {  	s3 =	sld [smem:$0x3FFC];
	_ =	sdelay $0x3  }
0xc: {  	_ =	strace s3  }
0xd: {  	s3 =	sld [smem:$0x3FFD];
	_ =	sdelay $0x3  }
0xe: {  	_ =	strace s3  }
0xf: {  	_ =	strace $0x8FFFFFFF  }
0x10: {  	s20 =	sld [smem:$0x3FDB];
	_ =	sdelay $0x1  }
0x11: {  	s4 =	simm.s32 $_scs_section_size  }
0x12: {  	s5 =	simm.s32 $_size__tile_overlayer_lowered;
	s6 =	simm.s32 $_tile_overlayer_lowered  }
0x13: {  	s23 =	simm.s32 $0x1BFF;
	s22 =	sshll.u32 s6, $0x1;
	s3 =	sadd.s32 s4, s20  }
0x14: {  	s7 =	simm.s32 $0x0;
	s21 =	sshll.u32 s5, $0x1;
	s5 =	sadd.s32 s22, s3  }
0x15: {  	[timem:s7], [sflag:s23] =	dma.local [hbm:s5], s21  }
0x16: {  	_ =	swait.ge [sflag:s23], s21  }
0x17: {  	s4 =	ssub.s32 $0x0, s21;
	[sflag:s23] =	ssyncset.done $0x0  }
0x18: {  	[sflag:s23] =	ssyncadd.s32 s4;
	_ =	sdelay $0x1  }
0x19: {  	s24 =	simm.s32 $0x1B8B  }
0x1a: {  	_ =	swait.ge [sflag:s24], $0x1  }
0x1b: {  	[sflag:s24] =	ssyncset.done $0x0  }
0x1c: {  	s26 =	simm.s32 $0x1B8E;
	s25 =	sld [smem:$0x3FFE];
	[sflag:s24] =	ssyncadd.s32 $0xFFFFFFFF  }
0x1d: {  	s27 =	simm.s32 $execute0_lowered;
	[smem:$0x3FD2] =	sst s26  }
0x1e: {  	s5 =	sshll.u32 s27, $0x1;
	_ =	strace $0x80000049;
	[dreg:$0x1] =	wrdreg $0xFFFFFFFF  }
0x1f: {  	s28 =	simm.s32 $_size_execute0_lowered;
	s3 =	sadd.s32 s3, s5;
	[dreg:$0x0] =	wrdreg $0x0  }
0x20: {  	s5 =	sshll.u32 s28, $0x1;
	[dreg:$0x2] =	wrdreg s3  }
0x21: {  	[dreg:$0x3] =	wrdreg s5  }
0x22: {  	[dreg:$0x4] =	wrdreg $0xC0  }
0x23: {  	_ =	task [dreg:s7], $0x5FFFF  }
0x24: {  	[dreg:$0x1] =	wrdreg $0xFFFFFFFF  }
0x25: {  	[dreg:$0x0] =	wrdreg $0x60  }
0x26: {  	[dreg:$0x2] =	wrdreg s25  }
0x27: {  	[dreg:$0x3] =	wrdreg s2  }
0x28: {  	[dreg:$0x4] =	wrdreg $0x9  }
0x29: {  	_ =	task.clear_ibuf [dreg:s7], $0x5FFFF;
	_ =	strace $0x90000049  }
0x2a: {  	s29 =	simm.s32 $0x9;
	_ =	strace $0x8000004B  }
0x2b: {  	_ =	swait.ge [sflag:s29], $0x1  }
0x2c: {  	[sflag:s29] =	ssyncadd.s32 $0xFFFFFFFF  }
0x2d: {  	_ =	strace $0x9000004B  }
0x2e: {  	_ =	sfence  }
0x2f: {  	s30 =	sld [smem:$0x0];
	_ =	sdelay $0x2  }
0x30: {  	s31 =	sshll.u32 s1, $0xD;
	s1 =	sshrl.u32 s1, $0x2  }
0x31: {  	s3 =	sand.u32 $0x4000, s31;
	s1 =	sadd.s32 s1, s30  }
0x32: {  	s0 =	sor.u32 s3, s0;
	s1 =	sshll.u32 s1, $0x11  }
0x33: {  	s0 =	sor.u32 s1, s0  }
0x34: {  	s0 =	sadd.s32 $0x8F2B, s0  }
0x35: {  	[sflag:s0] =	ssyncadd.remote.s32 $0x1  }
0x36: {  	_ =	sfence.sel $0xFFFF  }
0x37: {  	[dreg:$0x0] =	wrdreg $0xFFFFFFFF;
	(pc) =	sbr.abs _section_cstart, $3  }
0x38: {  	[dreg:$0x1] =	wrdreg $0xFFFFFFFF  }
0x39: {  	_ =	task.clear_ibuf [dreg:s7], $0x2FFFF;
	_ =	strace $0x9FFFFFFF  }
0x3a: {  	(tm) =	ssettm $0x7FFFFFFF  }
0x3b: {  	_ =	shalt  }
tec
execute0_lowered:
.L_overlay_start_1:
0x0: {  	(tag) =	ssettag $0x1  }
0x1: {  	s0 =	srdreg.scid  }
0x2: {  	s1 =	sshll.u32 s0, $0x4  }
0x3: {  	s0 =	stileid.u32;
	s1 =	sand.u32 $0x10, s1  }
0x4: {  	s1 =	sor.u32 s0, s1  }
0x5: {  	s6 =	rddreg [dreg:$0x0];
	s4 =	simm.s32 $0x1;
	s2 =	sshll.u32 s1, $0x6  }
0x6: {  	s7 =	simm.s32 $0x2;
	s13 =	simm.s32 $0x0;
	s1 =	ssub.s32 $0x4000, s2  }
0x7: {  	s8 =	simm.s32 $0x2000;
	s9 =	simm.s32 $0x200000;
	s3 =	sand.u32 $0x7C0, s1  }
0x8: {  	s14 =	simm.s32 $0x0;
	s5 =	sshrl.u32 s1, $0xB;
	p0 =	sne.s32 s3, $0x0  }
.Ltmp0:
0x9: {  	s1 =	rddreg [dreg:$0x2];
	s4 =	simm.s32 @!p0 $0x0;
	(pc) =	sbr.rel .LBB1_1-.Ltmp0, $4  }
0xa: {  	s10 =	simm.s32 $0x0;
	s3 =	rddreg [dreg:$0x1];
	s5 =	sadd.s32 s4, s5  }
0xb: {  	_ =	strace $0x8000004A;
	s4 =	simm.s32 $0x1;
	s5 =	smul.u32 $0x19, s5  }
0xc: {  	s12 =	simm.s32 $0x0;
	s6 =	sadd.s32 $0x800, s6;
	[sflag:s4] =	ssyncpa.u1 $0x0  }
0xd: {  	s11 =	smov.u32 s2;
	[sflag:s7] =	ssyncpa.u1 $0x0;
	s7 =	sadd.s32 $0x1, s5  }
.LBB1_7:
0xe: {  	s15 =	sadd.s32 $0x2, s10  }
0xf: {  	s13 =	sadd.s32 $0x800, s11;
	s17 =	smov.u32 s11;
	p1 =	sgt.s32 s15, $0x31  }
0x10: {  	s17 =	smov.u32 @p1 s13  }
0x11: {  	s15 =	simm.s32 @p1 $0x0;
	p1 =	sgt.s32 s17, $0x3FFF  }
0x12: {  	s17 =	smov.u32 @p1 s2;
	p1 =	sne.s32 s12, s7  }
.Ltmp1:
0x13: {  	p0 =	slt.u32 s12, $0x2;
	(pc) =	sbr.rel @!p1 .LBB1_8-.Ltmp1, $4  }
0x14: {  	s16 =	simm.s32 @!p0 $0x2  }
0x15: {  	s14 =	smov.u32 s11;
	_ =	swait.ge @!p0 [sflag:s16], $0x4000  }
0x16: {  	s13 =	smov.u32 s10;
	[sflag:s16] =	ssyncset.done @!p0 $0x0;
	s10 =	smov.u32 s15  }
0x17: {  	s12 =	sadd.s32 $0x1, s12;
	[sflag:s16] =	ssyncadd.s32 @!p0 $0xFFFFC000;
	s11 =	smov.u32 s17  }
.LBB1_1:
0x18: {  	p0 =	sge.u32 s12, s5  }
0x19: {  	s15 =	sand.u32 @!p0 $0x1FFFFFF, s10  }
0x1a: {  	s16 =	smulhi.u32 @!p0 $0x4924925, s15;
	_ =	sdelay $0x1  }
0x1b: {  	s16 =	smul.u32 @!p0 $0x38, s16  }
0x1c: {  	s17 =	sxor.u32 @!p0 $0xFFFFFFFF, s12;
	s18 =	smul.u32 @!p0 $0x380, s11  }
0x1d: {  	s31 =	sadd.s32 $0xFFFFFFFF, s12;
	s17 =	sshll.u32 @!p0 s17, $0xE;
	s15 =	ssub.s32 @!p0 s15, s16  }
0x1e: {  	s16 =	sand.u32 @!p0 $0x4000, s17;
	s17 =	sadd.s32 @!p0 s6, s18;
	s15 =	sshll.u32 @!p0 s15, $0x4  }
0x1f: {  	s18 =	simm.s32 @!p0 $0x1C00;
	s15 =	sadd.s32 @!p0 s15, s17;
	s17 =	simm.s32 @!p0 $0x100  }
0x20: {  	[tilespmem:s16], [sflag:$0x1] =	stream.strided.gather @!p0 [hbm4b:s15+s17], $0x4000, s18, s17, $0x38;
	[tilespmem:$0x10000] =	vst v63  }
0x21: {  	p0 =	sge.u32 s31, s5  }
.Ltmp2:
0x22: {  	_ = 	snop;
	(pc) =	sbr.rel @p0 .LBB1_7-.Ltmp2, $1  }
0x23: {  	_ =	sdelay $0x3  }
0x24: {  	_ =	swait.ge [sflag:s4], $0x4000;
	s15 =	sshll.u32 s12, $0xE  }
0x25: {  	[sflag:s4] =	ssyncset.done $0x0;
	s16 =	sand.u32 $0x4000, s15  }
0x26: {  	s17 =	simm.s32 $0x0;
	[sflag:s4] =	ssyncadd.s32 $0xFFFFC000;
	s15 =	sor.u32 $0x8000, s16  }
.LBB1_3:
0x27: {  	s18 =	sshll.u32 s17, $0x8  }
0x28: {  	s18 =	sand.u32 $0x3FFFFF00, s18  }
0x29: {  	s19 =	sshll.u32 s17, $0x7;
	s18 =	sadd.s32 s18, s16  }
0x2a: {  	s19 =	sand.u32 $0x3FFFFF80, s19;
	v0 =	vmov s18  }
0x2b: {  	s19 =	sadd.s32 s19, s15  }
0x2c: {  	p0 =	por $0x1, $0x1;
	v1 =	vmov s19;
	s18 =	simm.s32 $0x0  }
.LBB1_4:
0x2d: {  	s19 =	sshll.u32 s18, $0x7  }
0x2e: {  	s19 =	sand.u32 $0x3FFFFF80, s19  }
0x2f: {  	v2 =	vld.idx.msk [tilespmem:v0+s19+$0x0 ss:$0x1], $0xffff  }
0x30: {  	v3 =	vld.idx.msk [tilespmem:v0+s19+$0x10 ss:$0x1], $0xffff  }
0x31: {  	v4 =	vld.idx.msk [tilespmem:v0+s19+$0x20 ss:$0x1], $0xffff  }
0x32: {  	s31 =	sshll.u32 s18, $0xD;
	v5 =	vld.idx.msk [tilespmem:v0+s19+$0x30 ss:$0x1], $0xffff  }
0x33: {  	s18 =	sand.u32 $0x3FFFE000, s31;
	v6 =	vld.idx.msk [tilespmem:v0+s19+$0x40 ss:$0x1], $0xffff  }
0x34: {  	v63 =	vld.idx.msk [tilespmem:v0+s19+$0x70 ss:$0x1], $0xffff;
	[tilespmem:v1+s18+$0x0 ss:$0x1] =	vst.idx.msk $0xffff, v2  }
0x35: {  	v2 =	vld.idx.msk [tilespmem:v0+s19+$0x50 ss:$0x1], $0xffff;
	[tilespmem:v1+s18+$0x10 ss:$0x1] =	vst.idx.msk $0xffff, v3  }
0x36: {  	p1 =	por p0, p0;
	v3 =	vld.idx.msk [tilespmem:v0+s19+$0x60 ss:$0x1], $0xffff;
	[tilespmem:v1+s18+$0x20 ss:$0x1] =	vst.idx.msk $0xffff, v4  }
.Ltmp3:
0x37: {  	[tilespmem:v1+s18+$0x30 ss:$0x1] =	vst.idx.msk $0xffff, v5;
	(pc) =	sbr.rel @p1 .LBB1_4-.Ltmp3, $4  }
0x38: {  	[tilespmem:v1+s18+$0x40 ss:$0x1] =	vst.idx.msk $0xffff, v6  }
0x39: {  	[tilespmem:v1+s18+$0x70 ss:$0x1] =	vst.idx.msk $0xffff, v63  }
0x3a: {  	[tilespmem:v1+s18+$0x50 ss:$0x1] =	vst.idx.msk $0xffff, v2  }
0x3b: {  	p0 =	por $0x0, $0x0;
	[tilespmem:v1+s18+$0x60 ss:$0x1] =	vst.idx.msk $0xffff, v3;
	s18 =	simm.s32 $0x1  }
0x3c: {  	s17 =	sadd.s32 $0x1, s17  }
0x3d: {  	p0 =	sne.s32 s17, $0x40  }
.Ltmp4:
0x3e: {  	_ = 	snop;
	(pc) =	sbr.rel @p0 .LBB1_3-.Ltmp4, $1  }
0x3f: {  	_ =	sdelay $0x3  }
.Ltmp5:
0x40: {  	s14 =	sshll.u32 s14, $0x4;
	(pc) =	sbr.rel .LBB1_7-.Ltmp5, $4  }
0x41: {  	s14 =	sand.u32 $0x3FFF0, s14  }
0x42: {  	s13 =	sshll.u32 s13, $0x12;
	s14 =	sadd.s32 s3, s14  }
0x43: {  	s13 =	sadd.s32 s13, s14  }
0x44: {  	[hbm4b:s13+s8] =	stream.strided.scatter [tilespmem:s15], [sflag:$0x2], $0x4000, s9, s8, $0x38;
	[tilespmem:$0x10000] =	vst v63  }
.LBB1_8:
0x45: {  	_ =	sfence.sel $0x180000  }
0x46: {  	s2 =	simm.s32 $0x1;
	[bflag:$0x0] =	sbarrier.arrive $0xFFFF  }
0x47: {  	s31 =	simm.s32 $0x2;
	[sflag:s2] =	ssyncpa.u1 $0x1  }
0x48: {  	[sflag:s31] =	ssyncpa.u1 $0x1  }
0x49: {  	p0 =	sne.s32 s0, $0x0;
	_ =	strace $0x9000004A  }
0x4a: {  	s0 =	sadd.s32 @!p0 $0x100000, s1;
	[bflag:$0x2] =	sbarrier.arrive $0xFFFF  }
0x4b: {  	[sflag:s0] =	ssyncadd.tile.s32 @!p0 $0x1;
	_ =	shalt  }
.Lfunc_end1:
_tile_overlayer_lowered:
.L_overlay_start_2:
0x4c: {  	(tag) =	ssettag $0x2  }
0x4d: {  	s0 =	rddreg [dreg:$0x0];
	s2 =	stileid.u32  }
0x4e: {  	s1 =	rddreg [dreg:$0x1];
	p0 =	sne.s32 s2, $0x0  }
0x4f: {  	s3 =	rddreg [dreg:$0x2];
	[bflag:$0x3] =	sbarrier.arrive $0xFFFF;
	s2 =	simm.s32 @!p0 $0x1C01  }
0x50: {  	[timem:s3], [sflag:s2] =	dma.local @!p0 [hbm:s0], s1  }
0x51: {  	s0 =	simm.s32 @!p0 $0x1  }
0x52: {  	_ =	swait.ge @!p0 [sflag:s0], s1  }
0x53: {  	s1 =	ssub.s32 @!p0 $0x0, s1;
	[sflag:s0] =	ssyncset.done @!p0 $0x0  }
0x54: {  	[sflag:s0] =	ssyncadd.s32 @!p0 s1  }
0x55: {  	[bflag:$0x3] =	sbarrier.arrive $0xFFFF  }
0x56: {  	_ =	shalt  }

</sc_bundles>
